<compile_context>
chip_gen: v7x
topology: tpu7x:2x2x1
jax: 0.10.2.dev20260603
libtpu: 0.0.44.dev20260713+nightly
codegen_flags: <defaults>
</compile_context>

<pallas_src>
import functools
import jax
import jax.numpy as jnp
from jax import lax
from jax.experimental import pallas as pl
from jax.experimental.pallas import tpu as pltpu
from jax.experimental.pallas import tpu_sc as plsc

NN = 10000
NP = 160000
NE = 480000
DI = 128
DH = 128
DO = 64

NC = 2
NS = 16
BW = 125
BB = 16 * BW
NB_E = NE // BB
NB_P = NP // BB
NNP = 10240

_sc_mesh = plsc.VectorSubcoreMesh(
    core_axis_name="c", subcore_axis_name="s", num_cores=NC, num_subcores=NS)



def _degcnt_body(dst3, nidx3, ones, zeros, deg2, cnt2,
                 idxbuf, valbuf, stage, dacc, cacc):
    cid = lax.axis_index("c")
    sid = lax.axis_index("s")
    pltpu.sync_copy(zeros, stage)
    pltpu.sync_copy(stage, dacc.at[pl.ds(sid * (NP // NS), NP // NS)])
    pltpu.sync_copy(stage.at[pl.ds(0, NNP // NS)],
                    cacc.at[pl.ds(sid * (NNP // NS), NNP // NS)])
    pltpu.sync_copy(ones, valbuf)
    plsc.subcore_barrier()

    half_e = NB_E // NC
    def deg_body(t, _):
        j = cid * half_e + sid + t * NS
        pltpu.sync_copy(dst3.at[j], idxbuf)
        for k in range(NS):
            pltpu.sync_copy(valbuf, dacc.at[idxbuf.at[k]], add=True)
        return 0
    lax.fori_loop(0, (half_e - sid + NS - 1) // NS, deg_body, 0)

    half_p = NB_P // NC
    def cnt_body(t, _):
        j = cid * half_p + sid + t * NS
        pltpu.sync_copy(nidx3.at[j], idxbuf)
        for k in range(NS):
            pltpu.sync_copy(valbuf, cacc.at[idxbuf.at[k]], add=True)
        return 0
    lax.fori_loop(0, (half_p - sid + NS - 1) // NS, cnt_body, 0)

    plsc.subcore_barrier()
    pltpu.sync_copy(dacc.at[pl.ds(sid * (NP // NS), NP // NS)], stage)
    pltpu.sync_copy(stage,
                    deg2.at[pl.ds(cid * NP + sid * (NP // NS), NP // NS)])
    pltpu.sync_copy(cacc.at[pl.ds(sid * (NNP // NS), NNP // NS)],
                    stage.at[pl.ds(0, NNP // NS)])
    pltpu.sync_copy(stage.at[pl.ds(0, NNP // NS)],
                    cnt2.at[pl.ds(cid * NNP + sid * (NNP // NS), NNP // NS)])


_degcnt_call = functools.partial(
    pl.kernel,
    out_type=(jax.ShapeDtypeStruct((NC * NP,), jnp.float32),
              jax.ShapeDtypeStruct((NC * NNP,), jnp.float32)),
    mesh=_sc_mesh,
    scratch_types=[
        pltpu.VMEM((NS, BW), jnp.int32),
        pltpu.VMEM((BW,), jnp.float32),
        pltpu.VMEM((NP // NS,), jnp.float32),
        pltpu.VMEM_SHARED((NP,), jnp.float32),
        pltpu.VMEM_SHARED((NNP,), jnp.float32),
    ],
)


def _sc_degcnt(dst, node_idx):
    dst3 = dst.reshape(NB_E, NS, BW)
    nidx3 = node_idx.reshape(NB_P, NS, BW)
    ones = jnp.ones((BW,), jnp.float32)
    zeros = jnp.zeros((NP // NS,), jnp.float32)
    deg2, cnt2 = _degcnt_call(_degcnt_body)(dst3, nidx3, ones, zeros)
    deg = deg2[:NP] + deg2[NP:] + 1.0
    cnt = cnt2[:NN] + cnt2[NNP:NNP + NN]
    return deg, cnt



DO2 = DO // NC


def _nodesum_body(rows3, nidx2, zeros2, sums2, idxb, rowbuf, stage, sacc):
    cid = lax.axis_index("c")
    sid = lax.axis_index("s")
    nblk = NP // BW
    rows_per_sub = NNP // NS

    pltpu.sync_copy(zeros2, stage)
    pltpu.sync_copy(stage, sacc.at[pl.ds(sid * rows_per_sub, rows_per_sub)])
    plsc.subcore_barrier()

    def body(t, _):
        j = sid + t * NS
        pltpu.sync_copy(nidx2.at[j], idxb.at[0])
        pltpu.sync_copy(rows3.at[cid * nblk + j], rowbuf)
        pltpu.sync_copy(rowbuf, sacc.at[idxb.at[0]], add=True)
        return 0
    lax.fori_loop(0, nblk // NS, body, 0)

    plsc.subcore_barrier()
    pltpu.sync_copy(sacc.at[pl.ds(sid * rows_per_sub, rows_per_sub)], stage)
    pltpu.sync_copy(
        stage,
        sums2.at[pl.ds(cid * NNP + sid * rows_per_sub, rows_per_sub)])


_nodesum_call = functools.partial(
    pl.kernel,
    out_type=jax.ShapeDtypeStruct((NC * NNP, DO2), jnp.float32),
    mesh=_sc_mesh,
    scratch_types=[
        pltpu.VMEM((1, BW), jnp.int32),
        pltpu.VMEM((BW, DO2), jnp.float32),
        pltpu.VMEM((NNP // NS, DO2), jnp.float32),
        pltpu.VMEM_SHARED((NNP, DO2), jnp.float32),
    ],
)


def _sc_nodesum(rows, node_idx):
    rows3 = rows.reshape(NP // BW, BW, NC, DO2).transpose(2, 0, 1, 3)
    rows3 = rows3.reshape(NC * (NP // BW), BW, DO2)
    nidx2 = node_idx.reshape(NP // BW, BW)
    zeros2 = jnp.zeros((NNP // NS, DO2), jnp.float32)
    sums2 = _nodesum_call(_nodesum_body)(rows3, nidx2, zeros2)
    return jnp.concatenate([sums2[:NN], sums2[NNP:NNP + NN]], axis=1)



EK = NE + NP
BKB = 512
NBK = 320
NBKR = (NP + BKB - 1) // BKB
PADP = NBKR * BKB
SBLK = 2000
NSB = EK // SBLK
TRIPS = NSB // (NC * NS)
EPADT = EK + NBK * 64 + 64


def _hist_body(keys3, hists, kb, hist):
    cid = lax.axis_index("c")
    sid = lax.axis_index("s")
    w = cid * NS + sid
    zero16 = jnp.zeros((16,), jnp.int32)
    for i in range(NBK // 16):
        hist[pl.ds(i * 16, 16)] = zero16
    ones16 = jnp.ones((16,), jnp.int32)

    def body(t, _):
        pltpu.sync_copy(keys3.at[w * TRIPS + t], kb)
        for i in range(125):
            b = lax.shift_right_logical(kb[i], 9)
            plsc.addupdate_scatter(hist, [b], ones16)
        return 0
    lax.fori_loop(0, TRIPS, body, 0)
    pltpu.sync_copy(hist, hists.at[pl.ds(w * NBK, NBK)])


_hist_call = functools.partial(
    pl.kernel,
    out_type=jax.ShapeDtypeStruct((NC * NS * NBK,), jnp.int32),
    mesh=_sc_mesh,
    scratch_types=[
        pltpu.VMEM((125, 16), jnp.int32),
        pltpu.VMEM((NBK,), jnp.int32),
    ],
)


def _scat_body(keys125, keys16, svals16, wflat, offp, pads,
               ssrc, sloc, skey,
               kb125, kb16, vb16, posT, locT, cur, offb, padv,
               csrc16, cloc16, ckey16, sem):
    cid = lax.axis_index("c")
    sid = lax.axis_index("s")
    w = cid * NS + sid
    pltpu.sync_copy(wflat.at[pl.ds(w * NBK, NBK)], cur)
    pltpu.sync_copy(offp, offb)
    pltpu.sync_copy(pads, padv)
    csrc16[...] = jnp.zeros((16,), jnp.int32)
    cloc16[...] = jnp.full((16,), BKB, jnp.int32)
    ckey16[...] = jnp.full((16,), NP, jnp.int32)
    ones16 = jnp.ones((16,), jnp.int32)
    iota16 = lax.iota(jnp.int32, 16)

    def body(t, _):
        j = w * TRIPS + t
        pltpu.sync_copy(keys125.at[j], kb125)
        pltpu.sync_copy(keys16.at[j], kb16)
        pltpu.sync_copy(svals16.at[j], vb16)

        def inner(i, _):
            k = kb125[i]
            b = lax.shift_right_logical(k, 9)
            rank, _last = plsc.scan_count(b)
            curv = plsc.load_gather(cur, [b])
            pos = curv + rank
            plsc.addupdate_scatter(cur, [b], ones16)
            loc = lax.bitwise_and(k, BKB - 1)
            col = jnp.full((16,), i, jnp.int32)
            plsc.store_scatter(posT, [iota16, col], pos)
            plsc.store_scatter(locT, [iota16, col], loc)
            return 0
        lax.fori_loop(0, 125, inner, 0)

        cps = []
        for g in range(16):
            cps.append(pltpu.async_copy(vb16.at[g], ssrc.at[posT.at[g]], sem))
            cps.append(pltpu.async_copy(locT.at[g], sloc.at[posT.at[g]], sem))
            cps.append(pltpu.async_copy(kb16.at[g], skey.at[posT.at[g]], sem))
        for c in cps:
            c.wait()
        return 0
    lax.fori_loop(0, TRIPS, body, 0)

    nbkw = NBK // (NC * NS)

    def fillb(u, _):
        b = w * nbkw + u
        lo = offb[pl.ds(b + 1, 16)][0]
        st = padv[pl.ds(b, 16)][0]
        for q in range(4):
            pos = st + q * 16 + iota16
            pos = jnp.where(pos < lo, pos, EPADT - 64 + q * 16 + iota16)
            pltpu.sync_copy(csrc16, ssrc.at[pos])
            pltpu.sync_copy(cloc16, sloc.at[pos])
            pltpu.sync_copy(ckey16, skey.at[pos])
        return 0
    lax.fori_loop(0, nbkw, fillb, 0)


_scat_call = functools.partial(
    pl.kernel,
    out_type=(jax.ShapeDtypeStruct((EPADT,), jnp.int32),
              jax.ShapeDtypeStruct((EPADT,), jnp.int32),
              jax.ShapeDtypeStruct((EPADT,), jnp.int32)),
    mesh=_sc_mesh,
    scratch_types=[
        pltpu.VMEM((125, 16), jnp.int32),
        pltpu.VMEM((16, 125), jnp.int32),
        pltpu.VMEM((16, 125), jnp.int32),
        pltpu.VMEM((16, 125), jnp.int32),
        pltpu.VMEM((16, 125), jnp.int32),
        pltpu.VMEM((NBK,), jnp.int32),
        pltpu.VMEM((NBK + 24,), jnp.int32),
        pltpu.VMEM((NBK + 16,), jnp.int32),
        pltpu.VMEM((16,), jnp.int32),
        pltpu.VMEM((16,), jnp.int32),
        pltpu.VMEM((16,), jnp.int32),
        pltpu.SemaphoreType.DMA,
    ],
)


def _sc_sort(src, dst, node_idx_unused=None):
    keys = jnp.concatenate([dst, jnp.arange(NP, dtype=jnp.int32)])
    svals = jnp.concatenate([src, jnp.arange(NP, dtype=jnp.int32)])
    keys3 = keys.reshape(NSB, 16, 125)
    svals3 = svals.reshape(NSB, 16, 125)

    hists = _hist_call(_hist_body)(keys.reshape(NSB, 125, 16))
    c = hists.reshape(NC * NS, NBK)
    tot = c.sum(axis=0)
    seg = ((tot + 63) // 64) * 64
    offp = jnp.concatenate([jnp.zeros((1,), jnp.int32),
                            jnp.cumsum(seg, dtype=jnp.int32)])
    wstart = offp[:NBK] + jnp.concatenate(
        [jnp.zeros((1, NBK), jnp.int32),
         jnp.cumsum(c, axis=0, dtype=jnp.int32)[:-1]], axis=0)
    firstpad = offp[:NBK] + tot
    offp_in = jnp.concatenate(
        [offp, jnp.zeros((23,), jnp.int32)])
    pads_in = jnp.concatenate([firstpad, jnp.zeros((16,), jnp.int32)])
    ssrc, sloc, skey = _scat_call(_scat_body)(
        keys.reshape(NSB, 125, 16), keys3, svals3,
        wstart.reshape(-1), offp_in, pads_in)
    return ssrc, sloc, skey, offp



def _mm_kernel(x_ref, w_ref, o_ref):
    o_ref[...] = jnp.dot(x_ref[...], w_ref[...],
                         preferred_element_type=jnp.float32)


def _tc_matmul(x, w, bm=512):
    m, k = x.shape
    _, n = w.shape
    return pl.pallas_call(
        _mm_kernel,
        grid=(pl.cdiv(m, bm),),
        in_specs=[pl.BlockSpec((bm, k), lambda i: (i, 0)),
                  pl.BlockSpec((k, n), lambda i: (0, 0))],
        out_specs=pl.BlockSpec((bm, n), lambda i: (i, 0)),
        out_shape=jax.ShapeDtypeStruct((m, n), jnp.float32),
    )(x, w)


def _fused2_kernel(a_ref, dinv_ref, b1_ref, w_ref, o_ref):
    d = dinv_ref[...]
    h1 = jnp.maximum(d * a_ref[...] + b1_ref[...], 0.0)
    o_ref[...] = d * jnp.dot(h1, w_ref[...],
                             preferred_element_type=jnp.float32)


def _tc_layer2(a1, dinv, b1, w2, bm=1024):
    m, k = a1.shape
    _, n = w2.shape
    return pl.pallas_call(
        _fused2_kernel,
        grid=(pl.cdiv(m, bm),),
        in_specs=[pl.BlockSpec((bm, k), lambda i: (i, 0)),
                  pl.BlockSpec((bm, 1), lambda i: (i, 0)),
                  pl.BlockSpec((1, k), lambda i: (0, 0)),
                  pl.BlockSpec((k, n), lambda i: (0, 0))],
        out_specs=pl.BlockSpec((bm, n), lambda i: (i, 0)),
        out_shape=jax.ShapeDtypeStruct((m, n), jnp.float32),
    )(a1, dinv.reshape(m, 1), b1.reshape(1, k), w2)



def kernel(x, hyperedge_index, le_adj, W1, b1, W2, b2):
    node_idx = hyperedge_index[0]
    src = le_adj[0]
    dst = le_adj[1]

    deg, cnt = _sc_degcnt(dst, node_idx)
    dinv = lax.rsqrt(deg)

    hx = _tc_matmul(x, W1)
    g0 = dinv[:, None] * jnp.take(hx, node_idx, axis=0)
    a1 = g0 + jnp.zeros((NP, DH), jnp.float32).at[dst].add(
        jnp.take(g0, src, axis=0))

    g1 = _tc_layer2(a1, dinv, b1, W2)

    sums = (jnp.zeros((NN, DO), jnp.float32)
            .at[node_idx].add(dinv[:, None] * g1)
            .at[jnp.take(node_idx, dst)].add(
                jnp.take(dinv, dst)[:, None] * jnp.take(g1, src, axis=0)))
    return sums / jnp.clip(cnt, 1.0)[:, None] + b2

# --- scband reference (transcript-rebuilt; emitter-appended) ---
"""Pipeline reference for scband-legcn-50233937494093 (READ-ONLY COPY).

The authoritative reference and input builder live on the scoring server;
editing this copy changes nothing except your own understanding.
"""

import jax, jax.numpy as jnp
import numpy as np

N_NODES = 10000
N_PAIRS = 160000   # line-expansion nodes (one per node-hyperedge incidence pair)
N_LE_EDGES = 480000
D_IN = 128
D_HID = 128
D_OUT = 64


def setup_inputs(seed: int = 0) -> dict:
    key = jax.random.key(seed)
    k1, k2, k3, k4, k5, k6, k7 = jax.random.split(key, 7)
    x = jax.random.normal(k1, (N_NODES, D_IN), dtype=jnp.float32)
    hyperedge_index = jax.random.randint(k2, (2, N_PAIRS), 0, N_NODES, dtype=jnp.int32)
    le_adj = jax.random.randint(k3, (2, N_LE_EDGES), 0, N_PAIRS, dtype=jnp.int32)
    # GCNConv parameters (glorot-ish init)
    W1 = jax.random.normal(k4, (D_IN, D_HID), dtype=jnp.float32) * (1.0 / np.sqrt(D_IN))
    b1 = jnp.zeros((D_HID,), dtype=jnp.float32)
    W2 = jax.random.normal(k5, (D_HID, D_OUT), dtype=jnp.float32) * (1.0 / np.sqrt(D_HID))
    b2 = jnp.zeros((D_OUT,), dtype=jnp.float32)
    return {"x": x, "hyperedge_index": hyperedge_index, "le_adj": le_adj,
            "W1": W1, "b1": b1, "W2": W2, "b2": b2}


def gcn_conv(x, edge_index, W, b, num_nodes):
    # PyG GCNConv: add self-loops, symmetric normalization, linear transform, scatter-add, bias
    h = x @ W
    src = edge_index[0]
    dst = edge_index[1]
    loop = jnp.arange(num_nodes, dtype=src.dtype)
    src = jnp.concatenate([src, loop])
    dst = jnp.concatenate([dst, loop])
    deg = jnp.zeros((num_nodes,), dtype=h.dtype).at[dst].add(1.0)
    dinv = jnp.where(deg > 0, 1.0 / jnp.sqrt(deg), 0.0)
    norm = dinv[src] * dinv[dst]
    msg = h[src] * norm[:, None]
    out = jnp.zeros((num_nodes, h.shape[1]), dtype=h.dtype).at[dst].add(msg)
    return out + b


def reference(x, hyperedge_index, le_adj, W1, b1, W2, b2):
    node_idx = hyperedge_index[0]
    # lift node features onto line-expansion nodes
    xl = jnp.take(x, node_idx, axis=0)
    # layer 1 (dropout is identity in eval mode)
    h = jax.nn.relu(gcn_conv(xl, le_adj, W1, b1, N_PAIRS))
    # last layer (no activation)
    h = gcn_conv(h, le_adj, W2, b2, N_PAIRS)
    # scatter-mean back to original nodes
    sums = jnp.zeros((N_NODES, h.shape[1]), dtype=h.dtype).at[node_idx].add(h)
    cnt = jnp.zeros((N_NODES,), dtype=h.dtype).at[node_idx].add(1.0)
    out = sums / jnp.clip(cnt, 1.0)[:, None]
    return out

if __name__ == "__main__":
    import jax
    _d = setup_inputs()
    print(jax.jit(kernel)(*tuple(_d.values())))

</pallas_src>

<mosaic_0001>
#map = affine_map<(d0, d1) -> (0, 0, 0)>
#map1 = affine_map<(d0, d1) -> (0)>
module attributes {stable_mosaic.version = 14 : i64} {
  func.func @_degcnt_body(%arg0: i32, %arg1: i32, %arg2: memref<240x16x125xi32, #tpu.memory_space<hbm>>, %arg3: memref<80x16x125xi32, #tpu.memory_space<hbm>>, %arg4: memref<125xf32, #tpu.memory_space<hbm>>, %arg5: memref<10000xf32, #tpu.memory_space<hbm>>, %arg6: memref<320000xf32, #tpu.memory_space<hbm>>, %arg7: memref<20480xf32, #tpu.memory_space<hbm>>, %arg8: memref<16x125xi32, #tpu.memory_space<vmem>>, %arg9: memref<125xf32, #tpu.memory_space<vmem>>, %arg10: memref<10000xf32, #tpu.memory_space<vmem>>, %arg11: memref<160000xf32, #tpu.memory_space<vmem_shared>>, %arg12: memref<10240xf32, #tpu.memory_space<vmem_shared>>) attributes {dimension_semantics = [#tpu.dimension_semantics<core_parallel>, #tpu.dimension_semantics<subcore_parallel>], iteration_bounds = array<i64: 2, 16>, scalar_prefetch = 0 : i64, scratch_operands = 5 : i64, tpu.core_type = #tpu.core_type<sc_vector_subcore>, window_params = [{transform_indices = #map}, {transform_indices = #map}, {transform_indices = #map1}, {transform_indices = #map1}, {transform_indices = #map1}, {transform_indices = #map1}]} {
    "tpu.region"() ({
      %run_scoped3A = tpu.sem_alloc : memref<!tpu.dma_semaphore, #tpu.memory_space<semaphore_mem>>
      tpu.enqueue_dma source(%arg5 : memref<10000xf32, #tpu.memory_space<hbm>>) target(%arg10 : memref<10000xf32, #tpu.memory_space<vmem>>) target_semaphore(%run_scoped3A : memref<!tpu.dma_semaphore, #tpu.memory_space<semaphore_mem>>)
      tpu.wait_dma2 semaphore(%run_scoped3A : memref<!tpu.dma_semaphore, #tpu.memory_space<semaphore_mem>>) src(%arg5 : memref<10000xf32, #tpu.memory_space<hbm>>) dst(%arg10 : memref<10000xf32, #tpu.memory_space<vmem>>)
      tpu.yield
    }) : () -> ()
    %mul3A = arith.constant 10000 : i32
    %mul3A_0 = arith.muli %arg1, %mul3A : i32
    "tpu.region"() ({
      %run_scoped3A = tpu.sem_alloc : memref<!tpu.dma_semaphore, #tpu.memory_space<semaphore_mem>>
      %dma_start3A = tpu.memref_slice %arg11[%mul3A_0] : memref<160000xf32, #tpu.memory_space<vmem_shared>> -> memref<10000xf32, #tpu.memory_space<vmem_shared>>
      %dma_start3A_92 = tpu.memref_slice %arg11[%mul3A_0] : memref<160000xf32, #tpu.memory_space<vmem_shared>> -> memref<10000xf32, #tpu.memory_space<vmem_shared>>
      tpu.enqueue_dma source(%arg10 : memref<10000xf32, #tpu.memory_space<vmem>>) target(%dma_start3A_92 : memref<10000xf32, #tpu.memory_space<vmem_shared>>) target_semaphore(%run_scoped3A : memref<!tpu.dma_semaphore, #tpu.memory_space<semaphore_mem>>)
      %dma_wait3A = tpu.memref_slice %arg11[%mul3A_0] : memref<160000xf32, #tpu.memory_space<vmem_shared>> -> memref<10000xf32, #tpu.memory_space<vmem_shared>>
      %dma_wait3A_93 = tpu.memref_slice %arg11[%mul3A_0] : memref<160000xf32, #tpu.memory_space<vmem_shared>> -> memref<10000xf32, #tpu.memory_space<vmem_shared>>
      tpu.wait_dma2 semaphore(%run_scoped3A : memref<!tpu.dma_semaphore, #tpu.memory_space<semaphore_mem>>) src(%arg10 : memref<10000xf32, #tpu.memory_space<vmem>>) dst(%dma_wait3A_93 : memref<10000xf32, #tpu.memory_space<vmem_shared>>)
      tpu.yield
    }) : () -> ()
    %mul3A_1 = arith.constant 640 : i32
    %mul3A_2 = arith.muli %arg1, %mul3A_1 : i32
    "tpu.region"() ({
      %run_scoped3A = tpu.sem_alloc : memref<!tpu.dma_semaphore, #tpu.memory_space<semaphore_mem>>
      %dma_start3A = arith.constant 0 : i32
      %dma_start3A_92 = tpu.memref_slice %arg10[%dma_start3A] : memref<10000xf32, #tpu.memory_space<vmem>> -> memref<640xf32, #tpu.memory_space<vmem>>
      %dma_start3A_93 = tpu.memref_slice %arg12[%mul3A_2] : memref<10240xf32, #tpu.memory_space<vmem_shared>> -> memref<640xf32, #tpu.memory_space<vmem_shared>>
      %dma_start3A_94 = tpu.memref_slice %arg12[%mul3A_2] : memref<10240xf32, #tpu.memory_space<vmem_shared>> -> memref<640xf32, #tpu.memory_space<vmem_shared>>
      %dma_start3A_95 = arith.constant 0 : i32
      %dma_start3A_96 = tpu.memref_slice %arg10[%dma_start3A_95] : memref<10000xf32, #tpu.memory_space<vmem>> -> memref<640xf32, #tpu.memory_space<vmem>>
      tpu.enqueue_dma source(%dma_start3A_96 : memref<640xf32, #tpu.memory_space<vmem>>) target(%dma_start3A_94 : memref<640xf32, #tpu.memory_space<vmem_shared>>) target_semaphore(%run_scoped3A : memref<!tpu.dma_semaphore, #tpu.memory_space<semaphore_mem>>)
      %dma_wait3A = arith.constant 0 : i32
      %dma_wait3A_97 = tpu.memref_slice %arg10[%dma_wait3A] : memref<10000xf32, #tpu.memory_space<vmem>> -> memref<640xf32, #tpu.memory_space<vmem>>
      %dma_wait3A_98 = tpu.memref_slice %arg12[%mul3A_2] : memref<10240xf32, #tpu.memory_space<vmem_shared>> -> memref<640xf32, #tpu.memory_space<vmem_shared>>
      %dma_wait3A_99 = tpu.memref_slice %arg12[%mul3A_2] : memref<10240xf32, #tpu.memory_space<vmem_shared>> -> memref<640xf32, #tpu.memory_space<vmem_shared>>
      %dma_wait3A_100 = arith.constant 0 : i32
      %dma_wait3A_101 = tpu.memref_slice %arg10[%dma_wait3A_100] : memref<10000xf32, #tpu.memory_space<vmem>> -> memref<640xf32, #tpu.memory_space<vmem>>
      tpu.wait_dma2 semaphore(%run_scoped3A : memref<!tpu.dma_semaphore, #tpu.memory_space<semaphore_mem>>) src(%dma_wait3A_101 : memref<640xf32, #tpu.memory_space<vmem>>) dst(%dma_wait3A_99 : memref<640xf32, #tpu.memory_space<vmem_shared>>)
      tpu.yield
    }) : () -> ()
    "tpu.region"() ({
      %run_scoped3A = tpu.sem_alloc : memref<!tpu.dma_semaphore, #tpu.memory_space<semaphore_mem>>
      tpu.enqueue_dma source(%arg4 : memref<125xf32, #tpu.memory_space<hbm>>) target(%arg9 : memref<125xf32, #tpu.memory_space<vmem>>) target_semaphore(%run_scoped3A : memref<!tpu.dma_semaphore, #tpu.memory_space<semaphore_mem>>)
      tpu.wait_dma2 semaphore(%run_scoped3A : memref<!tpu.dma_semaphore, #tpu.memory_space<semaphore_mem>>) src(%arg4 : memref<125xf32, #tpu.memory_space<hbm>>) dst(%arg9 : memref<125xf32, #tpu.memory_space<vmem>>)
      tpu.yield
    }) : () -> ()
    %barrier3A = arith.constant 0 : index
    tpu.barrier barrier_id(%barrier3A)
    %sub3A = arith.constant 120 : i32
    %sub3A_3 = arith.subi %sub3A, %arg1 : i32
    %add3A = arith.constant 16 : i32
    %add3A_4 = arith.addi %sub3A_3, %add3A : i32
    %sub3A_5 = arith.constant 1 : i32
    %sub3A_6 = arith.subi %add3A_4, %sub3A_5 : i32
    %jit3A = arith.constant 16 : i32
    %div3A = arith.divsi %sub3A_6, %jit3A : i32
    %sign3A = arith.constant 0 : i32
    %sign3A_7 = arith.cmpi sgt, %sub3A_6, %sign3A : i32
    %sign3A_8 = arith.extui %sign3A_7 : i1 to i32
    %sign3A_9 = arith.constant 0 : i32
    %sign3A_10 = arith.cmpi slt, %sub3A_6, %sign3A_9 : i32
    %sign3A_11 = arith.extui %sign3A_10 : i1 to i32
    %sign3A_12 = arith.subi %sign3A_8, %sign3A_11 : i32
    %sign3A_13 = arith.constant 0 : i32
    %sign3A_14 = arith.cmpi sgt, %jit3A, %sign3A_13 : i32
    %sign3A_15 = arith.extui %sign3A_14 : i1 to i32
    %sign3A_16 = arith.constant 0 : i32
    %sign3A_17 = arith.cmpi slt, %jit3A, %sign3A_16 : i32
    %sign3A_18 = arith.extui %sign3A_17 : i1 to i32
    %sign3A_19 = arith.subi %sign3A_15, %sign3A_18 : i32
    %ne3A = arith.cmpi ne, %sign3A_12, %sign3A_19 : i32
    %rem3A = arith.remsi %sub3A_6, %jit3A : i32
    %ne3A_20 = arith.constant 0 : i32
    %ne3A_21 = arith.cmpi ne, %rem3A, %ne3A_20 : i32
    %and3A = arith.andi %ne3A, %ne3A_21 : i1
    %sub3A_22 = arith.constant 1 : i32
    %sub3A_23 = arith.subi %div3A, %sub3A_22 : i32
    %select_n3A = arith.select %and3A, %sub3A_23, %div3A : i32
    %while3A = arith.constant 0 : i32
    %while3A_24 = arith.constant 0 : i32
    %while3A_25 = arith.subi %select_n3A, %while3A : i32
    %while3A_26 = arith.addi %while3A, %while3A_25 : i32
    %while3A_27 = arith.constant 1 : i32
    %while3A_28 = arith.divsi %while3A_25, %while3A_27 : i32
    %while3A_29 = arith.muli %while3A_28, %while3A_27 : i32
    %while3A_30 = arith.addi %while3A, %while3A_29 : i32
    %while3A_31 = arith.constant 1 : i32
    %while3A_32 = scf.for %while3A_92 = %while3A to %while3A_30 step %while3A_31 iter_args(%while3A_93 = %while3A_24) -> (i32)  : i32 {
      %mul3A_94 = arith.constant 120 : i32
      %mul3A_95 = arith.muli %arg0, %mul3A_94 : i32
      %add3A_96 = arith.addi %mul3A_95, %arg1 : i32
      %mul3A_97 = arith.constant 16 : i32
      %mul3A_98 = arith.muli %while3A_92, %mul3A_97 : i32
      %add3A_99 = arith.addi %add3A_96, %mul3A_98 : i32
      "tpu.region"() ({
        %run_scoped3A_116 = tpu.sem_alloc : memref<!tpu.dma_semaphore, #tpu.memory_space<semaphore_mem>>
        %dma_start3A = arith.constant 0 : i32
        %dma_start3A_117 = arith.constant 0 : i32
        %dma_start3A_118 = tpu.memref_slice %arg2[%add3A_99, %dma_start3A, %dma_start3A_117] : memref<240x16x125xi32, #tpu.memory_space<hbm>> -> memref<1x16x125xi32, #tpu.memory_space<hbm>>
        %dma_start3A_119 = tpu.memref_squeeze %dma_start3A_118 : memref<1x16x125xi32, #tpu.memory_space<hbm>> -> memref<16x125xi32, #tpu.memory_space<hbm>>
        %dma_start3A_120 = arith.constant 0 : i32
        %dma_start3A_121 = arith.constant 0 : i32
        %dma_start3A_122 = tpu.memref_slice %arg2[%add3A_99, %dma_start3A_120, %dma_start3A_121] : memref<240x16x125xi32, #tpu.memory_space<hbm>> -> memref<1x16x125xi32, #tpu.memory_space<hbm>>
        %dma_start3A_123 = tpu.memref_squeeze %dma_start3A_122 : memref<1x16x125xi32, #tpu.memory_space<hbm>> -> memref<16x125xi32, #tpu.memory_space<hbm>>
        tpu.enqueue_dma source(%dma_start3A_123 : memref<16x125xi32, #tpu.memory_space<hbm>>) target(%arg8 : memref<16x125xi32, #tpu.memory_space<vmem>>) target_semaphore(%run_scoped3A_116 : memref<!tpu.dma_semaphore, #tpu.memory_space<semaphore_mem>>)
        %dma_wait3A = arith.constant 0 : i32
        %dma_wait3A_124 = arith.constant 0 : i32
        %dma_wait3A_125 = tpu.memref_slice %arg2[%add3A_99, %dma_wait3A, %dma_wait3A_124] : memref<240x16x125xi32, #tpu.memory_space<hbm>> -> memref<1x16x125xi32, #tpu.memory_space<hbm>>
        %dma_wait3A_126 = tpu.memref_squeeze %dma_wait3A_125 : memref<1x16x125xi32, #tpu.memory_space<hbm>> -> memref<16x125xi32, #tpu.memory_space<hbm>>
        %dma_wait3A_127 = arith.constant 0 : i32
        %dma_wait3A_128 = arith.constant 0 : i32
        %dma_wait3A_129 = tpu.memref_slice %arg2[%add3A_99, %dma_wait3A_127, %dma_wait3A_128] : memref<240x16x125xi32, #tpu.memory_space<hbm>> -> memref<1x16x125xi32, #tpu.memory_space<hbm>>
        %dma_wait3A_130 = tpu.memref_squeeze %dma_wait3A_129 : memref<1x16x125xi32, #tpu.memory_space<hbm>> -> memref<16x125xi32, #tpu.memory_space<hbm>>
        tpu.wait_dma2 semaphore(%run_scoped3A_116 : memref<!tpu.dma_semaphore, #tpu.memory_space<semaphore_mem>>) src(%dma_wait3A_130 : memref<16x125xi32, #tpu.memory_space<hbm>>) dst(%arg8 : memref<16x125xi32, #tpu.memory_space<vmem>>)
        tpu.yield
      }) : () -> ()
      %run_scoped3A = arith.constant 0 : i32
      "tpu.region"() ({
        %run_scoped3A_116 = tpu.sem_alloc : memref<!tpu.dma_semaphore, #tpu.memory_space<semaphore_mem>>
        %dma_start3A = arith.constant 0 : i32
        %dma_start3A_117 = tpu.memref_slice %arg8[%run_scoped3A, %dma_start3A] : memref<16x125xi32, #tpu.memory_space<vmem>> -> memref<1x125xi32, #tpu.memory_space<vmem>>
        %dma_start3A_118 = tpu.memref_squeeze %dma_start3A_117 : memref<1x125xi32, #tpu.memory_space<vmem>> -> memref<125xi32, #tpu.memory_space<vmem>>
        %dma_start3A_119 = arith.constant 0 : i32
        %dma_start3A_120 = tpu.memref_slice %arg11[%dma_start3A_119] : memref<160000xf32, #tpu.memory_space<vmem_shared>> -> memref<160000xf32, #tpu.memory_space<vmem_shared>>
        tpu.enqueue_indirect_dma source(%arg9 : memref<125xf32, #tpu.memory_space<vmem>>) target(%dma_start3A_120 : memref<160000xf32, #tpu.memory_space<vmem_shared>>) offsets(%dma_start3A_118 : memref<125xi32, #tpu.memory_space<vmem>>) semaphore(%run_scoped3A_116 : memref<!tpu.dma_semaphore, #tpu.memory_space<semaphore_mem>>) {add = true}
        %dma_wait3A = arith.constant 0 : i32
        %dma_wait3A_121 = tpu.memref_slice %arg8[%run_scoped3A, %dma_wait3A] : memref<16x125xi32, #tpu.memory_space<vmem>> -> memref<1x125xi32, #tpu.memory_space<vmem>>
        %dma_wait3A_122 = tpu.memref_squeeze %dma_wait3A_121 : memref<1x125xi32, #tpu.memory_space<vmem>> -> memref<125xi32, #tpu.memory_space<vmem>>
        %dma_wait3A_123 = arith.constant 0 : i32
        %dma_wait3A_124 = tpu.memref_slice %arg11[%dma_wait3A_123] : memref<160000xf32, #tpu.memory_space<vmem_shared>> -> memref<160000xf32, #tpu.memory_space<vmem_shared>>
        tpu.wait_indirect_dma semaphore(%run_scoped3A_116 : memref<!tpu.dma_semaphore, #tpu.memory_space<semaphore_mem>>) src(%arg9 : memref<125xf32, #tpu.memory_space<vmem>>) dst(%dma_wait3A_124 : memref<160000xf32, #tpu.memory_space<vmem_shared>>)
        tpu.yield
      }) : () -> ()
      %run_scoped3A_100 = arith.constant 1 : i32
      "tpu.region"() ({
        %run_scoped3A_116 = tpu.sem_alloc : memref<!tpu.dma_semaphore, #tpu.memory_space<semaphore_mem>>
        %dma_start3A = arith.constant 0 : i32
        %dma_start3A_117 = tpu.memref_slice %arg8[%run_scoped3A_100, %dma_start3A] : memref<16x125xi32, #tpu.memory_space<vmem>> -> memref<1x125xi32, #tpu.memory_space<vmem>>
        %dma_start3A_118 = tpu.memref_squeeze %dma_start3A_117 : memref<1x125xi32, #tpu.memory_space<vmem>> -> memref<125xi32, #tpu.memory_space<vmem>>
        %dma_start3A_119 = arith.constant 0 : i32
        %dma_start3A_120 = tpu.memref_slice %arg11[%dma_start3A_119] : memref<160000xf32, #tpu.memory_space<vmem_shared>> -> memref<160000xf32, #tpu.memory_space<vmem_shared>>
        tpu.enqueue_indirect_dma source(%arg9 : memref<125xf32, #tpu.memory_space<vmem>>) target(%dma_start3A_120 : memref<160000xf32, #tpu.memory_space<vmem_shared>>) offsets(%dma_start3A_118 : memref<125xi32, #tpu.memory_space<vmem>>) semaphore(%run_scoped3A_116 : memref<!tpu.dma_semaphore, #tpu.memory_space<semaphore_mem>>) {add = true}
        %dma_wait3A = arith.constant 0 : i32
        %dma_wait3A_121 = tpu.memref_slice %arg8[%run_scoped3A_100, %dma_wait3A] : memref<16x125xi32, #tpu.memory_space<vmem>> -> memref<1x125xi32, #tpu.memory_space<vmem>>
        %dma_wait3A_122 = tpu.memref_squeeze %dma_wait3A_121 : memref<1x125xi32, #tpu.memory_space<vmem>> -> memref<125xi32, #tpu.memory_space<vmem>>
        %dma_wait3A_123 = arith.constant 0 : i32
        %dma_wait3A_124 = tpu.memref_slice %arg11[%dma_wait3A_123] : memref<160000xf32, #tpu.memory_space<vmem_shared>> -> memref<160000xf32, #tpu.memory_space<vmem_shared>>
        tpu.wait_indirect_dma semaphore(%run_scoped3A_116 : memref<!tpu.dma_semaphore, #tpu.memory_space<semaphore_mem>>) src(%arg9 : memref<125xf32, #tpu.memory_space<vmem>>) dst(%dma_wait3A_124 : memref<160000xf32, #tpu.memory_space<vmem_shared>>)
        tpu.yield
      }) : () -> ()
      %run_scoped3A_101 = arith.constant 2 : i32
      "tpu.region"() ({
        %run_scoped3A_116 = tpu.sem_alloc : memref<!tpu.dma_semaphore, #tpu.memory_space<semaphore_mem>>
        %dma_start3A = arith.constant 0 : i32
        %dma_start3A_117 = tpu.memref_slice %arg8[%run_scoped3A_101, %dma_start3A] : memref<16x125xi32, #tpu.memory_space<vmem>> -> memref<1x125xi32, #tpu.memory_space<vmem>>
        %dma_start3A_118 = tpu.memref_squeeze %dma_start3A_117 : memref<1x125xi32, #tpu.memory_space<vmem>> -> memref<125xi32, #tpu.memory_space<vmem>>
        %dma_start3A_119 = arith.constant 0 : i32
        %dma_start3A_120 = tpu.memref_slice %arg11[%dma_start3A_119] : memref<160000xf32, #tpu.memory_space<vmem_shared>> -> memref<160000xf32, #tpu.memory_space<vmem_shared>>
        tpu.enqueue_indirect_dma source(%arg9 : memref<125xf32, #tpu.memory_space<vmem>>) target(%dma_start3A_120 : memref<160000xf32, #tpu.memory_space<vmem_shared>>) offsets(%dma_start3A_118 : memref<125xi32, #tpu.memory_space<vmem>>) semaphore(%run_scoped3A_116 : memref<!tpu.dma_semaphore, #tpu.memory_space<semaphore_mem>>) {add = true}
        %dma_wait3A = arith.constant 0 : i32
        %dma_wait3A_121 = tpu.memref_slice %arg8[%run_scoped3A_101, %dma_wait3A] : memref<16x125xi32, #tpu.memory_space<vmem>> -> memref<1x125xi32, #tpu.memory_space<vmem>>
        %dma_wait3A_122 = tpu.memref_squeeze %dma_wait3A_121 : memref<1x125xi32, #tpu.memory_space<vmem>> -> memref<125xi32, #tpu.memory_space<vmem>>
        %dma_wait3A_123 = arith.constant 0 : i32
        %dma_wait3A_124 = tpu.memref_slice %arg11[%dma_wait3A_123] : memref<160000xf32, #tpu.memory_space<vmem_shared>> -> memref<160000xf32, #tpu.memory_space<vmem_shared>>
        tpu.wait_indirect_dma semaphore(%run_scoped3A_116 : memref<!tpu.dma_semaphore, #tpu.memory_space<semaphore_mem>>) src(%arg9 : memref<125xf32, #tpu.memory_space<vmem>>) dst(%dma_wait3A_124 : memref<160000xf32, #tpu.memory_space<vmem_shared>>)
        tpu.yield
      }) : () -> ()
      %run_scoped3A_102 = arith.constant 3 : i32
      "tpu.region"() ({
        %run_scoped3A_116 = tpu.sem_alloc : memref<!tpu.dma_semaphore, #tpu.memory_space<semaphore_mem>>
        %dma_start3A = arith.constant 0 : i32
        %dma_start3A_117 = tpu.memref_slice %arg8[%run_scoped3A_102, %dma_start3A] : memref<16x125xi32, #tpu.memory_space<vmem>> -> memref<1x125xi32, #tpu.memory_space<vmem>>
        %dma_start3A_118 = tpu.memref_squeeze %dma_start3A_117 : memref<1x125xi32, #tpu.memory_space<vmem>> -> memref<125xi32, #tpu.memory_space<vmem>>
        %dma_start3A_119 = arith.constant 0 : i32
        %dma_start3A_120 = tpu.memref_slice %arg11[%dma_start3A_119] : memref<160000xf32, #tpu.memory_space<vmem_shared>> -> memref<160000xf32, #tpu.memory_space<vmem_shared>>
        tpu.enqueue_indirect_dma source(%arg9 : memref<125xf32, #tpu.memory_space<vmem>>) target(%dma_start3A_120 : memref<160000xf32, #tpu.memory_space<vmem_shared>>) offsets(%dma_start3A_118 : memref<125xi32, #tpu.memory_space<vmem>>) semaphore(%run_scoped3A_116 : memref<!tpu.dma_semaphore, #tpu.memory_space<semaphore_mem>>) {add = true}
        %dma_wait3A = arith.constant 0 : i32
        %dma_wait3A_121 = tpu.memref_slice %arg8[%run_scoped3A_102, %dma_wait3A] : memref<16x125xi32, #tpu.memory_space<vmem>> -> memref<1x125xi32, #tpu.memory_space<vmem>>
        %dma_wait3A_122 = tpu.memref_squeeze %dma_wait3A_121 : memref<1x125xi32, #tpu.memory_space<vmem>> -> memref<125xi32, #tpu.memory_space<vmem>>
        %dma_wait3A_123 = arith.constant 0 : i32
        %dma_wait3A_124 = tpu.memref_slice %arg11[%dma_wait3A_123] : memref<160000xf32, #tpu.memory_space<vmem_shared>> -> memref<160000xf32, #tpu.memory_space<vmem_shared>>
        tpu.wait_indirect_dma semaphore(%run_scoped3A_116 : memref<!tpu.dma_semaphore, #tpu.memory_space<semaphore_mem>>) src(%arg9 : memref<125xf32, #tpu.memory_space<vmem>>) dst(%dma_wait3A_124 : memref<160000xf32, #tpu.memory_space<vmem_shared>>)
        tpu.yield
      }) : () -> ()
      %run_scoped3A_103 = arith.constant 4 : i32
      "tpu.region"() ({
        %run_scoped3A_116 = tpu.sem_alloc : memref<!tpu.dma_semaphore, #tpu.memory_space<semaphore_mem>>
        %dma_start3A = arith.constant 0 : i32
        %dma_start3A_117 = tpu.memref_slice %arg8[%run_scoped3A_103, %dma_start3A] : memref<16x125xi32, #tpu.memory_space<vmem>> -> memref<1x125xi32, #tpu.memory_space<vmem>>
        %dma_start3A_118 = tpu.memref_squeeze %dma_start3A_117 : memref<1x125xi32, #tpu.memory_space<vmem>> -> memref<125xi32, #tpu.memory_space<vmem>>
        %dma_start3A_119 = arith.constant 0 : i32
        %dma_start3A_120 = tpu.memref_slice %arg11[%dma_start3A_119] : memref<160000xf32, #tpu.memory_space<vmem_shared>> -> memref<160000xf32, #tpu.memory_space<vmem_shared>>
        tpu.enqueue_indirect_dma source(%arg9 : memref<125xf32, #tpu.memory_space<vmem>>) target(%dma_start3A_120 : memref<160000xf32, #tpu.memory_space<vmem_shared>>) offsets(%dma_start3A_118 : memref<125xi32, #tpu.memory_space<vmem>>) semaphore(%run_scoped3A_116 : memref<!tpu.dma_semaphore, #tpu.memory_space<semaphore_mem>>) {add = true}
        %dma_wait3A = arith.constant 0 : i32
        %dma_wait3A_121 = tpu.memref_slice %arg8[%run_scoped3A_103, %dma_wait3A] : memref<16x125xi32, #tpu.memory_space<vmem>> -> memref<1x125xi32, #tpu.memory_space<vmem>>
        %dma_wait3A_122 = tpu.memref_squeeze %dma_wait3A_121 : memref<1x125xi32, #tpu.memory_space<vmem>> -> memref<125xi32, #tpu.memory_space<vmem>>
        %dma_wait3A_123 = arith.constant 0 : i32
        %dma_wait3A_124 = tpu.memref_slice %arg11[%dma_wait3A_123] : memref<160000xf32, #tpu.memory_space<vmem_shared>> -> memref<160000xf32, #tpu.memory_space<vmem_shared>>
        tpu.wait_indirect_dma semaphore(%run_scoped3A_116 : memref<!tpu.dma_semaphore, #tpu.memory_space<semaphore_mem>>) src(%arg9 : memref<125xf32, #tpu.memory_space<vmem>>) dst(%dma_wait3A_124 : memref<160000xf32, #tpu.memory_space<vmem_shared>>)
        tpu.yield
      }) : () -> ()
      %run_scoped3A_104 = arith.constant 5 : i32
      "tpu.region"() ({
        %run_scoped3A_116 = tpu.sem_alloc : memref<!tpu.dma_semaphore, #tpu.memory_space<semaphore_mem>>
        %dma_start3A = arith.constant 0 : i32
        %dma_start3A_117 = tpu.memref_slice %arg8[%run_scoped3A_104, %dma_start3A] : memref<16x125xi32, #tpu.memory_space<vmem>> -> memref<1x125xi32, #tpu.memory_space<vmem>>
        %dma_start3A_118 = tpu.memref_squeeze %dma_start3A_117 : memref<1x125xi32, #tpu.memory_space<vmem>> -> memref<125xi32, #tpu.memory_space<vmem>>
        %dma_start3A_119 = arith.constant 0 : i32
        %dma_start3A_120 = tpu.memref_slice %arg11[%dma_start3A_119] : memref<160000xf32, #tpu.memory_space<vmem_shared>> -> memref<160000xf32, #tpu.memory_space<vmem_shared>>
        tpu.enqueue_indirect_dma source(%arg9 : memref<125xf32, #tpu.memory_space<vmem>>) target(%dma_start3A_120 : memref<160000xf32, #tpu.memory_space<vmem_shared>>) offsets(%dma_start3A_118 : memref<125xi32, #tpu.memory_space<vmem>>) semaphore(%run_scoped3A_116 : memref<!tpu.dma_semaphore, #tpu.memory_space<semaphore_mem>>) {add = true}
        %dma_wait3A = arith.constant 0 : i32
        %dma_wait3A_121 = tpu.memref_slice %arg8[%run_scoped3A_104, %dma_wait3A] : memref<16x125xi32, #tpu.memory_space<vmem>> -> memref<1x125xi32, #tpu.memory_space<vmem>>
        %dma_wait3A_122 = tpu.memref_squeeze %dma_wait3A_121 : memref<1x125xi32, #tpu.memory_space<vmem>> -> memref<125xi32, #tpu.memory_space<vmem>>
        %dma_wait3A_123 = arith.constant 0 : i32
        %dma_wait3A_124 = tpu.memref_slice %arg11[%dma_wait3A_123] : memref<160000xf32, #tpu.memory_space<vmem_shared>> -> memref<160000xf32, #tpu.memory_space<vmem_shared>>
        tpu.wait_indirect_dma semaphore(%run_scoped3A_116 : memref<!tpu.dma_semaphore, #tpu.memory_space<semaphore_mem>>) src(%arg9 : memref<125xf32, #tpu.memory_space<vmem>>) dst(%dma_wait3A_124 : memref<160000xf32, #tpu.memory_space<vmem_shared>>)
        tpu.yield
      }) : () -> ()
      %run_scoped3A_105 = arith.constant 6 : i32
      "tpu.region"() ({
        %run_scoped3A_116 = tpu.sem_alloc : memref<!tpu.dma_semaphore, #tpu.memory_space<semaphore_mem>>
        %dma_start3A = arith.constant 0 : i32
        %dma_start3A_117 = tpu.memref_slice %arg8[%run_scoped3A_105, %dma_start3A] : memref<16x125xi32, #tpu.memory_space<vmem>> -> memref<1x125xi32, #tpu.memory_space<vmem>>
        %dma_start3A_118 = tpu.memref_squeeze %dma_start3A_117 : memref<1x125xi32, #tpu.memory_space<vmem>> -> memref<125xi32, #tpu.memory_space<vmem>>
        %dma_start3A_119 = arith.constant 0 : i32
        %dma_start3A_120 = tpu.memref_slice %arg11[%dma_start3A_119] : memref<160000xf32, #tpu.memory_space<vmem_shared>> -> memref<160000xf32, #tpu.memory_space<vmem_shared>>
        tpu.enqueue_indirect_dma source(%arg9 : memref<125xf32, #tpu.memory_space<vmem>>) target(%dma_start3A_120 : memref<160000xf32, #tpu.memory_space<vmem_shared>>) offsets(%dma_start3A_118 : memref<125xi32, #tpu.memory_space<vmem>>) semaphore(%run_scoped3A_116 : memref<!tpu.dma_semaphore, #tpu.memory_space<semaphore_mem>>) {add = true}
        %dma_wait3A = arith.constant 0 : i32
        %dma_wait3A_121 = tpu.memref_slice %arg8[%run_scoped3A_105, %dma_wait3A] : memref<16x125xi32, #tpu.memory_space<vmem>> -> memref<1x125xi32, #tpu.memory_space<vmem>>
        %dma_wait3A_122 = tpu.memref_squeeze %dma_wait3A_121 : memref<1x125xi32, #tpu.memory_space<vmem>> -> memref<125xi32, #tpu.memory_space<vmem>>
        %dma_wait3A_123 = arith.constant 0 : i32
        %dma_wait3A_124 = tpu.memref_slice %arg11[%dma_wait3A_123] : memref<160000xf32, #tpu.memory_space<vmem_shared>> -> memref<160000xf32, #tpu.memory_space<vmem_shared>>
        tpu.wait_indirect_dma semaphore(%run_scoped3A_116 : memref<!tpu.dma_semaphore, #tpu.memory_space<semaphore_mem>>) src(%arg9 : memref<125xf32, #tpu.memory_space<vmem>>) dst(%dma_wait3A_124 : memref<160000xf32, #tpu.memory_space<vmem_shared>>)
        tpu.yield
      }) : () -> ()
      %run_scoped3A_106 = arith.constant 7 : i32
      "tpu.region"() ({
        %run_scoped3A_116 = tpu.sem_alloc : memref<!tpu.dma_semaphore, #tpu.memory_space<semaphore_mem>>
        %dma_start3A = arith.constant 0 : i32
        %dma_start3A_117 = tpu.memref_slice %arg8[%run_scoped3A_106, %dma_start3A] : memref<16x125xi32, #tpu.memory_space<vmem>> -> memref<1x125xi32, #tpu.memory_space<vmem>>
        %dma_start3A_118 = tpu.memref_squeeze %dma_start3A_117 : memref<1x125xi32, #tpu.memory_space<vmem>> -> memref<125xi32, #tpu.memory_space<vmem>>
        %dma_start3A_119 = arith.constant 0 : i32
        %dma_start3A_120 = tpu.memref_slice %arg11[%dma_start3A_119] : memref<160000xf32, #tpu.memory_space<vmem_shared>> -> memref<160000xf32, #tpu.memory_space<vmem_shared>>
        tpu.enqueue_indirect_dma source(%arg9 : memref<125xf32, #tpu.memory_space<vmem>>) target(%dma_start3A_120 : memref<160000xf32, #tpu.memory_space<vmem_shared>>) offsets(%dma_start3A_118 : memref<125xi32, #tpu.memory_space<vmem>>) semaphore(%run_scoped3A_116 : memref<!tpu.dma_semaphore, #tpu.memory_space<semaphore_mem>>) {add = true}
        %dma_wait3A = arith.constant 0 : i32
        %dma_wait3A_121 = tpu.memref_slice %arg8[%run_scoped3A_106, %dma_wait3A] : memref<16x125xi32, #tpu.memory_space<vmem>> -> memref<1x125xi32, #tpu.memory_space<vmem>>
        %dma_wait3A_122 = tpu.memref_squeeze %dma_wait3A_121 : memref<1x125xi32, #tpu.memory_space<vmem>> -> memref<125xi32, #tpu.memory_space<vmem>>
        %dma_wait3A_123 = arith.constant 0 : i32
        %dma_wait3A_124 = tpu.memref_slice %arg11[%dma_wait3A_123] : memref<160000xf32, #tpu.memory_space<vmem_shared>> -> memref<160000xf32, #tpu.memory_space<vmem_shared>>
        tpu.wait_indirect_dma semaphore(%run_scoped3A_116 : memref<!tpu.dma_semaphore, #tpu.memory_space<semaphore_mem>>) src(%arg9 : memref<125xf32, #tpu.memory_space<vmem>>) dst(%dma_wait3A_124 : memref<160000xf32, #tpu.memory_space<vmem_shared>>)
        tpu.yield
      }) : () -> ()
      %run_scoped3A_107 = arith.constant 8 : i32
      "tpu.region"() ({
        %run_scoped3A_116 = tpu.sem_alloc : memref<!tpu.dma_semaphore, #tpu.memory_space<semaphore_mem>>
        %dma_start3A = arith.constant 0 : i32
        %dma_start3A_117 = tpu.memref_slice %arg8[%run_scoped3A_107, %dma_start3A] : memref<16x125xi32, #tpu.memory_space<vmem>> -> memref<1x125xi32, #tpu.memory_space<vmem>>
        %dma_start3A_118 = tpu.memref_squeeze %dma_start3A_117 : memref<1x125xi32, #tpu.memory_space<vmem>> -> memref<125xi32, #tpu.memory_space<vmem>>
        %dma_start3A_119 = arith.constant 0 : i32
        %dma_start3A_120 = tpu.memref_slice %arg11[%dma_start3A_119] : memref<160000xf32, #tpu.memory_space<vmem_shared>> -> memref<160000xf32, #tpu.memory_space<vmem_shared>>
        tpu.enqueue_indirect_dma source(%arg9 : memref<125xf32, #tpu.memory_space<vmem>>) target(%dma_start3A_120 : memref<160000xf32, #tpu.memory_space<vmem_shared>>) offsets(%dma_start3A_118 : memref<125xi32, #tpu.memory_space<vmem>>) semaphore(%run_scoped3A_116 : memref<!tpu.dma_semaphore, #tpu.memory_space<semaphore_mem>>) {add = true}
        %dma_wait3A = arith.constant 0 : i32
        %dma_wait3A_121 = tpu.memref_slice %arg8[%run_scoped3A_107, %dma_wait3A] : memref<16x125xi32, #tpu.memory_space<vmem>> -> memref<1x125xi32, #tpu.memory_space<vmem>>
        %dma_wait3A_122 = tpu.memref_squeeze %dma_wait3A_121 : memref<1x125xi32, #tpu.memory_space<vmem>> -> memref<125xi32, #tpu.memory_space<vmem>>
        %dma_wait3A_123 = arith.constant 0 : i32
        %dma_wait3A_124 = tpu.memref_slice %arg11[%dma_wait3A_123] : memref<160000xf32, #tpu.memory_space<vmem_shared>> -> memref<160000xf32, #tpu.memory_space<vmem_shared>>
        tpu.wait_indirect_dma semaphore(%run_scoped3A_116 : memref<!tpu.dma_semaphore, #tpu.memory_space<semaphore_mem>>) src(%arg9 : memref<125xf32, #tpu.memory_space<vmem>>) dst(%dma_wait3A_124 : memref<160000xf32, #tpu.memory_space<vmem_shared>>)
        tpu.yield
      }) : () -> ()
      %run_scoped3A_108 = arith.constant 9 : i32
      "tpu.region"() ({
        %run_scoped3A_116 = tpu.sem_alloc : memref<!tpu.dma_semaphore, #tpu.memory_space<semaphore_mem>>
        %dma_start3A = arith.constant 0 : i32
        %dma_start3A_117 = tpu.memref_slice %arg8[%run_scoped3A_108, %dma_start3A] : memref<16x125xi32, #tpu.memory_space<vmem>> -> memref<1x125xi32, #tpu.memory_space<vmem>>
        %dma_start3A_118 = tpu.memref_squeeze %dma_start3A_117 : memref<1x125xi32, #tpu.memory_space<vmem>> -> memref<125xi32, #tpu.memory_space<vmem>>
        %dma_start3A_119 = arith.constant 0 : i32
        %dma_start3A_120 = tpu.memref_slice %arg11[%dma_start3A_119] : memref<160000xf32, #tpu.memory_space<vmem_shared>> -> memref<160000xf32, #tpu.memory_space<vmem_shared>>
        tpu.enqueue_indirect_dma source(%arg9 : memref<125xf32, #tpu.memory_space<vmem>>) target(%dma_start3A_120 : memref<160000xf32, #tpu.memory_space<vmem_shared>>) offsets(%dma_start3A_118 : memref<125xi32, #tpu.memory_space<vmem>>) semaphore(%run_scoped3A_116 : memref<!tpu.dma_semaphore, #tpu.memory_space<semaphore_mem>>) {add = true}
        %dma_wait3A = arith.constant 0 : i32
        %dma_wait3A_121 = tpu.memref_slice %arg8[%run_scoped3A_108, %dma_wait3A] : memref<16x125xi32, #tpu.memory_space<vmem>> -> memref<1x125xi32, #tpu.memory_space<vmem>>
        %dma_wait3A_122 = tpu.memref_squeeze %dma_wait3A_121 : memref<1x125xi32, #tpu.memory_space<vmem>> -> memref<125xi32, #tpu.memory_space<vmem>>
        %dma_wait3A_123 = arith.constant 0 : i32
        %dma_wait3A_124 = tpu.memref_slice %arg11[%dma_wait3A_123] : memref<160000xf32, #tpu.memory_space<vmem_shared>> -> memref<160000xf32, #tpu.memory_space<vmem_shared>>
        tpu.wait_indirect_dma semaphore(%run_scoped3A_116 : memref<!tpu.dma_semaphore, #tpu.memory_space<semaphore_mem>>) src(%arg9 : memref<125xf32, #tpu.memory_space<vmem>>) dst(%dma_wait3A_124 : memref<160000xf32, #tpu.memory_space<vmem_shared>>)
        tpu.yield
      }) : () -> ()
      %run_scoped3A_109 = arith.constant 10 : i32
      "tpu.region"() ({
        %run_scoped3A_116 = tpu.sem_alloc : memref<!tpu.dma_semaphore, #tpu.memory_space<semaphore_mem>>
        %dma_start3A = arith.constant 0 : i32
        %dma_start3A_117 = tpu.memref_slice %arg8[%run_scoped3A_109, %dma_start3A] : memref<16x125xi32, #tpu.memory_space<vmem>> -> memref<1x125xi32, #tpu.memory_space<vmem>>
        %dma_start3A_118 = tpu.memref_squeeze %dma_start3A_117 : memref<1x125xi32, #tpu.memory_space<vmem>> -> memref<125xi32, #tpu.memory_space<vmem>>
        %dma_start3A_119 = arith.constant 0 : i32
        %dma_start3A_120 = tpu.memref_slice %arg11[%dma_start3A_119] : memref<160000xf32, #tpu.memory_space<vmem_shared>> -> memref<160000xf32, #tpu.memory_space<vmem_shared>>
        tpu.enqueue_indirect_dma source(%arg9 : memref<125xf32, #tpu.memory_space<vmem>>) target(%dma_start3A_120 : memref<160000xf32, #tpu.memory_space<vmem_shared>>) offsets(%dma_start3A_118 : memref<125xi32, #tpu.memory_space<vmem>>) semaphore(%run_scoped3A_116 : memref<!tpu.dma_semaphore, #tpu.memory_space<semaphore_mem>>) {add = true}
        %dma_wait3A = arith.constant 0 : i32
        %dma_wait3A_121 = tpu.memref_slice %arg8[%run_scoped3A_109, %dma_wait3A] : memref<16x125xi32, #tpu.memory_space<vmem>> -> memref<1x125xi32, #tpu.memory_space<vmem>>
        %dma_wait3A_122 = tpu.memref_squeeze %dma_wait3A_121 : memref<1x125xi32, #tpu.memory_space<vmem>> -> memref<125xi32, #tpu.memory_space<vmem>>
        %dma_wait3A_123 = arith.constant 0 : i32
        %dma_wait3A_124 = tpu.memref_slice %arg11[%dma_wait3A_123] : memref<160000xf32, #tpu.memory_space<vmem_shared>> -> memref<160000xf32, #tpu.memory_space<vmem_shared>>
        tpu.wait_indirect_dma semaphore(%run_scoped3A_116 : memref<!tpu.dma_semaphore, #tpu.memory_space<semaphore_mem>>) src(%arg9 : memref<125xf32, #tpu.memory_space<vmem>>) dst(%dma_wait3A_124 : memref<160000xf32, #tpu.memory_space<vmem_shared>>)
        tpu.yield
      }) : () -> ()
      %run_scoped3A_110 = arith.constant 11 : i32
      "tpu.region"() ({
        %run_scoped3A_116 = tpu.sem_alloc : memref<!tpu.dma_semaphore, #tpu.memory_space<semaphore_mem>>
        %dma_start3A = arith.constant 0 : i32
        %dma_start3A_117 = tpu.memref_slice %arg8[%run_scoped3A_110, %dma_start3A] : memref<16x125xi32, #tpu.memory_space<vmem>> -> memref<1x125xi32, #tpu.memory_space<vmem>>
        %dma_start3A_118 = tpu.memref_squeeze %dma_start3A_117 : memref<1x125xi32, #tpu.memory_space<vmem>> -> memref<125xi32, #tpu.memory_space<vmem>>
        %dma_start3A_119 = arith.constant 0 : i32
        %dma_start3A_120 = tpu.memref_slice %arg11[%dma_start3A_119] : memref<160000xf32, #tpu.memory_space<vmem_shared>> -> memref<160000xf32, #tpu.memory_space<vmem_shared>>
        tpu.enqueue_indirect_dma source(%arg9 : memref<125xf32, #tpu.memory_space<vmem>>) target(%dma_start3A_120 : memref<160000xf32, #tpu.memory_space<vmem_shared>>) offsets(%dma_start3A_118 : memref<125xi32, #tpu.memory_space<vmem>>) semaphore(%run_scoped3A_116 : memref<!tpu.dma_semaphore, #tpu.memory_space<semaphore_mem>>) {add = true}
        %dma_wait3A = arith.constant 0 : i32
        %dma_wait3A_121 = tpu.memref_slice %arg8[%run_scoped3A_110, %dma_wait3A] : memref<16x125xi32, #tpu.memory_space<vmem>> -> memref<1x125xi32, #tpu.memory_space<vmem>>
        %dma_wait3A_122 = tpu.memref_squeeze %dma_wait3A_121 : memref<1x125xi32, #tpu.memory_space<vmem>> -> memref<125xi32, #tpu.memory_space<vmem>>
        %dma_wait3A_123 = arith.constant 0 : i32
        %dma_wait3A_124 = tpu.memref_slice %arg11[%dma_wait3A_123] : memref<160000xf32, #tpu.memory_space<vmem_shared>> -> memref<160000xf32, #tpu.memory_space<vmem_shared>>
        tpu.wait_indirect_dma semaphore(%run_scoped3A_116 : memref<!tpu.dma_semaphore, #tpu.memory_space<semaphore_mem>>) src(%arg9 : memref<125xf32, #tpu.memory_space<vmem>>) dst(%dma_wait3A_124 : memref<160000xf32, #tpu.memory_space<vmem_shared>>)
        tpu.yield
      }) : () -> ()
      %run_scoped3A_111 = arith.constant 12 : i32
      "tpu.region"() ({
        %run_scoped3A_116 = tpu.sem_alloc : memref<!tpu.dma_semaphore, #tpu.memory_space<semaphore_mem>>
        %dma_start3A = arith.constant 0 : i32
        %dma_start3A_117 = tpu.memref_slice %arg8[%run_scoped3A_111, %dma_start3A] : memref<16x125xi32, #tpu.memory_space<vmem>> -> memref<1x125xi32, #tpu.memory_space<vmem>>
        %dma_start3A_118 = tpu.memref_squeeze %dma_start3A_117 : memref<1x125xi32, #tpu.memory_space<vmem>> -> memref<125xi32, #tpu.memory_space<vmem>>
        %dma_start3A_119 = arith.constant 0 : i32
        %dma_start3A_120 = tpu.memref_slice %arg11[%dma_start3A_119] : memref<160000xf32, #tpu.memory_space<vmem_shared>> -> memref<160000xf32, #tpu.memory_space<vmem_shared>>
        tpu.enqueue_indirect_dma source(%arg9 : memref<125xf32, #tpu.memory_space<vmem>>) target(%dma_start3A_120 : memref<160000xf32, #tpu.memory_space<vmem_shared>>) offsets(%dma_start3A_118 : memref<125xi32, #tpu.memory_space<vmem>>) semaphore(%run_scoped3A_116 : memref<!tpu.dma_semaphore, #tpu.memory_space<semaphore_mem>>) {add = true}
        %dma_wait3A = arith.constant 0 : i32
        %dma_wait3A_121 = tpu.memref_slice %arg8[%run_scoped3A_111, %dma_wait3A] : memref<16x125xi32, #tpu.memory_space<vmem>> -> memref<1x125xi32, #tpu.memory_space<vmem>>
        %dma_wait3A_122 = tpu.memref_squeeze %dma_wait3A_121 : memref<1x125xi32, #tpu.memory_space<vmem>> -> memref<125xi32, #tpu.memory_space<vmem>>
        %dma_wait3A_123 = arith.constant 0 : i32
        %dma_wait3A_124 = tpu.memref_slice %arg11[%dma_wait3A_123] : memref<160000xf32, #tpu.memory_space<vmem_shared>> -> memref<160000xf32, #tpu.memory_space<vmem_shared>>
        tpu.wait_indirect_dma semaphore(%run_scoped3A_116 : memref<!tpu.dma_semaphore, #tpu.memory_space<semaphore_mem>>) src(%arg9 : memref<125xf32, #tpu.memory_space<vmem>>) dst(%dma_wait3A_124 : memref<160000xf32, #tpu.memory_space<vmem_shared>>)
        tpu.yield
      }) : () -> ()
      %run_scoped3A_112 = arith.constant 13 : i32
      "tpu.region"() ({
        %run_scoped3A_116 = tpu.sem_alloc : memref<!tpu.dma_semaphore, #tpu.memory_space<semaphore_mem>>
        %dma_start3A = arith.constant 0 : i32
        %dma_start3A_117 = tpu.memref_slice %arg8[%run_scoped3A_112, %dma_start3A] : memref<16x125xi32, #tpu.memory_space<vmem>> -> memref<1x125xi32, #tpu.memory_space<vmem>>
        %dma_start3A_118 = tpu.memref_squeeze %dma_start3A_117 : memref<1x125xi32, #tpu.memory_space<vmem>> -> memref<125xi32, #tpu.memory_space<vmem>>
        %dma_start3A_119 = arith.constant 0 : i32
        %dma_start3A_120 = tpu.memref_slice %arg11[%dma_start3A_119] : memref<160000xf32, #tpu.memory_space<vmem_shared>> -> memref<160000xf32, #tpu.memory_space<vmem_shared>>
        tpu.enqueue_indirect_dma source(%arg9 : memref<125xf32, #tpu.memory_space<vmem>>) target(%dma_start3A_120 : memref<160000xf32, #tpu.memory_space<vmem_shared>>) offsets(%dma_start3A_118 : memref<125xi32, #tpu.memory_space<vmem>>) semaphore(%run_scoped3A_116 : memref<!tpu.dma_semaphore, #tpu.memory_space<semaphore_mem>>) {add = true}
        %dma_wait3A = arith.constant 0 : i32
        %dma_wait3A_121 = tpu.memref_slice %arg8[%run_scoped3A_112, %dma_wait3A] : memref<16x125xi32, #tpu.memory_space<vmem>> -> memref<1x125xi32, #tpu.memory_space<vmem>>
        %dma_wait3A_122 = tpu.memref_squeeze %dma_wait3A_121 : memref<1x125xi32, #tpu.memory_space<vmem>> -> memref<125xi32, #tpu.memory_space<vmem>>
        %dma_wait3A_123 = arith.constant 0 : i32
        %dma_wait3A_124 = tpu.memref_slice %arg11[%dma_wait3A_123] : memref<160000xf32, #tpu.memory_space<vmem_shared>> -> memref<160000xf32, #tpu.memory_space<vmem_shared>>
        tpu.wait_indirect_dma semaphore(%run_scoped3A_116 : memref<!tpu.dma_semaphore, #tpu.memory_space<semaphore_mem>>) src(%arg9 : memref<125xf32, #tpu.memory_space<vmem>>) dst(%dma_wait3A_124 : memref<160000xf32, #tpu.memory_space<vmem_shared>>)
        tpu.yield
      }) : () -> ()
      %run_scoped3A_113 = arith.constant 14 : i32
      "tpu.region"() ({
        %run_scoped3A_116 = tpu.sem_alloc : memref<!tpu.dma_semaphore, #tpu.memory_space<semaphore_mem>>
        %dma_start3A = arith.constant 0 : i32
        %dma_start3A_117 = tpu.memref_slice %arg8[%run_scoped3A_113, %dma_start3A] : memref<16x125xi32, #tpu.memory_space<vmem>> -> memref<1x125xi32, #tpu.memory_space<vmem>>
        %dma_start3A_118 = tpu.memref_squeeze %dma_start3A_117 : memref<1x125xi32, #tpu.memory_space<vmem>> -> memref<125xi32, #tpu.memory_space<vmem>>
        %dma_start3A_119 = arith.constant 0 : i32
        %dma_start3A_120 = tpu.memref_slice %arg11[%dma_start3A_119] : memref<160000xf32, #tpu.memory_space<vmem_shared>> -> memref<160000xf32, #tpu.memory_space<vmem_shared>>
        tpu.enqueue_indirect_dma source(%arg9 : memref<125xf32, #tpu.memory_space<vmem>>) target(%dma_start3A_120 : memref<160000xf32, #tpu.memory_space<vmem_shared>>) offsets(%dma_start3A_118 : memref<125xi32, #tpu.memory_space<vmem>>) semaphore(%run_scoped3A_116 : memref<!tpu.dma_semaphore, #tpu.memory_space<semaphore_mem>>) {add = true}
        %dma_wait3A = arith.constant 0 : i32
        %dma_wait3A_121 = tpu.memref_slice %arg8[%run_scoped3A_113, %dma_wait3A] : memref<16x125xi32, #tpu.memory_space<vmem>> -> memref<1x125xi32, #tpu.memory_space<vmem>>
        %dma_wait3A_122 = tpu.memref_squeeze %dma_wait3A_121 : memref<1x125xi32, #tpu.memory_space<vmem>> -> memref<125xi32, #tpu.memory_space<vmem>>
        %dma_wait3A_123 = arith.constant 0 : i32
        %dma_wait3A_124 = tpu.memref_slice %arg11[%dma_wait3A_123] : memref<160000xf32, #tpu.memory_space<vmem_shared>> -> memref<160000xf32, #tpu.memory_space<vmem_shared>>
        tpu.wait_indirect_dma semaphore(%run_scoped3A_116 : memref<!tpu.dma_semaphore, #tpu.memory_space<semaphore_mem>>) src(%arg9 : memref<125xf32, #tpu.memory_space<vmem>>) dst(%dma_wait3A_124 : memref<160000xf32, #tpu.memory_space<vmem_shared>>)
        tpu.yield
      }) : () -> ()
      %run_scoped3A_114 = arith.constant 15 : i32
      "tpu.region"() ({
        %run_scoped3A_116 = tpu.sem_alloc : memref<!tpu.dma_semaphore, #tpu.memory_space<semaphore_mem>>
        %dma_start3A = arith.constant 0 : i32
        %dma_start3A_117 = tpu.memref_slice %arg8[%run_scoped3A_114, %dma_start3A] : memref<16x125xi32, #tpu.memory_space<vmem>> -> memref<1x125xi32, #tpu.memory_space<vmem>>
        %dma_start3A_118 = tpu.memref_squeeze %dma_start3A_117 : memref<1x125xi32, #tpu.memory_space<vmem>> -> memref<125xi32, #tpu.memory_space<vmem>>
        %dma_start3A_119 = arith.constant 0 : i32
        %dma_start3A_120 = tpu.memref_slice %arg11[%dma_start3A_119] : memref<160000xf32, #tpu.memory_space<vmem_shared>> -> memref<160000xf32, #tpu.memory_space<vmem_shared>>
        tpu.enqueue_indirect_dma source(%arg9 : memref<125xf32, #tpu.memory_space<vmem>>) target(%dma_start3A_120 : memref<160000xf32, #tpu.memory_space<vmem_shared>>) offsets(%dma_start3A_118 : memref<125xi32, #tpu.memory_space<vmem>>) semaphore(%run_scoped3A_116 : memref<!tpu.dma_semaphore, #tpu.memory_space<semaphore_mem>>) {add = true}
        %dma_wait3A = arith.constant 0 : i32
        %dma_wait3A_121 = tpu.memref_slice %arg8[%run_scoped3A_114, %dma_wait3A] : memref<16x125xi32, #tpu.memory_space<vmem>> -> memref<1x125xi32, #tpu.memory_space<vmem>>
        %dma_wait3A_122 = tpu.memref_squeeze %dma_wait3A_121 : memref<1x125xi32, #tpu.memory_space<vmem>> -> memref<125xi32, #tpu.memory_space<vmem>>
        %dma_wait3A_123 = arith.constant 0 : i32
        %dma_wait3A_124 = tpu.memref_slice %arg11[%dma_wait3A_123] : memref<160000xf32, #tpu.memory_space<vmem_shared>> -> memref<160000xf32, #tpu.memory_space<vmem_shared>>
        tpu.wait_indirect_dma semaphore(%run_scoped3A_116 : memref<!tpu.dma_semaphore, #tpu.memory_space<semaphore_mem>>) src(%arg9 : memref<125xf32, #tpu.memory_space<vmem>>) dst(%dma_wait3A_124 : memref<160000xf32, #tpu.memory_space<vmem_shared>>)
        tpu.yield
      }) : () -> ()
      %while3A_115 = arith.constant 0 : i32
      scf.yield %while3A_115 : i32
    }
    %while3A_33 = arith.constant 1 : i32
    %while3A_34 = scf.for %while3A_92 = %while3A_30 to %while3A_26 step %while3A_33 iter_args(%while3A_93 = %while3A_32) -> (i32)  : i32 {
      %mul3A_94 = arith.constant 120 : i32
      %mul3A_95 = arith.muli %arg0, %mul3A_94 : i32
      %add3A_96 = arith.addi %mul3A_95, %arg1 : i32
      %mul3A_97 = arith.constant 16 : i32
      %mul3A_98 = arith.muli %while3A_92, %mul3A_97 : i32
      %add3A_99 = arith.addi %add3A_96, %mul3A_98 : i32
      "tpu.region"() ({
        %run_scoped3A_116 = tpu.sem_alloc : memref<!tpu.dma_semaphore, #tpu.memory_space<semaphore_mem>>
        %dma_start3A = arith.constant 0 : i32
        %dma_start3A_117 = arith.constant 0 : i32
        %dma_start3A_118 = tpu.memref_slice %arg2[%add3A_99, %dma_start3A, %dma_start3A_117] : memref<240x16x125xi32, #tpu.memory_space<hbm>> -> memref<1x16x125xi32, #tpu.memory_space<hbm>>
        %dma_start3A_119 = tpu.memref_squeeze %dma_start3A_118 : memref<1x16x125xi32, #tpu.memory_space<hbm>> -> memref<16x125xi32, #tpu.memory_space<hbm>>
        %dma_start3A_120 = arith.constant 0 : i32
        %dma_start3A_121 = arith.constant 0 : i32
        %dma_start3A_122 = tpu.memref_slice %arg2[%add3A_99, %dma_start3A_120, %dma_start3A_121] : memref<240x16x125xi32, #tpu.memory_space<hbm>> -> memref<1x16x125xi32, #tpu.memory_space<hbm>>
        %dma_start3A_123 = tpu.memref_squeeze %dma_start3A_122 : memref<1x16x125xi32, #tpu.memory_space<hbm>> -> memref<16x125xi32, #tpu.memory_space<hbm>>
        tpu.enqueue_dma source(%dma_start3A_123 : memref<16x125xi32, #tpu.memory_space<hbm>>) target(%arg8 : memref<16x125xi32, #tpu.memory_space<vmem>>) target_semaphore(%run_scoped3A_116 : memref<!tpu.dma_semaphore, #tpu.memory_space<semaphore_mem>>)
        %dma_wait3A = arith.constant 0 : i32
        %dma_wait3A_124 = arith.constant 0 : i32
        %dma_wait3A_125 = tpu.memref_slice %arg2[%add3A_99, %dma_wait3A, %dma_wait3A_124] : memref<240x16x125xi32, #tpu.memory_space<hbm>> -> memref<1x16x125xi32, #tpu.memory_space<hbm>>
        %dma_wait3A_126 = tpu.memref_squeeze %dma_wait3A_125 : memref<1x16x125xi32, #tpu.memory_space<hbm>> -> memref<16x125xi32, #tpu.memory_space<hbm>>
        %dma_wait3A_127 = arith.constant 0 : i32
        %dma_wait3A_128 = arith.constant 0 : i32
        %dma_wait3A_129 = tpu.memref_slice %arg2[%add3A_99, %dma_wait3A_127, %dma_wait3A_128] : memref<240x16x125xi32, #tpu.memory_space<hbm>> -> memref<1x16x125xi32, #tpu.memory_space<hbm>>
        %dma_wait3A_130 = tpu.memref_squeeze %dma_wait3A_129 : memref<1x16x125xi32, #tpu.memory_space<hbm>> -> memref<16x125xi32, #tpu.memory_space<hbm>>
        tpu.wait_dma2 semaphore(%run_scoped3A_116 : memref<!tpu.dma_semaphore, #tpu.memory_space<semaphore_mem>>) src(%dma_wait3A_130 : memref<16x125xi32, #tpu.memory_space<hbm>>) dst(%arg8 : memref<16x125xi32, #tpu.memory_space<vmem>>)
        tpu.yield
      }) : () -> ()
      %run_scoped3A = arith.constant 0 : i32
      "tpu.region"() ({
        %run_scoped3A_116 = tpu.sem_alloc : memref<!tpu.dma_semaphore, #tpu.memory_space<semaphore_mem>>
        %dma_start3A = arith.constant 0 : i32
        %dma_start3A_117 = tpu.memref_slice %arg8[%run_scoped3A, %dma_start3A] : memref<16x125xi32, #tpu.memory_space<vmem>> -> memref<1x125xi32, #tpu.memory_space<vmem>>
        %dma_start3A_118 = tpu.memref_squeeze %dma_start3A_117 : memref<1x125xi32, #tpu.memory_space<vmem>> -> memref<125xi32, #tpu.memory_space<vmem>>
        %dma_start3A_119 = arith.constant 0 : i32
        %dma_start3A_120 = tpu.memref_slice %arg11[%dma_start3A_119] : memref<160000xf32, #tpu.memory_space<vmem_shared>> -> memref<160000xf32, #tpu.memory_space<vmem_shared>>
        tpu.enqueue_indirect_dma source(%arg9 : memref<125xf32, #tpu.memory_space<vmem>>) target(%dma_start3A_120 : memref<160000xf32, #tpu.memory_space<vmem_shared>>) offsets(%dma_start3A_118 : memref<125xi32, #tpu.memory_space<vmem>>) semaphore(%run_scoped3A_116 : memref<!tpu.dma_semaphore, #tpu.memory_space<semaphore_mem>>) {add = true}
        %dma_wait3A = arith.constant 0 : i32
        %dma_wait3A_121 = tpu.memref_slice %arg8[%run_scoped3A, %dma_wait3A] : memref<16x125xi32, #tpu.memory_space<vmem>> -> memref<1x125xi32, #tpu.memory_space<vmem>>
        %dma_wait3A_122 = tpu.memref_squeeze %dma_wait3A_121 : memref<1x125xi32, #tpu.memory_space<vmem>> -> memref<125xi32, #tpu.memory_space<vmem>>
        %dma_wait3A_123 = arith.constant 0 : i32
        %dma_wait3A_124 = tpu.memref_slice %arg11[%dma_wait3A_123] : memref<160000xf32, #tpu.memory_space<vmem_shared>> -> memref<160000xf32, #tpu.memory_space<vmem_shared>>
        tpu.wait_indirect_dma semaphore(%run_scoped3A_116 : memref<!tpu.dma_semaphore, #tpu.memory_space<semaphore_mem>>) src(%arg9 : memref<125xf32, #tpu.memory_space<vmem>>) dst(%dma_wait3A_124 : memref<160000xf32, #tpu.memory_space<vmem_shared>>)
        tpu.yield
      }) : () -> ()
      %run_scoped3A_100 = arith.constant 1 : i32
      "tpu.region"() ({
        %run_scoped3A_116 = tpu.sem_alloc : memref<!tpu.dma_semaphore, #tpu.memory_space<semaphore_mem>>
        %dma_start3A = arith.constant 0 : i32
        %dma_start3A_117 = tpu.memref_slice %arg8[%run_scoped3A_100, %dma_start3A] : memref<16x125xi32, #tpu.memory_space<vmem>> -> memref<1x125xi32, #tpu.memory_space<vmem>>
        %dma_start3A_118 = tpu.memref_squeeze %dma_start3A_117 : memref<1x125xi32, #tpu.memory_space<vmem>> -> memref<125xi32, #tpu.memory_space<vmem>>
        %dma_start3A_119 = arith.constant 0 : i32
        %dma_start3A_120 = tpu.memref_slice %arg11[%dma_start3A_119] : memref<160000xf32, #tpu.memory_space<vmem_shared>> -> memref<160000xf32, #tpu.memory_space<vmem_shared>>
        tpu.enqueue_indirect_dma source(%arg9 : memref<125xf32, #tpu.memory_space<vmem>>) target(%dma_start3A_120 : memref<160000xf32, #tpu.memory_space<vmem_shared>>) offsets(%dma_start3A_118 : memref<125xi32, #tpu.memory_space<vmem>>) semaphore(%run_scoped3A_116 : memref<!tpu.dma_semaphore, #tpu.memory_space<semaphore_mem>>) {add = true}
        %dma_wait3A = arith.constant 0 : i32
        %dma_wait3A_121 = tpu.memref_slice %arg8[%run_scoped3A_100, %dma_wait3A] : memref<16x125xi32, #tpu.memory_space<vmem>> -> memref<1x125xi32, #tpu.memory_space<vmem>>
        %dma_wait3A_122 = tpu.memref_squeeze %dma_wait3A_121 : memref<1x125xi32, #tpu.memory_space<vmem>> -> memref<125xi32, #tpu.memory_space<vmem>>
        %dma_wait3A_123 = arith.constant 0 : i32
        %dma_wait3A_124 = tpu.memref_slice %arg11[%dma_wait3A_123] : memref<160000xf32, #tpu.memory_space<vmem_shared>> -> memref<160000xf32, #tpu.memory_space<vmem_shared>>
        tpu.wait_indirect_dma semaphore(%run_scoped3A_116 : memref<!tpu.dma_semaphore, #tpu.memory_space<semaphore_mem>>) src(%arg9 : memref<125xf32, #tpu.memory_space<vmem>>) dst(%dma_wait3A_124 : memref<160000xf32, #tpu.memory_space<vmem_shared>>)
        tpu.yield
      }) : () -> ()
      %run_scoped3A_101 = arith.constant 2 : i32
      "tpu.region"() ({
        %run_scoped3A_116 = tpu.sem_alloc : memref<!tpu.dma_semaphore, #tpu.memory_space<semaphore_mem>>
        %dma_start3A = arith.constant 0 : i32
        %dma_start3A_117 = tpu.memref_slice %arg8[%run_scoped3A_101, %dma_start3A] : memref<16x125xi32, #tpu.memory_space<vmem>> -> memref<1x125xi32, #tpu.memory_space<vmem>>
        %dma_start3A_118 = tpu.memref_squeeze %dma_start3A_117 : memref<1x125xi32, #tpu.memory_space<vmem>> -> memref<125xi32, #tpu.memory_space<vmem>>
        %dma_start3A_119 = arith.constant 0 : i32
        %dma_start3A_120 = tpu.memref_slice %arg11[%dma_start3A_119] : memref<160000xf32, #tpu.memory_space<vmem_shared>> -> memref<160000xf32, #tpu.memory_space<vmem_shared>>
        tpu.enqueue_indirect_dma source(%arg9 : memref<125xf32, #tpu.memory_space<vmem>>) target(%dma_start3A_120 : memref<160000xf32, #tpu.memory_space<vmem_shared>>) offsets(%dma_start3A_118 : memref<125xi32, #tpu.memory_space<vmem>>) semaphore(%run_scoped3A_116 : memref<!tpu.dma_semaphore, #tpu.memory_space<semaphore_mem>>) {add = true}
        %dma_wait3A = arith.constant 0 : i32
        %dma_wait3A_121 = tpu.memref_slice %arg8[%run_scoped3A_101, %dma_wait3A] : memref<16x125xi32, #tpu.memory_space<vmem>> -> memref<1x125xi32, #tpu.memory_space<vmem>>
        %dma_wait3A_122 = tpu.memref_squeeze %dma_wait3A_121 : memref<1x125xi32, #tpu.memory_space<vmem>> -> memref<125xi32, #tpu.memory_space<vmem>>
        %dma_wait3A_123 = arith.constant 0 : i32
        %dma_wait3A_124 = tpu.memref_slice %arg11[%dma_wait3A_123] : memref<160000xf32, #tpu.memory_space<vmem_shared>> -> memref<160000xf32, #tpu.memory_space<vmem_shared>>
        tpu.wait_indirect_dma semaphore(%run_scoped3A_116 : memref<!tpu.dma_semaphore, #tpu.memory_space<semaphore_mem>>) src(%arg9 : memref<125xf32, #tpu.memory_space<vmem>>) dst(%dma_wait3A_124 : memref<160000xf32, #tpu.memory_space<vmem_shared>>)
        tpu.yield
      }) : () -> ()
      %run_scoped3A_102 = arith.constant 3 : i32
      "tpu.region"() ({
        %run_scoped3A_116 = tpu.sem_alloc : memref<!tpu.dma_semaphore, #tpu.memory_space<semaphore_mem>>
        %dma_start3A = arith.constant 0 : i32
        %dma_start3A_117 = tpu.memref_slice %arg8[%run_scoped3A_102, %dma_start3A] : memref<16x125xi32, #tpu.memory_space<vmem>> -> memref<1x125xi32, #tpu.memory_space<vmem>>
        %dma_start3A_118 = tpu.memref_squeeze %dma_start3A_117 : memref<1x125xi32, #tpu.memory_space<vmem>> -> memref<125xi32, #tpu.memory_space<vmem>>
        %dma_start3A_119 = arith.constant 0 : i32
        %dma_start3A_120 = tpu.memref_slice %arg11[%dma_start3A_119] : memref<160000xf32, #tpu.memory_space<vmem_shared>> -> memref<160000xf32, #tpu.memory_space<vmem_shared>>
        tpu.enqueue_indirect_dma source(%arg9 : memref<125xf32, #tpu.memory_space<vmem>>) target(%dma_start3A_120 : memref<160000xf32, #tpu.memory_space<vmem_shared>>) offsets(%dma_start3A_118 : memref<125xi32, #tpu.memory_space<vmem>>) semaphore(%run_scoped3A_116 : memref<!tpu.dma_semaphore, #tpu.memory_space<semaphore_mem>>) {add = true}
        %dma_wait3A = arith.constant 0 : i32
        %dma_wait3A_121 = tpu.memref_slice %arg8[%run_scoped3A_102, %dma_wait3A] : memref<16x125xi32, #tpu.memory_space<vmem>> -> memref<1x125xi32, #tpu.memory_space<vmem>>
        %dma_wait3A_122 = tpu.memref_squeeze %dma_wait3A_121 : memref<1x125xi32, #tpu.memory_space<vmem>> -> memref<125xi32, #tpu.memory_space<vmem>>
        %dma_wait3A_123 = arith.constant 0 : i32
        %dma_wait3A_124 = tpu.memref_slice %arg11[%dma_wait3A_123] : memref<160000xf32, #tpu.memory_space<vmem_shared>> -> memref<160000xf32, #tpu.memory_space<vmem_shared>>
        tpu.wait_indirect_dma semaphore(%run_scoped3A_116 : memref<!tpu.dma_semaphore, #tpu.memory_space<semaphore_mem>>) src(%arg9 : memref<125xf32, #tpu.memory_space<vmem>>) dst(%dma_wait3A_124 : memref<160000xf32, #tpu.memory_space<vmem_shared>>)
        tpu.yield
      }) : () -> ()
      %run_scoped3A_103 = arith.constant 4 : i32
      "tpu.region"() ({
        %run_scoped3A_116 = tpu.sem_alloc : memref<!tpu.dma_semaphore, #tpu.memory_space<semaphore_mem>>
        %dma_start3A = arith.constant 0 : i32
        %dma_start3A_117 = tpu.memref_slice %arg8[%run_scoped3A_103, %dma_start3A] : memref<16x125xi32, #tpu.memory_space<vmem>> -> memref<1x125xi32, #tpu.memory_space<vmem>>
        %dma_start3A_118 = tpu.memref_squeeze %dma_start3A_117 : memref<1x125xi32, #tpu.memory_space<vmem>> -> memref<125xi32, #tpu.memory_space<vmem>>
        %dma_start3A_119 = arith.constant 0 : i32
        %dma_start3A_120 = tpu.memref_slice %arg11[%dma_start3A_119] : memref<160000xf32, #tpu.memory_space<vmem_shared>> -> memref<160000xf32, #tpu.memory_space<vmem_shared>>
        tpu.enqueue_indirect_dma source(%arg9 : memref<125xf32, #tpu.memory_space<vmem>>) target(%dma_start3A_120 : memref<160000xf32, #tpu.memory_space<vmem_shared>>) offsets(%dma_start3A_118 : memref<125xi32, #tpu.memory_space<vmem>>) semaphore(%run_scoped3A_116 : memref<!tpu.dma_semaphore, #tpu.memory_space<semaphore_mem>>) {add = true}
        %dma_wait3A = arith.constant 0 : i32
        %dma_wait3A_121 = tpu.memref_slice %arg8[%run_scoped3A_103, %dma_wait3A] : memref<16x125xi32, #tpu.memory_space<vmem>> -> memref<1x125xi32, #tpu.memory_space<vmem>>
        %dma_wait3A_122 = tpu.memref_squeeze %dma_wait3A_121 : memref<1x125xi32, #tpu.memory_space<vmem>> -> memref<125xi32, #tpu.memory_space<vmem>>
        %dma_wait3A_123 = arith.constant 0 : i32
        %dma_wait3A_124 = tpu.memref_slice %arg11[%dma_wait3A_123] : memref<160000xf32, #tpu.memory_space<vmem_shared>> -> memref<160000xf32, #tpu.memory_space<vmem_shared>>
        tpu.wait_indirect_dma semaphore(%run_scoped3A_116 : memref<!tpu.dma_semaphore, #tpu.memory_space<semaphore_mem>>) src(%arg9 : memref<125xf32, #tpu.memory_space<vmem>>) dst(%dma_wait3A_124 : memref<160000xf32, #tpu.memory_space<vmem_shared>>)
        tpu.yield
      }) : () -> ()
      %run_scoped3A_104 = arith.constant 5 : i32
      "tpu.region"() ({
        %run_scoped3A_116 = tpu.sem_alloc : memref<!tpu.dma_semaphore, #tpu.memory_space<semaphore_mem>>
        %dma_start3A = arith.constant 0 : i32
        %dma_start3A_117 = tpu.memref_slice %arg8[%run_scoped3A_104, %dma_start3A] : memref<16x125xi32, #tpu.memory_space<vmem>> -> memref<1x125xi32, #tpu.memory_space<vmem>>
        %dma_start3A_118 = tpu.memref_squeeze %dma_start3A_117 : memref<1x125xi32, #tpu.memory_space<vmem>> -> memref<125xi32, #tpu.memory_space<vmem>>
        %dma_start3A_119 = arith.constant 0 : i32
        %dma_start3A_120 = tpu.memref_slice %arg11[%dma_start3A_119] : memref<160000xf32, #tpu.memory_space<vmem_shared>> -> memref<160000xf32, #tpu.memory_space<vmem_shared>>
        tpu.enqueue_indirect_dma source(%arg9 : memref<125xf32, #tpu.memory_space<vmem>>) target(%dma_start3A_120 : memref<160000xf32, #tpu.memory_space<vmem_shared>>) offsets(%dma_start3A_118 : memref<125xi32, #tpu.memory_space<vmem>>) semaphore(%run_scoped3A_116 : memref<!tpu.dma_semaphore, #tpu.memory_space<semaphore_mem>>) {add = true}
        %dma_wait3A = arith.constant 0 : i32
        %dma_wait3A_121 = tpu.memref_slice %arg8[%run_scoped3A_104, %dma_wait3A] : memref<16x125xi32, #tpu.memory_space<vmem>> -> memref<1x125xi32, #tpu.memory_space<vmem>>
        %dma_wait3A_122 = tpu.memref_squeeze %dma_wait3A_121 : memref<1x125xi32, #tpu.memory_space<vmem>> -> memref<125xi32, #tpu.memory_space<vmem>>
        %dma_wait3A_123 = arith.constant 0 : i32
        %dma_wait3A_124 = tpu.memref_slice %arg11[%dma_wait3A_123] : memref<160000xf32, #tpu.memory_space<vmem_shared>> -> memref<160000xf32, #tpu.memory_space<vmem_shared>>
        tpu.wait_indirect_dma semaphore(%run_scoped3A_116 : memref<!tpu.dma_semaphore, #tpu.memory_space<semaphore_mem>>) src(%arg9 : memref<125xf32, #tpu.memory_space<vmem>>) dst(%dma_wait3A_124 : memref<160000xf32, #tpu.memory_space<vmem_shared>>)
        tpu.yield
      }) : () -> ()
      %run_scoped3A_105 = arith.constant 6 : i32
      "tpu.region"() ({
        %run_scoped3A_116 = tpu.sem_alloc : memref<!tpu.dma_semaphore, #tpu.memory_space<semaphore_mem>>
        %dma_start3A = arith.constant 0 : i32
        %dma_start3A_117 = tpu.memref_slice %arg8[%run_scoped3A_105, %dma_start3A] : memref<16x125xi32, #tpu.memory_space<vmem>> -> memref<1x125xi32, #tpu.memory_space<vmem>>
        %dma_start3A_118 = tpu.memref_squeeze %dma_start3A_117 : memref<1x125xi32, #tpu.memory_space<vmem>> -> memref<125xi32, #tpu.memory_space<vmem>>
        %dma_start3A_119 = arith.constant 0 : i32
        %dma_start3A_120 = tpu.memref_slice %arg11[%dma_start3A_119] : memref<160000xf32, #tpu.memory_space<vmem_shared>> -> memref<160000xf32, #tpu.memory_space<vmem_shared>>
        tpu.enqueue_indirect_dma source(%arg9 : memref<125xf32, #tpu.memory_space<vmem>>) target(%dma_start3A_120 : memref<160000xf32, #tpu.memory_space<vmem_shared>>) offsets(%dma_start3A_118 : memref<125xi32, #tpu.memory_space<vmem>>) semaphore(%run_scoped3A_116 : memref<!tpu.dma_semaphore, #tpu.memory_space<semaphore_mem>>) {add = true}
        %dma_wait3A = arith.constant 0 : i32
        %dma_wait3A_121 = tpu.memref_slice %arg8[%run_scoped3A_105, %dma_wait3A] : memref<16x125xi32, #tpu.memory_space<vmem>> -> memref<1x125xi32, #tpu.memory_space<vmem>>
        %dma_wait3A_122 = tpu.memref_squeeze %dma_wait3A_121 : memref<1x125xi32, #tpu.memory_space<vmem>> -> memref<125xi32, #tpu.memory_space<vmem>>
        %dma_wait3A_123 = arith.constant 0 : i32
        %dma_wait3A_124 = tpu.memref_slice %arg11[%dma_wait3A_123] : memref<160000xf32, #tpu.memory_space<vmem_shared>> -> memref<160000xf32, #tpu.memory_space<vmem_shared>>
        tpu.wait_indirect_dma semaphore(%run_scoped3A_116 : memref<!tpu.dma_semaphore, #tpu.memory_space<semaphore_mem>>) src(%arg9 : memref<125xf32, #tpu.memory_space<vmem>>) dst(%dma_wait3A_124 : memref<160000xf32, #tpu.memory_space<vmem_shared>>)
        tpu.yield
      }) : () -> ()
      %run_scoped3A_106 = arith.constant 7 : i32
      "tpu.region"() ({
        %run_scoped3A_116 = tpu.sem_alloc : memref<!tpu.dma_semaphore, #tpu.memory_space<semaphore_mem>>
        %dma_start3A = arith.constant 0 : i32
        %dma_start3A_117 = tpu.memref_slice %arg8[%run_scoped3A_106, %dma_start3A] : memref<16x125xi32, #tpu.memory_space<vmem>> -> memref<1x125xi32, #tpu.memory_space<vmem>>
        %dma_start3A_118 = tpu.memref_squeeze %dma_start3A_117 : memref<1x125xi32, #tpu.memory_space<vmem>> -> memref<125xi32, #tpu.memory_space<vmem>>
        %dma_start3A_119 = arith.constant 0 : i32
        %dma_start3A_120 = tpu.memref_slice %arg11[%dma_start3A_119] : memref<160000xf32, #tpu.memory_space<vmem_shared>> -> memref<160000xf32, #tpu.memory_space<vmem_shared>>
        tpu.enqueue_indirect_dma source(%arg9 : memref<125xf32, #tpu.memory_space<vmem>>) target(%dma_start3A_120 : memref<160000xf32, #tpu.memory_space<vmem_shared>>) offsets(%dma_start3A_118 : memref<125xi32, #tpu.memory_space<vmem>>) semaphore(%run_scoped3A_116 : memref<!tpu.dma_semaphore, #tpu.memory_space<semaphore_mem>>) {add = true}
        %dma_wait3A = arith.constant 0 : i32
        %dma_wait3A_121 = tpu.memref_slice %arg8[%run_scoped3A_106, %dma_wait3A] : memref<16x125xi32, #tpu.memory_space<vmem>> -> memref<1x125xi32, #tpu.memory_space<vmem>>
        %dma_wait3A_122 = tpu.memref_squeeze %dma_wait3A_121 : memref<1x125xi32, #tpu.memory_space<vmem>> -> memref<125xi32, #tpu.memory_space<vmem>>
        %dma_wait3A_123 = arith.constant 0 : i32
        %dma_wait3A_124 = tpu.memref_slice %arg11[%dma_wait3A_123] : memref<160000xf32, #tpu.memory_space<vmem_shared>> -> memref<160000xf32, #tpu.memory_space<vmem_shared>>
        tpu.wait_indirect_dma semaphore(%run_scoped3A_116 : memref<!tpu.dma_semaphore, #tpu.memory_space<semaphore_mem>>) src(%arg9 : memref<125xf32, #tpu.memory_space<vmem>>) dst(%dma_wait3A_124 : memref<160000xf32, #tpu.memory_space<vmem_shared>>)
        tpu.yield
      }) : () -> ()
      %run_scoped3A_107 = arith.constant 8 : i32
      "tpu.region"() ({
        %run_scoped3A_116 = tpu.sem_alloc : memref<!tpu.dma_semaphore, #tpu.memory_space<semaphore_mem>>
        %dma_start3A = arith.constant 0 : i32
        %dma_start3A_117 = tpu.memref_slice %arg8[%run_scoped3A_107, %dma_start3A] : memref<16x125xi32, #tpu.memory_space<vmem>> -> memref<1x125xi32, #tpu.memory_space<vmem>>
        %dma_start3A_118 = tpu.memref_squeeze %dma_start3A_117 : memref<1x125xi32, #tpu.memory_space<vmem>> -> memref<125xi32, #tpu.memory_space<vmem>>
        %dma_start3A_119 = arith.constant 0 : i32
        %dma_start3A_120 = tpu.memref_slice %arg11[%dma_start3A_119] : memref<160000xf32, #tpu.memory_space<vmem_shared>> -> memref<160000xf32, #tpu.memory_space<vmem_shared>>
        tpu.enqueue_indirect_dma source(%arg9 : memref<125xf32, #tpu.memory_space<vmem>>) target(%dma_start3A_120 : memref<160000xf32, #tpu.memory_space<vmem_shared>>) offsets(%dma_start3A_118 : memref<125xi32, #tpu.memory_space<vmem>>) semaphore(%run_scoped3A_116 : memref<!tpu.dma_semaphore, #tpu.memory_space<semaphore_mem>>) {add = true}
        %dma_wait3A = arith.constant 0 : i32
        %dma_wait3A_121 = tpu.memref_slice %arg8[%run_scoped3A_107, %dma_wait3A] : memref<16x125xi32, #tpu.memory_space<vmem>> -> memref<1x125xi32, #tpu.memory_space<vmem>>
        %dma_wait3A_122 = tpu.memref_squeeze %dma_wait3A_121 : memref<1x125xi32, #tpu.memory_space<vmem>> -> memref<125xi32, #tpu.memory_space<vmem>>
        %dma_wait3A_123 = arith.constant 0 : i32
        %dma_wait3A_124 = tpu.memref_slice %arg11[%dma_wait3A_123] : memref<160000xf32, #tpu.memory_space<vmem_shared>> -> memref<160000xf32, #tpu.memory_space<vmem_shared>>
        tpu.wait_indirect_dma semaphore(%run_scoped3A_116 : memref<!tpu.dma_semaphore, #tpu.memory_space<semaphore_mem>>) src(%arg9 : memref<125xf32, #tpu.memory_space<vmem>>) dst(%dma_wait3A_124 : memref<160000xf32, #tpu.memory_space<vmem_shared>>)
        tpu.yield
      }) : () -> ()
      %run_scoped3A_108 = arith.constant 9 : i32
      "tpu.region"() ({
        %run_scoped3A_116 = tpu.sem_alloc : memref<!tpu.dma_semaphore, #tpu.memory_space<semaphore_mem>>
        %dma_start3A = arith.constant 0 : i32
        %dma_start3A_117 = tpu.memref_slice %arg8[%run_scoped3A_108, %dma_start3A] : memref<16x125xi32, #tpu.memory_space<vmem>> -> memref<1x125xi32, #tpu.memory_space<vmem>>
        %dma_start3A_118 = tpu.memref_squeeze %dma_start3A_117 : memref<1x125xi32, #tpu.memory_space<vmem>> -> memref<125xi32, #tpu.memory_space<vmem>>
        %dma_start3A_119 = arith.constant 0 : i32
        %dma_start3A_120 = tpu.memref_slice %arg11[%dma_start3A_119] : memref<160000xf32, #tpu.memory_space<vmem_shared>> -> memref<160000xf32, #tpu.memory_space<vmem_shared>>
        tpu.enqueue_indirect_dma source(%arg9 : memref<125xf32, #tpu.memory_space<vmem>>) target(%dma_start3A_120 : memref<160000xf32, #tpu.memory_space<vmem_shared>>) offsets(%dma_start3A_118 : memref<125xi32, #tpu.memory_space<vmem>>) semaphore(%run_scoped3A_116 : memref<!tpu.dma_semaphore, #tpu.memory_space<semaphore_mem>>) {add = true}
        %dma_wait3A = arith.constant 0 : i32
        %dma_wait3A_121 = tpu.memref_slice %arg8[%run_scoped3A_108, %dma_wait3A] : memref<16x125xi32, #tpu.memory_space<vmem>> -> memref<1x125xi32, #tpu.memory_space<vmem>>
        %dma_wait3A_122 = tpu.memref_squeeze %dma_wait3A_121 : memref<1x125xi32, #tpu.memory_space<vmem>> -> memref<125xi32, #tpu.memory_space<vmem>>
        %dma_wait3A_123 = arith.constant 0 : i32
        %dma_wait3A_124 = tpu.memref_slice %arg11[%dma_wait3A_123] : memref<160000xf32, #tpu.memory_space<vmem_shared>> -> memref<160000xf32, #tpu.memory_space<vmem_shared>>
        tpu.wait_indirect_dma semaphore(%run_scoped3A_116 : memref<!tpu.dma_semaphore, #tpu.memory_space<semaphore_mem>>) src(%arg9 : memref<125xf32, #tpu.memory_space<vmem>>) dst(%dma_wait3A_124 : memref<160000xf32, #tpu.memory_space<vmem_shared>>)
        tpu.yield
      }) : () -> ()
      %run_scoped3A_109 = arith.constant 10 : i32
      "tpu.region"() ({
        %run_scoped3A_116 = tpu.sem_alloc : memref<!tpu.dma_semaphore, #tpu.memory_space<semaphore_mem>>
        %dma_start3A = arith.constant 0 : i32
        %dma_start3A_117 = tpu.memref_slice %arg8[%run_scoped3A_109, %dma_start3A] : memref<16x125xi32, #tpu.memory_space<vmem>> -> memref<1x125xi32, #tpu.memory_space<vmem>>
        %dma_start3A_118 = tpu.memref_squeeze %dma_start3A_117 : memref<1x125xi32, #tpu.memory_space<vmem>> -> memref<125xi32, #tpu.memory_space<vmem>>
        %dma_start3A_119 = arith.constant 0 : i32
        %dma_start3A_120 = tpu.memref_slice %arg11[%dma_start3A_119] : memref<160000xf32, #tpu.memory_space<vmem_shared>> -> memref<160000xf32, #tpu.memory_space<vmem_shared>>
        tpu.enqueue_indirect_dma source(%arg9 : memref<125xf32, #tpu.memory_space<vmem>>) target(%dma_start3A_120 : memref<160000xf32, #tpu.memory_space<vmem_shared>>) offsets(%dma_start3A_118 : memref<125xi32, #tpu.memory_space<vmem>>) semaphore(%run_scoped3A_116 : memref<!tpu.dma_semaphore, #tpu.memory_space<semaphore_mem>>) {add = true}
        %dma_wait3A = arith.constant 0 : i32
        %dma_wait3A_121 = tpu.memref_slice %arg8[%run_scoped3A_109, %dma_wait3A] : memref<16x125xi32, #tpu.memory_space<vmem>> -> memref<1x125xi32, #tpu.memory_space<vmem>>
        %dma_wait3A_122 = tpu.memref_squeeze %dma_wait3A_121 : memref<1x125xi32, #tpu.memory_space<vmem>> -> memref<125xi32, #tpu.memory_space<vmem>>
        %dma_wait3A_123 = arith.constant 0 : i32
        %dma_wait3A_124 = tpu.memref_slice %arg11[%dma_wait3A_123] : memref<160000xf32, #tpu.memory_space<vmem_shared>> -> memref<160000xf32, #tpu.memory_space<vmem_shared>>
        tpu.wait_indirect_dma semaphore(%run_scoped3A_116 : memref<!tpu.dma_semaphore, #tpu.memory_space<semaphore_mem>>) src(%arg9 : memref<125xf32, #tpu.memory_space<vmem>>) dst(%dma_wait3A_124 : memref<160000xf32, #tpu.memory_space<vmem_shared>>)
        tpu.yield
      }) : () -> ()
      %run_scoped3A_110 = arith.constant 11 : i32
      "tpu.region"() ({
        %run_scoped3A_116 = tpu.sem_alloc : memref<!tpu.dma_semaphore, #tpu.memory_space<semaphore_mem>>
        %dma_start3A = arith.constant 0 : i32
        %dma_start3A_117 = tpu.memref_slice %arg8[%run_scoped3A_110, %dma_start3A] : memref<16x125xi32, #tpu.memory_space<vmem>> -> memref<1x125xi32, #tpu.memory_space<vmem>>
        %dma_start3A_118 = tpu.memref_squeeze %dma_start3A_117 : memref<1x125xi32, #tpu.memory_space<vmem>> -> memref<125xi32, #tpu.memory_space<vmem>>
        %dma_start3A_119 = arith.constant 0 : i32
        %dma_start3A_120 = tpu.memref_slice %arg11[%dma_start3A_119] : memref<160000xf32, #tpu.memory_space<vmem_shared>> -> memref<160000xf32, #tpu.memory_space<vmem_shared>>
        tpu.enqueue_indirect_dma source(%arg9 : memref<125xf32, #tpu.memory_space<vmem>>) target(%dma_start3A_120 : memref<160000xf32, #tpu.memory_space<vmem_shared>>) offsets(%dma_start3A_118 : memref<125xi32, #tpu.memory_space<vmem>>) semaphore(%run_scoped3A_116 : memref<!tpu.dma_semaphore, #tpu.memory_space<semaphore_mem>>) {add = true}
        %dma_wait3A = arith.constant 0 : i32
        %dma_wait3A_121 = tpu.memref_slice %arg8[%run_scoped3A_110, %dma_wait3A] : memref<16x125xi32, #tpu.memory_space<vmem>> -> memref<1x125xi32, #tpu.memory_space<vmem>>
        %dma_wait3A_122 = tpu.memref_squeeze %dma_wait3A_121 : memref<1x125xi32, #tpu.memory_space<vmem>> -> memref<125xi32, #tpu.memory_space<vmem>>
        %dma_wait3A_123 = arith.constant 0 : i32
        %dma_wait3A_124 = tpu.memref_slice %arg11[%dma_wait3A_123] : memref<160000xf32, #tpu.memory_space<vmem_shared>> -> memref<160000xf32, #tpu.memory_space<vmem_shared>>
        tpu.wait_indirect_dma semaphore(%run_scoped3A_116 : memref<!tpu.dma_semaphore, #tpu.memory_space<semaphore_mem>>) src(%arg9 : memref<125xf32, #tpu.memory_space<vmem>>) dst(%dma_wait3A_124 : memref<160000xf32, #tpu.memory_space<vmem_shared>>)
        tpu.yield
      }) : () -> ()
      %run_scoped3A_111 = arith.constant 12 : i32
      "tpu.region"() ({
        %run_scoped3A_116 = tpu.sem_alloc : memref<!tpu.dma_semaphore, #tpu.memory_space<semaphore_mem>>
        %dma_start3A = arith.constant 0 : i32
        %dma_start3A_117 = tpu.memref_slice %arg8[%run_scoped3A_111, %dma_start3A] : memref<16x125xi32, #tpu.memory_space<vmem>> -> memref<1x125xi32, #tpu.memory_space<vmem>>
        %dma_start3A_118 = tpu.memref_squeeze %dma_start3A_117 : memref<1x125xi32, #tpu.memory_space<vmem>> -> memref<125xi32, #tpu.memory_space<vmem>>
        %dma_start3A_119 = arith.constant 0 : i32
        %dma_start3A_120 = tpu.memref_slice %arg11[%dma_start3A_119] : memref<160000xf32, #tpu.memory_space<vmem_shared>> -> memref<160000xf32, #tpu.memory_space<vmem_shared>>
        tpu.enqueue_indirect_dma source(%arg9 : memref<125xf32, #tpu.memory_space<vmem>>) target(%dma_start3A_120 : memref<160000xf32, #tpu.memory_space<vmem_shared>>) offsets(%dma_start3A_118 : memref<125xi32, #tpu.memory_space<vmem>>) semaphore(%run_scoped3A_116 : memref<!tpu.dma_semaphore, #tpu.memory_space<semaphore_mem>>) {add = true}
        %dma_wait3A = arith.constant 0 : i32
        %dma_wait3A_121 = tpu.memref_slice %arg8[%run_scoped3A_111, %dma_wait3A] : memref<16x125xi32, #tpu.memory_space<vmem>> -> memref<1x125xi32, #tpu.memory_space<vmem>>
        %dma_wait3A_122 = tpu.memref_squeeze %dma_wait3A_121 : memref<1x125xi32, #tpu.memory_space<vmem>> -> memref<125xi32, #tpu.memory_space<vmem>>
        %dma_wait3A_123 = arith.constant 0 : i32
        %dma_wait3A_124 = tpu.memref_slice %arg11[%dma_wait3A_123] : memref<160000xf32, #tpu.memory_space<vmem_shared>> -> memref<160000xf32, #tpu.memory_space<vmem_shared>>
        tpu.wait_indirect_dma semaphore(%run_scoped3A_116 : memref<!tpu.dma_semaphore, #tpu.memory_space<semaphore_mem>>) src(%arg9 : memref<125xf32, #tpu.memory_space<vmem>>) dst(%dma_wait3A_124 : memref<160000xf32, #tpu.memory_space<vmem_shared>>)
        tpu.yield
      }) : () -> ()
      %run_scoped3A_112 = arith.constant 13 : i32
      "tpu.region"() ({
        %run_scoped3A_116 = tpu.sem_alloc : memref<!tpu.dma_semaphore, #tpu.memory_space<semaphore_mem>>
        %dma_start3A = arith.constant 0 : i32
        %dma_start3A_117 = tpu.memref_slice %arg8[%run_scoped3A_112, %dma_start3A] : memref<16x125xi32, #tpu.memory_space<vmem>> -> memref<1x125xi32, #tpu.memory_space<vmem>>
        %dma_start3A_118 = tpu.memref_squeeze %dma_start3A_117 : memref<1x125xi32, #tpu.memory_space<vmem>> -> memref<125xi32, #tpu.memory_space<vmem>>
        %dma_start3A_119 = arith.constant 0 : i32
        %dma_start3A_120 = tpu.memref_slice %arg11[%dma_start3A_119] : memref<160000xf32, #tpu.memory_space<vmem_shared>> -> memref<160000xf32, #tpu.memory_space<vmem_shared>>
        tpu.enqueue_indirect_dma source(%arg9 : memref<125xf32, #tpu.memory_space<vmem>>) target(%dma_start3A_120 : memref<160000xf32, #tpu.memory_space<vmem_shared>>) offsets(%dma_start3A_118 : memref<125xi32, #tpu.memory_space<vmem>>) semaphore(%run_scoped3A_116 : memref<!tpu.dma_semaphore, #tpu.memory_space<semaphore_mem>>) {add = true}
        %dma_wait3A = arith.constant 0 : i32
        %dma_wait3A_121 = tpu.memref_slice %arg8[%run_scoped3A_112, %dma_wait3A] : memref<16x125xi32, #tpu.memory_space<vmem>> -> memref<1x125xi32, #tpu.memory_space<vmem>>
        %dma_wait3A_122 = tpu.memref_squeeze %dma_wait3A_121 : memref<1x125xi32, #tpu.memory_space<vmem>> -> memref<125xi32, #tpu.memory_space<vmem>>
        %dma_wait3A_123 = arith.constant 0 : i32
        %dma_wait3A_124 = tpu.memref_slice %arg11[%dma_wait3A_123] : memref<160000xf32, #tpu.memory_space<vmem_shared>> -> memref<160000xf32, #tpu.memory_space<vmem_shared>>
        tpu.wait_indirect_dma semaphore(%run_scoped3A_116 : memref<!tpu.dma_semaphore, #tpu.memory_space<semaphore_mem>>) src(%arg9 : memref<125xf32, #tpu.memory_space<vmem>>) dst(%dma_wait3A_124 : memref<160000xf32, #tpu.memory_space<vmem_shared>>)
        tpu.yield
      }) : () -> ()
      %run_scoped3A_113 = arith.constant 14 : i32
      "tpu.region"() ({
        %run_scoped3A_116 = tpu.sem_alloc : memref<!tpu.dma_semaphore, #tpu.memory_space<semaphore_mem>>
        %dma_start3A = arith.constant 0 : i32
        %dma_start3A_117 = tpu.memref_slice %arg8[%run_scoped3A_113, %dma_start3A] : memref<16x125xi32, #tpu.memory_space<vmem>> -> memref<1x125xi32, #tpu.memory_space<vmem>>
        %dma_start3A_118 = tpu.memref_squeeze %dma_start3A_117 : memref<1x125xi32, #tpu.memory_space<vmem>> -> memref<125xi32, #tpu.memory_space<vmem>>
        %dma_start3A_119 = arith.constant 0 : i32
        %dma_start3A_120 = tpu.memref_slice %arg11[%dma_start3A_119] : memref<160000xf32, #tpu.memory_space<vmem_shared>> -> memref<160000xf32, #tpu.memory_space<vmem_shared>>
        tpu.enqueue_indirect_dma source(%arg9 : memref<125xf32, #tpu.memory_space<vmem>>) target(%dma_start3A_120 : memref<160000xf32, #tpu.memory_space<vmem_shared>>) offsets(%dma_start3A_118 : memref<125xi32, #tpu.memory_space<vmem>>) semaphore(%run_scoped3A_116 : memref<!tpu.dma_semaphore, #tpu.memory_space<semaphore_mem>>) {add = true}
        %dma_wait3A = arith.constant 0 : i32
        %dma_wait3A_121 = tpu.memref_slice %arg8[%run_scoped3A_113, %dma_wait3A] : memref<16x125xi32, #tpu.memory_space<vmem>> -> memref<1x125xi32, #tpu.memory_space<vmem>>
        %dma_wait3A_122 = tpu.memref_squeeze %dma_wait3A_121 : memref<1x125xi32, #tpu.memory_space<vmem>> -> memref<125xi32, #tpu.memory_space<vmem>>
        %dma_wait3A_123 = arith.constant 0 : i32
        %dma_wait3A_124 = tpu.memref_slice %arg11[%dma_wait3A_123] : memref<160000xf32, #tpu.memory_space<vmem_shared>> -> memref<160000xf32, #tpu.memory_space<vmem_shared>>
        tpu.wait_indirect_dma semaphore(%run_scoped3A_116 : memref<!tpu.dma_semaphore, #tpu.memory_space<semaphore_mem>>) src(%arg9 : memref<125xf32, #tpu.memory_space<vmem>>) dst(%dma_wait3A_124 : memref<160000xf32, #tpu.memory_space<vmem_shared>>)
        tpu.yield
      }) : () -> ()
      %run_scoped3A_114 = arith.constant 15 : i32
      "tpu.region"() ({
        %run_scoped3A_116 = tpu.sem_alloc : memref<!tpu.dma_semaphore, #tpu.memory_space<semaphore_mem>>
        %dma_start3A = arith.constant 0 : i32
        %dma_start3A_117 = tpu.memref_slice %arg8[%run_scoped3A_114, %dma_start3A] : memref<16x125xi32, #tpu.memory_space<vmem>> -> memref<1x125xi32, #tpu.memory_space<vmem>>
        %dma_start3A_118 = tpu.memref_squeeze %dma_start3A_117 : memref<1x125xi32, #tpu.memory_space<vmem>> -> memref<125xi32, #tpu.memory_space<vmem>>
        %dma_start3A_119 = arith.constant 0 : i32
        %dma_start3A_120 = tpu.memref_slice %arg11[%dma_start3A_119] : memref<160000xf32, #tpu.memory_space<vmem_shared>> -> memref<160000xf32, #tpu.memory_space<vmem_shared>>
        tpu.enqueue_indirect_dma source(%arg9 : memref<125xf32, #tpu.memory_space<vmem>>) target(%dma_start3A_120 : memref<160000xf32, #tpu.memory_space<vmem_shared>>) offsets(%dma_start3A_118 : memref<125xi32, #tpu.memory_space<vmem>>) semaphore(%run_scoped3A_116 : memref<!tpu.dma_semaphore, #tpu.memory_space<semaphore_mem>>) {add = true}
        %dma_wait3A = arith.constant 0 : i32
        %dma_wait3A_121 = tpu.memref_slice %arg8[%run_scoped3A_114, %dma_wait3A] : memref<16x125xi32, #tpu.memory_space<vmem>> -> memref<1x125xi32, #tpu.memory_space<vmem>>
        %dma_wait3A_122 = tpu.memref_squeeze %dma_wait3A_121 : memref<1x125xi32, #tpu.memory_space<vmem>> -> memref<125xi32, #tpu.memory_space<vmem>>
        %dma_wait3A_123 = arith.constant 0 : i32
        %dma_wait3A_124 = tpu.memref_slice %arg11[%dma_wait3A_123] : memref<160000xf32, #tpu.memory_space<vmem_shared>> -> memref<160000xf32, #tpu.memory_space<vmem_shared>>
        tpu.wait_indirect_dma semaphore(%run_scoped3A_116 : memref<!tpu.dma_semaphore, #tpu.memory_space<semaphore_mem>>) src(%arg9 : memref<125xf32, #tpu.memory_space<vmem>>) dst(%dma_wait3A_124 : memref<160000xf32, #tpu.memory_space<vmem_shared>>)
        tpu.yield
      }) : () -> ()
      %while3A_115 = arith.constant 0 : i32
      scf.yield %while3A_115 : i32
    }
    %sub3A_35 = arith.constant 40 : i32
    %sub3A_36 = arith.subi %sub3A_35, %arg1 : i32
    %add3A_37 = arith.constant 16 : i32
    %add3A_38 = arith.addi %sub3A_36, %add3A_37 : i32
    %sub3A_39 = arith.constant 1 : i32
    %sub3A_40 = arith.subi %add3A_38, %sub3A_39 : i32
    %jit3A_41 = arith.constant 16 : i32
    %div3A_42 = arith.divsi %sub3A_40, %jit3A_41 : i32
    %sign3A_43 = arith.constant 0 : i32
    %sign3A_44 = arith.cmpi sgt, %sub3A_40, %sign3A_43 : i32
    %sign3A_45 = arith.extui %sign3A_44 : i1 to i32
    %sign3A_46 = arith.constant 0 : i32
    %sign3A_47 = arith.cmpi slt, %sub3A_40, %sign3A_46 : i32
    %sign3A_48 = arith.extui %sign3A_47 : i1 to i32
    %sign3A_49 = arith.subi %sign3A_45, %sign3A_48 : i32
    %sign3A_50 = arith.constant 0 : i32
    %sign3A_51 = arith.cmpi sgt, %jit3A_41, %sign3A_50 : i32
    %sign3A_52 = arith.extui %sign3A_51 : i1 to i32
    %sign3A_53 = arith.constant 0 : i32
    %sign3A_54 = arith.cmpi slt, %jit3A_41, %sign3A_53 : i32
    %sign3A_55 = arith.extui %sign3A_54 : i1 to i32
    %sign3A_56 = arith.subi %sign3A_52, %sign3A_55 : i32
    %ne3A_57 = arith.cmpi ne, %sign3A_49, %sign3A_56 : i32
    %rem3A_58 = arith.remsi %sub3A_40, %jit3A_41 : i32
    %ne3A_59 = arith.constant 0 : i32
    %ne3A_60 = arith.cmpi ne, %rem3A_58, %ne3A_59 : i32
    %and3A_61 = arith.andi %ne3A_57, %ne3A_60 : i1
    %sub3A_62 = arith.constant 1 : i32
    %sub3A_63 = arith.subi %div3A_42, %sub3A_62 : i32
    %select_n3A_64 = arith.select %and3A_61, %sub3A_63, %div3A_42 : i32
    %while3A_65 = arith.constant 0 : i32
    %while3A_66 = arith.constant 0 : i32
    %while3A_67 = arith.subi %select_n3A_64, %while3A_65 : i32
    %while3A_68 = arith.addi %while3A_65, %while3A_67 : i32
    %while3A_69 = arith.constant 1 : i32
    %while3A_70 = arith.divsi %while3A_67, %while3A_69 : i32
    %while3A_71 = arith.muli %while3A_70, %while3A_69 : i32
    %while3A_72 = arith.addi %while3A_65, %while3A_71 : i32
    %while3A_73 = arith.constant 1 : i32
    %while3A_74 = scf.for %while3A_92 = %while3A_65 to %while3A_72 step %while3A_73 iter_args(%while3A_93 = %while3A_66) -> (i32)  : i32 {
      %mul3A_94 = arith.constant 40 : i32
      %mul3A_95 = arith.muli %arg0, %mul3A_94 : i32
      %add3A_96 = arith.addi %mul3A_95, %arg1 : i32
      %mul3A_97 = arith.constant 16 : i32
      %mul3A_98 = arith.muli %while3A_92, %mul3A_97 : i32
      %add3A_99 = arith.addi %add3A_96, %mul3A_98 : i32
      "tpu.region"() ({
        %run_scoped3A_116 = tpu.sem_alloc : memref<!tpu.dma_semaphore, #tpu.memory_space<semaphore_mem>>
        %dma_start3A = arith.constant 0 : i32
        %dma_start3A_117 = arith.constant 0 : i32
        %dma_start3A_118 = tpu.memref_slice %arg3[%add3A_99, %dma_start3A, %dma_start3A_117] : memref<80x16x125xi32, #tpu.memory_space<hbm>> -> memref<1x16x125xi32, #tpu.memory_space<hbm>>
        %dma_start3A_119 = tpu.memref_squeeze %dma_start3A_118 : memref<1x16x125xi32, #tpu.memory_space<hbm>> -> memref<16x125xi32, #tpu.memory_space<hbm>>
        %dma_start3A_120 = arith.constant 0 : i32
        %dma_start3A_121 = arith.constant 0 : i32
        %dma_start3A_122 = tpu.memref_slice %arg3[%add3A_99, %dma_start3A_120, %dma_start3A_121] : memref<80x16x125xi32, #tpu.memory_space<hbm>> -> memref<1x16x125xi32, #tpu.memory_space<hbm>>
        %dma_start3A_123 = tpu.memref_squeeze %dma_start3A_122 : memref<1x16x125xi32, #tpu.memory_space<hbm>> -> memref<16x125xi32, #tpu.memory_space<hbm>>
        tpu.enqueue_dma source(%dma_start3A_123 : memref<16x125xi32, #tpu.memory_space<hbm>>) target(%arg8 : memref<16x125xi32, #tpu.memory_space<vmem>>) target_semaphore(%run_scoped3A_116 : memref<!tpu.dma_semaphore, #tpu.memory_space<semaphore_mem>>)
        %dma_wait3A = arith.constant 0 : i32
        %dma_wait3A_124 = arith.constant 0 : i32
        %dma_wait3A_125 = tpu.memref_slice %arg3[%add3A_99, %dma_wait3A, %dma_wait3A_124] : memref<80x16x125xi32, #tpu.memory_space<hbm>> -> memref<1x16x125xi32, #tpu.memory_space<hbm>>
        %dma_wait3A_126 = tpu.memref_squeeze %dma_wait3A_125 : memref<1x16x125xi32, #tpu.memory_space<hbm>> -> memref<16x125xi32, #tpu.memory_space<hbm>>
        %dma_wait3A_127 = arith.constant 0 : i32
        %dma_wait3A_128 = arith.constant 0 : i32
        %dma_wait3A_129 = tpu.memref_slice %arg3[%add3A_99, %dma_wait3A_127, %dma_wait3A_128] : memref<80x16x125xi32, #tpu.memory_space<hbm>> -> memref<1x16x125xi32, #tpu.memory_space<hbm>>
        %dma_wait3A_130 = tpu.memref_squeeze %dma_wait3A_129 : memref<1x16x125xi32, #tpu.memory_space<hbm>> -> memref<16x125xi32, #tpu.memory_space<hbm>>
        tpu.wait_dma2 semaphore(%run_scoped3A_116 : memref<!tpu.dma_semaphore, #tpu.memory_space<semaphore_mem>>) src(%dma_wait3A_130 : memref<16x125xi32, #tpu.memory_space<hbm>>) dst(%arg8 : memref<16x125xi32, #tpu.memory_space<vmem>>)
        tpu.yield
      }) : () -> ()
      %run_scoped3A = arith.constant 0 : i32
      "tpu.region"() ({
        %run_scoped3A_116 = tpu.sem_alloc : memref<!tpu.dma_semaphore, #tpu.memory_space<semaphore_mem>>
        %dma_start3A = arith.constant 0 : i32
        %dma_start3A_117 = tpu.memref_slice %arg8[%run_scoped3A, %dma_start3A] : memref<16x125xi32, #tpu.memory_space<vmem>> -> memref<1x125xi32, #tpu.memory_space<vmem>>
        %dma_start3A_118 = tpu.memref_squeeze %dma_start3A_117 : memref<1x125xi32, #tpu.memory_space<vmem>> -> memref<125xi32, #tpu.memory_space<vmem>>
        %dma_start3A_119 = arith.constant 0 : i32
        %dma_start3A_120 = tpu.memref_slice %arg12[%dma_start3A_119] : memref<10240xf32, #tpu.memory_space<vmem_shared>> -> memref<10240xf32, #tpu.memory_space<vmem_shared>>
        tpu.enqueue_indirect_dma source(%arg9 : memref<125xf32, #tpu.memory_space<vmem>>) target(%dma_start3A_120 : memref<10240xf32, #tpu.memory_space<vmem_shared>>) offsets(%dma_start3A_118 : memref<125xi32, #tpu.memory_space<vmem>>) semaphore(%run_scoped3A_116 : memref<!tpu.dma_semaphore, #tpu.memory_space<semaphore_mem>>) {add = true}
        %dma_wait3A = arith.constant 0 : i32
        %dma_wait3A_121 = tpu.memref_slice %arg8[%run_scoped3A, %dma_wait3A] : memref<16x125xi32, #tpu.memory_space<vmem>> -> memref<1x125xi32, #tpu.memory_space<vmem>>
        %dma_wait3A_122 = tpu.memref_squeeze %dma_wait3A_121 : memref<1x125xi32, #tpu.memory_space<vmem>> -> memref<125xi32, #tpu.memory_space<vmem>>
        %dma_wait3A_123 = arith.constant 0 : i32
        %dma_wait3A_124 = tpu.memref_slice %arg12[%dma_wait3A_123] : memref<10240xf32, #tpu.memory_space<vmem_shared>> -> memref<10240xf32, #tpu.memory_space<vmem_shared>>
        tpu.wait_indirect_dma semaphore(%run_scoped3A_116 : memref<!tpu.dma_semaphore, #tpu.memory_space<semaphore_mem>>) src(%arg9 : memref<125xf32, #tpu.memory_space<vmem>>) dst(%dma_wait3A_124 : memref<10240xf32, #tpu.memory_space<vmem_shared>>)
        tpu.yield
      }) : () -> ()
      %run_scoped3A_100 = arith.constant 1 : i32
      "tpu.region"() ({
        %run_scoped3A_116 = tpu.sem_alloc : memref<!tpu.dma_semaphore, #tpu.memory_space<semaphore_mem>>
        %dma_start3A = arith.constant 0 : i32
        %dma_start3A_117 = tpu.memref_slice %arg8[%run_scoped3A_100, %dma_start3A] : memref<16x125xi32, #tpu.memory_space<vmem>> -> memref<1x125xi32, #tpu.memory_space<vmem>>
        %dma_start3A_118 = tpu.memref_squeeze %dma_start3A_117 : memref<1x125xi32, #tpu.memory_space<vmem>> -> memref<125xi32, #tpu.memory_space<vmem>>
        %dma_start3A_119 = arith.constant 0 : i32
        %dma_start3A_120 = tpu.memref_slice %arg12[%dma_start3A_119] : memref<10240xf32, #tpu.memory_space<vmem_shared>> -> memref<10240xf32, #tpu.memory_space<vmem_shared>>
        tpu.enqueue_indirect_dma source(%arg9 : memref<125xf32, #tpu.memory_space<vmem>>) target(%dma_start3A_120 : memref<10240xf32, #tpu.memory_space<vmem_shared>>) offsets(%dma_start3A_118 : memref<125xi32, #tpu.memory_space<vmem>>) semaphore(%run_scoped3A_116 : memref<!tpu.dma_semaphore, #tpu.memory_space<semaphore_mem>>) {add = true}
        %dma_wait3A = arith.constant 0 : i32
        %dma_wait3A_121 = tpu.memref_slice %arg8[%run_scoped3A_100, %dma_wait3A] : memref<16x125xi32, #tpu.memory_space<vmem>> -> memref<1x125xi32, #tpu.memory_space<vmem>>
        %dma_wait3A_122 = tpu.memref_squeeze %dma_wait3A_121 : memref<1x125xi32, #tpu.memory_space<vmem>> -> memref<125xi32, #tpu.memory_space<vmem>>
        %dma_wait3A_123 = arith.constant 0 : i32
        %dma_wait3A_124 = tpu.memref_slice %arg12[%dma_wait3A_123] : memref<10240xf32, #tpu.memory_space<vmem_shared>> -> memref<10240xf32, #tpu.memory_space<vmem_shared>>
        tpu.wait_indirect_dma semaphore(%run_scoped3A_116 : memref<!tpu.dma_semaphore, #tpu.memory_space<semaphore_mem>>) src(%arg9 : memref<125xf32, #tpu.memory_space<vmem>>) dst(%dma_wait3A_124 : memref<10240xf32, #tpu.memory_space<vmem_shared>>)
        tpu.yield
      }) : () -> ()
      %run_scoped3A_101 = arith.constant 2 : i32
      "tpu.region"() ({
        %run_scoped3A_116 = tpu.sem_alloc : memref<!tpu.dma_semaphore, #tpu.memory_space<semaphore_mem>>
        %dma_start3A = arith.constant 0 : i32
        %dma_start3A_117 = tpu.memref_slice %arg8[%run_scoped3A_101, %dma_start3A] : memref<16x125xi32, #tpu.memory_space<vmem>> -> memref<1x125xi32, #tpu.memory_space<vmem>>
        %dma_start3A_118 = tpu.memref_squeeze %dma_start3A_117 : memref<1x125xi32, #tpu.memory_space<vmem>> -> memref<125xi32, #tpu.memory_space<vmem>>
        %dma_start3A_119 = arith.constant 0 : i32
        %dma_start3A_120 = tpu.memref_slice %arg12[%dma_start3A_119] : memref<10240xf32, #tpu.memory_space<vmem_shared>> -> memref<10240xf32, #tpu.memory_space<vmem_shared>>
        tpu.enqueue_indirect_dma source(%arg9 : memref<125xf32, #tpu.memory_space<vmem>>) target(%dma_start3A_120 : memref<10240xf32, #tpu.memory_space<vmem_shared>>) offsets(%dma_start3A_118 : memref<125xi32, #tpu.memory_space<vmem>>) semaphore(%run_scoped3A_116 : memref<!tpu.dma_semaphore, #tpu.memory_space<semaphore_mem>>) {add = true}
        %dma_wait3A = arith.constant 0 : i32
        %dma_wait3A_121 = tpu.memref_slice %arg8[%run_scoped3A_101, %dma_wait3A] : memref<16x125xi32, #tpu.memory_space<vmem>> -> memref<1x125xi32, #tpu.memory_space<vmem>>
        %dma_wait3A_122 = tpu.memref_squeeze %dma_wait3A_121 : memref<1x125xi32, #tpu.memory_space<vmem>> -> memref<125xi32, #tpu.memory_space<vmem>>
        %dma_wait3A_123 = arith.constant 0 : i32
        %dma_wait3A_124 = tpu.memref_slice %arg12[%dma_wait3A_123] : memref<10240xf32, #tpu.memory_space<vmem_shared>> -> memref<10240xf32, #tpu.memory_space<vmem_shared>>
        tpu.wait_indirect_dma semaphore(%run_scoped3A_116 : memref<!tpu.dma_semaphore, #tpu.memory_space<semaphore_mem>>) src(%arg9 : memref<125xf32, #tpu.memory_space<vmem>>) dst(%dma_wait3A_124 : memref<10240xf32, #tpu.memory_space<vmem_shared>>)
        tpu.yield
      }) : () -> ()
      %run_scoped3A_102 = arith.constant 3 : i32
      "tpu.region"() ({
        %run_scoped3A_116 = tpu.sem_alloc : memref<!tpu.dma_semaphore, #tpu.memory_space<semaphore_mem>>
        %dma_start3A = arith.constant 0 : i32
        %dma_start3A_117 = tpu.memref_slice %arg8[%run_scoped3A_102, %dma_start3A] : memref<16x125xi32, #tpu.memory_space<vmem>> -> memref<1x125xi32, #tpu.memory_space<vmem>>
        %dma_start3A_118 = tpu.memref_squeeze %dma_start3A_117 : memref<1x125xi32, #tpu.memory_space<vmem>> -> memref<125xi32, #tpu.memory_space<vmem>>
        %dma_start3A_119 = arith.constant 0 : i32
        %dma_start3A_120 = tpu.memref_slice %arg12[%dma_start3A_119] : memref<10240xf32, #tpu.memory_space<vmem_shared>> -> memref<10240xf32, #tpu.memory_space<vmem_shared>>
        tpu.enqueue_indirect_dma source(%arg9 : memref<125xf32, #tpu.memory_space<vmem>>) target(%dma_start3A_120 : memref<10240xf32, #tpu.memory_space<vmem_shared>>) offsets(%dma_start3A_118 : memref<125xi32, #tpu.memory_space<vmem>>) semaphore(%run_scoped3A_116 : memref<!tpu.dma_semaphore, #tpu.memory_space<semaphore_mem>>) {add = true}
        %dma_wait3A = arith.constant 0 : i32
        %dma_wait3A_121 = tpu.memref_slice %arg8[%run_scoped3A_102, %dma_wait3A] : memref<16x125xi32, #tpu.memory_space<vmem>> -> memref<1x125xi32, #tpu.memory_space<vmem>>
        %dma_wait3A_122 = tpu.memref_squeeze %dma_wait3A_121 : memref<1x125xi32, #tpu.memory_space<vmem>> -> memref<125xi32, #tpu.memory_space<vmem>>
        %dma_wait3A_123 = arith.constant 0 : i32
        %dma_wait3A_124 = tpu.memref_slice %arg12[%dma_wait3A_123] : memref<10240xf32, #tpu.memory_space<vmem_shared>> -> memref<10240xf32, #tpu.memory_space<vmem_shared>>
        tpu.wait_indirect_dma semaphore(%run_scoped3A_116 : memref<!tpu.dma_semaphore, #tpu.memory_space<semaphore_mem>>) src(%arg9 : memref<125xf32, #tpu.memory_space<vmem>>) dst(%dma_wait3A_124 : memref<10240xf32, #tpu.memory_space<vmem_shared>>)
        tpu.yield
      }) : () -> ()
      %run_scoped3A_103 = arith.constant 4 : i32
      "tpu.region"() ({
        %run_scoped3A_116 = tpu.sem_alloc : memref<!tpu.dma_semaphore, #tpu.memory_space<semaphore_mem>>
        %dma_start3A = arith.constant 0 : i32
        %dma_start3A_117 = tpu.memref_slice %arg8[%run_scoped3A_103, %dma_start3A] : memref<16x125xi32, #tpu.memory_space<vmem>> -> memref<1x125xi32, #tpu.memory_space<vmem>>
        %dma_start3A_118 = tpu.memref_squeeze %dma_start3A_117 : memref<1x125xi32, #tpu.memory_space<vmem>> -> memref<125xi32, #tpu.memory_space<vmem>>
        %dma_start3A_119 = arith.constant 0 : i32
        %dma_start3A_120 = tpu.memref_slice %arg12[%dma_start3A_119] : memref<10240xf32, #tpu.memory_space<vmem_shared>> -> memref<10240xf32, #tpu.memory_space<vmem_shared>>
        tpu.enqueue_indirect_dma source(%arg9 : memref<125xf32, #tpu.memory_space<vmem>>) target(%dma_start3A_120 : memref<10240xf32, #tpu.memory_space<vmem_shared>>) offsets(%dma_start3A_118 : memref<125xi32, #tpu.memory_space<vmem>>) semaphore(%run_scoped3A_116 : memref<!tpu.dma_semaphore, #tpu.memory_space<semaphore_mem>>) {add = true}
        %dma_wait3A = arith.constant 0 : i32
        %dma_wait3A_121 = tpu.memref_slice %arg8[%run_scoped3A_103, %dma_wait3A] : memref<16x125xi32, #tpu.memory_space<vmem>> -> memref<1x125xi32, #tpu.memory_space<vmem>>
        %dma_wait3A_122 = tpu.memref_squeeze %dma_wait3A_121 : memref<1x125xi32, #tpu.memory_space<vmem>> -> memref<125xi32, #tpu.memory_space<vmem>>
        %dma_wait3A_123 = arith.constant 0 : i32
        %dma_wait3A_124 = tpu.memref_slice %arg12[%dma_wait3A_123] : memref<10240xf32, #tpu.memory_space<vmem_shared>> -> memref<10240xf32, #tpu.memory_space<vmem_shared>>
        tpu.wait_indirect_dma semaphore(%run_scoped3A_116 : memref<!tpu.dma_semaphore, #tpu.memory_space<semaphore_mem>>) src(%arg9 : memref<125xf32, #tpu.memory_space<vmem>>) dst(%dma_wait3A_124 : memref<10240xf32, #tpu.memory_space<vmem_shared>>)
        tpu.yield
      }) : () -> ()
      %run_scoped3A_104 = arith.constant 5 : i32
      "tpu.region"() ({
        %run_scoped3A_116 = tpu.sem_alloc : memref<!tpu.dma_semaphore, #tpu.memory_space<semaphore_mem>>
        %dma_start3A = arith.constant 0 : i32
        %dma_start3A_117 = tpu.memref_slice %arg8[%run_scoped3A_104, %dma_start3A] : memref<16x125xi32, #tpu.memory_space<vmem>> -> memref<1x125xi32, #tpu.memory_space<vmem>>
        %dma_start3A_118 = tpu.memref_squeeze %dma_start3A_117 : memref<1x125xi32, #tpu.memory_space<vmem>> -> memref<125xi32, #tpu.memory_space<vmem>>
        %dma_start3A_119 = arith.constant 0 : i32
        %dma_start3A_120 = tpu.memref_slice %arg12[%dma_start3A_119] : memref<10240xf32, #tpu.memory_space<vmem_shared>> -> memref<10240xf32, #tpu.memory_space<vmem_shared>>
        tpu.enqueue_indirect_dma source(%arg9 : memref<125xf32, #tpu.memory_space<vmem>>) target(%dma_start3A_120 : memref<10240xf32, #tpu.memory_space<vmem_shared>>) offsets(%dma_start3A_118 : memref<125xi32, #tpu.memory_space<vmem>>) semaphore(%run_scoped3A_116 : memref<!tpu.dma_semaphore, #tpu.memory_space<semaphore_mem>>) {add = true}
        %dma_wait3A = arith.constant 0 : i32
        %dma_wait3A_121 = tpu.memref_slice %arg8[%run_scoped3A_104, %dma_wait3A] : memref<16x125xi32, #tpu.memory_space<vmem>> -> memref<1x125xi32, #tpu.memory_space<vmem>>
        %dma_wait3A_122 = tpu.memref_squeeze %dma_wait3A_121 : memref<1x125xi32, #tpu.memory_space<vmem>> -> memref<125xi32, #tpu.memory_space<vmem>>
        %dma_wait3A_123 = arith.constant 0 : i32
        %dma_wait3A_124 = tpu.memref_slice %arg12[%dma_wait3A_123] : memref<10240xf32, #tpu.memory_space<vmem_shared>> -> memref<10240xf32, #tpu.memory_space<vmem_shared>>
        tpu.wait_indirect_dma semaphore(%run_scoped3A_116 : memref<!tpu.dma_semaphore, #tpu.memory_space<semaphore_mem>>) src(%arg9 : memref<125xf32, #tpu.memory_space<vmem>>) dst(%dma_wait3A_124 : memref<10240xf32, #tpu.memory_space<vmem_shared>>)
        tpu.yield
      }) : () -> ()
      %run_scoped3A_105 = arith.constant 6 : i32
      "tpu.region"() ({
        %run_scoped3A_116 = tpu.sem_alloc : memref<!tpu.dma_semaphore, #tpu.memory_space<semaphore_mem>>
        %dma_start3A = arith.constant 0 : i32
        %dma_start3A_117 = tpu.memref_slice %arg8[%run_scoped3A_105, %dma_start3A] : memref<16x125xi32, #tpu.memory_space<vmem>> -> memref<1x125xi32, #tpu.memory_space<vmem>>
        %dma_start3A_118 = tpu.memref_squeeze %dma_start3A_117 : memref<1x125xi32, #tpu.memory_space<vmem>> -> memref<125xi32, #tpu.memory_space<vmem>>
        %dma_start3A_119 = arith.constant 0 : i32
        %dma_start3A_120 = tpu.memref_slice %arg12[%dma_start3A_119] : memref<10240xf32, #tpu.memory_space<vmem_shared>> -> memref<10240xf32, #tpu.memory_space<vmem_shared>>
        tpu.enqueue_indirect_dma source(%arg9 : memref<125xf32, #tpu.memory_space<vmem>>) target(%dma_start3A_120 : memref<10240xf32, #tpu.memory_space<vmem_shared>>) offsets(%dma_start3A_118 : memref<125xi32, #tpu.memory_space<vmem>>) semaphore(%run_scoped3A_116 : memref<!tpu.dma_semaphore, #tpu.memory_space<semaphore_mem>>) {add = true}
        %dma_wait3A = arith.constant 0 : i32
        %dma_wait3A_121 = tpu.memref_slice %arg8[%run_scoped3A_105, %dma_wait3A] : memref<16x125xi32, #tpu.memory_space<vmem>> -> memref<1x125xi32, #tpu.memory_space<vmem>>
        %dma_wait3A_122 = tpu.memref_squeeze %dma_wait3A_121 : memref<1x125xi32, #tpu.memory_space<vmem>> -> memref<125xi32, #tpu.memory_space<vmem>>
        %dma_wait3A_123 = arith.constant 0 : i32
        %dma_wait3A_124 = tpu.memref_slice %arg12[%dma_wait3A_123] : memref<10240xf32, #tpu.memory_space<vmem_shared>> -> memref<10240xf32, #tpu.memory_space<vmem_shared>>
        tpu.wait_indirect_dma semaphore(%run_scoped3A_116 : memref<!tpu.dma_semaphore, #tpu.memory_space<semaphore_mem>>) src(%arg9 : memref<125xf32, #tpu.memory_space<vmem>>) dst(%dma_wait3A_124 : memref<10240xf32, #tpu.memory_space<vmem_shared>>)
        tpu.yield
      }) : () -> ()
      %run_scoped3A_106 = arith.constant 7 : i32
      "tpu.region"() ({
        %run_scoped3A_116 = tpu.sem_alloc : memref<!tpu.dma_semaphore, #tpu.memory_space<semaphore_mem>>
        %dma_start3A = arith.constant 0 : i32
        %dma_start3A_117 = tpu.memref_slice %arg8[%run_scoped3A_106, %dma_start3A] : memref<16x125xi32, #tpu.memory_space<vmem>> -> memref<1x125xi32, #tpu.memory_space<vmem>>
        %dma_start3A_118 = tpu.memref_squeeze %dma_start3A_117 : memref<1x125xi32, #tpu.memory_space<vmem>> -> memref<125xi32, #tpu.memory_space<vmem>>
        %dma_start3A_119 = arith.constant 0 : i32
        %dma_start3A_120 = tpu.memref_slice %arg12[%dma_start3A_119] : memref<10240xf32, #tpu.memory_space<vmem_shared>> -> memref<10240xf32, #tpu.memory_space<vmem_shared>>
        tpu.enqueue_indirect_dma source(%arg9 : memref<125xf32, #tpu.memory_space<vmem>>) target(%dma_start3A_120 : memref<10240xf32, #tpu.memory_space<vmem_shared>>) offsets(%dma_start3A_118 : memref<125xi32, #tpu.memory_space<vmem>>) semaphore(%run_scoped3A_116 : memref<!tpu.dma_semaphore, #tpu.memory_space<semaphore_mem>>) {add = true}
        %dma_wait3A = arith.constant 0 : i32
        %dma_wait3A_121 = tpu.memref_slice %arg8[%run_scoped3A_106, %dma_wait3A] : memref<16x125xi32, #tpu.memory_space<vmem>> -> memref<1x125xi32, #tpu.memory_space<vmem>>
        %dma_wait3A_122 = tpu.memref_squeeze %dma_wait3A_121 : memref<1x125xi32, #tpu.memory_space<vmem>> -> memref<125xi32, #tpu.memory_space<vmem>>
        %dma_wait3A_123 = arith.constant 0 : i32
        %dma_wait3A_124 = tpu.memref_slice %arg12[%dma_wait3A_123] : memref<10240xf32, #tpu.memory_space<vmem_shared>> -> memref<10240xf32, #tpu.memory_space<vmem_shared>>
        tpu.wait_indirect_dma semaphore(%run_scoped3A_116 : memref<!tpu.dma_semaphore, #tpu.memory_space<semaphore_mem>>) src(%arg9 : memref<125xf32, #tpu.memory_space<vmem>>) dst(%dma_wait3A_124 : memref<10240xf32, #tpu.memory_space<vmem_shared>>)
        tpu.yield
      }) : () -> ()
      %run_scoped3A_107 = arith.constant 8 : i32
      "tpu.region"() ({
        %run_scoped3A_116 = tpu.sem_alloc : memref<!tpu.dma_semaphore, #tpu.memory_space<semaphore_mem>>
        %dma_start3A = arith.constant 0 : i32
        %dma_start3A_117 = tpu.memref_slice %arg8[%run_scoped3A_107, %dma_start3A] : memref<16x125xi32, #tpu.memory_space<vmem>> -> memref<1x125xi32, #tpu.memory_space<vmem>>
        %dma_start3A_118 = tpu.memref_squeeze %dma_start3A_117 : memref<1x125xi32, #tpu.memory_space<vmem>> -> memref<125xi32, #tpu.memory_space<vmem>>
        %dma_start3A_119 = arith.constant 0 : i32
        %dma_start3A_120 = tpu.memref_slice %arg12[%dma_start3A_119] : memref<10240xf32, #tpu.memory_space<vmem_shared>> -> memref<10240xf32, #tpu.memory_space<vmem_shared>>
        tpu.enqueue_indirect_dma source(%arg9 : memref<125xf32, #tpu.memory_space<vmem>>) target(%dma_start3A_120 : memref<10240xf32, #tpu.memory_space<vmem_shared>>) offsets(%dma_start3A_118 : memref<125xi32, #tpu.memory_space<vmem>>) semaphore(%run_scoped3A_116 : memref<!tpu.dma_semaphore, #tpu.memory_space<semaphore_mem>>) {add = true}
        %dma_wait3A = arith.constant 0 : i32
        %dma_wait3A_121 = tpu.memref_slice %arg8[%run_scoped3A_107, %dma_wait3A] : memref<16x125xi32, #tpu.memory_space<vmem>> -> memref<1x125xi32, #tpu.memory_space<vmem>>
        %dma_wait3A_122 = tpu.memref_squeeze %dma_wait3A_121 : memref<1x125xi32, #tpu.memory_space<vmem>> -> memref<125xi32, #tpu.memory_space<vmem>>
        %dma_wait3A_123 = arith.constant 0 : i32
        %dma_wait3A_124 = tpu.memref_slice %arg12[%dma_wait3A_123] : memref<10240xf32, #tpu.memory_space<vmem_shared>> -> memref<10240xf32, #tpu.memory_space<vmem_shared>>
        tpu.wait_indirect_dma semaphore(%run_scoped3A_116 : memref<!tpu.dma_semaphore, #tpu.memory_space<semaphore_mem>>) src(%arg9 : memref<125xf32, #tpu.memory_space<vmem>>) dst(%dma_wait3A_124 : memref<10240xf32, #tpu.memory_space<vmem_shared>>)
        tpu.yield
      }) : () -> ()
      %run_scoped3A_108 = arith.constant 9 : i32
      "tpu.region"() ({
        %run_scoped3A_116 = tpu.sem_alloc : memref<!tpu.dma_semaphore, #tpu.memory_space<semaphore_mem>>
        %dma_start3A = arith.constant 0 : i32
        %dma_start3A_117 = tpu.memref_slice %arg8[%run_scoped3A_108, %dma_start3A] : memref<16x125xi32, #tpu.memory_space<vmem>> -> memref<1x125xi32, #tpu.memory_space<vmem>>
        %dma_start3A_118 = tpu.memref_squeeze %dma_start3A_117 : memref<1x125xi32, #tpu.memory_space<vmem>> -> memref<125xi32, #tpu.memory_space<vmem>>
        %dma_start3A_119 = arith.constant 0 : i32
        %dma_start3A_120 = tpu.memref_slice %arg12[%dma_start3A_119] : memref<10240xf32, #tpu.memory_space<vmem_shared>> -> memref<10240xf32, #tpu.memory_space<vmem_shared>>
        tpu.enqueue_indirect_dma source(%arg9 : memref<125xf32, #tpu.memory_space<vmem>>) target(%dma_start3A_120 : memref<10240xf32, #tpu.memory_space<vmem_shared>>) offsets(%dma_start3A_118 : memref<125xi32, #tpu.memory_space<vmem>>) semaphore(%run_scoped3A_116 : memref<!tpu.dma_semaphore, #tpu.memory_space<semaphore_mem>>) {add = true}
        %dma_wait3A = arith.constant 0 : i32
        %dma_wait3A_121 = tpu.memref_slice %arg8[%run_scoped3A_108, %dma_wait3A] : memref<16x125xi32, #tpu.memory_space<vmem>> -> memref<1x125xi32, #tpu.memory_space<vmem>>
        %dma_wait3A_122 = tpu.memref_squeeze %dma_wait3A_121 : memref<1x125xi32, #tpu.memory_space<vmem>> -> memref<125xi32, #tpu.memory_space<vmem>>
        %dma_wait3A_123 = arith.constant 0 : i32
        %dma_wait3A_124 = tpu.memref_slice %arg12[%dma_wait3A_123] : memref<10240xf32, #tpu.memory_space<vmem_shared>> -> memref<10240xf32, #tpu.memory_space<vmem_shared>>
        tpu.wait_indirect_dma semaphore(%run_scoped3A_116 : memref<!tpu.dma_semaphore, #tpu.memory_space<semaphore_mem>>) src(%arg9 : memref<125xf32, #tpu.memory_space<vmem>>) dst(%dma_wait3A_124 : memref<10240xf32, #tpu.memory_space<vmem_shared>>)
        tpu.yield
      }) : () -> ()
      %run_scoped3A_109 = arith.constant 10 : i32
      "tpu.region"() ({
        %run_scoped3A_116 = tpu.sem_alloc : memref<!tpu.dma_semaphore, #tpu.memory_space<semaphore_mem>>
        %dma_start3A = arith.constant 0 : i32
        %dma_start3A_117 = tpu.memref_slice %arg8[%run_scoped3A_109, %dma_start3A] : memref<16x125xi32, #tpu.memory_space<vmem>> -> memref<1x125xi32, #tpu.memory_space<vmem>>
        %dma_start3A_118 = tpu.memref_squeeze %dma_start3A_117 : memref<1x125xi32, #tpu.memory_space<vmem>> -> memref<125xi32, #tpu.memory_space<vmem>>
        %dma_start3A_119 = arith.constant 0 : i32
        %dma_start3A_120 = tpu.memref_slice %arg12[%dma_start3A_119] : memref<10240xf32, #tpu.memory_space<vmem_shared>> -> memref<10240xf32, #tpu.memory_space<vmem_shared>>
        tpu.enqueue_indirect_dma source(%arg9 : memref<125xf32, #tpu.memory_space<vmem>>) target(%dma_start3A_120 : memref<10240xf32, #tpu.memory_space<vmem_shared>>) offsets(%dma_start3A_118 : memref<125xi32, #tpu.memory_space<vmem>>) semaphore(%run_scoped3A_116 : memref<!tpu.dma_semaphore, #tpu.memory_space<semaphore_mem>>) {add = true}
        %dma_wait3A = arith.constant 0 : i32
        %dma_wait3A_121 = tpu.memref_slice %arg8[%run_scoped3A_109, %dma_wait3A] : memref<16x125xi32, #tpu.memory_space<vmem>> -> memref<1x125xi32, #tpu.memory_space<vmem>>
        %dma_wait3A_122 = tpu.memref_squeeze %dma_wait3A_121 : memref<1x125xi32, #tpu.memory_space<vmem>> -> memref<125xi32, #tpu.memory_space<vmem>>
        %dma_wait3A_123 = arith.constant 0 : i32
        %dma_wait3A_124 = tpu.memref_slice %arg12[%dma_wait3A_123] : memref<10240xf32, #tpu.memory_space<vmem_shared>> -> memref<10240xf32, #tpu.memory_space<vmem_shared>>
        tpu.wait_indirect_dma semaphore(%run_scoped3A_116 : memref<!tpu.dma_semaphore, #tpu.memory_space<semaphore_mem>>) src(%arg9 : memref<125xf32, #tpu.memory_space<vmem>>) dst(%dma_wait3A_124 : memref<10240xf32, #tpu.memory_space<vmem_shared>>)
        tpu.yield
      }) : () -> ()
      %run_scoped3A_110 = arith.constant 11 : i32
      "tpu.region"() ({
        %run_scoped3A_116 = tpu.sem_alloc : memref<!tpu.dma_semaphore, #tpu.memory_space<semaphore_mem>>
        %dma_start3A = arith.constant 0 : i32
        %dma_start3A_117 = tpu.memref_slice %arg8[%run_scoped3A_110, %dma_start3A] : memref<16x125xi32, #tpu.memory_space<vmem>> -> memref<1x125xi32, #tpu.memory_space<vmem>>
        %dma_start3A_118 = tpu.memref_squeeze %dma_start3A_117 : memref<1x125xi32, #tpu.memory_space<vmem>> -> memref<125xi32, #tpu.memory_space<vmem>>
        %dma_start3A_119 = arith.constant 0 : i32
        %dma_start3A_120 = tpu.memref_slice %arg12[%dma_start3A_119] : memref<10240xf32, #tpu.memory_space<vmem_shared>> -> memref<10240xf32, #tpu.memory_space<vmem_shared>>
        tpu.enqueue_indirect_dma source(%arg9 : memref<125xf32, #tpu.memory_space<vmem>>) target(%dma_start3A_120 : memref<10240xf32, #tpu.memory_space<vmem_shared>>) offsets(%dma_start3A_118 : memref<125xi32, #tpu.memory_space<vmem>>) semaphore(%run_scoped3A_116 : memref<!tpu.dma_semaphore, #tpu.memory_space<semaphore_mem>>) {add = true}
        %dma_wait3A = arith.constant 0 : i32
        %dma_wait3A_121 = tpu.memref_slice %arg8[%run_scoped3A_110, %dma_wait3A] : memref<16x125xi32, #tpu.memory_space<vmem>> -> memref<1x125xi32, #tpu.memory_space<vmem>>
        %dma_wait3A_122 = tpu.memref_squeeze %dma_wait3A_121 : memref<1x125xi32, #tpu.memory_space<vmem>> -> memref<125xi32, #tpu.memory_space<vmem>>
        %dma_wait3A_123 = arith.constant 0 : i32
        %dma_wait3A_124 = tpu.memref_slice %arg12[%dma_wait3A_123] : memref<10240xf32, #tpu.memory_space<vmem_shared>> -> memref<10240xf32, #tpu.memory_space<vmem_shared>>
        tpu.wait_indirect_dma semaphore(%run_scoped3A_116 : memref<!tpu.dma_semaphore, #tpu.memory_space<semaphore_mem>>) src(%arg9 : memref<125xf32, #tpu.memory_space<vmem>>) dst(%dma_wait3A_124 : memref<10240xf32, #tpu.memory_space<vmem_shared>>)
        tpu.yield
      }) : () -> ()
      %run_scoped3A_111 = arith.constant 12 : i32
      "tpu.region"() ({
        %run_scoped3A_116 = tpu.sem_alloc : memref<!tpu.dma_semaphore, #tpu.memory_space<semaphore_mem>>
        %dma_start3A = arith.constant 0 : i32
        %dma_start3A_117 = tpu.memref_slice %arg8[%run_scoped3A_111, %dma_start3A] : memref<16x125xi32, #tpu.memory_space<vmem>> -> memref<1x125xi32, #tpu.memory_space<vmem>>
        %dma_start3A_118 = tpu.memref_squeeze %dma_start3A_117 : memref<1x125xi32, #tpu.memory_space<vmem>> -> memref<125xi32, #tpu.memory_space<vmem>>
        %dma_start3A_119 = arith.constant 0 : i32
        %dma_start3A_120 = tpu.memref_slice %arg12[%dma_start3A_119] : memref<10240xf32, #tpu.memory_space<vmem_shared>> -> memref<10240xf32, #tpu.memory_space<vmem_shared>>
        tpu.enqueue_indirect_dma source(%arg9 : memref<125xf32, #tpu.memory_space<vmem>>) target(%dma_start3A_120 : memref<10240xf32, #tpu.memory_space<vmem_shared>>) offsets(%dma_start3A_118 : memref<125xi32, #tpu.memory_space<vmem>>) semaphore(%run_scoped3A_116 : memref<!tpu.dma_semaphore, #tpu.memory_space<semaphore_mem>>) {add = true}
        %dma_wait3A = arith.constant 0 : i32
        %dma_wait3A_121 = tpu.memref_slice %arg8[%run_scoped3A_111, %dma_wait3A] : memref<16x125xi32, #tpu.memory_space<vmem>> -> memref<1x125xi32, #tpu.memory_space<vmem>>
        %dma_wait3A_122 = tpu.memref_squeeze %dma_wait3A_121 : memref<1x125xi32, #tpu.memory_space<vmem>> -> memref<125xi32, #tpu.memory_space<vmem>>
        %dma_wait3A_123 = arith.constant 0 : i32
        %dma_wait3A_124 = tpu.memref_slice %arg12[%dma_wait3A_123] : memref<10240xf32, #tpu.memory_space<vmem_shared>> -> memref<10240xf32, #tpu.memory_space<vmem_shared>>
        tpu.wait_indirect_dma semaphore(%run_scoped3A_116 : memref<!tpu.dma_semaphore, #tpu.memory_space<semaphore_mem>>) src(%arg9 : memref<125xf32, #tpu.memory_space<vmem>>) dst(%dma_wait3A_124 : memref<10240xf32, #tpu.memory_space<vmem_shared>>)
        tpu.yield
      }) : () -> ()
      %run_scoped3A_112 = arith.constant 13 : i32
      "tpu.region"() ({
        %run_scoped3A_116 = tpu.sem_alloc : memref<!tpu.dma_semaphore, #tpu.memory_space<semaphore_mem>>
        %dma_start3A = arith.constant 0 : i32
        %dma_start3A_117 = tpu.memref_slice %arg8[%run_scoped3A_112, %dma_start3A] : memref<16x125xi32, #tpu.memory_space<vmem>> -> memref<1x125xi32, #tpu.memory_space<vmem>>
        %dma_start3A_118 = tpu.memref_squeeze %dma_start3A_117 : memref<1x125xi32, #tpu.memory_space<vmem>> -> memref<125xi32, #tpu.memory_space<vmem>>
        %dma_start3A_119 = arith.constant 0 : i32
        %dma_start3A_120 = tpu.memref_slice %arg12[%dma_start3A_119] : memref<10240xf32, #tpu.memory_space<vmem_shared>> -> memref<10240xf32, #tpu.memory_space<vmem_shared>>
        tpu.enqueue_indirect_dma source(%arg9 : memref<125xf32, #tpu.memory_space<vmem>>) target(%dma_start3A_120 : memref<10240xf32, #tpu.memory_space<vmem_shared>>) offsets(%dma_start3A_118 : memref<125xi32, #tpu.memory_space<vmem>>) semaphore(%run_scoped3A_116 : memref<!tpu.dma_semaphore, #tpu.memory_space<semaphore_mem>>) {add = true}
        %dma_wait3A = arith.constant 0 : i32
        %dma_wait3A_121 = tpu.memref_slice %arg8[%run_scoped3A_112, %dma_wait3A] : memref<16x125xi32, #tpu.memory_space<vmem>> -> memref<1x125xi32, #tpu.memory_space<vmem>>
        %dma_wait3A_122 = tpu.memref_squeeze %dma_wait3A_121 : memref<1x125xi32, #tpu.memory_space<vmem>> -> memref<125xi32, #tpu.memory_space<vmem>>
        %dma_wait3A_123 = arith.constant 0 : i32
        %dma_wait3A_124 = tpu.memref_slice %arg12[%dma_wait3A_123] : memref<10240xf32, #tpu.memory_space<vmem_shared>> -> memref<10240xf32, #tpu.memory_space<vmem_shared>>
        tpu.wait_indirect_dma semaphore(%run_scoped3A_116 : memref<!tpu.dma_semaphore, #tpu.memory_space<semaphore_mem>>) src(%arg9 : memref<125xf32, #tpu.memory_space<vmem>>) dst(%dma_wait3A_124 : memref<10240xf32, #tpu.memory_space<vmem_shared>>)
        tpu.yield
      }) : () -> ()
      %run_scoped3A_113 = arith.constant 14 : i32
      "tpu.region"() ({
        %run_scoped3A_116 = tpu.sem_alloc : memref<!tpu.dma_semaphore, #tpu.memory_space<semaphore_mem>>
        %dma_start3A = arith.constant 0 : i32
        %dma_start3A_117 = tpu.memref_slice %arg8[%run_scoped3A_113, %dma_start3A] : memref<16x125xi32, #tpu.memory_space<vmem>> -> memref<1x125xi32, #tpu.memory_space<vmem>>
        %dma_start3A_118 = tpu.memref_squeeze %dma_start3A_117 : memref<1x125xi32, #tpu.memory_space<vmem>> -> memref<125xi32, #tpu.memory_space<vmem>>
        %dma_start3A_119 = arith.constant 0 : i32
        %dma_start3A_120 = tpu.memref_slice %arg12[%dma_start3A_119] : memref<10240xf32, #tpu.memory_space<vmem_shared>> -> memref<10240xf32, #tpu.memory_space<vmem_shared>>
        tpu.enqueue_indirect_dma source(%arg9 : memref<125xf32, #tpu.memory_space<vmem>>) target(%dma_start3A_120 : memref<10240xf32, #tpu.memory_space<vmem_shared>>) offsets(%dma_start3A_118 : memref<125xi32, #tpu.memory_space<vmem>>) semaphore(%run_scoped3A_116 : memref<!tpu.dma_semaphore, #tpu.memory_space<semaphore_mem>>) {add = true}
        %dma_wait3A = arith.constant 0 : i32
        %dma_wait3A_121 = tpu.memref_slice %arg8[%run_scoped3A_113, %dma_wait3A] : memref<16x125xi32, #tpu.memory_space<vmem>> -> memref<1x125xi32, #tpu.memory_space<vmem>>
        %dma_wait3A_122 = tpu.memref_squeeze %dma_wait3A_121 : memref<1x125xi32, #tpu.memory_space<vmem>> -> memref<125xi32, #tpu.memory_space<vmem>>
        %dma_wait3A_123 = arith.constant 0 : i32
        %dma_wait3A_124 = tpu.memref_slice %arg12[%dma_wait3A_123] : memref<10240xf32, #tpu.memory_space<vmem_shared>> -> memref<10240xf32, #tpu.memory_space<vmem_shared>>
        tpu.wait_indirect_dma semaphore(%run_scoped3A_116 : memref<!tpu.dma_semaphore, #tpu.memory_space<semaphore_mem>>) src(%arg9 : memref<125xf32, #tpu.memory_space<vmem>>) dst(%dma_wait3A_124 : memref<10240xf32, #tpu.memory_space<vmem_shared>>)
        tpu.yield
      }) : () -> ()
      %run_scoped3A_114 = arith.constant 15 : i32
      "tpu.region"() ({
        %run_scoped3A_116 = tpu.sem_alloc : memref<!tpu.dma_semaphore, #tpu.memory_space<semaphore_mem>>
        %dma_start3A = arith.constant 0 : i32
        %dma_start3A_117 = tpu.memref_slice %arg8[%run_scoped3A_114, %dma_start3A] : memref<16x125xi32, #tpu.memory_space<vmem>> -> memref<1x125xi32, #tpu.memory_space<vmem>>
        %dma_start3A_118 = tpu.memref_squeeze %dma_start3A_117 : memref<1x125xi32, #tpu.memory_space<vmem>> -> memref<125xi32, #tpu.memory_space<vmem>>
        %dma_start3A_119 = arith.constant 0 : i32
        %dma_start3A_120 = tpu.memref_slice %arg12[%dma_start3A_119] : memref<10240xf32, #tpu.memory_space<vmem_shared>> -> memref<10240xf32, #tpu.memory_space<vmem_shared>>
        tpu.enqueue_indirect_dma source(%arg9 : memref<125xf32, #tpu.memory_space<vmem>>) target(%dma_start3A_120 : memref<10240xf32, #tpu.memory_space<vmem_shared>>) offsets(%dma_start3A_118 : memref<125xi32, #tpu.memory_space<vmem>>) semaphore(%run_scoped3A_116 : memref<!tpu.dma_semaphore, #tpu.memory_space<semaphore_mem>>) {add = true}
        %dma_wait3A = arith.constant 0 : i32
        %dma_wait3A_121 = tpu.memref_slice %arg8[%run_scoped3A_114, %dma_wait3A] : memref<16x125xi32, #tpu.memory_space<vmem>> -> memref<1x125xi32, #tpu.memory_space<vmem>>
        %dma_wait3A_122 = tpu.memref_squeeze %dma_wait3A_121 : memref<1x125xi32, #tpu.memory_space<vmem>> -> memref<125xi32, #tpu.memory_space<vmem>>
        %dma_wait3A_123 = arith.constant 0 : i32
        %dma_wait3A_124 = tpu.memref_slice %arg12[%dma_wait3A_123] : memref<10240xf32, #tpu.memory_space<vmem_shared>> -> memref<10240xf32, #tpu.memory_space<vmem_shared>>
        tpu.wait_indirect_dma semaphore(%run_scoped3A_116 : memref<!tpu.dma_semaphore, #tpu.memory_space<semaphore_mem>>) src(%arg9 : memref<125xf32, #tpu.memory_space<vmem>>) dst(%dma_wait3A_124 : memref<10240xf32, #tpu.memory_space<vmem_shared>>)
        tpu.yield
      }) : () -> ()
      %while3A_115 = arith.constant 0 : i32
      scf.yield %while3A_115 : i32
    }
    %while3A_75 = arith.constant 1 : i32
    %while3A_76 = scf.for %while3A_92 = %while3A_72 to %while3A_68 step %while3A_75 iter_args(%while3A_93 = %while3A_74) -> (i32)  : i32 {
      %mul3A_94 = arith.constant 40 : i32
      %mul3A_95 = arith.muli %arg0, %mul3A_94 : i32
      %add3A_96 = arith.addi %mul3A_95, %arg1 : i32
      %mul3A_97 = arith.constant 16 : i32
      %mul3A_98 = arith.muli %while3A_92, %mul3A_97 : i32
      %add3A_99 = arith.addi %add3A_96, %mul3A_98 : i32
      "tpu.region"() ({
        %run_scoped3A_116 = tpu.sem_alloc : memref<!tpu.dma_semaphore, #tpu.memory_space<semaphore_mem>>
        %dma_start3A = arith.constant 0 : i32
        %dma_start3A_117 = arith.constant 0 : i32
        %dma_start3A_118 = tpu.memref_slice %arg3[%add3A_99, %dma_start3A, %dma_start3A_117] : memref<80x16x125xi32, #tpu.memory_space<hbm>> -> memref<1x16x125xi32, #tpu.memory_space<hbm>>
        %dma_start3A_119 = tpu.memref_squeeze %dma_start3A_118 : memref<1x16x125xi32, #tpu.memory_space<hbm>> -> memref<16x125xi32, #tpu.memory_space<hbm>>
        %dma_start3A_120 = arith.constant 0 : i32
        %dma_start3A_121 = arith.constant 0 : i32
        %dma_start3A_122 = tpu.memref_slice %arg3[%add3A_99, %dma_start3A_120, %dma_start3A_121] : memref<80x16x125xi32, #tpu.memory_space<hbm>> -> memref<1x16x125xi32, #tpu.memory_space<hbm>>
        %dma_start3A_123 = tpu.memref_squeeze %dma_start3A_122 : memref<1x16x125xi32, #tpu.memory_space<hbm>> -> memref<16x125xi32, #tpu.memory_space<hbm>>
        tpu.enqueue_dma source(%dma_start3A_123 : memref<16x125xi32, #tpu.memory_space<hbm>>) target(%arg8 : memref<16x125xi32, #tpu.memory_space<vmem>>) target_semaphore(%run_scoped3A_116 : memref<!tpu.dma_semaphore, #tpu.memory_space<semaphore_mem>>)
        %dma_wait3A = arith.constant 0 : i32
        %dma_wait3A_124 = arith.constant 0 : i32
        %dma_wait3A_125 = tpu.memref_slice %arg3[%add3A_99, %dma_wait3A, %dma_wait3A_124] : memref<80x16x125xi32, #tpu.memory_space<hbm>> -> memref<1x16x125xi32, #tpu.memory_space<hbm>>
        %dma_wait3A_126 = tpu.memref_squeeze %dma_wait3A_125 : memref<1x16x125xi32, #tpu.memory_space<hbm>> -> memref<16x125xi32, #tpu.memory_space<hbm>>
        %dma_wait3A_127 = arith.constant 0 : i32
        %dma_wait3A_128 = arith.constant 0 : i32
        %dma_wait3A_129 = tpu.memref_slice %arg3[%add3A_99, %dma_wait3A_127, %dma_wait3A_128] : memref<80x16x125xi32, #tpu.memory_space<hbm>> -> memref<1x16x125xi32, #tpu.memory_space<hbm>>
        %dma_wait3A_130 = tpu.memref_squeeze %dma_wait3A_129 : memref<1x16x125xi32, #tpu.memory_space<hbm>> -> memref<16x125xi32, #tpu.memory_space<hbm>>
        tpu.wait_dma2 semaphore(%run_scoped3A_116 : memref<!tpu.dma_semaphore, #tpu.memory_space<semaphore_mem>>) src(%dma_wait3A_130 : memref<16x125xi32, #tpu.memory_space<hbm>>) dst(%arg8 : memref<16x125xi32, #tpu.memory_space<vmem>>)
        tpu.yield
      }) : () -> ()
      %run_scoped3A = arith.constant 0 : i32
      "tpu.region"() ({
        %run_scoped3A_116 = tpu.sem_alloc : memref<!tpu.dma_semaphore, #tpu.memory_space<semaphore_mem>>
        %dma_start3A = arith.constant 0 : i32
        %dma_start3A_117 = tpu.memref_slice %arg8[%run_scoped3A, %dma_start3A] : memref<16x125xi32, #tpu.memory_space<vmem>> -> memref<1x125xi32, #tpu.memory_space<vmem>>
        %dma_start3A_118 = tpu.memref_squeeze %dma_start3A_117 : memref<1x125xi32, #tpu.memory_space<vmem>> -> memref<125xi32, #tpu.memory_space<vmem>>
        %dma_start3A_119 = arith.constant 0 : i32
        %dma_start3A_120 = tpu.memref_slice %arg12[%dma_start3A_119] : memref<10240xf32, #tpu.memory_space<vmem_shared>> -> memref<10240xf32, #tpu.memory_space<vmem_shared>>
        tpu.enqueue_indirect_dma source(%arg9 : memref<125xf32, #tpu.memory_space<vmem>>) target(%dma_start3A_120 : memref<10240xf32, #tpu.memory_space<vmem_shared>>) offsets(%dma_start3A_118 : memref<125xi32, #tpu.memory_space<vmem>>) semaphore(%run_scoped3A_116 : memref<!tpu.dma_semaphore, #tpu.memory_space<semaphore_mem>>) {add = true}
        %dma_wait3A = arith.constant 0 : i32
        %dma_wait3A_121 = tpu.memref_slice %arg8[%run_scoped3A, %dma_wait3A] : memref<16x125xi32, #tpu.memory_space<vmem>> -> memref<1x125xi32, #tpu.memory_space<vmem>>
        %dma_wait3A_122 = tpu.memref_squeeze %dma_wait3A_121 : memref<1x125xi32, #tpu.memory_space<vmem>> -> memref<125xi32, #tpu.memory_space<vmem>>
        %dma_wait3A_123 = arith.constant 0 : i32
        %dma_wait3A_124 = tpu.memref_slice %arg12[%dma_wait3A_123] : memref<10240xf32, #tpu.memory_space<vmem_shared>> -> memref<10240xf32, #tpu.memory_space<vmem_shared>>
        tpu.wait_indirect_dma semaphore(%run_scoped3A_116 : memref<!tpu.dma_semaphore, #tpu.memory_space<semaphore_mem>>) src(%arg9 : memref<125xf32, #tpu.memory_space<vmem>>) dst(%dma_wait3A_124 : memref<10240xf32, #tpu.memory_space<vmem_shared>>)
        tpu.yield
      }) : () -> ()
      %run_scoped3A_100 = arith.constant 1 : i32
      "tpu.region"() ({
        %run_scoped3A_116 = tpu.sem_alloc : memref<!tpu.dma_semaphore, #tpu.memory_space<semaphore_mem>>
        %dma_start3A = arith.constant 0 : i32
        %dma_start3A_117 = tpu.memref_slice %arg8[%run_scoped3A_100, %dma_start3A] : memref<16x125xi32, #tpu.memory_space<vmem>> -> memref<1x125xi32, #tpu.memory_space<vmem>>
        %dma_start3A_118 = tpu.memref_squeeze %dma_start3A_117 : memref<1x125xi32, #tpu.memory_space<vmem>> -> memref<125xi32, #tpu.memory_space<vmem>>
        %dma_start3A_119 = arith.constant 0 : i32
        %dma_start3A_120 = tpu.memref_slice %arg12[%dma_start3A_119] : memref<10240xf32, #tpu.memory_space<vmem_shared>> -> memref<10240xf32, #tpu.memory_space<vmem_shared>>
        tpu.enqueue_indirect_dma source(%arg9 : memref<125xf32, #tpu.memory_space<vmem>>) target(%dma_start3A_120 : memref<10240xf32, #tpu.memory_space<vmem_shared>>) offsets(%dma_start3A_118 : memref<125xi32, #tpu.memory_space<vmem>>) semaphore(%run_scoped3A_116 : memref<!tpu.dma_semaphore, #tpu.memory_space<semaphore_mem>>) {add = true}
        %dma_wait3A = arith.constant 0 : i32
        %dma_wait3A_121 = tpu.memref_slice %arg8[%run_scoped3A_100, %dma_wait3A] : memref<16x125xi32, #tpu.memory_space<vmem>> -> memref<1x125xi32, #tpu.memory_space<vmem>>
        %dma_wait3A_122 = tpu.memref_squeeze %dma_wait3A_121 : memref<1x125xi32, #tpu.memory_space<vmem>> -> memref<125xi32, #tpu.memory_space<vmem>>
        %dma_wait3A_123 = arith.constant 0 : i32
        %dma_wait3A_124 = tpu.memref_slice %arg12[%dma_wait3A_123] : memref<10240xf32, #tpu.memory_space<vmem_shared>> -> memref<10240xf32, #tpu.memory_space<vmem_shared>>
        tpu.wait_indirect_dma semaphore(%run_scoped3A_116 : memref<!tpu.dma_semaphore, #tpu.memory_space<semaphore_mem>>) src(%arg9 : memref<125xf32, #tpu.memory_space<vmem>>) dst(%dma_wait3A_124 : memref<10240xf32, #tpu.memory_space<vmem_shared>>)
        tpu.yield
      }) : () -> ()
      %run_scoped3A_101 = arith.constant 2 : i32
      "tpu.region"() ({
        %run_scoped3A_116 = tpu.sem_alloc : memref<!tpu.dma_semaphore, #tpu.memory_space<semaphore_mem>>
        %dma_start3A = arith.constant 0 : i32
        %dma_start3A_117 = tpu.memref_slice %arg8[%run_scoped3A_101, %dma_start3A] : memref<16x125xi32, #tpu.memory_space<vmem>> -> memref<1x125xi32, #tpu.memory_space<vmem>>
        %dma_start3A_118 = tpu.memref_squeeze %dma_start3A_117 : memref<1x125xi32, #tpu.memory_space<vmem>> -> memref<125xi32, #tpu.memory_space<vmem>>
        %dma_start3A_119 = arith.constant 0 : i32
        %dma_start3A_120 = tpu.memref_slice %arg12[%dma_start3A_119] : memref<10240xf32, #tpu.memory_space<vmem_shared>> -> memref<10240xf32, #tpu.memory_space<vmem_shared>>
        tpu.enqueue_indirect_dma source(%arg9 : memref<125xf32, #tpu.memory_space<vmem>>) target(%dma_start3A_120 : memref<10240xf32, #tpu.memory_space<vmem_shared>>) offsets(%dma_start3A_118 : memref<125xi32, #tpu.memory_space<vmem>>) semaphore(%run_scoped3A_116 : memref<!tpu.dma_semaphore, #tpu.memory_space<semaphore_mem>>) {add = true}
        %dma_wait3A = arith.constant 0 : i32
        %dma_wait3A_121 = tpu.memref_slice %arg8[%run_scoped3A_101, %dma_wait3A] : memref<16x125xi32, #tpu.memory_space<vmem>> -> memref<1x125xi32, #tpu.memory_space<vmem>>
        %dma_wait3A_122 = tpu.memref_squeeze %dma_wait3A_121 : memref<1x125xi32, #tpu.memory_space<vmem>> -> memref<125xi32, #tpu.memory_space<vmem>>
        %dma_wait3A_123 = arith.constant 0 : i32
        %dma_wait3A_124 = tpu.memref_slice %arg12[%dma_wait3A_123] : memref<10240xf32, #tpu.memory_space<vmem_shared>> -> memref<10240xf32, #tpu.memory_space<vmem_shared>>
        tpu.wait_indirect_dma semaphore(%run_scoped3A_116 : memref<!tpu.dma_semaphore, #tpu.memory_space<semaphore_mem>>) src(%arg9 : memref<125xf32, #tpu.memory_space<vmem>>) dst(%dma_wait3A_124 : memref<10240xf32, #tpu.memory_space<vmem_shared>>)
        tpu.yield
      }) : () -> ()
      %run_scoped3A_102 = arith.constant 3 : i32
      "tpu.region"() ({
        %run_scoped3A_116 = tpu.sem_alloc : memref<!tpu.dma_semaphore, #tpu.memory_space<semaphore_mem>>
        %dma_start3A = arith.constant 0 : i32
        %dma_start3A_117 = tpu.memref_slice %arg8[%run_scoped3A_102, %dma_start3A] : memref<16x125xi32, #tpu.memory_space<vmem>> -> memref<1x125xi32, #tpu.memory_space<vmem>>
        %dma_start3A_118 = tpu.memref_squeeze %dma_start3A_117 : memref<1x125xi32, #tpu.memory_space<vmem>> -> memref<125xi32, #tpu.memory_space<vmem>>
        %dma_start3A_119 = arith.constant 0 : i32
        %dma_start3A_120 = tpu.memref_slice %arg12[%dma_start3A_119] : memref<10240xf32, #tpu.memory_space<vmem_shared>> -> memref<10240xf32, #tpu.memory_space<vmem_shared>>
        tpu.enqueue_indirect_dma source(%arg9 : memref<125xf32, #tpu.memory_space<vmem>>) target(%dma_start3A_120 : memref<10240xf32, #tpu.memory_space<vmem_shared>>) offsets(%dma_start3A_118 : memref<125xi32, #tpu.memory_space<vmem>>) semaphore(%run_scoped3A_116 : memref<!tpu.dma_semaphore, #tpu.memory_space<semaphore_mem>>) {add = true}
        %dma_wait3A = arith.constant 0 : i32
        %dma_wait3A_121 = tpu.memref_slice %arg8[%run_scoped3A_102, %dma_wait3A] : memref<16x125xi32, #tpu.memory_space<vmem>> -> memref<1x125xi32, #tpu.memory_space<vmem>>
        %dma_wait3A_122 = tpu.memref_squeeze %dma_wait3A_121 : memref<1x125xi32, #tpu.memory_space<vmem>> -> memref<125xi32, #tpu.memory_space<vmem>>
        %dma_wait3A_123 = arith.constant 0 : i32
        %dma_wait3A_124 = tpu.memref_slice %arg12[%dma_wait3A_123] : memref<10240xf32, #tpu.memory_space<vmem_shared>> -> memref<10240xf32, #tpu.memory_space<vmem_shared>>
        tpu.wait_indirect_dma semaphore(%run_scoped3A_116 : memref<!tpu.dma_semaphore, #tpu.memory_space<semaphore_mem>>) src(%arg9 : memref<125xf32, #tpu.memory_space<vmem>>) dst(%dma_wait3A_124 : memref<10240xf32, #tpu.memory_space<vmem_shared>>)
        tpu.yield
      }) : () -> ()
      %run_scoped3A_103 = arith.constant 4 : i32
      "tpu.region"() ({
        %run_scoped3A_116 = tpu.sem_alloc : memref<!tpu.dma_semaphore, #tpu.memory_space<semaphore_mem>>
        %dma_start3A = arith.constant 0 : i32
        %dma_start3A_117 = tpu.memref_slice %arg8[%run_scoped3A_103, %dma_start3A] : memref<16x125xi32, #tpu.memory_space<vmem>> -> memref<1x125xi32, #tpu.memory_space<vmem>>
        %dma_start3A_118 = tpu.memref_squeeze %dma_start3A_117 : memref<1x125xi32, #tpu.memory_space<vmem>> -> memref<125xi32, #tpu.memory_space<vmem>>
        %dma_start3A_119 = arith.constant 0 : i32
        %dma_start3A_120 = tpu.memref_slice %arg12[%dma_start3A_119] : memref<10240xf32, #tpu.memory_space<vmem_shared>> -> memref<10240xf32, #tpu.memory_space<vmem_shared>>
        tpu.enqueue_indirect_dma source(%arg9 : memref<125xf32, #tpu.memory_space<vmem>>) target(%dma_start3A_120 : memref<10240xf32, #tpu.memory_space<vmem_shared>>) offsets(%dma_start3A_118 : memref<125xi32, #tpu.memory_space<vmem>>) semaphore(%run_scoped3A_116 : memref<!tpu.dma_semaphore, #tpu.memory_space<semaphore_mem>>) {add = true}
        %dma_wait3A = arith.constant 0 : i32
        %dma_wait3A_121 = tpu.memref_slice %arg8[%run_scoped3A_103, %dma_wait3A] : memref<16x125xi32, #tpu.memory_space<vmem>> -> memref<1x125xi32, #tpu.memory_space<vmem>>
        %dma_wait3A_122 = tpu.memref_squeeze %dma_wait3A_121 : memref<1x125xi32, #tpu.memory_space<vmem>> -> memref<125xi32, #tpu.memory_space<vmem>>
        %dma_wait3A_123 = arith.constant 0 : i32
        %dma_wait3A_124 = tpu.memref_slice %arg12[%dma_wait3A_123] : memref<10240xf32, #tpu.memory_space<vmem_shared>> -> memref<10240xf32, #tpu.memory_space<vmem_shared>>
        tpu.wait_indirect_dma semaphore(%run_scoped3A_116 : memref<!tpu.dma_semaphore, #tpu.memory_space<semaphore_mem>>) src(%arg9 : memref<125xf32, #tpu.memory_space<vmem>>) dst(%dma_wait3A_124 : memref<10240xf32, #tpu.memory_space<vmem_shared>>)
        tpu.yield
      }) : () -> ()
      %run_scoped3A_104 = arith.constant 5 : i32
      "tpu.region"() ({
        %run_scoped3A_116 = tpu.sem_alloc : memref<!tpu.dma_semaphore, #tpu.memory_space<semaphore_mem>>
        %dma_start3A = arith.constant 0 : i32
        %dma_start3A_117 = tpu.memref_slice %arg8[%run_scoped3A_104, %dma_start3A] : memref<16x125xi32, #tpu.memory_space<vmem>> -> memref<1x125xi32, #tpu.memory_space<vmem>>
        %dma_start3A_118 = tpu.memref_squeeze %dma_start3A_117 : memref<1x125xi32, #tpu.memory_space<vmem>> -> memref<125xi32, #tpu.memory_space<vmem>>
        %dma_start3A_119 = arith.constant 0 : i32
        %dma_start3A_120 = tpu.memref_slice %arg12[%dma_start3A_119] : memref<10240xf32, #tpu.memory_space<vmem_shared>> -> memref<10240xf32, #tpu.memory_space<vmem_shared>>
        tpu.enqueue_indirect_dma source(%arg9 : memref<125xf32, #tpu.memory_space<vmem>>) target(%dma_start3A_120 : memref<10240xf32, #tpu.memory_space<vmem_shared>>) offsets(%dma_start3A_118 : memref<125xi32, #tpu.memory_space<vmem>>) semaphore(%run_scoped3A_116 : memref<!tpu.dma_semaphore, #tpu.memory_space<semaphore_mem>>) {add = true}
        %dma_wait3A = arith.constant 0 : i32
        %dma_wait3A_121 = tpu.memref_slice %arg8[%run_scoped3A_104, %dma_wait3A] : memref<16x125xi32, #tpu.memory_space<vmem>> -> memref<1x125xi32, #tpu.memory_space<vmem>>
        %dma_wait3A_122 = tpu.memref_squeeze %dma_wait3A_121 : memref<1x125xi32, #tpu.memory_space<vmem>> -> memref<125xi32, #tpu.memory_space<vmem>>
        %dma_wait3A_123 = arith.constant 0 : i32
        %dma_wait3A_124 = tpu.memref_slice %arg12[%dma_wait3A_123] : memref<10240xf32, #tpu.memory_space<vmem_shared>> -> memref<10240xf32, #tpu.memory_space<vmem_shared>>
        tpu.wait_indirect_dma semaphore(%run_scoped3A_116 : memref<!tpu.dma_semaphore, #tpu.memory_space<semaphore_mem>>) src(%arg9 : memref<125xf32, #tpu.memory_space<vmem>>) dst(%dma_wait3A_124 : memref<10240xf32, #tpu.memory_space<vmem_shared>>)
        tpu.yield
      }) : () -> ()
      %run_scoped3A_105 = arith.constant 6 : i32
      "tpu.region"() ({
        %run_scoped3A_116 = tpu.sem_alloc : memref<!tpu.dma_semaphore, #tpu.memory_space<semaphore_mem>>
        %dma_start3A = arith.constant 0 : i32
        %dma_start3A_117 = tpu.memref_slice %arg8[%run_scoped3A_105, %dma_start3A] : memref<16x125xi32, #tpu.memory_space<vmem>> -> memref<1x125xi32, #tpu.memory_space<vmem>>
        %dma_start3A_118 = tpu.memref_squeeze %dma_start3A_117 : memref<1x125xi32, #tpu.memory_space<vmem>> -> memref<125xi32, #tpu.memory_space<vmem>>
        %dma_start3A_119 = arith.constant 0 : i32
        %dma_start3A_120 = tpu.memref_slice %arg12[%dma_start3A_119] : memref<10240xf32, #tpu.memory_space<vmem_shared>> -> memref<10240xf32, #tpu.memory_space<vmem_shared>>
        tpu.enqueue_indirect_dma source(%arg9 : memref<125xf32, #tpu.memory_space<vmem>>) target(%dma_start3A_120 : memref<10240xf32, #tpu.memory_space<vmem_shared>>) offsets(%dma_start3A_118 : memref<125xi32, #tpu.memory_space<vmem>>) semaphore(%run_scoped3A_116 : memref<!tpu.dma_semaphore, #tpu.memory_space<semaphore_mem>>) {add = true}
        %dma_wait3A = arith.constant 0 : i32
        %dma_wait3A_121 = tpu.memref_slice %arg8[%run_scoped3A_105, %dma_wait3A] : memref<16x125xi32, #tpu.memory_space<vmem>> -> memref<1x125xi32, #tpu.memory_space<vmem>>
        %dma_wait3A_122 = tpu.memref_squeeze %dma_wait3A_121 : memref<1x125xi32, #tpu.memory_space<vmem>> -> memref<125xi32, #tpu.memory_space<vmem>>
        %dma_wait3A_123 = arith.constant 0 : i32
        %dma_wait3A_124 = tpu.memref_slice %arg12[%dma_wait3A_123] : memref<10240xf32, #tpu.memory_space<vmem_shared>> -> memref<10240xf32, #tpu.memory_space<vmem_shared>>
        tpu.wait_indirect_dma semaphore(%run_scoped3A_116 : memref<!tpu.dma_semaphore, #tpu.memory_space<semaphore_mem>>) src(%arg9 : memref<125xf32, #tpu.memory_space<vmem>>) dst(%dma_wait3A_124 : memref<10240xf32, #tpu.memory_space<vmem_shared>>)
        tpu.yield
      }) : () -> ()
      %run_scoped3A_106 = arith.constant 7 : i32
      "tpu.region"() ({
        %run_scoped3A_116 = tpu.sem_alloc : memref<!tpu.dma_semaphore, #tpu.memory_space<semaphore_mem>>
        %dma_start3A = arith.constant 0 : i32
        %dma_start3A_117 = tpu.memref_slice %arg8[%run_scoped3A_106, %dma_start3A] : memref<16x125xi32, #tpu.memory_space<vmem>> -> memref<1x125xi32, #tpu.memory_space<vmem>>
        %dma_start3A_118 = tpu.memref_squeeze %dma_start3A_117 : memref<1x125xi32, #tpu.memory_space<vmem>> -> memref<125xi32, #tpu.memory_space<vmem>>
        %dma_start3A_119 = arith.constant 0 : i32
        %dma_start3A_120 = tpu.memref_slice %arg12[%dma_start3A_119] : memref<10240xf32, #tpu.memory_space<vmem_shared>> -> memref<10240xf32, #tpu.memory_space<vmem_shared>>
        tpu.enqueue_indirect_dma source(%arg9 : memref<125xf32, #tpu.memory_space<vmem>>) target(%dma_start3A_120 : memref<10240xf32, #tpu.memory_space<vmem_shared>>) offsets(%dma_start3A_118 : memref<125xi32, #tpu.memory_space<vmem>>) semaphore(%run_scoped3A_116 : memref<!tpu.dma_semaphore, #tpu.memory_space<semaphore_mem>>) {add = true}
        %dma_wait3A = arith.constant 0 : i32
        %dma_wait3A_121 = tpu.memref_slice %arg8[%run_scoped3A_106, %dma_wait3A] : memref<16x125xi32, #tpu.memory_space<vmem>> -> memref<1x125xi32, #tpu.memory_space<vmem>>
        %dma_wait3A_122 = tpu.memref_squeeze %dma_wait3A_121 : memref<1x125xi32, #tpu.memory_space<vmem>> -> memref<125xi32, #tpu.memory_space<vmem>>
        %dma_wait3A_123 = arith.constant 0 : i32
        %dma_wait3A_124 = tpu.memref_slice %arg12[%dma_wait3A_123] : memref<10240xf32, #tpu.memory_space<vmem_shared>> -> memref<10240xf32, #tpu.memory_space<vmem_shared>>
        tpu.wait_indirect_dma semaphore(%run_scoped3A_116 : memref<!tpu.dma_semaphore, #tpu.memory_space<semaphore_mem>>) src(%arg9 : memref<125xf32, #tpu.memory_space<vmem>>) dst(%dma_wait3A_124 : memref<10240xf32, #tpu.memory_space<vmem_shared>>)
        tpu.yield
      }) : () -> ()
      %run_scoped3A_107 = arith.constant 8 : i32
      "tpu.region"() ({
        %run_scoped3A_116 = tpu.sem_alloc : memref<!tpu.dma_semaphore, #tpu.memory_space<semaphore_mem>>
        %dma_start3A = arith.constant 0 : i32
        %dma_start3A_117 = tpu.memref_slice %arg8[%run_scoped3A_107, %dma_start3A] : memref<16x125xi32, #tpu.memory_space<vmem>> -> memref<1x125xi32, #tpu.memory_space<vmem>>
        %dma_start3A_118 = tpu.memref_squeeze %dma_start3A_117 : memref<1x125xi32, #tpu.memory_space<vmem>> -> memref<125xi32, #tpu.memory_space<vmem>>
        %dma_start3A_119 = arith.constant 0 : i32
        %dma_start3A_120 = tpu.memref_slice %arg12[%dma_start3A_119] : memref<10240xf32, #tpu.memory_space<vmem_shared>> -> memref<10240xf32, #tpu.memory_space<vmem_shared>>
        tpu.enqueue_indirect_dma source(%arg9 : memref<125xf32, #tpu.memory_space<vmem>>) target(%dma_start3A_120 : memref<10240xf32, #tpu.memory_space<vmem_shared>>) offsets(%dma_start3A_118 : memref<125xi32, #tpu.memory_space<vmem>>) semaphore(%run_scoped3A_116 : memref<!tpu.dma_semaphore, #tpu.memory_space<semaphore_mem>>) {add = true}
        %dma_wait3A = arith.constant 0 : i32
        %dma_wait3A_121 = tpu.memref_slice %arg8[%run_scoped3A_107, %dma_wait3A] : memref<16x125xi32, #tpu.memory_space<vmem>> -> memref<1x125xi32, #tpu.memory_space<vmem>>
        %dma_wait3A_122 = tpu.memref_squeeze %dma_wait3A_121 : memref<1x125xi32, #tpu.memory_space<vmem>> -> memref<125xi32, #tpu.memory_space<vmem>>
        %dma_wait3A_123 = arith.constant 0 : i32
        %dma_wait3A_124 = tpu.memref_slice %arg12[%dma_wait3A_123] : memref<10240xf32, #tpu.memory_space<vmem_shared>> -> memref<10240xf32, #tpu.memory_space<vmem_shared>>
        tpu.wait_indirect_dma semaphore(%run_scoped3A_116 : memref<!tpu.dma_semaphore, #tpu.memory_space<semaphore_mem>>) src(%arg9 : memref<125xf32, #tpu.memory_space<vmem>>) dst(%dma_wait3A_124 : memref<10240xf32, #tpu.memory_space<vmem_shared>>)
        tpu.yield
      }) : () -> ()
      %run_scoped3A_108 = arith.constant 9 : i32
      "tpu.region"() ({
        %run_scoped3A_116 = tpu.sem_alloc : memref<!tpu.dma_semaphore, #tpu.memory_space<semaphore_mem>>
        %dma_start3A = arith.constant 0 : i32
        %dma_start3A_117 = tpu.memref_slice %arg8[%run_scoped3A_108, %dma_start3A] : memref<16x125xi32, #tpu.memory_space<vmem>> -> memref<1x125xi32, #tpu.memory_space<vmem>>
        %dma_start3A_118 = tpu.memref_squeeze %dma_start3A_117 : memref<1x125xi32, #tpu.memory_space<vmem>> -> memref<125xi32, #tpu.memory_space<vmem>>
        %dma_start3A_119 = arith.constant 0 : i32
        %dma_start3A_120 = tpu.memref_slice %arg12[%dma_start3A_119] : memref<10240xf32, #tpu.memory_space<vmem_shared>> -> memref<10240xf32, #tpu.memory_space<vmem_shared>>
        tpu.enqueue_indirect_dma source(%arg9 : memref<125xf32, #tpu.memory_space<vmem>>) target(%dma_start3A_120 : memref<10240xf32, #tpu.memory_space<vmem_shared>>) offsets(%dma_start3A_118 : memref<125xi32, #tpu.memory_space<vmem>>) semaphore(%run_scoped3A_116 : memref<!tpu.dma_semaphore, #tpu.memory_space<semaphore_mem>>) {add = true}
        %dma_wait3A = arith.constant 0 : i32
        %dma_wait3A_121 = tpu.memref_slice %arg8[%run_scoped3A_108, %dma_wait3A] : memref<16x125xi32, #tpu.memory_space<vmem>> -> memref<1x125xi32, #tpu.memory_space<vmem>>
        %dma_wait3A_122 = tpu.memref_squeeze %dma_wait3A_121 : memref<1x125xi32, #tpu.memory_space<vmem>> -> memref<125xi32, #tpu.memory_space<vmem>>
        %dma_wait3A_123 = arith.constant 0 : i32
        %dma_wait3A_124 = tpu.memref_slice %arg12[%dma_wait3A_123] : memref<10240xf32, #tpu.memory_space<vmem_shared>> -> memref<10240xf32, #tpu.memory_space<vmem_shared>>
        tpu.wait_indirect_dma semaphore(%run_scoped3A_116 : memref<!tpu.dma_semaphore, #tpu.memory_space<semaphore_mem>>) src(%arg9 : memref<125xf32, #tpu.memory_space<vmem>>) dst(%dma_wait3A_124 : memref<10240xf32, #tpu.memory_space<vmem_shared>>)
        tpu.yield
      }) : () -> ()
      %run_scoped3A_109 = arith.constant 10 : i32
      "tpu.region"() ({
        %run_scoped3A_116 = tpu.sem_alloc : memref<!tpu.dma_semaphore, #tpu.memory_space<semaphore_mem>>
        %dma_start3A = arith.constant 0 : i32
        %dma_start3A_117 = tpu.memref_slice %arg8[%run_scoped3A_109, %dma_start3A] : memref<16x125xi32, #tpu.memory_space<vmem>> -> memref<1x125xi32, #tpu.memory_space<vmem>>
        %dma_start3A_118 = tpu.memref_squeeze %dma_start3A_117 : memref<1x125xi32, #tpu.memory_space<vmem>> -> memref<125xi32, #tpu.memory_space<vmem>>
        %dma_start3A_119 = arith.constant 0 : i32
        %dma_start3A_120 = tpu.memref_slice %arg12[%dma_start3A_119] : memref<10240xf32, #tpu.memory_space<vmem_shared>> -> memref<10240xf32, #tpu.memory_space<vmem_shared>>
        tpu.enqueue_indirect_dma source(%arg9 : memref<125xf32, #tpu.memory_space<vmem>>) target(%dma_start3A_120 : memref<10240xf32, #tpu.memory_space<vmem_shared>>) offsets(%dma_start3A_118 : memref<125xi32, #tpu.memory_space<vmem>>) semaphore(%run_scoped3A_116 : memref<!tpu.dma_semaphore, #tpu.memory_space<semaphore_mem>>) {add = true}
        %dma_wait3A = arith.constant 0 : i32
        %dma_wait3A_121 = tpu.memref_slice %arg8[%run_scoped3A_109, %dma_wait3A] : memref<16x125xi32, #tpu.memory_space<vmem>> -> memref<1x125xi32, #tpu.memory_space<vmem>>
        %dma_wait3A_122 = tpu.memref_squeeze %dma_wait3A_121 : memref<1x125xi32, #tpu.memory_space<vmem>> -> memref<125xi32, #tpu.memory_space<vmem>>
        %dma_wait3A_123 = arith.constant 0 : i32
        %dma_wait3A_124 = tpu.memref_slice %arg12[%dma_wait3A_123] : memref<10240xf32, #tpu.memory_space<vmem_shared>> -> memref<10240xf32, #tpu.memory_space<vmem_shared>>
        tpu.wait_indirect_dma semaphore(%run_scoped3A_116 : memref<!tpu.dma_semaphore, #tpu.memory_space<semaphore_mem>>) src(%arg9 : memref<125xf32, #tpu.memory_space<vmem>>) dst(%dma_wait3A_124 : memref<10240xf32, #tpu.memory_space<vmem_shared>>)
        tpu.yield
      }) : () -> ()
      %run_scoped3A_110 = arith.constant 11 : i32
      "tpu.region"() ({
        %run_scoped3A_116 = tpu.sem_alloc : memref<!tpu.dma_semaphore, #tpu.memory_space<semaphore_mem>>
        %dma_start3A = arith.constant 0 : i32
        %dma_start3A_117 = tpu.memref_slice %arg8[%run_scoped3A_110, %dma_start3A] : memref<16x125xi32, #tpu.memory_space<vmem>> -> memref<1x125xi32, #tpu.memory_space<vmem>>
        %dma_start3A_118 = tpu.memref_squeeze %dma_start3A_117 : memref<1x125xi32, #tpu.memory_space<vmem>> -> memref<125xi32, #tpu.memory_space<vmem>>
        %dma_start3A_119 = arith.constant 0 : i32
        %dma_start3A_120 = tpu.memref_slice %arg12[%dma_start3A_119] : memref<10240xf32, #tpu.memory_space<vmem_shared>> -> memref<10240xf32, #tpu.memory_space<vmem_shared>>
        tpu.enqueue_indirect_dma source(%arg9 : memref<125xf32, #tpu.memory_space<vmem>>) target(%dma_start3A_120 : memref<10240xf32, #tpu.memory_space<vmem_shared>>) offsets(%dma_start3A_118 : memref<125xi32, #tpu.memory_space<vmem>>) semaphore(%run_scoped3A_116 : memref<!tpu.dma_semaphore, #tpu.memory_space<semaphore_mem>>) {add = true}
        %dma_wait3A = arith.constant 0 : i32
        %dma_wait3A_121 = tpu.memref_slice %arg8[%run_scoped3A_110, %dma_wait3A] : memref<16x125xi32, #tpu.memory_space<vmem>> -> memref<1x125xi32, #tpu.memory_space<vmem>>
        %dma_wait3A_122 = tpu.memref_squeeze %dma_wait3A_121 : memref<1x125xi32, #tpu.memory_space<vmem>> -> memref<125xi32, #tpu.memory_space<vmem>>
        %dma_wait3A_123 = arith.constant 0 : i32
        %dma_wait3A_124 = tpu.memref_slice %arg12[%dma_wait3A_123] : memref<10240xf32, #tpu.memory_space<vmem_shared>> -> memref<10240xf32, #tpu.memory_space<vmem_shared>>
        tpu.wait_indirect_dma semaphore(%run_scoped3A_116 : memref<!tpu.dma_semaphore, #tpu.memory_space<semaphore_mem>>) src(%arg9 : memref<125xf32, #tpu.memory_space<vmem>>) dst(%dma_wait3A_124 : memref<10240xf32, #tpu.memory_space<vmem_shared>>)
        tpu.yield
      }) : () -> ()
      %run_scoped3A_111 = arith.constant 12 : i32
      "tpu.region"() ({
        %run_scoped3A_116 = tpu.sem_alloc : memref<!tpu.dma_semaphore, #tpu.memory_space<semaphore_mem>>
        %dma_start3A = arith.constant 0 : i32
        %dma_start3A_117 = tpu.memref_slice %arg8[%run_scoped3A_111, %dma_start3A] : memref<16x125xi32, #tpu.memory_space<vmem>> -> memref<1x125xi32, #tpu.memory_space<vmem>>
        %dma_start3A_118 = tpu.memref_squeeze %dma_start3A_117 : memref<1x125xi32, #tpu.memory_space<vmem>> -> memref<125xi32, #tpu.memory_space<vmem>>
        %dma_start3A_119 = arith.constant 0 : i32
        %dma_start3A_120 = tpu.memref_slice %arg12[%dma_start3A_119] : memref<10240xf32, #tpu.memory_space<vmem_shared>> -> memref<10240xf32, #tpu.memory_space<vmem_shared>>
        tpu.enqueue_indirect_dma source(%arg9 : memref<125xf32, #tpu.memory_space<vmem>>) target(%dma_start3A_120 : memref<10240xf32, #tpu.memory_space<vmem_shared>>) offsets(%dma_start3A_118 : memref<125xi32, #tpu.memory_space<vmem>>) semaphore(%run_scoped3A_116 : memref<!tpu.dma_semaphore, #tpu.memory_space<semaphore_mem>>) {add = true}
        %dma_wait3A = arith.constant 0 : i32
        %dma_wait3A_121 = tpu.memref_slice %arg8[%run_scoped3A_111, %dma_wait3A] : memref<16x125xi32, #tpu.memory_space<vmem>> -> memref<1x125xi32, #tpu.memory_space<vmem>>
        %dma_wait3A_122 = tpu.memref_squeeze %dma_wait3A_121 : memref<1x125xi32, #tpu.memory_space<vmem>> -> memref<125xi32, #tpu.memory_space<vmem>>
        %dma_wait3A_123 = arith.constant 0 : i32
        %dma_wait3A_124 = tpu.memref_slice %arg12[%dma_wait3A_123] : memref<10240xf32, #tpu.memory_space<vmem_shared>> -> memref<10240xf32, #tpu.memory_space<vmem_shared>>
        tpu.wait_indirect_dma semaphore(%run_scoped3A_116 : memref<!tpu.dma_semaphore, #tpu.memory_space<semaphore_mem>>) src(%arg9 : memref<125xf32, #tpu.memory_space<vmem>>) dst(%dma_wait3A_124 : memref<10240xf32, #tpu.memory_space<vmem_shared>>)
        tpu.yield
      }) : () -> ()
      %run_scoped3A_112 = arith.constant 13 : i32
      "tpu.region"() ({
        %run_scoped3A_116 = tpu.sem_alloc : memref<!tpu.dma_semaphore, #tpu.memory_space<semaphore_mem>>
        %dma_start3A = arith.constant 0 : i32
        %dma_start3A_117 = tpu.memref_slice %arg8[%run_scoped3A_112, %dma_start3A] : memref<16x125xi32, #tpu.memory_space<vmem>> -> memref<1x125xi32, #tpu.memory_space<vmem>>
        %dma_start3A_118 = tpu.memref_squeeze %dma_start3A_117 : memref<1x125xi32, #tpu.memory_space<vmem>> -> memref<125xi32, #tpu.memory_space<vmem>>
        %dma_start3A_119 = arith.constant 0 : i32
        %dma_start3A_120 = tpu.memref_slice %arg12[%dma_start3A_119] : memref<10240xf32, #tpu.memory_space<vmem_shared>> -> memref<10240xf32, #tpu.memory_space<vmem_shared>>
        tpu.enqueue_indirect_dma source(%arg9 : memref<125xf32, #tpu.memory_space<vmem>>) target(%dma_start3A_120 : memref<10240xf32, #tpu.memory_space<vmem_shared>>) offsets(%dma_start3A_118 : memref<125xi32, #tpu.memory_space<vmem>>) semaphore(%run_scoped3A_116 : memref<!tpu.dma_semaphore, #tpu.memory_space<semaphore_mem>>) {add = true}
        %dma_wait3A = arith.constant 0 : i32
        %dma_wait3A_121 = tpu.memref_slice %arg8[%run_scoped3A_112, %dma_wait3A] : memref<16x125xi32, #tpu.memory_space<vmem>> -> memref<1x125xi32, #tpu.memory_space<vmem>>
        %dma_wait3A_122 = tpu.memref_squeeze %dma_wait3A_121 : memref<1x125xi32, #tpu.memory_space<vmem>> -> memref<125xi32, #tpu.memory_space<vmem>>
        %dma_wait3A_123 = arith.constant 0 : i32
        %dma_wait3A_124 = tpu.memref_slice %arg12[%dma_wait3A_123] : memref<10240xf32, #tpu.memory_space<vmem_shared>> -> memref<10240xf32, #tpu.memory_space<vmem_shared>>
        tpu.wait_indirect_dma semaphore(%run_scoped3A_116 : memref<!tpu.dma_semaphore, #tpu.memory_space<semaphore_mem>>) src(%arg9 : memref<125xf32, #tpu.memory_space<vmem>>) dst(%dma_wait3A_124 : memref<10240xf32, #tpu.memory_space<vmem_shared>>)
        tpu.yield
      }) : () -> ()
      %run_scoped3A_113 = arith.constant 14 : i32
      "tpu.region"() ({
        %run_scoped3A_116 = tpu.sem_alloc : memref<!tpu.dma_semaphore, #tpu.memory_space<semaphore_mem>>
        %dma_start3A = arith.constant 0 : i32
        %dma_start3A_117 = tpu.memref_slice %arg8[%run_scoped3A_113, %dma_start3A] : memref<16x125xi32, #tpu.memory_space<vmem>> -> memref<1x125xi32, #tpu.memory_space<vmem>>
        %dma_start3A_118 = tpu.memref_squeeze %dma_start3A_117 : memref<1x125xi32, #tpu.memory_space<vmem>> -> memref<125xi32, #tpu.memory_space<vmem>>
        %dma_start3A_119 = arith.constant 0 : i32
        %dma_start3A_120 = tpu.memref_slice %arg12[%dma_start3A_119] : memref<10240xf32, #tpu.memory_space<vmem_shared>> -> memref<10240xf32, #tpu.memory_space<vmem_shared>>
        tpu.enqueue_indirect_dma source(%arg9 : memref<125xf32, #tpu.memory_space<vmem>>) target(%dma_start3A_120 : memref<10240xf32, #tpu.memory_space<vmem_shared>>) offsets(%dma_start3A_118 : memref<125xi32, #tpu.memory_space<vmem>>) semaphore(%run_scoped3A_116 : memref<!tpu.dma_semaphore, #tpu.memory_space<semaphore_mem>>) {add = true}
        %dma_wait3A = arith.constant 0 : i32
        %dma_wait3A_121 = tpu.memref_slice %arg8[%run_scoped3A_113, %dma_wait3A] : memref<16x125xi32, #tpu.memory_space<vmem>> -> memref<1x125xi32, #tpu.memory_space<vmem>>
        %dma_wait3A_122 = tpu.memref_squeeze %dma_wait3A_121 : memref<1x125xi32, #tpu.memory_space<vmem>> -> memref<125xi32, #tpu.memory_space<vmem>>
        %dma_wait3A_123 = arith.constant 0 : i32
        %dma_wait3A_124 = tpu.memref_slice %arg12[%dma_wait3A_123] : memref<10240xf32, #tpu.memory_space<vmem_shared>> -> memref<10240xf32, #tpu.memory_space<vmem_shared>>
        tpu.wait_indirect_dma semaphore(%run_scoped3A_116 : memref<!tpu.dma_semaphore, #tpu.memory_space<semaphore_mem>>) src(%arg9 : memref<125xf32, #tpu.memory_space<vmem>>) dst(%dma_wait3A_124 : memref<10240xf32, #tpu.memory_space<vmem_shared>>)
        tpu.yield
      }) : () -> ()
      %run_scoped3A_114 = arith.constant 15 : i32
      "tpu.region"() ({
        %run_scoped3A_116 = tpu.sem_alloc : memref<!tpu.dma_semaphore, #tpu.memory_space<semaphore_mem>>
        %dma_start3A = arith.constant 0 : i32
        %dma_start3A_117 = tpu.memref_slice %arg8[%run_scoped3A_114, %dma_start3A] : memref<16x125xi32, #tpu.memory_space<vmem>> -> memref<1x125xi32, #tpu.memory_space<vmem>>
        %dma_start3A_118 = tpu.memref_squeeze %dma_start3A_117 : memref<1x125xi32, #tpu.memory_space<vmem>> -> memref<125xi32, #tpu.memory_space<vmem>>
        %dma_start3A_119 = arith.constant 0 : i32
        %dma_start3A_120 = tpu.memref_slice %arg12[%dma_start3A_119] : memref<10240xf32, #tpu.memory_space<vmem_shared>> -> memref<10240xf32, #tpu.memory_space<vmem_shared>>
        tpu.enqueue_indirect_dma source(%arg9 : memref<125xf32, #tpu.memory_space<vmem>>) target(%dma_start3A_120 : memref<10240xf32, #tpu.memory_space<vmem_shared>>) offsets(%dma_start3A_118 : memref<125xi32, #tpu.memory_space<vmem>>) semaphore(%run_scoped3A_116 : memref<!tpu.dma_semaphore, #tpu.memory_space<semaphore_mem>>) {add = true}
        %dma_wait3A = arith.constant 0 : i32
        %dma_wait3A_121 = tpu.memref_slice %arg8[%run_scoped3A_114, %dma_wait3A] : memref<16x125xi32, #tpu.memory_space<vmem>> -> memref<1x125xi32, #tpu.memory_space<vmem>>
        %dma_wait3A_122 = tpu.memref_squeeze %dma_wait3A_121 : memref<1x125xi32, #tpu.memory_space<vmem>> -> memref<125xi32, #tpu.memory_space<vmem>>
        %dma_wait3A_123 = arith.constant 0 : i32
        %dma_wait3A_124 = tpu.memref_slice %arg12[%dma_wait3A_123] : memref<10240xf32, #tpu.memory_space<vmem_shared>> -> memref<10240xf32, #tpu.memory_space<vmem_shared>>
        tpu.wait_indirect_dma semaphore(%run_scoped3A_116 : memref<!tpu.dma_semaphore, #tpu.memory_space<semaphore_mem>>) src(%arg9 : memref<125xf32, #tpu.memory_space<vmem>>) dst(%dma_wait3A_124 : memref<10240xf32, #tpu.memory_space<vmem_shared>>)
        tpu.yield
      }) : () -> ()
      %while3A_115 = arith.constant 0 : i32
      scf.yield %while3A_115 : i32
    }
    %barrier3A_77 = arith.constant 0 : index
    tpu.barrier barrier_id(%barrier3A_77)
    %mul3A_78 = arith.constant 10000 : i32
    %mul3A_79 = arith.muli %arg1, %mul3A_78 : i32
    "tpu.region"() ({
      %run_scoped3A = tpu.sem_alloc : memref<!tpu.dma_semaphore, #tpu.memory_space<semaphore_mem>>
      %dma_start3A = tpu.memref_slice %arg11[%mul3A_79] : memref<160000xf32, #tpu.memory_space<vmem_shared>> -> memref<10000xf32, #tpu.memory_space<vmem_shared>>
      %dma_start3A_92 = tpu.memref_slice %arg11[%mul3A_79] : memref<160000xf32, #tpu.memory_space<vmem_shared>> -> memref<10000xf32, #tpu.memory_space<vmem_shared>>
      tpu.enqueue_dma source(%dma_start3A_92 : memref<10000xf32, #tpu.memory_space<vmem_shared>>) target(%arg10 : memref<10000xf32, #tpu.memory_space<vmem>>) target_semaphore(%run_scoped3A : memref<!tpu.dma_semaphore, #tpu.memory_space<semaphore_mem>>)
      %dma_wait3A = tpu.memref_slice %arg11[%mul3A_79] : memref<160000xf32, #tpu.memory_space<vmem_shared>> -> memref<10000xf32, #tpu.memory_space<vmem_shared>>
      %dma_wait3A_93 = tpu.memref_slice %arg11[%mul3A_79] : memref<160000xf32, #tpu.memory_space<vmem_shared>> -> memref<10000xf32, #tpu.memory_space<vmem_shared>>
      tpu.wait_dma2 semaphore(%run_scoped3A : memref<!tpu.dma_semaphore, #tpu.memory_space<semaphore_mem>>) src(%dma_wait3A_93 : memref<10000xf32, #tpu.memory_space<vmem_shared>>) dst(%arg10 : memref<10000xf32, #tpu.memory_space<vmem>>)
      tpu.yield
    }) : () -> ()
    %mul3A_80 = arith.constant 160000 : i32
    %mul3A_81 = arith.muli %arg0, %mul3A_80 : i32
    %mul3A_82 = arith.constant 10000 : i32
    %mul3A_83 = arith.muli %arg1, %mul3A_82 : i32
    %add3A_84 = arith.addi %mul3A_81, %mul3A_83 : i32
    "tpu.region"() ({
      %run_scoped3A = tpu.sem_alloc : memref<!tpu.dma_semaphore, #tpu.memory_space<semaphore_mem>>
      %dma_start3A = tpu.memref_slice %arg6[%add3A_84] : memref<320000xf32, #tpu.memory_space<hbm>> -> memref<10000xf32, #tpu.memory_space<hbm>>
      %dma_start3A_92 = tpu.memref_slice %arg6[%add3A_84] : memref<320000xf32, #tpu.memory_space<hbm>> -> memref<10000xf32, #tpu.memory_space<hbm>>
      tpu.enqueue_dma source(%arg10 : memref<10000xf32, #tpu.memory_space<vmem>>) target(%dma_start3A_92 : memref<10000xf32, #tpu.memory_space<hbm>>) target_semaphore(%run_scoped3A : memref<!tpu.dma_semaphore, #tpu.memory_space<semaphore_mem>>)
      %dma_wait3A = tpu.memref_slice %arg6[%add3A_84] : memref<320000xf32, #tpu.memory_space<hbm>> -> memref<10000xf32, #tpu.memory_space<hbm>>
      %dma_wait3A_93 = tpu.memref_slice %arg6[%add3A_84] : memref<320000xf32, #tpu.memory_space<hbm>> -> memref<10000xf32, #tpu.memory_space<hbm>>
      tpu.wait_dma2 semaphore(%run_scoped3A : memref<!tpu.dma_semaphore, #tpu.memory_space<semaphore_mem>>) src(%arg10 : memref<10000xf32, #tpu.memory_space<vmem>>) dst(%dma_wait3A_93 : memref<10000xf32, #tpu.memory_space<hbm>>)
      tpu.yield
    }) : () -> ()
    %mul3A_85 = arith.constant 640 : i32
    %mul3A_86 = arith.muli %arg1, %mul3A_85 : i32
    "tpu.region"() ({
      %run_scoped3A = tpu.sem_alloc : memref<!tpu.dma_semaphore, #tpu.memory_space<semaphore_mem>>
      %dma_start3A = arith.constant 0 : i32
      %dma_start3A_92 = tpu.memref_slice %arg10[%dma_start3A] : memref<10000xf32, #tpu.memory_space<vmem>> -> memref<640xf32, #tpu.memory_space<vmem>>
      %dma_start3A_93 = tpu.memref_slice %arg12[%mul3A_86] : memref<10240xf32, #tpu.memory_space<vmem_shared>> -> memref<640xf32, #tpu.memory_space<vmem_shared>>
      %dma_start3A_94 = arith.constant 0 : i32
      %dma_start3A_95 = tpu.memref_slice %arg10[%dma_start3A_94] : memref<10000xf32, #tpu.memory_space<vmem>> -> memref<640xf32, #tpu.memory_space<vmem>>
      %dma_start3A_96 = tpu.memref_slice %arg12[%mul3A_86] : memref<10240xf32, #tpu.memory_space<vmem_shared>> -> memref<640xf32, #tpu.memory_space<vmem_shared>>
      tpu.enqueue_dma source(%dma_start3A_96 : memref<640xf32, #tpu.memory_space<vmem_shared>>) target(%dma_start3A_95 : memref<640xf32, #tpu.memory_space<vmem>>) target_semaphore(%run_scoped3A : memref<!tpu.dma_semaphore, #tpu.memory_space<semaphore_mem>>)
      %dma_wait3A = arith.constant 0 : i32
      %dma_wait3A_97 = tpu.memref_slice %arg10[%dma_wait3A] : memref<10000xf32, #tpu.memory_space<vmem>> -> memref<640xf32, #tpu.memory_space<vmem>>
      %dma_wait3A_98 = tpu.memref_slice %arg12[%mul3A_86] : memref<10240xf32, #tpu.memory_space<vmem_shared>> -> memref<640xf32, #tpu.memory_space<vmem_shared>>
      %dma_wait3A_99 = arith.constant 0 : i32
      %dma_wait3A_100 = tpu.memref_slice %arg10[%dma_wait3A_99] : memref<10000xf32, #tpu.memory_space<vmem>> -> memref<640xf32, #tpu.memory_space<vmem>>
      %dma_wait3A_101 = tpu.memref_slice %arg12[%mul3A_86] : memref<10240xf32, #tpu.memory_space<vmem_shared>> -> memref<640xf32, #tpu.memory_space<vmem_shared>>
      tpu.wait_dma2 semaphore(%run_scoped3A : memref<!tpu.dma_semaphore, #tpu.memory_space<semaphore_mem>>) src(%dma_wait3A_101 : memref<640xf32, #tpu.memory_space<vmem_shared>>) dst(%dma_wait3A_100 : memref<640xf32, #tpu.memory_space<vmem>>)
      tpu.yield
    }) : () -> ()
    %mul3A_87 = arith.constant 10240 : i32
    %mul3A_88 = arith.muli %arg0, %mul3A_87 : i32
    %mul3A_89 = arith.constant 640 : i32
    %mul3A_90 = arith.muli %arg1, %mul3A_89 : i32
    %add3A_91 = arith.addi %mul3A_88, %mul3A_90 : i32
    "tpu.region"() ({
      %run_scoped3A = tpu.sem_alloc : memref<!tpu.dma_semaphore, #tpu.memory_space<semaphore_mem>>
      %dma_start3A = arith.constant 0 : i32
      %dma_start3A_92 = tpu.memref_slice %arg10[%dma_start3A] : memref<10000xf32, #tpu.memory_space<vmem>> -> memref<640xf32, #tpu.memory_space<vmem>>
      %dma_start3A_93 = tpu.memref_slice %arg7[%add3A_91] : memref<20480xf32, #tpu.memory_space<hbm>> -> memref<640xf32, #tpu.memory_space<hbm>>
      %dma_start3A_94 = tpu.memref_slice %arg7[%add3A_91] : memref<20480xf32, #tpu.memory_space<hbm>> -> memref<640xf32, #tpu.memory_space<hbm>>
      %dma_start3A_95 = arith.constant 0 : i32
      %dma_start3A_96 = tpu.memref_slice %arg10[%dma_start3A_95] : memref<10000xf32, #tpu.memory_space<vmem>> -> memref<640xf32, #tpu.memory_space<vmem>>
      tpu.enqueue_dma source(%dma_start3A_96 : memref<640xf32, #tpu.memory_space<vmem>>) target(%dma_start3A_94 : memref<640xf32, #tpu.memory_space<hbm>>) target_semaphore(%run_scoped3A : memref<!tpu.dma_semaphore, #tpu.memory_space<semaphore_mem>>)
      %dma_wait3A = arith.constant 0 : i32
      %dma_wait3A_97 = tpu.memref_slice %arg10[%dma_wait3A] : memref<10000xf32, #tpu.memory_space<vmem>> -> memref<640xf32, #tpu.memory_space<vmem>>
      %dma_wait3A_98 = tpu.memref_slice %arg7[%add3A_91] : memref<20480xf32, #tpu.memory_space<hbm>> -> memref<640xf32, #tpu.memory_space<hbm>>
      %dma_wait3A_99 = tpu.memref_slice %arg7[%add3A_91] : memref<20480xf32, #tpu.memory_space<hbm>> -> memref<640xf32, #tpu.memory_space<hbm>>
      %dma_wait3A_100 = arith.constant 0 : i32
      %dma_wait3A_101 = tpu.memref_slice %arg10[%dma_wait3A_100] : memref<10000xf32, #tpu.memory_space<vmem>> -> memref<640xf32, #tpu.memory_space<vmem>>
      tpu.wait_dma2 semaphore(%run_scoped3A : memref<!tpu.dma_semaphore, #tpu.memory_space<semaphore_mem>>) src(%dma_wait3A_101 : memref<640xf32, #tpu.memory_space<vmem>>) dst(%dma_wait3A_99 : memref<640xf32, #tpu.memory_space<hbm>>)
      tpu.yield
    }) : () -> ()
    return
  }
}

module attributes {stable_mosaic.version = 14 : i64} {
  func.func @_mm_kernel(%arg0: i32, %arg1: memref<512x128xf32, #tpu.memory_space<vmem>>, %arg2: memref<128x128xf32, #tpu.memory_space<vmem>>, %arg3: memref<512x128xf32, #tpu.memory_space<vmem>>) attributes {dimension_semantics = [#tpu.dimension_semantics<arbitrary>], iteration_bounds = array<i64: 20>, scalar_prefetch = 0 : i64, scratch_operands = 0 : i64, tpu.core_type = #tpu.core_type<tc>, window_params = [{transform_indices = @transform_0, window_bounds = array<i64: 512, 128>}, {pipeline_mode = #tpu.pipeline_mode<synchronous>, transform_indices = @transform_1, window_bounds = array<i64: 128, 128>}, {transform_indices = @transform_2, window_bounds = array<i64: 512, 128>}]} {
    %get3A = arith.constant 0 : index
    %get3A_0 = arith.constant 0 : index
    %get3A_1 = vector.load %arg1[%get3A, %get3A_0] : memref<512x128xf32, #tpu.memory_space<vmem>>, vector<512x128xf32>
    %get3A_2 = arith.constant 0 : index
    %get3A_3 = arith.constant 0 : index
    %get3A_4 = vector.load %arg2[%get3A_2, %get3A_3] : memref<128x128xf32, #tpu.memory_space<vmem>>, vector<128x128xf32>
    %dot_general3A = arith.constant dense<0.000000e+00> : vector<512x128xf32>
    %dot_general3A_5 = tpu.matmul %get3A_1, %get3A_4, %dot_general3A {dimension_numbers = #tpu.dot_dimension_numbers<[1], [0], [0], [1], [0, 0, 1, 1], [], []>, transpose_lhs_hint = false} : vector<512x128xf32>, vector<128x128xf32>, vector<512x128xf32> -> vector<512x128xf32>
    %swap3A = arith.constant 0 : index
    %swap3A_6 = arith.constant 0 : index
    %swap3A_7 = vector.load %arg3[%swap3A, %swap3A_6] : memref<512x128xf32, #tpu.memory_space<vmem>>, vector<512x128xf32>
    tpu.vector_store %arg3[%swap3A, %swap3A_6], %dot_general3A_5 {strides = array<i32>} : memref<512x128xf32, #tpu.memory_space<vmem>>, vector<512x128xf32>,
    return
  }
  func.func @transform_0(%arg0: i32) -> (i32, i32) {
    %c0_i32 = arith.constant 0 : i32
    %c0_i32_0 = arith.constant 0 : i32
    return %arg0, %c0_i32 : i32, i32
  }
  func.func @transform_1(%arg0: i32) -> (i32, i32) {
    %c0_i32 = arith.constant 0 : i32
    %c0_i32_0 = arith.constant 0 : i32
    %c0_i32_1 = arith.constant 0 : i32
    return %c0_i32, %c0_i32_0 : i32, i32
  }
  func.func @transform_2(%arg0: i32) -> (i32, i32) {
    %c0_i32 = arith.constant 0 : i32
    %c0_i32_0 = arith.constant 0 : i32
    return %arg0, %c0_i32 : i32, i32
  }
}

module attributes {stable_mosaic.version = 14 : i64} {
  func.func @_fused2_kernel(%arg0: i32, %arg1: memref<1024x128xf32, #tpu.memory_space<vmem>>, %arg2: memref<1024x1xf32, #tpu.memory_space<vmem>>, %arg3: memref<1x128xf32, #tpu.memory_space<vmem>>, %arg4: memref<128x64xf32, #tpu.memory_space<vmem>>, %arg5: memref<1024x64xf32, #tpu.memory_space<vmem>>) attributes {dimension_semantics = [#tpu.dimension_semantics<arbitrary>], iteration_bounds = array<i64: 157>, scalar_prefetch = 0 : i64, scratch_operands = 0 : i64, tpu.core_type = #tpu.core_type<tc>, window_params = [{transform_indices = @transform_0, window_bounds = array<i64: 1024, 128>}, {transform_indices = @transform_1, window_bounds = array<i64: 1024, 1>}, {pipeline_mode = #tpu.pipeline_mode<synchronous>, transform_indices = @transform_2, window_bounds = array<i64: 1, 128>}, {pipeline_mode = #tpu.pipeline_mode<synchronous>, transform_indices = @transform_3, window_bounds = array<i64: 128, 64>}, {transform_indices = @transform_4, window_bounds = array<i64: 1024, 64>}]} {
    %get3A = arith.constant 0 : index
    %get3A_0 = arith.constant 0 : index
    %get3A_1 = vector.load %arg2[%get3A, %get3A_0] : memref<1024x1xf32, #tpu.memory_space<vmem>>, vector<1024x1xf32>
    %get3A_2 = arith.constant 0 : index
    %get3A_3 = arith.constant 0 : index
    %get3A_4 = vector.load %arg1[%get3A_2, %get3A_3] : memref<1024x128xf32, #tpu.memory_space<vmem>>, vector<1024x128xf32>
    %mul3A = vector.broadcast %get3A_1 : vector<1024x1xf32> to vector<1024x128xf32>
    %mul3A_5 = arith.mulf %mul3A, %get3A_4 : vector<1024x128xf32>
    %get3A_6 = arith.constant 0 : index
    %get3A_7 = arith.constant 0 : index
    %get3A_8 = vector.load %arg3[%get3A_6, %get3A_7] : memref<1x128xf32, #tpu.memory_space<vmem>>, vector<1x128xf32>
    %add3A = vector.broadcast %get3A_8 : vector<1x128xf32> to vector<1024x128xf32>
    %add3A_9 = arith.addf %mul3A_5, %add3A : vector<1024x128xf32>
    %max3A = arith.constant 0.000000e+00 : f32
    %max3A_10 = vector.broadcast %max3A : f32 to vector<1024x128xf32>
    %max3A_11 = arith.maximumf %add3A_9, %max3A_10 : vector<1024x128xf32>
    %get3A_12 = arith.constant 0 : index
    %get3A_13 = arith.constant 0 : index
    %get3A_14 = vector.load %arg4[%get3A_12, %get3A_13] : memref<128x64xf32, #tpu.memory_space<vmem>>, vector<128x64xf32>
    %dot_general3A = arith.constant dense<0.000000e+00> : vector<1024x64xf32>
    %dot_general3A_15 = tpu.matmul %max3A_11, %get3A_14, %dot_general3A {dimension_numbers = #tpu.dot_dimension_numbers<[1], [0], [0], [1], [0, 0, 1, 1], [], []>, transpose_lhs_hint = false} : vector<1024x128xf32>, vector<128x64xf32>, vector<1024x64xf32> -> vector<1024x64xf32>
    %mul3A_16 = vector.broadcast %get3A_1 : vector<1024x1xf32> to vector<1024x64xf32>
    %mul3A_17 = arith.mulf %mul3A_16, %dot_general3A_15 : vector<1024x64xf32>
    %swap3A = arith.constant 0 : index
    %swap3A_18 = arith.constant 0 : index
    %swap3A_19 = vector.load %arg5[%swap3A, %swap3A_18] : memref<1024x64xf32, #tpu.memory_space<vmem>>, vector<1024x64xf32>
    tpu.vector_store %arg5[%swap3A, %swap3A_18], %mul3A_17 {strides = array<i32>} : memref<1024x64xf32, #tpu.memory_space<vmem>>, vector<1024x64xf32>,
    return
  }
  func.func @transform_0(%arg0: i32) -> (i32, i32) {
    %c0_i32 = arith.constant 0 : i32
    %c0_i32_0 = arith.constant 0 : i32
    return %arg0, %c0_i32 : i32, i32
  }
  func.func @transform_1(%arg0: i32) -> (i32, i32) {
    %c0_i32 = arith.constant 0 : i32
    %c0_i32_0 = arith.constant 0 : i32
    return %arg0, %c0_i32 : i32, i32
  }
  func.func @transform_2(%arg0: i32) -> (i32, i32) {
    %c0_i32 = arith.constant 0 : i32
    %c0_i32_0 = arith.constant 0 : i32
    %c0_i32_1 = arith.constant 0 : i32
    return %c0_i32, %c0_i32_0 : i32, i32
  }
  func.func @transform_3(%arg0: i32) -> (i32, i32) {
    %c0_i32 = arith.constant 0 : i32
    %c0_i32_0 = arith.constant 0 : i32
    %c0_i32_1 = arith.constant 0 : i32
    return %c0_i32, %c0_i32_0 : i32, i32
  }
  func.func @transform_4(%arg0: i32) -> (i32, i32) {
    %c0_i32 = arith.constant 0 : i32
    %c0_i32_0 = arith.constant 0 : i32
    return %arg0, %c0_i32 : i32, i32
  }
}

</mosaic_0001>

<sc_bundles>
// kernel: gather_offload_async_start.1
scs
__scs_entry_jumppad:
0x0: {  	(pc) =	sbr.rel $0x88, $3  }
0x1: {  	(tag) =	ssettag $0x0;
	lr =	simm.s32 $0x1  }
0x2: {  	[smem:$0x3F9A] =	sst lr;
	_ =	strace $0xD0000000  }
0x3: {  	_ = 	snop  }
0x4: {  	_ = 	snop  }
0x5: {  	_ = 	snop  }
0x6: {  	_ = 	snop  }
0x7: {  	_ = 	snop  }
__scs_overlays_trampoline_lowered:
0x8: {  	[smem:$0x3FA9] =	sst s0  }
0x9: {  	[smem:$0x3FAA] =	sst s1  }
0xa: {  	[smem:$0x3FAB] =	sst s2  }
0xb: {  	[smem:$0x3FAC] =	sst s3  }
0xc: {  	[smem:$0x3FAD] =	sst s4  }
0xd: {  	[smem:$0x3FAE] =	sst s5  }
0xe: {  	[smem:$0x3FAF] =	sst s6  }
0xf: {  	[smem:$0x3FB0] =	sst s7  }
0x10: {  	[smem:$0x3FB1] =	sst s8  }
0x11: {  	[smem:$0x3FB2] =	sst s9;
	s0 =	simm.s32 @!p0 $0x0  }
0x12: {  	s1 =	sld [smem:$0x3F98];
	s0 =	simm.s32 @p0 $0x1  }
0x13: {  	[smem:$0x3FB3] =	sst s0;
	s0 =	simm.s32 @!p1 $0x0  }
0x14: {  	s2 =	sld [smem:$0x3F97];
	s0 =	simm.s32 @p1 $0x1  }
0x15: {  	[smem:$0x3FB4] =	sst s0;
	s0 =	simm.s32 @!p2 $0x0  }
0x16: {  	s3 =	sld [smem:$0x3FDB];
	s0 =	simm.s32 @p2 $0x1  }
0x17: {  	s4 =	simm.s32 $0x1BF5;
	[smem:$0x3FB6] =	sst s0  }
0x18: {  	s0 =	sld [smem:$0x3F99];
	_ =	swait.ge [sflag:s4], $0x0  }
0x19: {  	s7 =	sld [smem:$0x3F9A]  }
0x1a: {  	s8 =	sadd.s32 $0xFFFFE003, lr  }
0x1b: {  	s9 =	sadd.s32 $0xFFFFFEF7, lr;
	s5 =	simm.s32 $0xFFFFFFFF;
	p2 =	slt.u32 s8, $0xFFFFF086  }
0x1c: {  	p1 =	slt.u32 s9, $0xF7A;
	s5 =	simm.s32 @!p2 $0x0  }
0x1d: {  	s5 =	simm.s32 @p1 $0x1;
	p0 =	seq.s32 s7, s2  }
0x1e: {  	s7 =	smul.u32 @!p0 $0xF7A, s2;
	p2 =	seq.s32 @!p0 s5, $0x0  }
0x1f: {  	s9 =	smul.u32 $0xF7A, s1;
	s8 =	simm.s32 @!p0 $0x1BF5;
	p2 =	por !p2, p0  }
0x20: {  	[sflag:s8] =	ssyncset.s32 @!p0 $0xFFFFF086;
	s6 =	sadd.s32 @!p0 s3, s7;
	s7 =	simm.s32 @!p0 $0x108  }
0x21: {  	s3 =	sadd.s32 s3, s9;
	s6 =	sadd.s32 @!p0 $0x88, s6;
	s7 =	simm.s32 @p2 $0x1082  }
0x22: {  	[simem:s7], [sflag:s8] =	dma.local @!p0 [hbm:s6], $0xF7A  }
0x23: {  	s9 =	sor.u32 $0xD0000000, s2;
	s6 =	simm.s32 $0x108;
	_ =	swait.ge @!p0 [sflag:s8], $0x0  }
0x24: {  	s3 =	sadd.s32 $0x88, s3;
	s6 =	simm.s32 @!p1 $0x1082;
	[sflag:s4] =	ssyncset.s32 $0xFFFFF086  }
0x25: {  	[simem:s6], [sflag:s4] =	dma.local [hbm:s3], $0xF7A  }
0x26: {  	[smem:$0x3F9A] =	sst s1;
	(tag) =	ssettag s2;
	_ =	strace s9  }
0x27: {  	s1 =	sld [smem:$0x3FAA]  }
0x28: {  	s2 =	sld [smem:$0x3FAB]  }
0x29: {  	s4 =	sld [smem:$0x3FAD]  }
0x2a: {  	p0 =	seq.s32 s5, $0x0;
	s5 =	sld [smem:$0x3FAE]  }
0x2b: {  	s6 =	sld [smem:$0x3FAF]  }
0x2c: {  	s7 =	sld [smem:$0x3FB0]  }
0x2d: {  	s3 =	simm.s32 $0x108;
	s8 =	sld [smem:$0x3FB1]  }
0x2e: {  	s3 =	simm.s32 @!p0 $0x1082;
	s9 =	sld [smem:$0x3FB2]  }
0x2f: {  	lr =	sadd.s32 s0, s3;
	s0 =	sld [smem:$0x3FA9]  }
0x30: {  	s3 =	sld [smem:$0x3FAC]  }
0x31: {  	[smem:$0x3FB5] =	sst s10  }
0x32: {  	s10 =	sld [smem:$0x3FB3];
	_ =	sdelay $0x3  }
0x33: {  	p0 =	seq.s32 s10, $0x1;
	s10 =	sld [smem:$0x3FB5];
	_ =	sdelay $0x3  }
0x34: {  	[smem:$0x3FB5] =	sst s10  }
0x35: {  	s10 =	sld [smem:$0x3FB4];
	_ =	sdelay $0x3  }
0x36: {  	p1 =	seq.s32 s10, $0x1;
	s10 =	sld [smem:$0x3FB5];
	_ =	sdelay $0x3  }
0x37: {  	[smem:$0x3FB5] =	sst s10  }
0x38: {  	s10 =	sld [smem:$0x3FB6]  }
0x39: {  	_ = 	snop;
	(pc) =	sbr.ind lr, $3  }
0x3a: {  	_ = 	snop  }
0x3b: {  	_ = 	snop  }
0x3c: {  	p2 =	seq.s32 s10, $0x1;
	s10 =	sld [smem:$0x3FB5]  }
0x3d: {  	_ =	shalt  }
0x3e: {  	_ =	shalt  }
0x3f: {  	_ =	shalt  }
0x40: {  	_ =	shalt  }
0x41: {  	_ =	shalt  }
0x42: {  	_ =	shalt  }
0x43: {  	_ =	shalt  }
0x44: {  	_ =	shalt  }
0x45: {  	_ =	shalt  }
0x46: {  	_ =	shalt  }
0x47: {  	_ =	shalt  }
0x48: {  	_ =	shalt  }
0x49: {  	_ =	shalt  }
0x4a: {  	_ =	shalt  }
0x4b: {  	_ =	shalt  }
0x4c: {  	_ =	shalt  }
0x4d: {  	_ =	shalt  }
0x4e: {  	_ =	shalt  }
0x4f: {  	_ =	shalt  }
0x50: {  	_ =	shalt  }
0x51: {  	_ =	shalt  }
0x52: {  	_ =	shalt  }
0x53: {  	_ =	shalt  }
0x54: {  	_ =	shalt  }
0x55: {  	_ =	shalt  }
0x56: {  	_ =	shalt  }
0x57: {  	_ =	shalt  }
0x58: {  	_ =	shalt  }
0x59: {  	_ =	shalt  }
0x5a: {  	_ =	shalt  }
0x5b: {  	_ =	shalt  }
0x5c: {  	_ =	shalt  }
0x5d: {  	_ =	shalt  }
0x5e: {  	_ =	shalt  }
0x5f: {  	_ =	shalt  }
0x60: {  	_ =	shalt  }
0x61: {  	_ =	shalt  }
0x62: {  	_ =	shalt  }
0x63: {  	_ =	shalt  }
0x64: {  	_ =	shalt  }
0x65: {  	_ =	shalt  }
0x66: {  	_ =	shalt  }
0x67: {  	_ =	shalt  }
0x68: {  	_ =	shalt  }
0x69: {  	_ =	shalt  }
0x6a: {  	_ =	shalt  }
0x6b: {  	_ =	shalt  }
0x6c: {  	_ =	shalt  }
0x6d: {  	_ =	shalt  }
0x6e: {  	_ =	shalt  }
0x6f: {  	_ =	shalt  }
0x70: {  	_ =	shalt  }
0x71: {  	_ =	shalt  }
0x72: {  	_ =	shalt  }
0x73: {  	_ =	shalt  }
0x74: {  	_ =	shalt  }
0x75: {  	_ =	shalt  }
0x76: {  	_ =	shalt  }
0x77: {  	_ =	shalt  }
0x78: {  	_ =	shalt  }
0x79: {  	_ =	shalt  }
0x7a: {  	_ =	shalt  }
0x7b: {  	_ =	shalt  }
0x7c: {  	_ =	shalt  }
0x7d: {  	_ =	shalt  }
0x7e: {  	_ =	shalt  }
0x7f: {  	_ =	shalt  }
0x80: {  	_ =	shalt  }
0x81: {  	_ =	shalt  }
0x82: {  	_ =	shalt  }
0x83: {  	_ =	shalt  }
0x84: {  	_ =	shalt  }
0x85: {  	_ =	shalt  }
0x86: {  	_ =	shalt  }
0x87: {  	_ =	shalt  }
.Lfunc_end0:
.L_simem_size_0:
called_computation.4_lowered:
.L_overlay_start_0:
0x88: {  	s2 =	sld [smem:$0x3FD9]  }
0x89: {  	s3 =	sld [smem:$0x3FFE];
	_ =	sdelay $0x1  }
0x8a: {  	s1 =	srdreg.scid  }
0x8b: {  	s0 =	sand.u32 $0x1, s1  }
0x8c: {  	s16 =	sshll.u32 s0, $0xA;
	s2 =	sadd.s32 s3, s2  }
0x8d: {  	s2 =	sadd.s32 s2, s16  }
0x8e: {  	[smem:$0x3FC1] =	sst s2  }
0x8f: {  	_ = 	snop  }
0x90: {  	(tm) =	ssettm $0x1  }
0x91: {  	s17 =	sld [smem:$0x3FFB];
	_ =	sdelay $0x3  }
0x92: {  	_ =	strace s17  }
0x93: {  	s2 =	sld [smem:$0x3FFC];
	_ =	sdelay $0x3  }
0x94: {  	_ =	strace s2  }
0x95: {  	s2 =	sld [smem:$0x3FFD];
	_ =	sdelay $0x3  }
0x96: {  	_ =	strace s2  }
0x97: {  	_ =	strace $0x8FFFFFFF  }
0x98: {  	s18 =	sld [smem:$0x3FDB];
	_ =	sdelay $0x1  }
0x99: {  	s19 =	simm.s32 $_scs_section_size  }
0x9a: {  	s4 =	simm.s32 $_size__tile_overlayer_lowered;
	s5 =	simm.s32 $_tile_overlayer_lowered  }
0x9b: {  	s22 =	simm.s32 $0x1BFF;
	s21 =	sshll.u32 s5, $0x1;
	s2 =	sadd.s32 s19, s18  }
0x9c: {  	s6 =	simm.s32 $0x0;
	s20 =	sshll.u32 s4, $0x1;
	s4 =	sadd.s32 s21, s2  }
0x9d: {  	[timem:s6], [sflag:s22] =	dma.local [hbm:s4], s20  }
0x9e: {  	_ =	swait.ge [sflag:s22], s20  }
0x9f: {  	s3 =	ssub.s32 $0x0, s20;
	[sflag:s22] =	ssyncset.done $0x0  }
0xa0: {  	[sflag:s22] =	ssyncadd.s32 s3;
	_ =	sdelay $0x1  }
0xa1: {  	s23 =	simm.s32 $0x1B8B  }
0xa2: {  	_ =	swait.ge [sflag:s23], $0x1  }
0xa3: {  	[sflag:s23] =	ssyncset.done $0x0  }
0xa4: {  	s25 =	simm.s32 $0x1B8E;
	s24 =	sld [smem:$0x3FFE];
	[sflag:s23] =	ssyncadd.s32 $0xFFFFFFFF  }
0xa5: {  	s26 =	simm.s32 $execute0_lowered;
	[smem:$0x3FD2] =	sst s25  }
0xa6: {  	s4 =	sshll.u32 s26, $0x1;
	_ =	strace $0x8000004F;
	[dreg:$0x1] =	wrdreg $0xFFFFFFFF  }
0xa7: {  	s28 =	simm.s32 $_size_execute0_lowered;
	s2 =	sadd.s32 s2, s4;
	[dreg:$0x0] =	wrdreg $0x0  }
0xa8: {  	s4 =	sshll.u32 s28, $0x1;
	[dreg:$0x2] =	wrdreg s2  }
0xa9: {  	[dreg:$0x3] =	wrdreg s4  }
0xaa: {  	[dreg:$0x4] =	wrdreg $0xC0  }
0xab: {  	_ =	task [dreg:s6], $0x5FFFF  }
0xac: {  	[dreg:$0x1] =	wrdreg $0xFFFFFFFF  }
0xad: {  	[dreg:$0x0] =	wrdreg $0x60  }
0xae: {  	[dreg:$0x2] =	wrdreg s24  }
0xaf: {  	[dreg:$0x3] =	wrdreg $0xA  }
0xb0: {  	_ =	task.clear_ibuf [dreg:s6], $0x4FFFF;
	_ =	strace $0x9000004F  }
0xb1: {  	s29 =	simm.s32 $0xA;
	_ =	strace $0x80000051  }
0xb2: {  	_ =	swait.ge [sflag:s29], $0x1  }
0xb3: {  	[sflag:s29] =	ssyncadd.s32 $0xFFFFFFFF  }
0xb4: {  	_ =	strace $0x90000051  }
0xb5: {  	_ =	sfence  }
0xb6: {  	s30 =	sld [smem:$0x0];
	_ =	sdelay $0x2  }
0xb7: {  	s31 =	sshll.u32 s1, $0xD;
	s1 =	sshrl.u32 s1, $0x2  }
0xb8: {  	s3 =	sand.u32 $0x4000, s31;
	s1 =	sadd.s32 s1, s30  }
0xb9: {  	s0 =	sor.u32 s3, s0;
	s1 =	sshll.u32 s1, $0x11  }
0xba: {  	s0 =	sor.u32 s1, s0  }
0xbb: {  	s0 =	sadd.s32 $0x8F2B, s0  }
0xbc: {  	[sflag:s0] =	ssyncadd.remote.s32 $0x1  }
0xbd: {  	_ =	sfence.sel $0xFFFF  }
0xbe: {  	[dreg:$0x0] =	wrdreg $0xFFFFFFFF;
	(pc) =	sbr.abs _section_cstart, $3  }
0xbf: {  	[dreg:$0x1] =	wrdreg $0xFFFFFFFF  }
0xc0: {  	_ =	task.clear_ibuf [dreg:s6], $0x2FFFF;
	_ =	strace $0x9FFFFFFF  }
0xc1: {  	(tm) =	ssettm $0x7FFFFFFF  }
tec
execute0_lowered:
.L_overlay_start_1:
0x0: {  	(tag) =	ssettag $0x1  }
0x1: {  	s0 =	srdreg.scid  }
0x2: {  	s1 =	sshll.u32 s0, $0x4  }
0x3: {  	s0 =	stileid.u32;
	s1 =	sand.u32 $0x10, s1  }
0x4: {  	s1 =	sor.u32 s0, s1  }
0x5: {  	s2 =	smul.u32 $0x27, s1  }
0x6: {  	s3 =	smin.u32 s1, $0x2  }
0x7: {  	s2 =	sadd.s32 s3, s2  }
0x8: {  	p0 =	slt.u32 s1, $0x2;
	s1 =	simm.s32 $0x3C00;
	s2 =	smul.u32 $0x180, s2  }
0x9: {  	s1 =	simm.s32 @!p0 $0x3A80  }
0xa: {  	s1 =	sadd.s32 s1, s2  }
0xb: {  	s3 =	smin.u32 s1, $0x75300  }
0xc: {  	s7 =	ssub.s32 s3, s2  }
0xd: {  	p0 =	sgt.s32 s7, $0x0  }
0xe: {  	s7 =	simm.s32 @!p0 $0x0  }
0xf: {  	s4 =	smulhi.u32 $0x2AAAAAAB, s7  }
0x10: {  	s9 =	rddreg [dreg:$0x0];
	s6 =	simm.s32 $0x1;
	s11 =	simm.s32 $0x3  }
0x11: {  	s13 =	simm.s32 $0x0;
	s12 =	simm.s32 $0x0;
	s8 =	sshrl.u32 s4, $0x6  }
0x12: {  	s1 =	rddreg [dreg:$0x1];
	_ =	strace $0x80000050;
	s10 =	smul.u32 $0x180, s8  }
.Ltmp0:
0x13: {  	s5 =	sadd.s32 $0x2D4C00, s9;
	[sflag:s6] =	ssyncpa.u1 $0x0;
	(pc) =	sbr.rel .LBB2_1-.Ltmp0, $4  }
0x14: {  	s4 =	sadd.s32 $0x554800, s9;
	p0 =	sne.s32 s7, s10;
	s10 =	simm.s32 $0x1  }
0x15: {  	s9 =	sadd.s32 $0x7C5800, s9;
	s7 =	simm.s32 $0x2;
	s10 =	simm.s32 @!p0 $0x0  }
0x16: {  	[sflag:s7] =	ssyncpa.u1 $0x0;
	p0 =	por $0x0, $0x0;
	s8 =	sadd.s32 s10, s8  }
0x17: {  	vm0 =	vmmov $0xff;
	vm1 =	vcmask $0x3F20;
	[sflag:s11] =	ssyncpa.u1 $0x0;
	s11 =	smov.u32 s2;
	s10 =	sadd.s32 $0x1, s8  }
.LBB2_6:
0x18: {  	[hbm:s17] =	stream.linear.scatter [tilespmem:s14], [sflag:$0x3], $0x400, $0x38;
	[tilespmem:$0x18300] =	vst v63  }
.LBB2_7:
0x19: {  	s13 =	sadd.s32 $0x180, s11  }
0x1a: {  	s15 =	smov.u32 s2;
	p2 =	slt.s32 s13, s3  }
0x1b: {  	s15 =	smov.u32 @p2 s13;
	p2 =	sne.s32 s12, s10  }
.Ltmp1:
0x1c: {  	p1 =	slt.u32 s12, $0x2;
	(pc) =	sbr.rel @!p2 .LBB2_8-.Ltmp1, $4  }
0x1d: {  	s14 =	simm.s32 @!p1 $0x3  }
0x1e: {  	s16 =	sadd.s32 $0x1, s12;
	_ =	swait.ge @!p1 [sflag:s14], $0xC000  }
0x1f: {  	p0 =	por !p0, !p0;
	s13 =	smov.u32 s11;
	[sflag:s14] =	ssyncset.done @!p1 $0x0  }
0x20: {  	s12 =	smov.u32 s16;
	s11 =	smov.u32 s15;
	[sflag:s14] =	ssyncadd.s32 @!p1 $0xFFFF4000  }
.LBB2_1:
0x21: {  	p1 =	sge.u32 s12, s8  }
0x22: {  	s14 =	sxor.u32 @!p1 $0xFFFFFFFF, s12  }
0x23: {  	s14 =	sand.u32 @!p1 $0x1, s14  }
0x24: {  	s14 =	smul.u32 @!p1 $0x600, s14  }
0x25: {  	s31 =	sadd.s32 $0xFFFFFFFF, s12;
	s15 =	sshrl.u32 @!p1 s11, $0x3  }
0x26: {  	s16 =	sand.u32 @!p1 $0x7, s11;
	s15 =	sadd.s32 @!p1 s5, s15;
	s14 =	sshrl.u32 @!p1 s14, $0x2  }
0x27: {  	[tilespmem:s14], [sflag:$0x2] =	stream.linear.gather @!p1 [hbm4b:s15+s16], $0x180, $0x38;
	[tilespmem:$0x18300] =	vst v63  }
0x28: {  	p1 =	sge.u32 s31, s8  }
.Ltmp2:
0x29: {  	_ = 	snop;
	(pc) =	sbr.rel @p1 .LBB2_7-.Ltmp2, $1  }
0x2a: {  	_ =	sdelay $0x3  }
0x2b: {  	s14 =	simm.s32 $0x1  }
0x2c: {  	s14 =	simm.s32 @!p0 $0x0  }
0x2d: {  	s15 =	smul.u32 $0x600, s14  }
0x2e: {  	_ =	swait.ge [sflag:s7], $0x180  }
0x2f: {  	[sflag:s7] =	ssyncset.done $0x0;
	s16 =	sshrl.u32 s15, $0x2  }
0x30: {  	[sflag:s7] =	ssyncadd.s32 $0xFFFFFE80;
	s15 =	sadd.s32 $0x0, s16  }
0x31: {  	v0 =	vld.msk [tilespmem:s15+$0x0 ss:$0x1], $0xffff;
	_ =	sdelay $0x4  }
0x32: {  	vm2 =	vgt.s32 v0, $0x0  }
0x33: {  	v0 =	vnsel vm2, $0x0, v0  }
0x34: {  	v0 =	vmin.u32 v0, $0x270FF  }
0x35: {  	v0 =	vshll.u32 v0, $0x4  }
0x36: {  	s14 =	smul.u32 $0x30000, s14;
	_ =	sdelay $0x1  }
0x37: {  	s14 =	sshrl.u32 s14, $0x2  }
0x38: {  	s14 =	sor.u32 $0x300, s14  }
0x39: {  	[tilespmem:s14], [sflag:$0x1] =	stream.indirect_vreg.gather [hbm:s4], $0x80, v0, vm0, $0x38;
	[tilespmem:$0x18300] =	vst v63  }
0x3a: {  	s17 =	sadd.s32 $0x10, s16;
	s15 =	sadd.s32 $0x400, s14  }
0x3b: {  	[tilespmem:s15], [sflag:$0x1] =	stream.indirect_vreg.gather [hbm:s4], $0x80, v0, vm1, $0x38;
	[tilespmem:$0x18300] =	vst v63  }
0x3c: {  	s18 =	simm.s32 $0x80;
	v0 =	vld.msk [tilespmem:s17+$0x0 ss:$0x1], $0xffff;
	s17 =	smov.u32 s14  }
.LBB2_3:
0x3d: {  	p1 =	sne.s32 s18, $0x5C0;
	_ =	sdelay $0x4  }
0x3e: {  	vm2 =	vgt.s32 v0, $0x0  }
0x3f: {  	v0 =	vnsel vm2, $0x0, v0  }
0x40: {  	v0 =	vmin.u32 v0, $0x270FF  }
0x41: {  	v0 =	vshll.u32 v0, $0x4;
	_ =	sdelay $0x3  }
.Ltmp3:
0x42: {  	s19 =	sshra.s32 s18, $0x2;
	s17 =	sadd.s32 $0x800, s17;
	(pc) =	sbr.rel @p1 .LBB2_3-.Ltmp3, $4  }
0x43: {  	[tilespmem:s17], [sflag:$0x1] =	stream.indirect_vreg.gather [hbm:s4], $0x80, v0, vm0, $0x38;
	[tilespmem:$0x18300] =	vst v63  }
0x44: {  	s19 =	sadd.s32 s19, s16;
	s20 =	sadd.s32 $0x400, s17  }
0x45: {  	[tilespmem:s20], [sflag:$0x1] =	stream.indirect_vreg.gather [hbm:s4], $0x80, v0, vm1, $0x38;
	[tilespmem:$0x18300] =	vst v63  }
0x46: {  	s18 =	sadd.s32 $0x40, s18;
	v0 =	vld.msk [tilespmem:s19+$0x0 ss:$0x1], $0xffff  }
0x47: {  	_ =	sdelay $0x3  }
0x48: {  	vm2 =	vgt.s32 v0, $0x0  }
0x49: {  	v0 =	vnsel vm2, $0x0, v0  }
0x4a: {  	v0 =	vmin.u32 v0, $0x270FF  }
0x4b: {  	v0 =	vshll.u32 v0, $0x4;
	_ =	sdelay $0x3  }
0x4c: {  	s16 =	sadd.s32 $0x800, s17  }
0x4d: {  	[tilespmem:s16], [sflag:$0x1] =	stream.indirect_vreg.gather [hbm:s4], $0x80, v0, vm0, $0x38;
	[tilespmem:$0x18300] =	vst v63  }
0x4e: {  	s16 =	sadd.s32 $0x400, s16  }
0x4f: {  	[tilespmem:s16], [sflag:$0x1] =	stream.indirect_vreg.gather [hbm:s4], $0x80, v0, vm1, $0x38;
	[tilespmem:$0x18300] =	vst v63  }
0x50: {  	s13 =	sshll.u32 s13, $0x4;
	_ =	swait.ge [sflag:s6], $0xC000  }
0x51: {  	s13 =	sadd.s32 s13, s9;
	[sflag:s6] =	ssyncset.done $0x0  }
0x52: {  	s17 =	sadd.s32 $0x0, s13;
	s16 =	simm.s32 $0x80;
	[sflag:s6] =	ssyncadd.s32 $0xFFFF4000  }
.LBB2_5:
0x53: {  	[hbm:s17] =	stream.linear.scatter [tilespmem:s14], [sflag:$0x3], $0x400, $0x38;
	[tilespmem:$0x18300] =	vst v63  }
0x54: {  	s17 =	smov.u32 s16;
	s14 =	smov.u32 s15;
	p1 =	sne.s32 s16, $0x1780  }
.Ltmp4:
0x55: {  	s16 =	sadd.s32 $0x80, s16;
	(pc) =	sbr.rel @p1 .LBB2_5-.Ltmp4, $2  }
0x56: {  	_ =	sdelay $0x2  }
0x57: {  	s15 =	sadd.s32 $0x400, s15;
	s17 =	sadd.s32 s17, s13  }
.Ltmp5:
0x58: {  	_ = 	snop;
	(pc) =	sbr.rel .LBB2_6-.Ltmp5, $1  }
0x59: {  	_ =	sdelay $0x3  }
.LBB2_8:
0x5a: {  	_ =	sfence.sel $0x180000  }
0x5b: {  	s2 =	simm.s32 $0x2;
	[bflag:$0x0] =	sbarrier.arrive $0xFFFF  }
0x5c: {  	s30 =	simm.s32 $0x3;
	[sflag:s2] =	ssyncpa.u1 $0x1  }
0x5d: {  	s31 =	simm.s32 $0x1;
	[sflag:s30] =	ssyncpa.u1 $0x1  }
0x5e: {  	[sflag:s31] =	ssyncpa.u1 $0x1  }
0x5f: {  	p0 =	sne.s32 s0, $0x0;
	_ =	strace $0x90000050  }
0x60: {  	s0 =	sadd.s32 @!p0 $0x100000, s1;
	[bflag:$0x2] =	sbarrier.arrive $0xFFFF  }
0x61: {  	[sflag:s0] =	ssyncadd.tile.s32 @!p0 $0x1;
	_ =	shalt  }
.Lfunc_end2:
_tile_overlayer_lowered:
.L_overlay_start_2:
0x62: {  	(tag) =	ssettag $0x2  }
0x63: {  	s0 =	rddreg [dreg:$0x0];
	s2 =	stileid.u32  }
0x64: {  	s1 =	rddreg [dreg:$0x1];
	p0 =	sne.s32 s2, $0x0  }
0x65: {  	s3 =	rddreg [dreg:$0x2];
	[bflag:$0x3] =	sbarrier.arrive $0xFFFF;
	s2 =	simm.s32 @!p0 $0x1C01  }
0x66: {  	[timem:s3], [sflag:s2] =	dma.local @!p0 [hbm:s0], s1  }
0x67: {  	s0 =	simm.s32 @!p0 $0x1  }
0x68: {  	_ =	swait.ge @!p0 [sflag:s0], s1  }
0x69: {  	s1 =	ssub.s32 @!p0 $0x0, s1;
	[sflag:s0] =	ssyncset.done @!p0 $0x0  }
0x6a: {  	[sflag:s0] =	ssyncadd.s32 @!p0 s1  }
0x6b: {  	[bflag:$0x3] =	sbarrier.arrive $0xFFFF  }
0x6c: {  	_ =	shalt  }

// kernel: gather_offload_async_start
scs
__scs_entry_jumppad:
0x0: {  	(pc) =	sbr.rel $0x88, $3  }
0x1: {  	(tag) =	ssettag $0x0;
	lr =	simm.s32 $0x1  }
0x2: {  	[smem:$0x3F9A] =	sst lr;
	_ =	strace $0xD0000000  }
0x3: {  	_ = 	snop  }
0x4: {  	_ = 	snop  }
0x5: {  	_ = 	snop  }
0x6: {  	_ = 	snop  }
0x7: {  	_ = 	snop  }
__scs_overlays_trampoline_lowered:
0x8: {  	[smem:$0x3FA9] =	sst s0  }
0x9: {  	[smem:$0x3FAA] =	sst s1  }
0xa: {  	[smem:$0x3FAB] =	sst s2  }
0xb: {  	[smem:$0x3FAC] =	sst s3  }
0xc: {  	[smem:$0x3FAD] =	sst s4  }
0xd: {  	[smem:$0x3FAE] =	sst s5  }
0xe: {  	[smem:$0x3FAF] =	sst s6  }
0xf: {  	[smem:$0x3FB0] =	sst s7  }
0x10: {  	[smem:$0x3FB1] =	sst s8  }
0x11: {  	[smem:$0x3FB2] =	sst s9;
	s0 =	simm.s32 @!p0 $0x0  }
0x12: {  	s1 =	sld [smem:$0x3F98];
	s0 =	simm.s32 @p0 $0x1  }
0x13: {  	[smem:$0x3FB3] =	sst s0;
	s0 =	simm.s32 @!p1 $0x0  }
0x14: {  	s2 =	sld [smem:$0x3F97];
	s0 =	simm.s32 @p1 $0x1  }
0x15: {  	[smem:$0x3FB4] =	sst s0;
	s0 =	simm.s32 @!p2 $0x0  }
0x16: {  	s3 =	sld [smem:$0x3FDB];
	s0 =	simm.s32 @p2 $0x1  }
0x17: {  	s4 =	simm.s32 $0x1BF5;
	[smem:$0x3FB6] =	sst s0  }
0x18: {  	s0 =	sld [smem:$0x3F99];
	_ =	swait.ge [sflag:s4], $0x0  }
0x19: {  	s7 =	sld [smem:$0x3F9A]  }
0x1a: {  	s8 =	sadd.s32 $0xFFFFE003, lr  }
0x1b: {  	s9 =	sadd.s32 $0xFFFFFEF7, lr;
	s5 =	simm.s32 $0xFFFFFFFF;
	p2 =	slt.u32 s8, $0xFFFFF086  }
0x1c: {  	p1 =	slt.u32 s9, $0xF7A;
	s5 =	simm.s32 @!p2 $0x0  }
0x1d: {  	s5 =	simm.s32 @p1 $0x1;
	p0 =	seq.s32 s7, s2  }
0x1e: {  	s7 =	smul.u32 @!p0 $0xF7A, s2;
	p2 =	seq.s32 @!p0 s5, $0x0  }
0x1f: {  	s9 =	smul.u32 $0xF7A, s1;
	s8 =	simm.s32 @!p0 $0x1BF5;
	p2 =	por !p2, p0  }
0x20: {  	[sflag:s8] =	ssyncset.s32 @!p0 $0xFFFFF086;
	s6 =	sadd.s32 @!p0 s3, s7;
	s7 =	simm.s32 @!p0 $0x108  }
0x21: {  	s3 =	sadd.s32 s3, s9;
	s6 =	sadd.s32 @!p0 $0x88, s6;
	s7 =	simm.s32 @p2 $0x1082  }
0x22: {  	[simem:s7], [sflag:s8] =	dma.local @!p0 [hbm:s6], $0xF7A  }
0x23: {  	s9 =	sor.u32 $0xD0000000, s2;
	s6 =	simm.s32 $0x108;
	_ =	swait.ge @!p0 [sflag:s8], $0x0  }
0x24: {  	s3 =	sadd.s32 $0x88, s3;
	s6 =	simm.s32 @!p1 $0x1082;
	[sflag:s4] =	ssyncset.s32 $0xFFFFF086  }
0x25: {  	[simem:s6], [sflag:s4] =	dma.local [hbm:s3], $0xF7A  }
0x26: {  	[smem:$0x3F9A] =	sst s1;
	(tag) =	ssettag s2;
	_ =	strace s9  }
0x27: {  	s1 =	sld [smem:$0x3FAA]  }
0x28: {  	s2 =	sld [smem:$0x3FAB]  }
0x29: {  	s4 =	sld [smem:$0x3FAD]  }
0x2a: {  	p0 =	seq.s32 s5, $0x0;
	s5 =	sld [smem:$0x3FAE]  }
0x2b: {  	s6 =	sld [smem:$0x3FAF]  }
0x2c: {  	s7 =	sld [smem:$0x3FB0]  }
0x2d: {  	s3 =	simm.s32 $0x108;
	s8 =	sld [smem:$0x3FB1]  }
0x2e: {  	s3 =	simm.s32 @!p0 $0x1082;
	s9 =	sld [smem:$0x3FB2]  }
0x2f: {  	lr =	sadd.s32 s0, s3;
	s0 =	sld [smem:$0x3FA9]  }
0x30: {  	s3 =	sld [smem:$0x3FAC]  }
0x31: {  	[smem:$0x3FB5] =	sst s10  }
0x32: {  	s10 =	sld [smem:$0x3FB3];
	_ =	sdelay $0x3  }
0x33: {  	p0 =	seq.s32 s10, $0x1;
	s10 =	sld [smem:$0x3FB5];
	_ =	sdelay $0x3  }
0x34: {  	[smem:$0x3FB5] =	sst s10  }
0x35: {  	s10 =	sld [smem:$0x3FB4];
	_ =	sdelay $0x3  }
0x36: {  	p1 =	seq.s32 s10, $0x1;
	s10 =	sld [smem:$0x3FB5];
	_ =	sdelay $0x3  }
0x37: {  	[smem:$0x3FB5] =	sst s10  }
0x38: {  	s10 =	sld [smem:$0x3FB6]  }
0x39: {  	_ = 	snop;
	(pc) =	sbr.ind lr, $3  }
0x3a: {  	_ = 	snop  }
0x3b: {  	_ = 	snop  }
0x3c: {  	p2 =	seq.s32 s10, $0x1;
	s10 =	sld [smem:$0x3FB5]  }
0x3d: {  	_ =	shalt  }
0x3e: {  	_ =	shalt  }
0x3f: {  	_ =	shalt  }
0x40: {  	_ =	shalt  }
0x41: {  	_ =	shalt  }
0x42: {  	_ =	shalt  }
0x43: {  	_ =	shalt  }
0x44: {  	_ =	shalt  }
0x45: {  	_ =	shalt  }
0x46: {  	_ =	shalt  }
0x47: {  	_ =	shalt  }
0x48: {  	_ =	shalt  }
0x49: {  	_ =	shalt  }
0x4a: {  	_ =	shalt  }
0x4b: {  	_ =	shalt  }
0x4c: {  	_ =	shalt  }
0x4d: {  	_ =	shalt  }
0x4e: {  	_ =	shalt  }
0x4f: {  	_ =	shalt  }
0x50: {  	_ =	shalt  }
0x51: {  	_ =	shalt  }
0x52: {  	_ =	shalt  }
0x53: {  	_ =	shalt  }
0x54: {  	_ =	shalt  }
0x55: {  	_ =	shalt  }
0x56: {  	_ =	shalt  }
0x57: {  	_ =	shalt  }
0x58: {  	_ =	shalt  }
0x59: {  	_ =	shalt  }
0x5a: {  	_ =	shalt  }
0x5b: {  	_ =	shalt  }
0x5c: {  	_ =	shalt  }
0x5d: {  	_ =	shalt  }
0x5e: {  	_ =	shalt  }
0x5f: {  	_ =	shalt  }
0x60: {  	_ =	shalt  }
0x61: {  	_ =	shalt  }
0x62: {  	_ =	shalt  }
0x63: {  	_ =	shalt  }
0x64: {  	_ =	shalt  }
0x65: {  	_ =	shalt  }
0x66: {  	_ =	shalt  }
0x67: {  	_ =	shalt  }
0x68: {  	_ =	shalt  }
0x69: {  	_ =	shalt  }
0x6a: {  	_ =	shalt  }
0x6b: {  	_ =	shalt  }
0x6c: {  	_ =	shalt  }
0x6d: {  	_ =	shalt  }
0x6e: {  	_ =	shalt  }
0x6f: {  	_ =	shalt  }
0x70: {  	_ =	shalt  }
0x71: {  	_ =	shalt  }
0x72: {  	_ =	shalt  }
0x73: {  	_ =	shalt  }
0x74: {  	_ =	shalt  }
0x75: {  	_ =	shalt  }
0x76: {  	_ =	shalt  }
0x77: {  	_ =	shalt  }
0x78: {  	_ =	shalt  }
0x79: {  	_ =	shalt  }
0x7a: {  	_ =	shalt  }
0x7b: {  	_ =	shalt  }
0x7c: {  	_ =	shalt  }
0x7d: {  	_ =	shalt  }
0x7e: {  	_ =	shalt  }
0x7f: {  	_ =	shalt  }
0x80: {  	_ =	shalt  }
0x81: {  	_ =	shalt  }
0x82: {  	_ =	shalt  }
0x83: {  	_ =	shalt  }
0x84: {  	_ =	shalt  }
0x85: {  	_ =	shalt  }
0x86: {  	_ =	shalt  }
0x87: {  	_ =	shalt  }
.Lfunc_end0:
.L_simem_size_0:
called_computation.3_lowered:
.L_overlay_start_0:
0x88: {  	s2 =	sld [smem:$0x3FD9]  }
0x89: {  	s3 =	sld [smem:$0x3FFE];
	_ =	sdelay $0x1  }
0x8a: {  	s1 =	srdreg.scid  }
0x8b: {  	s0 =	sand.u32 $0x1, s1  }
0x8c: {  	s16 =	sshll.u32 s0, $0xA;
	s2 =	sadd.s32 s3, s2  }
0x8d: {  	s2 =	sadd.s32 s2, s16  }
0x8e: {  	[smem:$0x3FC1] =	sst s2  }
0x8f: {  	_ = 	snop  }
0x90: {  	(tm) =	ssettm $0x1  }
0x91: {  	s17 =	sld [smem:$0x3FFB];
	_ =	sdelay $0x3  }
0x92: {  	_ =	strace s17  }
0x93: {  	s2 =	sld [smem:$0x3FFC];
	_ =	sdelay $0x3  }
0x94: {  	_ =	strace s2  }
0x95: {  	s2 =	sld [smem:$0x3FFD];
	_ =	sdelay $0x3  }
0x96: {  	_ =	strace s2  }
0x97: {  	_ =	strace $0x8FFFFFFF  }
0x98: {  	s18 =	sld [smem:$0x3FDB];
	_ =	sdelay $0x1  }
0x99: {  	s19 =	simm.s32 $_scs_section_size  }
0x9a: {  	s4 =	simm.s32 $_size__tile_overlayer_lowered;
	s5 =	simm.s32 $_tile_overlayer_lowered  }
0x9b: {  	s22 =	simm.s32 $0x1BFF;
	s21 =	sshll.u32 s5, $0x1;
	s2 =	sadd.s32 s19, s18  }
0x9c: {  	s6 =	simm.s32 $0x0;
	s20 =	sshll.u32 s4, $0x1;
	s4 =	sadd.s32 s21, s2  }
0x9d: {  	[timem:s6], [sflag:s22] =	dma.local [hbm:s4], s20  }
0x9e: {  	_ =	swait.ge [sflag:s22], s20  }
0x9f: {  	s3 =	ssub.s32 $0x0, s20;
	[sflag:s22] =	ssyncset.done $0x0  }
0xa0: {  	[sflag:s22] =	ssyncadd.s32 s3;
	_ =	sdelay $0x1  }
0xa1: {  	s23 =	simm.s32 $0x1B8B  }
0xa2: {  	_ =	swait.ge [sflag:s23], $0x1  }
0xa3: {  	[sflag:s23] =	ssyncset.done $0x0  }
0xa4: {  	s25 =	simm.s32 $0x1B8E;
	s24 =	sld [smem:$0x3FFE];
	[sflag:s23] =	ssyncadd.s32 $0xFFFFFFFF  }
0xa5: {  	s26 =	simm.s32 $execute0_lowered;
	[smem:$0x3FD2] =	sst s25  }
0xa6: {  	s4 =	sshll.u32 s26, $0x1;
	_ =	strace $0x80000049;
	[dreg:$0x1] =	wrdreg $0xFFFFFFFF  }
0xa7: {  	s28 =	simm.s32 $_size_execute0_lowered;
	s2 =	sadd.s32 s2, s4;
	[dreg:$0x0] =	wrdreg $0x0  }
0xa8: {  	s4 =	sshll.u32 s28, $0x1;
	[dreg:$0x2] =	wrdreg s2  }
0xa9: {  	[dreg:$0x3] =	wrdreg s4  }
0xaa: {  	[dreg:$0x4] =	wrdreg $0xC0  }
0xab: {  	_ =	task [dreg:s6], $0x5FFFF  }
0xac: {  	[dreg:$0x1] =	wrdreg $0xFFFFFFFF  }
0xad: {  	[dreg:$0x0] =	wrdreg $0x60  }
0xae: {  	[dreg:$0x2] =	wrdreg s24  }
0xaf: {  	[dreg:$0x3] =	wrdreg $0x9  }
0xb0: {  	_ =	task.clear_ibuf [dreg:s6], $0x4FFFF;
	_ =	strace $0x90000049  }
0xb1: {  	s29 =	simm.s32 $0x9;
	_ =	strace $0x8000004B  }
0xb2: {  	_ =	swait.ge [sflag:s29], $0x1  }
0xb3: {  	[sflag:s29] =	ssyncadd.s32 $0xFFFFFFFF  }
0xb4: {  	_ =	strace $0x9000004B  }
0xb5: {  	_ =	sfence  }
0xb6: {  	s30 =	sld [smem:$0x0];
	_ =	sdelay $0x2  }
0xb7: {  	s31 =	sshll.u32 s1, $0xD;
	s1 =	sshrl.u32 s1, $0x2  }
0xb8: {  	s3 =	sand.u32 $0x4000, s31;
	s1 =	sadd.s32 s1, s30  }
0xb9: {  	s0 =	sor.u32 s3, s0;
	s1 =	sshll.u32 s1, $0x11  }
0xba: {  	s0 =	sor.u32 s1, s0  }
0xbb: {  	s0 =	sadd.s32 $0x8F2B, s0  }
0xbc: {  	[sflag:s0] =	ssyncadd.remote.s32 $0x1  }
0xbd: {  	_ =	sfence.sel $0xFFFF  }
0xbe: {  	[dreg:$0x0] =	wrdreg $0xFFFFFFFF;
	(pc) =	sbr.abs _section_cstart, $3  }
0xbf: {  	[dreg:$0x1] =	wrdreg $0xFFFFFFFF  }
0xc0: {  	_ =	task.clear_ibuf [dreg:s6], $0x2FFFF;
	_ =	strace $0x9FFFFFFF  }
0xc1: {  	(tm) =	ssettm $0x7FFFFFFF  }
tec
execute0_lowered:
.L_overlay_start_1:
0x0: {  	(tag) =	ssettag $0x1  }
0x1: {  	s0 =	srdreg.scid  }
0x2: {  	s1 =	sshll.u32 s0, $0x4  }
0x3: {  	s0 =	stileid.u32;
	s1 =	sand.u32 $0x10, s1  }
0x4: {  	s1 =	sor.u32 s0, s1  }
0x5: {  	s2 =	smul.u32 $0x27, s1  }
0x6: {  	s3 =	smin.u32 s1, $0x2  }
0x7: {  	s2 =	sadd.s32 s3, s2  }
0x8: {  	p0 =	slt.u32 s1, $0x2;
	s1 =	simm.s32 $0x3C00;
	s2 =	smul.u32 $0x180, s2  }
0x9: {  	s1 =	simm.s32 @!p0 $0x3A80  }
0xa: {  	s1 =	sadd.s32 s1, s2  }
0xb: {  	s3 =	smin.u32 s1, $0x75300  }
0xc: {  	s7 =	ssub.s32 s3, s2  }
0xd: {  	p0 =	sgt.s32 s7, $0x0  }
0xe: {  	s7 =	simm.s32 @!p0 $0x0  }
0xf: {  	s4 =	smulhi.u32 $0x2AAAAAAB, s7  }
0x10: {  	s9 =	rddreg [dreg:$0x0];
	s6 =	simm.s32 $0x1;
	s11 =	simm.s32 $0x3  }
0x11: {  	s13 =	simm.s32 $0x0;
	s12 =	simm.s32 $0x0;
	s8 =	sshrl.u32 s4, $0x6  }
0x12: {  	s1 =	rddreg [dreg:$0x1];
	_ =	strace $0x8000004A;
	s10 =	smul.u32 $0x180, s8  }
.Ltmp0:
0x13: {  	s5 =	sadd.s32 $0x2D4C00, s9;
	[sflag:s6] =	ssyncpa.u1 $0x0;
	(pc) =	sbr.rel .LBB2_1-.Ltmp0, $4  }
0x14: {  	s4 =	sadd.s32 $0x2E3800, s9;
	p0 =	sne.s32 s7, s10;
	s10 =	simm.s32 $0x1  }
0x15: {  	s9 =	sadd.s32 $0x554800, s9;
	s7 =	simm.s32 $0x2;
	s10 =	simm.s32 @!p0 $0x0  }
0x16: {  	[sflag:s7] =	ssyncpa.u1 $0x0;
	p0 =	por $0x0, $0x0;
	s8 =	sadd.s32 s10, s8  }
0x17: {  	vm0 =	vmmov $0xff;
	vm1 =	vcmask $0x3F20;
	[sflag:s11] =	ssyncpa.u1 $0x0;
	s11 =	smov.u32 s2;
	s10 =	sadd.s32 $0x1, s8  }
.LBB2_6:
0x18: {  	[hbm:s17] =	stream.linear.scatter [tilespmem:s14], [sflag:$0x3], $0x400, $0x38;
	[tilespmem:$0x18300] =	vst v63  }
.LBB2_7:
0x19: {  	s13 =	sadd.s32 $0x180, s11  }
0x1a: {  	s15 =	smov.u32 s2;
	p2 =	slt.s32 s13, s3  }
0x1b: {  	s15 =	smov.u32 @p2 s13;
	p2 =	sne.s32 s12, s10  }
.Ltmp1:
0x1c: {  	p1 =	slt.u32 s12, $0x2;
	(pc) =	sbr.rel @!p2 .LBB2_8-.Ltmp1, $4  }
0x1d: {  	s14 =	simm.s32 @!p1 $0x3  }
0x1e: {  	s16 =	sadd.s32 $0x1, s12;
	_ =	swait.ge @!p1 [sflag:s14], $0xC000  }
0x1f: {  	p0 =	por !p0, !p0;
	s13 =	smov.u32 s11;
	[sflag:s14] =	ssyncset.done @!p1 $0x0  }
0x20: {  	s12 =	smov.u32 s16;
	s11 =	smov.u32 s15;
	[sflag:s14] =	ssyncadd.s32 @!p1 $0xFFFF4000  }
.LBB2_1:
0x21: {  	p1 =	sge.u32 s12, s8  }
0x22: {  	s14 =	sxor.u32 @!p1 $0xFFFFFFFF, s12  }
0x23: {  	s14 =	sand.u32 @!p1 $0x1, s14  }
0x24: {  	s14 =	smul.u32 @!p1 $0x600, s14  }
0x25: {  	s31 =	sadd.s32 $0xFFFFFFFF, s12;
	s15 =	sshrl.u32 @!p1 s11, $0x3  }
0x26: {  	s16 =	sand.u32 @!p1 $0x7, s11;
	s15 =	sadd.s32 @!p1 s5, s15;
	s14 =	sshrl.u32 @!p1 s14, $0x2  }
0x27: {  	[tilespmem:s14], [sflag:$0x2] =	stream.linear.gather @!p1 [hbm4b:s15+s16], $0x180, $0x38;
	[tilespmem:$0x18300] =	vst v63  }
0x28: {  	p1 =	sge.u32 s31, s8  }
.Ltmp2:
0x29: {  	_ = 	snop;
	(pc) =	sbr.rel @p1 .LBB2_7-.Ltmp2, $1  }
0x2a: {  	_ =	sdelay $0x3  }
0x2b: {  	s14 =	simm.s32 $0x1  }
0x2c: {  	s14 =	simm.s32 @!p0 $0x0  }
0x2d: {  	s15 =	smul.u32 $0x600, s14  }
0x2e: {  	_ =	swait.ge [sflag:s7], $0x180  }
0x2f: {  	[sflag:s7] =	ssyncset.done $0x0;
	s16 =	sshrl.u32 s15, $0x2  }
0x30: {  	[sflag:s7] =	ssyncadd.s32 $0xFFFFFE80;
	s15 =	sadd.s32 $0x0, s16  }
0x31: {  	v0 =	vld.msk [tilespmem:s15+$0x0 ss:$0x1], $0xffff;
	_ =	sdelay $0x4  }
0x32: {  	vm2 =	vgt.s32 v0, $0x0  }
0x33: {  	v0 =	vnsel vm2, $0x0, v0  }
0x34: {  	v0 =	vmin.u32 v0, $0x270FF  }
0x35: {  	v0 =	vshll.u32 v0, $0x4  }
0x36: {  	s14 =	smul.u32 $0x30000, s14;
	_ =	sdelay $0x1  }
0x37: {  	s14 =	sshrl.u32 s14, $0x2  }
0x38: {  	s14 =	sor.u32 $0x300, s14  }
0x39: {  	[tilespmem:s14], [sflag:$0x1] =	stream.indirect_vreg.gather [hbm:s4], $0x80, v0, vm0, $0x38;
	[tilespmem:$0x18300] =	vst v63  }
0x3a: {  	s17 =	sadd.s32 $0x10, s16;
	s15 =	sadd.s32 $0x400, s14  }
0x3b: {  	[tilespmem:s15], [sflag:$0x1] =	stream.indirect_vreg.gather [hbm:s4], $0x80, v0, vm1, $0x38;
	[tilespmem:$0x18300] =	vst v63  }
0x3c: {  	s18 =	simm.s32 $0x80;
	v0 =	vld.msk [tilespmem:s17+$0x0 ss:$0x1], $0xffff;
	s17 =	smov.u32 s14  }
.LBB2_3:
0x3d: {  	p1 =	sne.s32 s18, $0x5C0;
	_ =	sdelay $0x4  }
0x3e: {  	vm2 =	vgt.s32 v0, $0x0  }
0x3f: {  	v0 =	vnsel vm2, $0x0, v0  }
0x40: {  	v0 =	vmin.u32 v0, $0x270FF  }
0x41: {  	v0 =	vshll.u32 v0, $0x4;
	_ =	sdelay $0x3  }
.Ltmp3:
0x42: {  	s19 =	sshra.s32 s18, $0x2;
	s17 =	sadd.s32 $0x800, s17;
	(pc) =	sbr.rel @p1 .LBB2_3-.Ltmp3, $4  }
0x43: {  	[tilespmem:s17], [sflag:$0x1] =	stream.indirect_vreg.gather [hbm:s4], $0x80, v0, vm0, $0x38;
	[tilespmem:$0x18300] =	vst v63  }
0x44: {  	s19 =	sadd.s32 s19, s16;
	s20 =	sadd.s32 $0x400, s17  }
0x45: {  	[tilespmem:s20], [sflag:$0x1] =	stream.indirect_vreg.gather [hbm:s4], $0x80, v0, vm1, $0x38;
	[tilespmem:$0x18300] =	vst v63  }
0x46: {  	s18 =	sadd.s32 $0x40, s18;
	v0 =	vld.msk [tilespmem:s19+$0x0 ss:$0x1], $0xffff  }
0x47: {  	_ =	sdelay $0x3  }
0x48: {  	vm2 =	vgt.s32 v0, $0x0  }
0x49: {  	v0 =	vnsel vm2, $0x0, v0  }
0x4a: {  	v0 =	vmin.u32 v0, $0x270FF  }
0x4b: {  	v0 =	vshll.u32 v0, $0x4;
	_ =	sdelay $0x3  }
0x4c: {  	s16 =	sadd.s32 $0x800, s17  }
0x4d: {  	[tilespmem:s16], [sflag:$0x1] =	stream.indirect_vreg.gather [hbm:s4], $0x80, v0, vm0, $0x38;
	[tilespmem:$0x18300] =	vst v63  }
0x4e: {  	s16 =	sadd.s32 $0x400, s16  }
0x4f: {  	[tilespmem:s16], [sflag:$0x1] =	stream.indirect_vreg.gather [hbm:s4], $0x80, v0, vm1, $0x38;
	[tilespmem:$0x18300] =	vst v63  }
0x50: {  	s13 =	sshll.u32 s13, $0x4;
	_ =	swait.ge [sflag:s6], $0xC000  }
0x51: {  	s13 =	sadd.s32 s13, s9;
	[sflag:s6] =	ssyncset.done $0x0  }
0x52: {  	s17 =	sadd.s32 $0x0, s13;
	s16 =	simm.s32 $0x80;
	[sflag:s6] =	ssyncadd.s32 $0xFFFF4000  }
.LBB2_5:
0x53: {  	[hbm:s17] =	stream.linear.scatter [tilespmem:s14], [sflag:$0x3], $0x400, $0x38;
	[tilespmem:$0x18300] =	vst v63  }
0x54: {  	s17 =	smov.u32 s16;
	s14 =	smov.u32 s15;
	p1 =	sne.s32 s16, $0x1780  }
.Ltmp4:
0x55: {  	s16 =	sadd.s32 $0x80, s16;
	(pc) =	sbr.rel @p1 .LBB2_5-.Ltmp4, $2  }
0x56: {  	_ =	sdelay $0x2  }
0x57: {  	s15 =	sadd.s32 $0x400, s15;
	s17 =	sadd.s32 s17, s13  }
.Ltmp5:
0x58: {  	_ = 	snop;
	(pc) =	sbr.rel .LBB2_6-.Ltmp5, $1  }
0x59: {  	_ =	sdelay $0x3  }
.LBB2_8:
0x5a: {  	_ =	sfence.sel $0x180000  }
0x5b: {  	s2 =	simm.s32 $0x2;
	[bflag:$0x0] =	sbarrier.arrive $0xFFFF  }
0x5c: {  	s30 =	simm.s32 $0x3;
	[sflag:s2] =	ssyncpa.u1 $0x1  }
0x5d: {  	s31 =	simm.s32 $0x1;
	[sflag:s30] =	ssyncpa.u1 $0x1  }
0x5e: {  	[sflag:s31] =	ssyncpa.u1 $0x1  }
0x5f: {  	p0 =	sne.s32 s0, $0x0;
	_ =	strace $0x9000004A  }
0x60: {  	s0 =	sadd.s32 @!p0 $0x100000, s1;
	[bflag:$0x2] =	sbarrier.arrive $0xFFFF  }
0x61: {  	[sflag:s0] =	ssyncadd.tile.s32 @!p0 $0x1;
	_ =	shalt  }
.Lfunc_end2:
_tile_overlayer_lowered:
.L_overlay_start_2:
0x62: {  	(tag) =	ssettag $0x2  }
0x63: {  	s0 =	rddreg [dreg:$0x0];
	s2 =	stileid.u32  }
0x64: {  	s1 =	rddreg [dreg:$0x1];
	p0 =	sne.s32 s2, $0x0  }
0x65: {  	s3 =	rddreg [dreg:$0x2];
	[bflag:$0x3] =	sbarrier.arrive $0xFFFF;
	s2 =	simm.s32 @!p0 $0x1C01  }
0x66: {  	[timem:s3], [sflag:s2] =	dma.local @!p0 [hbm:s0], s1  }
0x67: {  	s0 =	simm.s32 @!p0 $0x1  }
0x68: {  	_ =	swait.ge @!p0 [sflag:s0], s1  }
0x69: {  	s1 =	ssub.s32 @!p0 $0x0, s1;
	[sflag:s0] =	ssyncset.done @!p0 $0x0  }
0x6a: {  	[sflag:s0] =	ssyncadd.s32 @!p0 s1  }
0x6b: {  	[bflag:$0x3] =	sbarrier.arrive $0xFFFF  }
0x6c: {  	_ =	shalt  }

// kernel: kernel.5.cloned.1.call-start
scs
__scs_entry_jumppad:
0x0: {  	(pc) =	sbr.rel $0x88, $3  }
0x1: {  	(tag) =	ssettag $0x0;
	lr =	simm.s32 $0x1  }
0x2: {  	[smem:$0x3F9A] =	sst lr;
	_ =	strace $0xD0000000  }
0x3: {  	_ = 	snop  }
0x4: {  	_ = 	snop  }
0x5: {  	_ = 	snop  }
0x6: {  	_ = 	snop  }
0x7: {  	_ = 	snop  }
__scs_overlays_trampoline_lowered:
0x8: {  	[smem:$0x3FA9] =	sst s0  }
0x9: {  	[smem:$0x3FAA] =	sst s1  }
0xa: {  	[smem:$0x3FAB] =	sst s2  }
0xb: {  	[smem:$0x3FAC] =	sst s3  }
0xc: {  	[smem:$0x3FAD] =	sst s4  }
0xd: {  	[smem:$0x3FAE] =	sst s5  }
0xe: {  	[smem:$0x3FAF] =	sst s6  }
0xf: {  	[smem:$0x3FB0] =	sst s7  }
0x10: {  	[smem:$0x3FB1] =	sst s8  }
0x11: {  	[smem:$0x3FB2] =	sst s9;
	s0 =	simm.s32 @!p0 $0x0  }
0x12: {  	s1 =	sld [smem:$0x3F98];
	s0 =	simm.s32 @p0 $0x1  }
0x13: {  	[smem:$0x3FB3] =	sst s0;
	s0 =	simm.s32 @!p1 $0x0  }
0x14: {  	s2 =	sld [smem:$0x3F97];
	s0 =	simm.s32 @p1 $0x1  }
0x15: {  	[smem:$0x3FB4] =	sst s0;
	s0 =	simm.s32 @!p2 $0x0  }
0x16: {  	s3 =	sld [smem:$0x3FDB];
	s0 =	simm.s32 @p2 $0x1  }
0x17: {  	s4 =	simm.s32 $0x1BF5;
	[smem:$0x3FB6] =	sst s0  }
0x18: {  	s0 =	sld [smem:$0x3F99];
	_ =	swait.ge [sflag:s4], $0x0  }
0x19: {  	s7 =	sld [smem:$0x3F9A]  }
0x1a: {  	s8 =	sadd.s32 $0xFFFFE003, lr  }
0x1b: {  	s9 =	sadd.s32 $0xFFFFFEF7, lr;
	s5 =	simm.s32 $0xFFFFFFFF;
	p2 =	slt.u32 s8, $0xFFFFF086  }
0x1c: {  	p1 =	slt.u32 s9, $0xF7A;
	s5 =	simm.s32 @!p2 $0x0  }
0x1d: {  	s5 =	simm.s32 @p1 $0x1;
	p0 =	seq.s32 s7, s2  }
0x1e: {  	s7 =	smul.u32 @!p0 $0xF7A, s2;
	p2 =	seq.s32 @!p0 s5, $0x0  }
0x1f: {  	s9 =	smul.u32 $0xF7A, s1;
	s8 =	simm.s32 @!p0 $0x1BF5;
	p2 =	por !p2, p0  }
0x20: {  	[sflag:s8] =	ssyncset.s32 @!p0 $0xFFFFF086;
	s6 =	sadd.s32 @!p0 s3, s7;
	s7 =	simm.s32 @!p0 $0x108  }
0x21: {  	s3 =	sadd.s32 s3, s9;
	s6 =	sadd.s32 @!p0 $0x88, s6;
	s7 =	simm.s32 @p2 $0x1082  }
0x22: {  	[simem:s7], [sflag:s8] =	dma.local @!p0 [hbm:s6], $0xF7A  }
0x23: {  	s9 =	sor.u32 $0xD0000000, s2;
	s6 =	simm.s32 $0x108;
	_ =	swait.ge @!p0 [sflag:s8], $0x0  }
0x24: {  	s3 =	sadd.s32 $0x88, s3;
	s6 =	simm.s32 @!p1 $0x1082;
	[sflag:s4] =	ssyncset.s32 $0xFFFFF086  }
0x25: {  	[simem:s6], [sflag:s4] =	dma.local [hbm:s3], $0xF7A  }
0x26: {  	[smem:$0x3F9A] =	sst s1;
	(tag) =	ssettag s2;
	_ =	strace s9  }
0x27: {  	s1 =	sld [smem:$0x3FAA]  }
0x28: {  	s2 =	sld [smem:$0x3FAB]  }
0x29: {  	s4 =	sld [smem:$0x3FAD]  }
0x2a: {  	p0 =	seq.s32 s5, $0x0;
	s5 =	sld [smem:$0x3FAE]  }
0x2b: {  	s6 =	sld [smem:$0x3FAF]  }
0x2c: {  	s7 =	sld [smem:$0x3FB0]  }
0x2d: {  	s3 =	simm.s32 $0x108;
	s8 =	sld [smem:$0x3FB1]  }
0x2e: {  	s3 =	simm.s32 @!p0 $0x1082;
	s9 =	sld [smem:$0x3FB2]  }
0x2f: {  	lr =	sadd.s32 s0, s3;
	s0 =	sld [smem:$0x3FA9]  }
0x30: {  	s3 =	sld [smem:$0x3FAC]  }
0x31: {  	[smem:$0x3FB5] =	sst s10  }
0x32: {  	s10 =	sld [smem:$0x3FB3];
	_ =	sdelay $0x3  }
0x33: {  	p0 =	seq.s32 s10, $0x1;
	s10 =	sld [smem:$0x3FB5];
	_ =	sdelay $0x3  }
0x34: {  	[smem:$0x3FB5] =	sst s10  }
0x35: {  	s10 =	sld [smem:$0x3FB4];
	_ =	sdelay $0x3  }
0x36: {  	p1 =	seq.s32 s10, $0x1;
	s10 =	sld [smem:$0x3FB5];
	_ =	sdelay $0x3  }
0x37: {  	[smem:$0x3FB5] =	sst s10  }
0x38: {  	s10 =	sld [smem:$0x3FB6]  }
0x39: {  	_ = 	snop;
	(pc) =	sbr.ind lr, $3  }
0x3a: {  	_ = 	snop  }
0x3b: {  	_ = 	snop  }
0x3c: {  	p2 =	seq.s32 s10, $0x1;
	s10 =	sld [smem:$0x3FB5]  }
0x3d: {  	_ =	shalt  }
0x3e: {  	_ =	shalt  }
0x3f: {  	_ =	shalt  }
0x40: {  	_ =	shalt  }
0x41: {  	_ =	shalt  }
0x42: {  	_ =	shalt  }
0x43: {  	_ =	shalt  }
0x44: {  	_ =	shalt  }
0x45: {  	_ =	shalt  }
0x46: {  	_ =	shalt  }
0x47: {  	_ =	shalt  }
0x48: {  	_ =	shalt  }
0x49: {  	_ =	shalt  }
0x4a: {  	_ =	shalt  }
0x4b: {  	_ =	shalt  }
0x4c: {  	_ =	shalt  }
0x4d: {  	_ =	shalt  }
0x4e: {  	_ =	shalt  }
0x4f: {  	_ =	shalt  }
0x50: {  	_ =	shalt  }
0x51: {  	_ =	shalt  }
0x52: {  	_ =	shalt  }
0x53: {  	_ =	shalt  }
0x54: {  	_ =	shalt  }
0x55: {  	_ =	shalt  }
0x56: {  	_ =	shalt  }
0x57: {  	_ =	shalt  }
0x58: {  	_ =	shalt  }
0x59: {  	_ =	shalt  }
0x5a: {  	_ =	shalt  }
0x5b: {  	_ =	shalt  }
0x5c: {  	_ =	shalt  }
0x5d: {  	_ =	shalt  }
0x5e: {  	_ =	shalt  }
0x5f: {  	_ =	shalt  }
0x60: {  	_ =	shalt  }
0x61: {  	_ =	shalt  }
0x62: {  	_ =	shalt  }
0x63: {  	_ =	shalt  }
0x64: {  	_ =	shalt  }
0x65: {  	_ =	shalt  }
0x66: {  	_ =	shalt  }
0x67: {  	_ =	shalt  }
0x68: {  	_ =	shalt  }
0x69: {  	_ =	shalt  }
0x6a: {  	_ =	shalt  }
0x6b: {  	_ =	shalt  }
0x6c: {  	_ =	shalt  }
0x6d: {  	_ =	shalt  }
0x6e: {  	_ =	shalt  }
0x6f: {  	_ =	shalt  }
0x70: {  	_ =	shalt  }
0x71: {  	_ =	shalt  }
0x72: {  	_ =	shalt  }
0x73: {  	_ =	shalt  }
0x74: {  	_ =	shalt  }
0x75: {  	_ =	shalt  }
0x76: {  	_ =	shalt  }
0x77: {  	_ =	shalt  }
0x78: {  	_ =	shalt  }
0x79: {  	_ =	shalt  }
0x7a: {  	_ =	shalt  }
0x7b: {  	_ =	shalt  }
0x7c: {  	_ =	shalt  }
0x7d: {  	_ =	shalt  }
0x7e: {  	_ =	shalt  }
0x7f: {  	_ =	shalt  }
0x80: {  	_ =	shalt  }
0x81: {  	_ =	shalt  }
0x82: {  	_ =	shalt  }
0x83: {  	_ =	shalt  }
0x84: {  	_ =	shalt  }
0x85: {  	_ =	shalt  }
0x86: {  	_ =	shalt  }
0x87: {  	_ =	shalt  }
.Lfunc_end0:
.L_simem_size_0:
called_computation.5_lowered:
.L_overlay_start_0:
0x88: {  	s2 =	sld [smem:$0x3FD9]  }
0x89: {  	s3 =	sld [smem:$0x3FFE];
	_ =	sdelay $0x1  }
0x8a: {  	s1 =	srdreg.scid  }
0x8b: {  	s0 =	sand.u32 $0x1, s1  }
0x8c: {  	s17 =	sshll.u32 s0, $0xA;
	s2 =	sadd.s32 s3, s2  }
0x8d: {  	s2 =	sadd.s32 s2, s17  }
0x8e: {  	[smem:$0x3FC1] =	sst s2  }
0x8f: {  	_ = 	snop  }
0x90: {  	s2 =	sld [smem:$0x3FD0];
	(tm) =	ssettm $0x1  }
0x91: {  	s18 =	sld [smem:$0x3FFB];
	_ =	sdelay $0x3  }
0x92: {  	_ =	strace s18  }
0x93: {  	s3 =	sld [smem:$0x3FFC];
	_ =	sdelay $0x3  }
0x94: {  	_ =	strace s3  }
0x95: {  	s3 =	sld [smem:$0x3FFD];
	_ =	sdelay $0x3  }
0x96: {  	_ =	strace s3  }
0x97: {  	_ =	strace $0x8FFFFFFF  }
0x98: {  	s19 =	sld [smem:$0x3FDB];
	_ =	sdelay $0x1  }
0x99: {  	s4 =	simm.s32 $_scs_section_size  }
0x9a: {  	s5 =	simm.s32 $_size__tile_overlayer_lowered;
	s6 =	simm.s32 $_tile_overlayer_lowered  }
0x9b: {  	s22 =	simm.s32 $0x1BFF;
	s21 =	sshll.u32 s6, $0x1;
	s3 =	sadd.s32 s4, s19  }
0x9c: {  	s7 =	simm.s32 $0x0;
	s20 =	sshll.u32 s5, $0x1;
	s5 =	sadd.s32 s21, s3  }
0x9d: {  	[timem:s7], [sflag:s22] =	dma.local [hbm:s5], s20  }
0x9e: {  	_ =	swait.ge [sflag:s22], s20  }
0x9f: {  	s4 =	ssub.s32 $0x0, s20;
	[sflag:s22] =	ssyncset.done $0x0  }
0xa0: {  	[sflag:s22] =	ssyncadd.s32 s4;
	_ =	sdelay $0x1  }
0xa1: {  	s23 =	simm.s32 $0x1B8B  }
0xa2: {  	_ =	swait.ge [sflag:s23], $0x1  }
0xa3: {  	[sflag:s23] =	ssyncset.done $0x0  }
0xa4: {  	s25 =	simm.s32 $0x1B8E;
	s24 =	sld [smem:$0x3FFE];
	[sflag:s23] =	ssyncadd.s32 $0xFFFFFFFF  }
0xa5: {  	s26 =	simm.s32 $execute0_lowered;
	[smem:$0x3FD2] =	sst s25  }
0xa6: {  	s5 =	sshll.u32 s26, $0x1;
	_ =	strace $0x80000046;
	[dreg:$0x1] =	wrdreg $0xFFFFFFFF  }
0xa7: {  	s28 =	simm.s32 $_size_execute0_lowered;
	s3 =	sadd.s32 s3, s5;
	[dreg:$0x0] =	wrdreg $0x0  }
0xa8: {  	s5 =	sshll.u32 s28, $0x1;
	[dreg:$0x2] =	wrdreg s3  }
0xa9: {  	[dreg:$0x3] =	wrdreg s5  }
0xaa: {  	[dreg:$0x4] =	wrdreg $0xC0  }
0xab: {  	_ =	task [dreg:s7], $0x5FFFF  }
0xac: {  	[dreg:$0x1] =	wrdreg $0xFFFFFFFF  }
0xad: {  	[dreg:$0x0] =	wrdreg $0x60  }
0xae: {  	[dreg:$0x2] =	wrdreg s2  }
0xaf: {  	[dreg:$0x3] =	wrdreg s24  }
0xb0: {  	[dreg:$0x4] =	wrdreg $0x30000  }
0xb1: {  	[dreg:$0x5] =	wrdreg $0x57100  }
0xb2: {  	[dreg:$0x6] =	wrdreg $0x9  }
0xb3: {  	_ =	task.clear_ibuf [dreg:s7], $0x7FFFF;
	_ =	strace $0x90000046  }
0xb4: {  	s29 =	simm.s32 $0x9;
	_ =	strace $0x80000048  }
0xb5: {  	_ =	swait.ge [sflag:s29], $0x1  }
0xb6: {  	[sflag:s29] =	ssyncadd.s32 $0xFFFFFFFF  }
0xb7: {  	_ =	strace $0x90000048  }
0xb8: {  	_ =	sfence  }
0xb9: {  	s30 =	sld [smem:$0x0];
	_ =	sdelay $0x2  }
0xba: {  	s31 =	sshll.u32 s1, $0xD;
	s1 =	sshrl.u32 s1, $0x2  }
0xbb: {  	s3 =	sand.u32 $0x4000, s31;
	s1 =	sadd.s32 s1, s30  }
0xbc: {  	s0 =	sor.u32 s3, s0;
	s1 =	sshll.u32 s1, $0x11  }
0xbd: {  	s0 =	sor.u32 s1, s0  }
0xbe: {  	s0 =	sadd.s32 $0x8F2B, s0  }
0xbf: {  	[sflag:s0] =	ssyncadd.remote.s32 $0x1  }
0xc0: {  	_ =	sfence.sel $0xFFFF  }
0xc1: {  	[dreg:$0x0] =	wrdreg $0xFFFFFFFF;
	(pc) =	sbr.abs _section_cstart, $3  }
0xc2: {  	[dreg:$0x1] =	wrdreg $0xFFFFFFFF  }
0xc3: {  	_ =	task.clear_ibuf [dreg:s7], $0x2FFFF;
	_ =	strace $0x9FFFFFFF  }
0xc4: {  	(tm) =	ssettm $0x7FFFFFFF  }
0xc5: {  	_ =	shalt  }
tec
execute0_lowered:
.L_overlay_start_1:
0x0: {  	(tag) =	ssettag $0x1  }
0x1: {  	s0 =	rddreg [dreg:$0x0]  }
0x2: {  	s1 =	rddreg [dreg:$0x1]  }
0x3: {  	s2 =	rddreg [dreg:$0x2]  }
0x4: {  	s4 =	srdreg.scid;
	s3 =	rddreg [dreg:$0x3]  }
0x5: {  	s13 =	stileid.u32;
	s16 =	simm.s32 $0x880;
	s17 =	simm.s32 $0x1  }
0x6: {  	s18 =	simm.s32 $0x800;
	s19 =	simm.s32 $0x7D;
	s28 =	simm.s32 $0x400  }
0x7: {  	s29 =	simm.s32 $0x480;
	s30 =	simm.s32 $0x500;
	s7 =	smul.u32 $0x2710, s13  }
0x8: {  	s31 =	simm.s32 $0x580;
	s5 =	sand.u32 $0x1, s4;
	s9 =	smul.u32 $0x280, s13  }
0x9: {  	s4 =	simm.s32 $0x0;
	s11 =	sadd.s32 $0x27E00, s1;
	s6 =	smul.u32 $0x28, s5  }
0xa: {  	s20 =	sadd.s32 $0x27800, s1;
	s24 =	ssub.s32 $0x87, s13;
	s8 =	smul.u32 $0x27100, s5  }
0xb: {  	s25 =	ssub.s32 $0x37, s13;
	[smem:$0x7FF] =	sst s4;
	s10 =	smul.u32 $0x2800, s5  }
0xc: {  	s21 =	ssub.s32 $0x2, s5;
	_ =	strace $0x80000047;
	[dreg:$0x5] =	wrdreg s11  }
0xd: {  	s5 =	smul.u32 $0x78, s5;
	[dreg:$0x6] =	wrdreg s20;
	s23 =	sshrl.u32 s21, $0x1  }
0xe: {  	s20 =	simm.s32 $0x80;
	s6 =	sadd.s32 s13, s6;
	s8 =	sadd.s32 s7, s8  }
0xf: {  	s10 =	sadd.s32 s9, s10;
	s11 =	ssub.s32 s21, s23;
	s7 =	sadd.s32 s7, s2  }
0x10: {  	s5 =	sadd.s32 s13, s5;
	s21 =	simm.s32 $0x100;
	s23 =	simm.s32 $0x200  }
0x11: {  	s6 =	sshll.u32 s6, $0x8;
	s8 =	sshrl.u32 s8, $0x3;
	s22 =	sshrl.u32 s10, $0x3  }
0x12: {  	s10 =	sshrl.u32 s25, $0x4;
	s5 =	sshll.u32 s5, $0x8;
	s26 =	smax.u32 s11, $0x1  }
0x13: {  	s25 =	simm.s32 $0x300;
	s11 =	simm.s32 $0x0;
	s6 =	sadd.s32 s6, s1  }
0x14: {  	s12 =	sadd.s32 s8, s1;
	s1 =	sadd.s32 s22, s1;
	s8 =	sadd.s32 s9, s3  }
0x15: {  	s9 =	sshrl.u32 s24, $0x4;
	[dreg:$0x9] =	wrdreg s26;
	s13 =	sadd.s32 s5, s0  }
0x16: {  	s22 =	simm.s32 $0x180;
	s24 =	simm.s32 $0x280;
	s26 =	simm.s32 $0x380  }
0x17: {  	s0 =	simm.s32 $0x600;
	s5 =	simm.s32 $0x700;
	s12 =	sadd.s32 $0x28000, s12  }
0x18: {  	s1 =	sadd.s32 $0x31E00, s1;
	s15 =	sadd.s32 $0x22800, s6;
	[dreg:$0x7] =	wrdreg s12  }
0x19: {  	s6 =	simm.s32 $0x780;
	[dreg:$0x8] =	wrdreg s1;
	s1 =	simm.s32 $0x680  }
.LBB2_1:
0x1a: {  	s12 =	rddreg [dreg:$0x6]  }
0x1b: {  	[tilespmem:s16], [sflag:$0x1] =	stream.linear.gather [hbm4b:s12+s4], $0x2780, $0x38;
	[tilespmem:$0x5990] =	vst v63  }
0x1c: {  	_ =	swait.ge [sflag:s17], $0x2780  }
0x1d: {  	[sflag:s17] =	ssyncset.done $0x0  }
0x1e: {  	[sflag:s17] =	ssyncadd.s32 $0xFFFFD880  }
0x1f: {  	[spmem:s7] =	stream.linear.scatter [tilespmem:s16], [sflag:$0x1], $0x2710, $0x38;
	[tilespmem:$0x5990] =	vst v63  }
0x20: {  	_ =	swait.ge [sflag:s17], $0x2710  }
0x21: {  	[sflag:s17] =	ssyncset.done $0x0  }
0x22: {  	[sflag:s17] =	ssyncadd.s32 $0xFFFFD8F0  }
0x23: {  	[spmem:s8] =	stream.linear.scatter [tilespmem:s16], [sflag:$0x1], $0x280, $0x38;
	[tilespmem:$0x5990] =	vst v63  }
0x24: {  	_ =	swait.ge [sflag:s17], $0x280  }
0x25: {  	[sflag:s17] =	ssyncset.done $0x0  }
0x26: {  	s14 =	rddreg [dreg:$0x5];
	[sflag:s17] =	ssyncadd.s32 $0xFFFFFD80  }
0x27: {  	[tilespmem:s18], [sflag:$0x1] =	stream.linear.gather [hbm4b:s14+s4], $0x80, $0x38;
	[tilespmem:$0x5990] =	vst v63  }
0x28: {  	_ =	swait.ge [sflag:s17], $0x80  }
0x29: {  	[sflag:s17] =	ssyncset.done $0x0  }
0x2a: {  	[sflag:s17] =	ssyncadd.s32 $0xFFFFFF80  }
0x2b: {  	[bflag:$0x0] =	sbarrier.arrive $0xFFFF  }
0x2c: {  	[tilespmem:s4], [sflag:$0x1] =	stream.linear.gather [hbm4b:s13+s4], $0x800, $0x38;
	[tilespmem:$0x5990] =	vst v63  }
0x2d: {  	_ =	swait.ge [sflag:s17], $0x800  }
0x2e: {  	[sflag:s17] =	ssyncset.done $0x0  }
0x2f: {  	[sflag:s17] =	ssyncadd.s32 $0xFFFFF800  }
0x30: {  	[spmem:s2] =	stream.indirect.scatter.add.f32 [tilespmem:s18], [sflag:$0x1], $0x1, s4, s19, $0xb8;
	[tilespmem:$0x5990] =	vst v63  }
0x31: {  	_ =	swait.ge [sflag:s17], $0x7D  }
0x32: {  	[sflag:s17] =	ssyncset.done $0x0  }
0x33: {  	[sflag:s17] =	ssyncadd.s32 $0xFFFFFF83  }
0x34: {  	[spmem:s2] =	stream.indirect.scatter.add.f32 [tilespmem:s18], [sflag:$0x1], $0x1, s20, s19, $0xb8;
	[tilespmem:$0x5990] =	vst v63  }
0x35: {  	_ =	swait.ge [sflag:s17], $0x7D  }
0x36: {  	[sflag:s17] =	ssyncset.done $0x0  }
0x37: {  	[sflag:s17] =	ssyncadd.s32 $0xFFFFFF83  }
0x38: {  	[spmem:s2] =	stream.indirect.scatter.add.f32 [tilespmem:s18], [sflag:$0x1], $0x1, s21, s19, $0xb8;
	[tilespmem:$0x5990] =	vst v63  }
0x39: {  	_ =	swait.ge [sflag:s17], $0x7D  }
0x3a: {  	[sflag:s17] =	ssyncset.done $0x0  }
0x3b: {  	[sflag:s17] =	ssyncadd.s32 $0xFFFFFF83  }
0x3c: {  	[spmem:s2] =	stream.indirect.scatter.add.f32 [tilespmem:s18], [sflag:$0x1], $0x1, s22, s19, $0xb8;
	[tilespmem:$0x5990] =	vst v63  }
0x3d: {  	_ =	swait.ge [sflag:s17], $0x7D  }
0x3e: {  	[sflag:s17] =	ssyncset.done $0x0  }
0x3f: {  	[sflag:s17] =	ssyncadd.s32 $0xFFFFFF83  }
0x40: {  	[spmem:s2] =	stream.indirect.scatter.add.f32 [tilespmem:s18], [sflag:$0x1], $0x1, s23, s19, $0xb8;
	[tilespmem:$0x5990] =	vst v63  }
0x41: {  	_ =	swait.ge [sflag:s17], $0x7D  }
0x42: {  	[sflag:s17] =	ssyncset.done $0x0  }
0x43: {  	[sflag:s17] =	ssyncadd.s32 $0xFFFFFF83  }
0x44: {  	[spmem:s2] =	stream.indirect.scatter.add.f32 [tilespmem:s18], [sflag:$0x1], $0x1, s24, s19, $0xb8;
	[tilespmem:$0x5990] =	vst v63  }
0x45: {  	_ =	swait.ge [sflag:s17], $0x7D  }
0x46: {  	[sflag:s17] =	ssyncset.done $0x0  }
0x47: {  	[sflag:s17] =	ssyncadd.s32 $0xFFFFFF83  }
0x48: {  	[spmem:s2] =	stream.indirect.scatter.add.f32 [tilespmem:s18], [sflag:$0x1], $0x1, s25, s19, $0xb8;
	[tilespmem:$0x5990] =	vst v63  }
0x49: {  	_ =	swait.ge [sflag:s17], $0x7D  }
0x4a: {  	[sflag:s17] =	ssyncset.done $0x0  }
0x4b: {  	[sflag:s17] =	ssyncadd.s32 $0xFFFFFF83  }
0x4c: {  	[spmem:s2] =	stream.indirect.scatter.add.f32 [tilespmem:s18], [sflag:$0x1], $0x1, s26, s19, $0xb8;
	[tilespmem:$0x5990] =	vst v63  }
0x4d: {  	_ =	swait.ge [sflag:s17], $0x7D  }
0x4e: {  	[sflag:s17] =	ssyncset.done $0x0  }
0x4f: {  	[sflag:s17] =	ssyncadd.s32 $0xFFFFFF83  }
0x50: {  	[spmem:s2] =	stream.indirect.scatter.add.f32 [tilespmem:s18], [sflag:$0x1], $0x1, s28, s19, $0xb8;
	[tilespmem:$0x5990] =	vst v63  }
0x51: {  	_ =	swait.ge [sflag:s17], $0x7D  }
0x52: {  	[sflag:s17] =	ssyncset.done $0x0  }
0x53: {  	[sflag:s17] =	ssyncadd.s32 $0xFFFFFF83  }
0x54: {  	[spmem:s2] =	stream.indirect.scatter.add.f32 [tilespmem:s18], [sflag:$0x1], $0x1, s29, s19, $0xb8;
	[tilespmem:$0x5990] =	vst v63  }
0x55: {  	_ =	swait.ge [sflag:s17], $0x7D  }
0x56: {  	[sflag:s17] =	ssyncset.done $0x0  }
0x57: {  	[sflag:s17] =	ssyncadd.s32 $0xFFFFFF83  }
0x58: {  	[spmem:s2] =	stream.indirect.scatter.add.f32 [tilespmem:s18], [sflag:$0x1], $0x1, s30, s19, $0xb8;
	[tilespmem:$0x5990] =	vst v63  }
0x59: {  	_ =	swait.ge [sflag:s17], $0x7D  }
0x5a: {  	[sflag:s17] =	ssyncset.done $0x0  }
0x5b: {  	[sflag:s17] =	ssyncadd.s32 $0xFFFFFF83  }
0x5c: {  	[spmem:s2] =	stream.indirect.scatter.add.f32 [tilespmem:s18], [sflag:$0x1], $0x1, s31, s19, $0xb8;
	[tilespmem:$0x5990] =	vst v63  }
0x5d: {  	_ =	swait.ge [sflag:s17], $0x7D  }
0x5e: {  	[sflag:s17] =	ssyncset.done $0x0  }
0x5f: {  	[sflag:s17] =	ssyncadd.s32 $0xFFFFFF83  }
0x60: {  	[spmem:s2] =	stream.indirect.scatter.add.f32 [tilespmem:s18], [sflag:$0x1], $0x1, s0, s19, $0xb8;
	[tilespmem:$0x5990] =	vst v63  }
0x61: {  	_ =	swait.ge [sflag:s17], $0x7D  }
0x62: {  	[sflag:s17] =	ssyncset.done $0x0  }
0x63: {  	[sflag:s17] =	ssyncadd.s32 $0xFFFFFF83  }
0x64: {  	[spmem:s2] =	stream.indirect.scatter.add.f32 [tilespmem:s18], [sflag:$0x1], $0x1, s1, s19, $0xb8;
	[tilespmem:$0x5990] =	vst v63  }
0x65: {  	_ =	swait.ge [sflag:s17], $0x7D  }
0x66: {  	[sflag:s17] =	ssyncset.done $0x0  }
0x67: {  	[sflag:s17] =	ssyncadd.s32 $0xFFFFFF83  }
0x68: {  	[spmem:s2] =	stream.indirect.scatter.add.f32 [tilespmem:s18], [sflag:$0x1], $0x1, s5, s19, $0xb8;
	[tilespmem:$0x5990] =	vst v63  }
0x69: {  	p0 =	sne.s32 s9, $0x1;
	_ =	swait.ge [sflag:s17], $0x7D  }
.Ltmp0:
0x6a: {  	[sflag:s17] =	ssyncset.done $0x0;
	(pc) =	sbr.rel @!p0 .LBB2_3-.Ltmp0, $4  }
0x6b: {  	[sflag:s17] =	ssyncadd.s32 $0xFFFFFF83  }
0x6c: {  	[spmem:s2] =	stream.indirect.scatter.add.f32 [tilespmem:s18], [sflag:$0x1], $0x1, s6, s19, $0xb8;
	[tilespmem:$0x5990] =	vst v63  }
0x6d: {  	_ =	swait.ge [sflag:s17], $0x7D  }
0x6e: {  	s12 =	sadd.s32 $0xFFFFFFFF, s9;
	s14 =	smov.u32 s13;
	[sflag:s17] =	ssyncset.done $0x0  }
.LBB2_2:
0x6f: {  	p0 =	sne.s32 s12, $0x1;
	[sflag:s17] =	ssyncadd.s32 $0xFFFFFF83;
	s14 =	sadd.s32 $0x1000, s14  }
0x70: {  	[tilespmem:s4], [sflag:$0x1] =	stream.linear.gather [hbm4b:s14+s4], $0x800, $0x38;
	[tilespmem:$0x5990] =	vst v63  }
0x71: {  	s12 =	sadd.s32 $0xFFFFFFFF, s12;
	_ =	swait.ge [sflag:s17], $0x800  }
0x72: {  	[sflag:s17] =	ssyncset.done $0x0  }
0x73: {  	[sflag:s17] =	ssyncadd.s32 $0xFFFFF800  }
0x74: {  	[spmem:s2] =	stream.indirect.scatter.add.f32 [tilespmem:s18], [sflag:$0x1], $0x1, s4, s19, $0xb8;
	[tilespmem:$0x5990] =	vst v63  }
0x75: {  	_ =	swait.ge [sflag:s17], $0x7D  }
0x76: {  	[sflag:s17] =	ssyncset.done $0x0  }
0x77: {  	[sflag:s17] =	ssyncadd.s32 $0xFFFFFF83  }
0x78: {  	[spmem:s2] =	stream.indirect.scatter.add.f32 [tilespmem:s18], [sflag:$0x1], $0x1, s20, s19, $0xb8;
	[tilespmem:$0x5990] =	vst v63  }
0x79: {  	_ =	swait.ge [sflag:s17], $0x7D  }
0x7a: {  	[sflag:s17] =	ssyncset.done $0x0  }
0x7b: {  	[sflag:s17] =	ssyncadd.s32 $0xFFFFFF83  }
0x7c: {  	[spmem:s2] =	stream.indirect.scatter.add.f32 [tilespmem:s18], [sflag:$0x1], $0x1, s21, s19, $0xb8;
	[tilespmem:$0x5990] =	vst v63  }
0x7d: {  	_ =	swait.ge [sflag:s17], $0x7D  }
0x7e: {  	[sflag:s17] =	ssyncset.done $0x0  }
0x7f: {  	[sflag:s17] =	ssyncadd.s32 $0xFFFFFF83  }
0x80: {  	[spmem:s2] =	stream.indirect.scatter.add.f32 [tilespmem:s18], [sflag:$0x1], $0x1, s22, s19, $0xb8;
	[tilespmem:$0x5990] =	vst v63  }
0x81: {  	_ =	swait.ge [sflag:s17], $0x7D  }
0x82: {  	[sflag:s17] =	ssyncset.done $0x0  }
0x83: {  	[sflag:s17] =	ssyncadd.s32 $0xFFFFFF83  }
0x84: {  	[spmem:s2] =	stream.indirect.scatter.add.f32 [tilespmem:s18], [sflag:$0x1], $0x1, s23, s19, $0xb8;
	[tilespmem:$0x5990] =	vst v63  }
0x85: {  	_ =	swait.ge [sflag:s17], $0x7D  }
0x86: {  	[sflag:s17] =	ssyncset.done $0x0  }
0x87: {  	[sflag:s17] =	ssyncadd.s32 $0xFFFFFF83  }
0x88: {  	[spmem:s2] =	stream.indirect.scatter.add.f32 [tilespmem:s18], [sflag:$0x1], $0x1, s24, s19, $0xb8;
	[tilespmem:$0x5990] =	vst v63  }
0x89: {  	_ =	swait.ge [sflag:s17], $0x7D  }
0x8a: {  	[sflag:s17] =	ssyncset.done $0x0  }
0x8b: {  	[sflag:s17] =	ssyncadd.s32 $0xFFFFFF83  }
0x8c: {  	[spmem:s2] =	stream.indirect.scatter.add.f32 [tilespmem:s18], [sflag:$0x1], $0x1, s25, s19, $0xb8;
	[tilespmem:$0x5990] =	vst v63  }
0x8d: {  	_ =	swait.ge [sflag:s17], $0x7D  }
0x8e: {  	[sflag:s17] =	ssyncset.done $0x0  }
0x8f: {  	[sflag:s17] =	ssyncadd.s32 $0xFFFFFF83  }
0x90: {  	[spmem:s2] =	stream.indirect.scatter.add.f32 [tilespmem:s18], [sflag:$0x1], $0x1, s26, s19, $0xb8;
	[tilespmem:$0x5990] =	vst v63  }
0x91: {  	_ =	swait.ge [sflag:s17], $0x7D  }
0x92: {  	[sflag:s17] =	ssyncset.done $0x0  }
0x93: {  	[sflag:s17] =	ssyncadd.s32 $0xFFFFFF83  }
0x94: {  	[spmem:s2] =	stream.indirect.scatter.add.f32 [tilespmem:s18], [sflag:$0x1], $0x1, s28, s19, $0xb8;
	[tilespmem:$0x5990] =	vst v63  }
0x95: {  	_ =	swait.ge [sflag:s17], $0x7D  }
0x96: {  	[sflag:s17] =	ssyncset.done $0x0  }
0x97: {  	[sflag:s17] =	ssyncadd.s32 $0xFFFFFF83  }
0x98: {  	[spmem:s2] =	stream.indirect.scatter.add.f32 [tilespmem:s18], [sflag:$0x1], $0x1, s29, s19, $0xb8;
	[tilespmem:$0x5990] =	vst v63  }
0x99: {  	_ =	swait.ge [sflag:s17], $0x7D  }
0x9a: {  	[sflag:s17] =	ssyncset.done $0x0  }
0x9b: {  	[sflag:s17] =	ssyncadd.s32 $0xFFFFFF83  }
0x9c: {  	[spmem:s2] =	stream.indirect.scatter.add.f32 [tilespmem:s18], [sflag:$0x1], $0x1, s30, s19, $0xb8;
	[tilespmem:$0x5990] =	vst v63  }
0x9d: {  	_ =	swait.ge [sflag:s17], $0x7D  }
0x9e: {  	[sflag:s17] =	ssyncset.done $0x0  }
0x9f: {  	[sflag:s17] =	ssyncadd.s32 $0xFFFFFF83  }
0xa0: {  	[spmem:s2] =	stream.indirect.scatter.add.f32 [tilespmem:s18], [sflag:$0x1], $0x1, s31, s19, $0xb8;
	[tilespmem:$0x5990] =	vst v63  }
0xa1: {  	_ =	swait.ge [sflag:s17], $0x7D  }
0xa2: {  	[sflag:s17] =	ssyncset.done $0x0  }
0xa3: {  	[sflag:s17] =	ssyncadd.s32 $0xFFFFFF83  }
0xa4: {  	[spmem:s2] =	stream.indirect.scatter.add.f32 [tilespmem:s18], [sflag:$0x1], $0x1, s0, s19, $0xb8;
	[tilespmem:$0x5990] =	vst v63  }
0xa5: {  	_ =	swait.ge [sflag:s17], $0x7D  }
0xa6: {  	[sflag:s17] =	ssyncset.done $0x0  }
0xa7: {  	[sflag:s17] =	ssyncadd.s32 $0xFFFFFF83  }
0xa8: {  	[spmem:s2] =	stream.indirect.scatter.add.f32 [tilespmem:s18], [sflag:$0x1], $0x1, s1, s19, $0xb8;
	[tilespmem:$0x5990] =	vst v63  }
0xa9: {  	_ =	swait.ge [sflag:s17], $0x7D  }
0xaa: {  	[sflag:s17] =	ssyncset.done $0x0  }
0xab: {  	[sflag:s17] =	ssyncadd.s32 $0xFFFFFF83  }
0xac: {  	[spmem:s2] =	stream.indirect.scatter.add.f32 [tilespmem:s18], [sflag:$0x1], $0x1, s5, s19, $0xb8;
	[tilespmem:$0x5990] =	vst v63  }
0xad: {  	_ =	swait.ge [sflag:s17], $0x7D  }
.Ltmp1:
0xae: {  	[sflag:s17] =	ssyncset.done $0x0;
	(pc) =	sbr.rel @p0 .LBB2_2-.Ltmp1, $4  }
0xaf: {  	[sflag:s17] =	ssyncadd.s32 $0xFFFFFF83  }
0xb0: {  	[spmem:s2] =	stream.indirect.scatter.add.f32 [tilespmem:s18], [sflag:$0x1], $0x1, s6, s19, $0xb8;
	[tilespmem:$0x5990] =	vst v63  }
0xb1: {  	_ =	swait.ge [sflag:s17], $0x7D  }
0xb2: {  	[sflag:s17] =	ssyncset.done $0x0  }
.LBB2_3:
0xb3: {  	[sflag:s17] =	ssyncadd.s32 $0xFFFFFF83  }
0xb4: {  	[tilespmem:s4], [sflag:$0x1] =	stream.linear.gather [hbm4b:s15+s4], $0x800, $0x38;
	[tilespmem:$0x5990] =	vst v63  }
0xb5: {  	_ =	swait.ge [sflag:s17], $0x800  }
0xb6: {  	[sflag:s17] =	ssyncset.done $0x0  }
0xb7: {  	[sflag:s17] =	ssyncadd.s32 $0xFFFFF800  }
0xb8: {  	[spmem:s3] =	stream.indirect.scatter.add.f32 [tilespmem:s18], [sflag:$0x1], $0x1, s4, s19, $0xb8;
	[tilespmem:$0x5990] =	vst v63  }
0xb9: {  	_ =	swait.ge [sflag:s17], $0x7D  }
0xba: {  	[sflag:s17] =	ssyncset.done $0x0  }
0xbb: {  	[sflag:s17] =	ssyncadd.s32 $0xFFFFFF83  }
0xbc: {  	[spmem:s3] =	stream.indirect.scatter.add.f32 [tilespmem:s18], [sflag:$0x1], $0x1, s20, s19, $0xb8;
	[tilespmem:$0x5990] =	vst v63  }
0xbd: {  	_ =	swait.ge [sflag:s17], $0x7D  }
0xbe: {  	[sflag:s17] =	ssyncset.done $0x0  }
0xbf: {  	[sflag:s17] =	ssyncadd.s32 $0xFFFFFF83  }
0xc0: {  	[spmem:s3] =	stream.indirect.scatter.add.f32 [tilespmem:s18], [sflag:$0x1], $0x1, s21, s19, $0xb8;
	[tilespmem:$0x5990] =	vst v63  }
0xc1: {  	_ =	swait.ge [sflag:s17], $0x7D  }
0xc2: {  	[sflag:s17] =	ssyncset.done $0x0  }
0xc3: {  	[sflag:s17] =	ssyncadd.s32 $0xFFFFFF83  }
0xc4: {  	[spmem:s3] =	stream.indirect.scatter.add.f32 [tilespmem:s18], [sflag:$0x1], $0x1, s22, s19, $0xb8;
	[tilespmem:$0x5990] =	vst v63  }
0xc5: {  	_ =	swait.ge [sflag:s17], $0x7D  }
0xc6: {  	[sflag:s17] =	ssyncset.done $0x0  }
0xc7: {  	[sflag:s17] =	ssyncadd.s32 $0xFFFFFF83  }
0xc8: {  	[spmem:s3] =	stream.indirect.scatter.add.f32 [tilespmem:s18], [sflag:$0x1], $0x1, s23, s19, $0xb8;
	[tilespmem:$0x5990] =	vst v63  }
0xc9: {  	_ =	swait.ge [sflag:s17], $0x7D  }
0xca: {  	[sflag:s17] =	ssyncset.done $0x0  }
0xcb: {  	[sflag:s17] =	ssyncadd.s32 $0xFFFFFF83  }
0xcc: {  	[spmem:s3] =	stream.indirect.scatter.add.f32 [tilespmem:s18], [sflag:$0x1], $0x1, s24, s19, $0xb8;
	[tilespmem:$0x5990] =	vst v63  }
0xcd: {  	_ =	swait.ge [sflag:s17], $0x7D  }
0xce: {  	[sflag:s17] =	ssyncset.done $0x0  }
0xcf: {  	[sflag:s17] =	ssyncadd.s32 $0xFFFFFF83  }
0xd0: {  	[spmem:s3] =	stream.indirect.scatter.add.f32 [tilespmem:s18], [sflag:$0x1], $0x1, s25, s19, $0xb8;
	[tilespmem:$0x5990] =	vst v63  }
0xd1: {  	_ =	swait.ge [sflag:s17], $0x7D  }
0xd2: {  	[sflag:s17] =	ssyncset.done $0x0  }
0xd3: {  	[sflag:s17] =	ssyncadd.s32 $0xFFFFFF83  }
0xd4: {  	[spmem:s3] =	stream.indirect.scatter.add.f32 [tilespmem:s18], [sflag:$0x1], $0x1, s26, s19, $0xb8;
	[tilespmem:$0x5990] =	vst v63  }
0xd5: {  	_ =	swait.ge [sflag:s17], $0x7D  }
0xd6: {  	[sflag:s17] =	ssyncset.done $0x0  }
0xd7: {  	[sflag:s17] =	ssyncadd.s32 $0xFFFFFF83  }
0xd8: {  	[spmem:s3] =	stream.indirect.scatter.add.f32 [tilespmem:s18], [sflag:$0x1], $0x1, s28, s19, $0xb8;
	[tilespmem:$0x5990] =	vst v63  }
0xd9: {  	_ =	swait.ge [sflag:s17], $0x7D  }
0xda: {  	[sflag:s17] =	ssyncset.done $0x0  }
0xdb: {  	[sflag:s17] =	ssyncadd.s32 $0xFFFFFF83  }
0xdc: {  	[spmem:s3] =	stream.indirect.scatter.add.f32 [tilespmem:s18], [sflag:$0x1], $0x1, s29, s19, $0xb8;
	[tilespmem:$0x5990] =	vst v63  }
0xdd: {  	_ =	swait.ge [sflag:s17], $0x7D  }
0xde: {  	[sflag:s17] =	ssyncset.done $0x0  }
0xdf: {  	[sflag:s17] =	ssyncadd.s32 $0xFFFFFF83  }
0xe0: {  	[spmem:s3] =	stream.indirect.scatter.add.f32 [tilespmem:s18], [sflag:$0x1], $0x1, s30, s19, $0xb8;
	[tilespmem:$0x5990] =	vst v63  }
0xe1: {  	_ =	swait.ge [sflag:s17], $0x7D  }
0xe2: {  	[sflag:s17] =	ssyncset.done $0x0  }
0xe3: {  	[sflag:s17] =	ssyncadd.s32 $0xFFFFFF83  }
0xe4: {  	[spmem:s3] =	stream.indirect.scatter.add.f32 [tilespmem:s18], [sflag:$0x1], $0x1, s31, s19, $0xb8;
	[tilespmem:$0x5990] =	vst v63  }
0xe5: {  	_ =	swait.ge [sflag:s17], $0x7D  }
0xe6: {  	[sflag:s17] =	ssyncset.done $0x0  }
0xe7: {  	[sflag:s17] =	ssyncadd.s32 $0xFFFFFF83  }
0xe8: {  	[spmem:s3] =	stream.indirect.scatter.add.f32 [tilespmem:s18], [sflag:$0x1], $0x1, s0, s19, $0xb8;
	[tilespmem:$0x5990] =	vst v63  }
0xe9: {  	_ =	swait.ge [sflag:s17], $0x7D  }
0xea: {  	[sflag:s17] =	ssyncset.done $0x0  }
0xeb: {  	[sflag:s17] =	ssyncadd.s32 $0xFFFFFF83  }
0xec: {  	[spmem:s3] =	stream.indirect.scatter.add.f32 [tilespmem:s18], [sflag:$0x1], $0x1, s1, s19, $0xb8;
	[tilespmem:$0x5990] =	vst v63  }
0xed: {  	_ =	swait.ge [sflag:s17], $0x7D  }
0xee: {  	[sflag:s17] =	ssyncset.done $0x0  }
0xef: {  	[sflag:s17] =	ssyncadd.s32 $0xFFFFFF83  }
0xf0: {  	[spmem:s3] =	stream.indirect.scatter.add.f32 [tilespmem:s18], [sflag:$0x1], $0x1, s5, s19, $0xb8;
	[tilespmem:$0x5990] =	vst v63  }
0xf1: {  	p0 =	sne.s32 s10, $0x1;
	_ =	swait.ge [sflag:s17], $0x7D  }
.Ltmp2:
0xf2: {  	[sflag:s17] =	ssyncset.done $0x0;
	(pc) =	sbr.rel @!p0 .LBB2_5-.Ltmp2, $4  }
0xf3: {  	[sflag:s17] =	ssyncadd.s32 $0xFFFFFF83  }
0xf4: {  	[spmem:s3] =	stream.indirect.scatter.add.f32 [tilespmem:s18], [sflag:$0x1], $0x1, s6, s19, $0xb8;
	[tilespmem:$0x5990] =	vst v63  }
0xf5: {  	_ =	swait.ge [sflag:s17], $0x7D  }
0xf6: {  	s12 =	sadd.s32 $0xFFFFFFFF, s10;
	s14 =	smov.u32 s15;
	[sflag:s17] =	ssyncset.done $0x0  }
.LBB2_4:
0xf7: {  	p0 =	sne.s32 s12, $0x1;
	[sflag:s17] =	ssyncadd.s32 $0xFFFFFF83;
	s14 =	sadd.s32 $0x1000, s14  }
0xf8: {  	[tilespmem:s4], [sflag:$0x1] =	stream.linear.gather [hbm4b:s14+s4], $0x800, $0x38;
	[tilespmem:$0x5990] =	vst v63  }
0xf9: {  	s12 =	sadd.s32 $0xFFFFFFFF, s12;
	_ =	swait.ge [sflag:s17], $0x800  }
0xfa: {  	[sflag:s17] =	ssyncset.done $0x0  }
0xfb: {  	[sflag:s17] =	ssyncadd.s32 $0xFFFFF800  }
0xfc: {  	[spmem:s3] =	stream.indirect.scatter.add.f32 [tilespmem:s18], [sflag:$0x1], $0x1, s4, s19, $0xb8;
	[tilespmem:$0x5990] =	vst v63  }
0xfd: {  	_ =	swait.ge [sflag:s17], $0x7D  }
0xfe: {  	[sflag:s17] =	ssyncset.done $0x0  }
0xff: {  	[sflag:s17] =	ssyncadd.s32 $0xFFFFFF83  }
0x100: {  	[spmem:s3] =	stream.indirect.scatter.add.f32 [tilespmem:s18], [sflag:$0x1], $0x1, s20, s19, $0xb8;
	[tilespmem:$0x5990] =	vst v63  }
0x101: {  	_ =	swait.ge [sflag:s17], $0x7D  }
0x102: {  	[sflag:s17] =	ssyncset.done $0x0  }
0x103: {  	[sflag:s17] =	ssyncadd.s32 $0xFFFFFF83  }
0x104: {  	[spmem:s3] =	stream.indirect.scatter.add.f32 [tilespmem:s18], [sflag:$0x1], $0x1, s21, s19, $0xb8;
	[tilespmem:$0x5990] =	vst v63  }
0x105: {  	_ =	swait.ge [sflag:s17], $0x7D  }
0x106: {  	[sflag:s17] =	ssyncset.done $0x0  }
0x107: {  	[sflag:s17] =	ssyncadd.s32 $0xFFFFFF83  }
0x108: {  	[spmem:s3] =	stream.indirect.scatter.add.f32 [tilespmem:s18], [sflag:$0x1], $0x1, s22, s19, $0xb8;
	[tilespmem:$0x5990] =	vst v63  }
0x109: {  	_ =	swait.ge [sflag:s17], $0x7D  }
0x10a: {  	[sflag:s17] =	ssyncset.done $0x0  }
0x10b: {  	[sflag:s17] =	ssyncadd.s32 $0xFFFFFF83  }
0x10c: {  	[spmem:s3] =	stream.indirect.scatter.add.f32 [tilespmem:s18], [sflag:$0x1], $0x1, s23, s19, $0xb8;
	[tilespmem:$0x5990] =	vst v63  }
0x10d: {  	_ =	swait.ge [sflag:s17], $0x7D  }
0x10e: {  	[sflag:s17] =	ssyncset.done $0x0  }
0x10f: {  	[sflag:s17] =	ssyncadd.s32 $0xFFFFFF83  }
0x110: {  	[spmem:s3] =	stream.indirect.scatter.add.f32 [tilespmem:s18], [sflag:$0x1], $0x1, s24, s19, $0xb8;
	[tilespmem:$0x5990] =	vst v63  }
0x111: {  	_ =	swait.ge [sflag:s17], $0x7D  }
0x112: {  	[sflag:s17] =	ssyncset.done $0x0  }
0x113: {  	[sflag:s17] =	ssyncadd.s32 $0xFFFFFF83  }
0x114: {  	[spmem:s3] =	stream.indirect.scatter.add.f32 [tilespmem:s18], [sflag:$0x1], $0x1, s25, s19, $0xb8;
	[tilespmem:$0x5990] =	vst v63  }
0x115: {  	_ =	swait.ge [sflag:s17], $0x7D  }
0x116: {  	[sflag:s17] =	ssyncset.done $0x0  }
0x117: {  	[sflag:s17] =	ssyncadd.s32 $0xFFFFFF83  }
0x118: {  	[spmem:s3] =	stream.indirect.scatter.add.f32 [tilespmem:s18], [sflag:$0x1], $0x1, s26, s19, $0xb8;
	[tilespmem:$0x5990] =	vst v63  }
0x119: {  	_ =	swait.ge [sflag:s17], $0x7D  }
0x11a: {  	[sflag:s17] =	ssyncset.done $0x0  }
0x11b: {  	[sflag:s17] =	ssyncadd.s32 $0xFFFFFF83  }
0x11c: {  	[spmem:s3] =	stream.indirect.scatter.add.f32 [tilespmem:s18], [sflag:$0x1], $0x1, s28, s19, $0xb8;
	[tilespmem:$0x5990] =	vst v63  }
0x11d: {  	_ =	swait.ge [sflag:s17], $0x7D  }
0x11e: {  	[sflag:s17] =	ssyncset.done $0x0  }
0x11f: {  	[sflag:s17] =	ssyncadd.s32 $0xFFFFFF83  }
0x120: {  	[spmem:s3] =	stream.indirect.scatter.add.f32 [tilespmem:s18], [sflag:$0x1], $0x1, s29, s19, $0xb8;
	[tilespmem:$0x5990] =	vst v63  }
0x121: {  	_ =	swait.ge [sflag:s17], $0x7D  }
0x122: {  	[sflag:s17] =	ssyncset.done $0x0  }
0x123: {  	[sflag:s17] =	ssyncadd.s32 $0xFFFFFF83  }
0x124: {  	[spmem:s3] =	stream.indirect.scatter.add.f32 [tilespmem:s18], [sflag:$0x1], $0x1, s30, s19, $0xb8;
	[tilespmem:$0x5990] =	vst v63  }
0x125: {  	_ =	swait.ge [sflag:s17], $0x7D  }
0x126: {  	[sflag:s17] =	ssyncset.done $0x0  }
0x127: {  	[sflag:s17] =	ssyncadd.s32 $0xFFFFFF83  }
0x128: {  	[spmem:s3] =	stream.indirect.scatter.add.f32 [tilespmem:s18], [sflag:$0x1], $0x1, s31, s19, $0xb8;
	[tilespmem:$0x5990] =	vst v63  }
0x129: {  	_ =	swait.ge [sflag:s17], $0x7D  }
0x12a: {  	[sflag:s17] =	ssyncset.done $0x0  }
0x12b: {  	[sflag:s17] =	ssyncadd.s32 $0xFFFFFF83  }
0x12c: {  	[spmem:s3] =	stream.indirect.scatter.add.f32 [tilespmem:s18], [sflag:$0x1], $0x1, s0, s19, $0xb8;
	[tilespmem:$0x5990] =	vst v63  }
0x12d: {  	_ =	swait.ge [sflag:s17], $0x7D  }
0x12e: {  	[sflag:s17] =	ssyncset.done $0x0  }
0x12f: {  	[sflag:s17] =	ssyncadd.s32 $0xFFFFFF83  }
0x130: {  	[spmem:s3] =	stream.indirect.scatter.add.f32 [tilespmem:s18], [sflag:$0x1], $0x1, s1, s19, $0xb8;
	[tilespmem:$0x5990] =	vst v63  }
0x131: {  	_ =	swait.ge [sflag:s17], $0x7D  }
0x132: {  	[sflag:s17] =	ssyncset.done $0x0  }
0x133: {  	[sflag:s17] =	ssyncadd.s32 $0xFFFFFF83  }
0x134: {  	[spmem:s3] =	stream.indirect.scatter.add.f32 [tilespmem:s18], [sflag:$0x1], $0x1, s5, s19, $0xb8;
	[tilespmem:$0x5990] =	vst v63  }
0x135: {  	_ =	swait.ge [sflag:s17], $0x7D  }
.Ltmp3:
0x136: {  	[sflag:s17] =	ssyncset.done $0x0;
	(pc) =	sbr.rel @p0 .LBB2_4-.Ltmp3, $4  }
0x137: {  	[sflag:s17] =	ssyncadd.s32 $0xFFFFFF83  }
0x138: {  	[spmem:s3] =	stream.indirect.scatter.add.f32 [tilespmem:s18], [sflag:$0x1], $0x1, s6, s19, $0xb8;
	[tilespmem:$0x5990] =	vst v63  }
0x139: {  	_ =	swait.ge [sflag:s17], $0x7D  }
0x13a: {  	[sflag:s17] =	ssyncset.done $0x0  }
.LBB2_5:
0x13b: {  	[sflag:s17] =	ssyncadd.s32 $0xFFFFFF83  }
0x13c: {  	[bflag:$0x0] =	sbarrier.arrive $0xFFFF  }
0x13d: {  	[tilespmem:s16], [sflag:$0x1] =	stream.linear.gather [spmem:s7], $0x2710, $0x38;
	[tilespmem:$0x5990] =	vst v63  }
0x13e: {  	_ =	swait.ge [sflag:s17], $0x2710  }
0x13f: {  	[sflag:s17] =	ssyncset.done $0x0  }
0x140: {  	s12 =	rddreg [dreg:$0x7];
	[sflag:s17] =	ssyncadd.s32 $0xFFFFD8F0  }
0x141: {  	[hbm4b:s12+s4] =	stream.linear.scatter [tilespmem:s16], [sflag:$0x1], $0x2710, $0x38;
	[tilespmem:$0x5990] =	vst v63  }
0x142: {  	_ =	swait.ge [sflag:s17], $0x2710  }
0x143: {  	[sflag:s17] =	ssyncset.done $0x0  }
0x144: {  	[sflag:s17] =	ssyncadd.s32 $0xFFFFD8F0  }
0x145: {  	[tilespmem:s16], [sflag:$0x1] =	stream.linear.gather [spmem:s8], $0x280, $0x38;
	[tilespmem:$0x5990] =	vst v63  }
0x146: {  	_ =	swait.ge [sflag:s17], $0x280  }
0x147: {  	[sflag:s17] =	ssyncset.done $0x0  }
0x148: {  	s14 =	rddreg [dreg:$0x8];
	[sflag:s17] =	ssyncadd.s32 $0xFFFFFD80  }
0x149: {  	[hbm4b:s14+s4] =	stream.linear.scatter [tilespmem:s16], [sflag:$0x1], $0x280, $0x38;
	[tilespmem:$0x5990] =	vst v63  }
0x14a: {  	_ =	swait.ge [sflag:s17], $0x280  }
0x14b: {  	s11 =	sadd.s32 $0x1, s11;
	s14 =	rddreg [dreg:$0x9]  }
0x14c: {  	p0 =	sne.s32 s11, s14  }
.Ltmp4:
0x14d: {  	_ = 	snop;
	(pc) =	sbr.rel @p0 .LBB2_1-.Ltmp4, $3  }
0x14e: {  	_ =	sdelay $0x1  }
0x14f: {  	[sflag:s17] =	ssyncset.done $0x0  }
0x150: {  	[sflag:s17] =	ssyncadd.s32 $0xFFFFFD80  }
0x151: {  	_ =	sfence.sel $0x180000  }
0x152: {  	[bflag:$0x0] =	sbarrier.arrive $0xFFFF  }
0x153: {  	_ =	strace $0x90000047  }
0x154: {  	s0 =	stileid.u32;
	[bflag:$0x2] =	sbarrier.arrive $0xFFFF  }
0x155: {  	p0 =	sne.s32 s0, $0x0;
	s0 =	rddreg [dreg:$0x4]  }
0x156: {  	s0 =	sadd.s32 @!p0 $0x100000, s0  }
0x157: {  	[sflag:s0] =	ssyncadd.tile.s32 @!p0 $0x1;
	_ =	shalt  }
.Lfunc_end2:
_tile_overlayer_lowered:
.L_overlay_start_2:
0x158: {  	(tag) =	ssettag $0x2  }
0x159: {  	s0 =	rddreg [dreg:$0x0];
	s2 =	stileid.u32  }
0x15a: {  	s1 =	rddreg [dreg:$0x1];
	p0 =	sne.s32 s2, $0x0  }
0x15b: {  	s3 =	rddreg [dreg:$0x2];
	[bflag:$0x3] =	sbarrier.arrive $0xFFFF;
	s2 =	simm.s32 @!p0 $0x1C01  }
0x15c: {  	[timem:s3], [sflag:s2] =	dma.local @!p0 [hbm:s0], s1  }
0x15d: {  	s0 =	simm.s32 @!p0 $0x1  }
0x15e: {  	_ =	swait.ge @!p0 [sflag:s0], s1  }
0x15f: {  	s1 =	ssub.s32 @!p0 $0x0, s1;
	[sflag:s0] =	ssyncset.done @!p0 $0x0  }
0x160: {  	[sflag:s0] =	ssyncadd.s32 @!p0 s1  }
0x161: {  	[bflag:$0x3] =	sbarrier.arrive $0xFFFF  }
0x162: {  	_ =	shalt  }

// kernel: scatter_offload_async_start.1
scs
__scs_entry_jumppad:
0x0: {  	(pc) =	sbr.rel $0x88, $3  }
0x1: {  	(tag) =	ssettag $0x0;
	lr =	simm.s32 $0x1  }
0x2: {  	[smem:$0x3F9A] =	sst lr;
	_ =	strace $0xD0000000  }
0x3: {  	_ = 	snop  }
0x4: {  	_ = 	snop  }
0x5: {  	_ = 	snop  }
0x6: {  	_ = 	snop  }
0x7: {  	_ = 	snop  }
__scs_overlays_trampoline_lowered:
0x8: {  	[smem:$0x3FA9] =	sst s0  }
0x9: {  	[smem:$0x3FAA] =	sst s1  }
0xa: {  	[smem:$0x3FAB] =	sst s2  }
0xb: {  	[smem:$0x3FAC] =	sst s3  }
0xc: {  	[smem:$0x3FAD] =	sst s4  }
0xd: {  	[smem:$0x3FAE] =	sst s5  }
0xe: {  	[smem:$0x3FAF] =	sst s6  }
0xf: {  	[smem:$0x3FB0] =	sst s7  }
0x10: {  	[smem:$0x3FB1] =	sst s8  }
0x11: {  	[smem:$0x3FB2] =	sst s9;
	s0 =	simm.s32 @!p0 $0x0  }
0x12: {  	s1 =	sld [smem:$0x3F98];
	s0 =	simm.s32 @p0 $0x1  }
0x13: {  	[smem:$0x3FB3] =	sst s0;
	s0 =	simm.s32 @!p1 $0x0  }
0x14: {  	s2 =	sld [smem:$0x3F97];
	s0 =	simm.s32 @p1 $0x1  }
0x15: {  	[smem:$0x3FB4] =	sst s0;
	s0 =	simm.s32 @!p2 $0x0  }
0x16: {  	s3 =	sld [smem:$0x3FDB];
	s0 =	simm.s32 @p2 $0x1  }
0x17: {  	s4 =	simm.s32 $0x1BF5;
	[smem:$0x3FB6] =	sst s0  }
0x18: {  	s0 =	sld [smem:$0x3F99];
	_ =	swait.ge [sflag:s4], $0x0  }
0x19: {  	s7 =	sld [smem:$0x3F9A]  }
0x1a: {  	s8 =	sadd.s32 $0xFFFFE003, lr  }
0x1b: {  	s9 =	sadd.s32 $0xFFFFFEF7, lr;
	s5 =	simm.s32 $0xFFFFFFFF;
	p2 =	slt.u32 s8, $0xFFFFF086  }
0x1c: {  	p1 =	slt.u32 s9, $0xF7A;
	s5 =	simm.s32 @!p2 $0x0  }
0x1d: {  	s5 =	simm.s32 @p1 $0x1;
	p0 =	seq.s32 s7, s2  }
0x1e: {  	s7 =	smul.u32 @!p0 $0xF7A, s2;
	p2 =	seq.s32 @!p0 s5, $0x0  }
0x1f: {  	s9 =	smul.u32 $0xF7A, s1;
	s8 =	simm.s32 @!p0 $0x1BF5;
	p2 =	por !p2, p0  }
0x20: {  	[sflag:s8] =	ssyncset.s32 @!p0 $0xFFFFF086;
	s6 =	sadd.s32 @!p0 s3, s7;
	s7 =	simm.s32 @!p0 $0x108  }
0x21: {  	s3 =	sadd.s32 s3, s9;
	s6 =	sadd.s32 @!p0 $0x88, s6;
	s7 =	simm.s32 @p2 $0x1082  }
0x22: {  	[simem:s7], [sflag:s8] =	dma.local @!p0 [hbm:s6], $0xF7A  }
0x23: {  	s9 =	sor.u32 $0xD0000000, s2;
	s6 =	simm.s32 $0x108;
	_ =	swait.ge @!p0 [sflag:s8], $0x0  }
0x24: {  	s3 =	sadd.s32 $0x88, s3;
	s6 =	simm.s32 @!p1 $0x1082;
	[sflag:s4] =	ssyncset.s32 $0xFFFFF086  }
0x25: {  	[simem:s6], [sflag:s4] =	dma.local [hbm:s3], $0xF7A  }
0x26: {  	[smem:$0x3F9A] =	sst s1;
	(tag) =	ssettag s2;
	_ =	strace s9  }
0x27: {  	s1 =	sld [smem:$0x3FAA]  }
0x28: {  	s2 =	sld [smem:$0x3FAB]  }
0x29: {  	s4 =	sld [smem:$0x3FAD]  }
0x2a: {  	p0 =	seq.s32 s5, $0x0;
	s5 =	sld [smem:$0x3FAE]  }
0x2b: {  	s6 =	sld [smem:$0x3FAF]  }
0x2c: {  	s7 =	sld [smem:$0x3FB0]  }
0x2d: {  	s3 =	simm.s32 $0x108;
	s8 =	sld [smem:$0x3FB1]  }
0x2e: {  	s3 =	simm.s32 @!p0 $0x1082;
	s9 =	sld [smem:$0x3FB2]  }
0x2f: {  	lr =	sadd.s32 s0, s3;
	s0 =	sld [smem:$0x3FA9]  }
0x30: {  	s3 =	sld [smem:$0x3FAC]  }
0x31: {  	[smem:$0x3FB5] =	sst s10  }
0x32: {  	s10 =	sld [smem:$0x3FB3];
	_ =	sdelay $0x3  }
0x33: {  	p0 =	seq.s32 s10, $0x1;
	s10 =	sld [smem:$0x3FB5];
	_ =	sdelay $0x3  }
0x34: {  	[smem:$0x3FB5] =	sst s10  }
0x35: {  	s10 =	sld [smem:$0x3FB4];
	_ =	sdelay $0x3  }
0x36: {  	p1 =	seq.s32 s10, $0x1;
	s10 =	sld [smem:$0x3FB5];
	_ =	sdelay $0x3  }
0x37: {  	[smem:$0x3FB5] =	sst s10  }
0x38: {  	s10 =	sld [smem:$0x3FB6]  }
0x39: {  	_ = 	snop;
	(pc) =	sbr.ind lr, $3  }
0x3a: {  	_ = 	snop  }
0x3b: {  	_ = 	snop  }
0x3c: {  	p2 =	seq.s32 s10, $0x1;
	s10 =	sld [smem:$0x3FB5]  }
0x3d: {  	_ =	shalt  }
0x3e: {  	_ =	shalt  }
0x3f: {  	_ =	shalt  }
0x40: {  	_ =	shalt  }
0x41: {  	_ =	shalt  }
0x42: {  	_ =	shalt  }
0x43: {  	_ =	shalt  }
0x44: {  	_ =	shalt  }
0x45: {  	_ =	shalt  }
0x46: {  	_ =	shalt  }
0x47: {  	_ =	shalt  }
0x48: {  	_ =	shalt  }
0x49: {  	_ =	shalt  }
0x4a: {  	_ =	shalt  }
0x4b: {  	_ =	shalt  }
0x4c: {  	_ =	shalt  }
0x4d: {  	_ =	shalt  }
0x4e: {  	_ =	shalt  }
0x4f: {  	_ =	shalt  }
0x50: {  	_ =	shalt  }
0x51: {  	_ =	shalt  }
0x52: {  	_ =	shalt  }
0x53: {  	_ =	shalt  }
0x54: {  	_ =	shalt  }
0x55: {  	_ =	shalt  }
0x56: {  	_ =	shalt  }
0x57: {  	_ =	shalt  }
0x58: {  	_ =	shalt  }
0x59: {  	_ =	shalt  }
0x5a: {  	_ =	shalt  }
0x5b: {  	_ =	shalt  }
0x5c: {  	_ =	shalt  }
0x5d: {  	_ =	shalt  }
0x5e: {  	_ =	shalt  }
0x5f: {  	_ =	shalt  }
0x60: {  	_ =	shalt  }
0x61: {  	_ =	shalt  }
0x62: {  	_ =	shalt  }
0x63: {  	_ =	shalt  }
0x64: {  	_ =	shalt  }
0x65: {  	_ =	shalt  }
0x66: {  	_ =	shalt  }
0x67: {  	_ =	shalt  }
0x68: {  	_ =	shalt  }
0x69: {  	_ =	shalt  }
0x6a: {  	_ =	shalt  }
0x6b: {  	_ =	shalt  }
0x6c: {  	_ =	shalt  }
0x6d: {  	_ =	shalt  }
0x6e: {  	_ =	shalt  }
0x6f: {  	_ =	shalt  }
0x70: {  	_ =	shalt  }
0x71: {  	_ =	shalt  }
0x72: {  	_ =	shalt  }
0x73: {  	_ =	shalt  }
0x74: {  	_ =	shalt  }
0x75: {  	_ =	shalt  }
0x76: {  	_ =	shalt  }
0x77: {  	_ =	shalt  }
0x78: {  	_ =	shalt  }
0x79: {  	_ =	shalt  }
0x7a: {  	_ =	shalt  }
0x7b: {  	_ =	shalt  }
0x7c: {  	_ =	shalt  }
0x7d: {  	_ =	shalt  }
0x7e: {  	_ =	shalt  }
0x7f: {  	_ =	shalt  }
0x80: {  	_ =	shalt  }
0x81: {  	_ =	shalt  }
0x82: {  	_ =	shalt  }
0x83: {  	_ =	shalt  }
0x84: {  	_ =	shalt  }
0x85: {  	_ =	shalt  }
0x86: {  	_ =	shalt  }
0x87: {  	_ =	shalt  }
.Lfunc_end0:
.L_simem_size_0:
called_computation.1_lowered:
.L_overlay_start_0:
0x88: {  	s2 =	sld [smem:$0x3FD9]  }
0x89: {  	s3 =	sld [smem:$0x3FFE];
	_ =	sdelay $0x1  }
0x8a: {  	s1 =	srdreg.scid  }
0x8b: {  	s0 =	sand.u32 $0x1, s1  }
0x8c: {  	s17 =	sshll.u32 s0, $0xA;
	s2 =	sadd.s32 s3, s2  }
0x8d: {  	s2 =	sadd.s32 s2, s17  }
0x8e: {  	[smem:$0x3FC1] =	sst s2  }
0x8f: {  	_ = 	snop  }
0x90: {  	(tm) =	ssettm $0x1  }
0x91: {  	s18 =	sld [smem:$0x3FFB];
	_ =	sdelay $0x3  }
0x92: {  	_ =	strace s18  }
0x93: {  	s2 =	sld [smem:$0x3FFC];
	_ =	sdelay $0x3  }
0x94: {  	_ =	strace s2  }
0x95: {  	s2 =	sld [smem:$0x3FFD];
	_ =	sdelay $0x3  }
0x96: {  	_ =	strace s2  }
0x97: {  	_ =	strace $0x8FFFFFFF  }
0x98: {  	s19 =	sld [smem:$0x3FDB];
	_ =	sdelay $0x1  }
0x99: {  	s20 =	simm.s32 $_scs_section_size  }
0x9a: {  	s4 =	simm.s32 $_size__tile_overlayer_lowered;
	s5 =	simm.s32 $_tile_overlayer_lowered  }
0x9b: {  	s6 =	simm.s32 $0x1BFF;
	s21 =	sshll.u32 s5, $0x1;
	s3 =	sadd.s32 s20, s19  }
0x9c: {  	s22 =	simm.s32 $0x0;
	s4 =	sshll.u32 s4, $0x1;
	s5 =	sadd.s32 s21, s3  }
0x9d: {  	[timem:s22], [sflag:s6] =	dma.local [hbm:s5], s4  }
0x9e: {  	_ =	swait.ge [sflag:s6], s4  }
0x9f: {  	s4 =	ssub.s32 $0x0, s4;
	[sflag:s6] =	ssyncset.done $0x0  }
0xa0: {  	[sflag:s6] =	ssyncadd.s32 s4;
	_ =	sdelay $0x1  }
0xa1: {  	s23 =	simm.s32 $0x1B8B  }
0xa2: {  	_ =	swait.ge [sflag:s23], $0x1  }
0xa3: {  	[sflag:s23] =	ssyncset.done $0x0  }
0xa4: {  	[sflag:s23] =	ssyncadd.s32 $0xFFFFFFFF  }
0xa5: {  	s4 =	sld [smem:$0x0]  }
0xa6: {  	s5 =	sand.u32 $0xFFFFFFFE, s1  }
0xa7: {  	p0 =	sne.s32 s1, s5  }
0xa8: {  	s5 =	sshll.u32 @p0 s5, $0xE  }
0xa9: {  	s5 =	sadd.s32 @p0 $0x11B8D, s5;
	s6 =	sshll.u32 @p0 s4, $0x11  }
0xaa: {  	s5 =	sor.u32 @p0 s6, s5  }
0xab: {  	[sflag:s5] =	ssyncadd.remote.s32 @p0 $0x1;
	_ =	sdelay $0x1  }
0xac: {  	s5 =	simm.s32 @p0 $0x1B8D  }
0xad: {  	_ =	swait.eq @p0 [sflag:s5], $0x1  }
0xae: {  	[sflag:s5] =	ssyncadd.s32 @p0 $0xFFFFFFFF  }
0xaf: {  	s6 =	sshll.u32 @!p0 s1, $0xE  }
0xb0: {  	s6 =	sor.u32 @!p0 $0x4000, s6;
	s5 =	simm.s32 @!p0 $0x1B8D  }
0xb1: {  	s7 =	sshll.u32 @!p0 s4, $0x11;
	s6 =	sadd.s32 @!p0 $0x11B8D, s6;
	_ =	swait.eq @!p0 [sflag:s5], $0x1  }
0xb2: {  	[sflag:s5] =	ssyncadd.s32 @!p0 $0xFFFFFFFF;
	s5 =	sor.u32 @!p0 s7, s6  }
0xb3: {  	s25 =	simm.s32 $0x1B8E;
	s24 =	sld [smem:$0x3FFE];
	[sflag:s5] =	ssyncadd.remote.s32 @!p0 $0x1  }
0xb4: {  	s26 =	simm.s32 $execute0_lowered;
	[smem:$0x3FD2] =	sst s25  }
0xb5: {  	s6 =	sshll.u32 s26, $0x1;
	_ =	strace $0x80000052;
	[dreg:$0x1] =	wrdreg $0xFFFFFFFF  }
0xb6: {  	s28 =	simm.s32 $_size_execute0_lowered;
	s3 =	sadd.s32 s3, s6;
	[dreg:$0x0] =	wrdreg $0x0  }
0xb7: {  	s6 =	sshll.u32 s28, $0x1;
	[dreg:$0x2] =	wrdreg s3  }
0xb8: {  	[dreg:$0x3] =	wrdreg s6  }
0xb9: {  	[dreg:$0x4] =	wrdreg $0xC0  }
0xba: {  	_ =	task [dreg:s22], $0x5FFFF  }
0xbb: {  	[dreg:$0x1] =	wrdreg $0xFFFFFFFF  }
0xbc: {  	[dreg:$0x0] =	wrdreg $0x60  }
0xbd: {  	[dreg:$0x2] =	wrdreg s24  }
0xbe: {  	[dreg:$0x3] =	wrdreg s1  }
0xbf: {  	[dreg:$0x4] =	wrdreg s4  }
0xc0: {  	[dreg:$0x5] =	wrdreg $0x9  }
0xc1: {  	_ =	task.clear_ibuf [dreg:s22], $0x6FFFF;
	_ =	strace $0x90000052  }
0xc2: {  	s29 =	simm.s32 $0x9;
	_ =	strace $0x80000054  }
0xc3: {  	_ =	swait.ge [sflag:s29], $0x1  }
0xc4: {  	[sflag:s29] =	ssyncadd.s32 $0xFFFFFFFF  }
0xc5: {  	_ =	strace $0x90000054  }
0xc6: {  	_ =	sfence  }
0xc7: {  	s30 =	sld [smem:$0x0];
	_ =	sdelay $0x2  }
0xc8: {  	s31 =	sshll.u32 s1, $0xD;
	s1 =	sshrl.u32 s1, $0x2  }
0xc9: {  	s4 =	sand.u32 $0x4000, s31;
	s1 =	sadd.s32 s1, s30  }
0xca: {  	s0 =	sor.u32 s4, s0;
	s1 =	sshll.u32 s1, $0x11  }
0xcb: {  	s0 =	sor.u32 s1, s0  }
0xcc: {  	s0 =	sadd.s32 $0x8F2B, s0  }
0xcd: {  	[sflag:s0] =	ssyncadd.remote.s32 $0x1  }
0xce: {  	_ =	sfence.sel $0xFFFF  }
0xcf: {  	[dreg:$0x0] =	wrdreg $0xFFFFFFFF;
	(pc) =	sbr.abs _section_cstart, $3  }
0xd0: {  	[dreg:$0x1] =	wrdreg $0xFFFFFFFF  }
0xd1: {  	_ =	task.clear_ibuf [dreg:s22], $0x2FFFF;
	_ =	strace $0x9FFFFFFF  }
0xd2: {  	(tm) =	ssettm $0x7FFFFFFF  }
0xd3: {  	_ =	shalt  }
tec
execute0_lowered:
.L_overlay_start_1:
0x0: {  	(tag) =	ssettag $0x1  }
0x1: {  	s2 =	rddreg [dreg:$0x0]  }
0x2: {  	s4 =	rddreg [dreg:$0x1];
	_ =	strace $0x80000053;
	s0 =	simm.s32 $0x1  }
0x3: {  	s3 =	simm.s32 $0x88;
	v0 =	vimm.s32 $0x0;
	[sflag:s0] =	ssyncpa.u1 $0x0  }
0x4: {  	[tilespmem:s3+$0x30] =	vst v0  }
0x5: {  	s1 =	sadd.s32 $0x5EC00, s2;
	s0 =	sadd.s32 $0x3C00, s2;
	s6 =	sadd.s32 $0x2E3800, s2;
	[tilespmem:s3+$0x20] =	vst v0  }
0x6: {  	s2 =	sadd.s32 $0x8C00, s2;
	s7 =	sand.u32 $0x1, s4;
	s4 =	simm.s32 $0x40;
	[tilespmem:s3+$0x10] =	vst v0  }
.LBB2_1:
0x7: {  	s4 =	sadd.s32 $0x40, s4  }
0x8: {  	[tilespmem:s3+$0x0] =	vst v0;
	s3 =	sadd.s32 $0x40, s3;
	p0 =	slt.u32 s4, $0x5040  }
.Ltmp0:
0x9: {  	(pc) =	sbr.rel @p0 .LBB2_1-.Ltmp0, $4  }
0xa: {  	_ = 	snop  }
0xb: {  	[tilespmem:s3+$0x30] =	vst v0  }
0xc: {  	[tilespmem:s3+$0x20] =	vst v0  }
0xd: {  	[tilespmem:s3+$0x10] =	vst v0  }
0xe: {  	s8 =	stileid.u32  }
0xf: {  	s4 =	smul.u32 $0xF, s8  }
0x10: {  	s5 =	smin.u32 s8, $0xA  }
0x11: {  	s4 =	sadd.s32 s5, s4  }
0x12: {  	p0 =	slt.u32 s8, $0xA;
	s12 =	smul.u32 $0x140, s4;
	s4 =	simm.s32 $0x1400  }
0x13: {  	s4 =	simm.s32 @!p0 $0x12C0  }
0x14: {  	s25 =	simm.s32 $0x2;
	s4 =	sadd.s32 s4, s12  }
0x15: {  	s28 =	simm.s32 $0x9;
	s9 =	simm.s32 $0xA;
	s14 =	smin.u32 s4, $0x13880  }
0x16: {  	s30 =	simm.s32 $0xB;
	[dreg:$0x4] =	wrdreg s7;
	s4 =	ssub.s32 s14, s12  }
0x17: {  	s31 =	smul.u32 $0x2710, s7;
	s13 =	simm.s32 $0x1;
	p0 =	sgt.s32 s4, $0x0  }
0x18: {  	s19 =	simm.s32 $0x0;
	s20 =	simm.s32 $0xA808;
	s4 =	simm.s32 @!p0 $0x0  }
0x19: {  	s21 =	simm.s32 $0xFFFFFFFF;
	p1 =	por $0x0, $0x0;
	s26 =	smulhi.u32 $0x66666667, s4  }
0x1a: {  	[tilespmem:s3+$0x0] =	vst v0;
	s23 =	simm.s32 $0x0;
	[sflag:s25] =	ssyncpa.u1 $0x0;
	s18 =	sshll.u32 s8, $0x7  }
0x1b: {  	s0 =	sadd.s32 s31, s0;
	[dreg:$0xa] =	wrdreg s18;
	s3 =	sshrl.u32 s26, $0x7  }
0x1c: {  	v0 =	vimm.s32 $0xFFFFFFFF;
	s17 =	sadd.s32 s31, s2;
	[dreg:$0x9] =	wrdreg s0;
	s29 =	smul.u32 $0x140, s3  }
0x1d: {  	s25 =	simm.s32 $0x0;
	[tilespmem:$0xA108] =	vst v0;
	[sflag:s28] =	ssyncpa.u1 $0x0;
	[dreg:$0x8] =	wrdreg s17  }
.Ltmp1:
0x1e: {  	p0 =	sne.s32 s4, s29;
	s4 =	simm.s32 $0x1;
	(pc) =	sbr.rel .LBB2_3-.Ltmp1, $4  }
0x1f: {  	[sflag:s9] =	ssyncpa.u1 $0x0;
	[dreg:$0x5] =	wrdreg s12;
	s4 =	simm.s32 @!p0 $0x0  }
0x20: {  	[sflag:s30] =	ssyncpa.u1 $0x0;
	[dreg:$0x6] =	wrdreg s14;
	s15 =	sadd.s32 s4, s3  }
0x21: {  	s24 =	smov.u32 s12;
	s22 =	sadd.s32 $0x1, s15;
	[dreg:$0x7] =	wrdreg s15  }
0x22: {  	v0 =	vlaneseq.u32;
	s26 =	simm.s32 $0x0;
	p0 =	por $0x1, $0x1;
	[dreg:$0xb] =	wrdreg s22  }
.LBB2_22:
0x23: {  	s0 =	sshrl.u32 s3, $0x2  }
.LBB2_24:
0x24: {  	s3 =	simm.s32 $0xC  }
0x25: {  	_ =	swait.ge [sflag:s3], s0  }
0x26: {  	s31 =	ssub.s32 $0x0, s0;
	v1 =	vmov s4;
	vm0 =	veq.s32 v0, $0x0;
	[sflag:s3] =	ssyncset.done $0x0  }
0x27: {  	vm15 =	veq.s32 v0, $0x2;
	v1 =	vsel vm0, s2, v1;
	[sflag:s3] =	ssyncadd.s32 s31  }
0x28: {  	v1 =	vsel vm15, s26, v1;
	[sflag:s3] =	ssyncpa.u1 $0x1  }
0x29: {  	[tilespmem:$0xA108] =	vst v1  }
.LBB2_25:
0x2a: {  	s0 =	sadd.s32 $0x140, s24  }
0x2b: {  	s2 =	smov.u32 s12;
	p2 =	slt.s32 s0, s14  }
0x2c: {  	s2 =	smov.u32 @p2 s0;
	p2 =	sne.s32 s25, s22  }
.Ltmp2:
0x2d: {  	_ = 	snop;
	(pc) =	sbr.rel @!p2 .LBB2_26-.Ltmp2, $4  }
0x2e: {  	_ = 	snop  }
0x2f: {  	s26 =	smov.u32 s23;
	s31 =	sadd.s32 $0x1, s25;
	p0 =	por !p0, !p0  }
0x30: {  	s23 =	smov.u32 s24;
	s20 =	sadd.s32 $0x140, s20;
	s21 =	sadd.s32 $0x1, s21  }
0x31: {  	p1 =	por !p1, !p1;
	s25 =	smov.u32 s31;
	s24 =	smov.u32 s2  }
.LBB2_3:
0x32: {  	p2 =	sge.u32 s25, s15  }
0x33: {  	s0 =	smulhi.u32 @!p2 $0xAAAAAAAB, s25  }
0x34: {  	s2 =	smov.u32 s24;
	p3 =	sgt.s32 @!p2 s24, $0x13740  }
0x35: {  	s3 =	sshra.s32 @!p2 s24, $0x1F;
	p3 =	por !p3, p2;
	s0 =	sshrl.u32 @!p2 s0, $0x1  }
0x36: {  	s3 =	sand.u32 @!p2 s3, s24;
	s2 =	simm.s32 @p3 $0x13740;
	s0 =	smul.u32 @!p2 $0x3, s0  }
0x37: {  	s2 =	ssub.s32 @!p2 s2, s3  }
0x38: {  	s2 =	sadd.s32 @!p2 $0xFFFEC8C0, s2;
	s0 =	ssub.s32 @!p2 s25, s0  }
0x39: {  	s3 =	sshll.u32 @!p2 s2, $0x2;
	p3 =	sgt.s32 @!p2 s2, $0x13F;
	s0 =	smul.u32 @!p2 $0x500, s0  }
0x3a: {  	s4 =	sand.u32 @!p2 $0x7, s24;
	s2 =	ssub.s32 @!p2 $0x500, s3;
	p3 =	por !p3, p2  }
0x3b: {  	s3 =	sshrl.u32 @!p2 s24, $0x3;
	s2 =	sshrl.u32 @!p2 s2, $0x2;
	s0 =	sshrl.u32 @!p2 s0, $0x2  }
0x3c: {  	s3 =	sadd.s32 @!p2 s3, s17;
	s2 =	simm.s32 @!p3 $0x0;
	s0 =	sadd.s32 @!p2 $0xA948, s0  }
0x3d: {  	[tilespmem:s0], [sflag:$0xA] =	stream.linear.gather @!p2 [hbm4b:s3+s4], s2, $0x38;
	[tilespmem:$0x1EF88] =	vst v63  }
0x3e: {  	s0 =	sadd.s32 $0xFFFFFFFF, s25  }
0x3f: {  	p2 =	sge.u32 s0, s15  }
.Ltmp3:
0x40: {  	_ = 	snop;
	(pc) =	sbr.rel @p2 .LBB2_7-.Ltmp3, $1  }
0x41: {  	_ =	sdelay $0x3  }
0x42: {  	p2 =	sgt.s32 s23, $0x13740;
	s2 =	smov.u32 s23;
	s3 =	sshra.s32 s23, $0x1F  }
0x43: {  	s2 =	simm.s32 @!p2 $0x13740;
	s3 =	sand.u32 s3, s23  }
0x44: {  	s17 =	smulhi.u32 $0xAAAAAAAB, s21;
	s2 =	ssub.s32 s2, s3  }
0x45: {  	s0 =	sand.u32 $0x1, s0;
	s2 =	sadd.s32 $0xFFFEC8C0, s2  }
0x46: {  	s5 =	simm.s32 $0xA;
	s3 =	sshrl.u32 s17, $0x1;
	s4 =	sshll.u32 s2, $0x2  }
0x47: {  	s7 =	sshrl.u32 s23, $0x3;
	s3 =	smul.u32 $0xFFFFF100, s3;
	s4 =	ssub.s32 $0x500, s4  }
0x48: {  	s18 =	smul.u32 $0x500, s0;
	p2 =	sgt.s32 s2, $0x13F;
	s2 =	sshrl.u32 s4, $0x2  }
0x49: {  	s9 =	sand.u32 $0x7, s23;
	s3 =	sshra.s32 s3, $0x2;
	s2 =	simm.s32 @p2 $0x0  }
0x4a: {  	s0 =	sadd.s32 s3, s20;
	s4 =	sshrl.u32 s18, $0x2;
	_ =	swait.ge [sflag:s5], s2  }
0x4b: {  	s22 =	ssub.s32 $0x0, s2;
	[sflag:s5] =	ssyncset.done $0x0;
	s8 =	rddreg [dreg:$0x9]  }
0x4c: {  	s4 =	sadd.s32 $0xAD08, s4;
	[sflag:s5] =	ssyncadd.s32 s22;
	s3 =	sadd.s32 s7, s8  }
0x4d: {  	[tilespmem:s4], [sflag:$0xB] =	stream.linear.gather [hbm4b:s3+s9], s2, $0x38;
	[tilespmem:$0x1EF88] =	vst v63  }
0x4e: {  	v1 =	vld.msk [tilespmem:s0+$0x0], $0xffff;
	_ =	sdelay $0x4  }
0x4f: {  	v1 =	vshll.u32 v1, $0x4  }
0x50: {  	(v2sf) =	vpush v1, $0x0  }
0x51: {  	(v2sf) =	vpush v1, $0x1  }
0x52: {  	(v2sf) =	vpush v1, $0x2;
	_ =	sdelay $0x3  }
0x53: {  	(v2sf) =	vpush v1, $0x3;
	_ =	sdelay $0x1  }
0x54: {  	(v2sf) =	vpush v1, $0x4  }
0x55: {  	s2 =	simm.s32 $0x1;
	(v2sf) =	vpush v1, $0x5  }
0x56: {  	s2 =	simm.s32 @!p0 $0x0  }
0x57: {  	s2 =	smul.u32 $0x28000, s2;
	(v2sf) =	vpush v1, $0x6;
	_ =	sdelay $0x1  }
0x58: {  	s2 =	sshrl.u32 s2, $0x2  }
0x59: {  	s28 =	sadd.s32 $0xB708, s2  }
0x5a: {  	s12 =	sadd.s32 $0xFFFFF880, s28;
	s17 =	sadd.s32 $0xFFFFF900, s28;
	s10 =	spop (v2sf);
	(v2sf) =	vpush v1, $0x7  }
0x5b: {  	s18 =	sadd.s32 $0xFFFFF980, s28;
	s11 =	sand.u32 $0x1FFFFFF0, s10;
	s14 =	spop (v2sf)  }
0x5c: {  	(v2sf) =	vpush v1, $0x8;
	s2 =	sadd.s32 s6, s11;
	s15 =	sand.u32 $0x1FFFFFF0, s14;
	s16 =	spop (v2sf)  }
0x5d: {  	[tilespmem:s12], [sflag:$0x9] =	stream.linear.gather [hbm4b:s2+s19], $0x40, $0x38;
	[tilespmem:$0x1EF88] =	vst v63  }
0x5e: {  	s5 =	sadd.s32 $0xFFFFFA00, s28;
	s2 =	sadd.s32 s6, s15;
	s3 =	sand.u32 $0x1FFFFFF0, s16  }
0x5f: {  	(v2sf) =	vpush v1, $0x9;
	[tilespmem:s17], [sflag:$0x9] =	stream.linear.gather [hbm4b:s2+s19], $0x40, $0x38;
	[tilespmem:$0x1EF88] =	vst v63  }
0x60: {  	s7 =	sadd.s32 $0xFFFFFA80, s28;
	s22 =	spop (v2sf);
	s3 =	sadd.s32 s6, s3  }
0x61: {  	(v2sf) =	vpush v1, $0xA;
	[tilespmem:s18], [sflag:$0x9] =	stream.linear.gather [hbm4b:s3+s19], $0x40, $0x38;
	[tilespmem:$0x1EF88] =	vst v63  }
0x62: {  	s11 =	sadd.s32 $0xFFFFFB00, s28;
	s4 =	spop (v2sf);
	(v2sf) =	vpush v1, $0xB;
	s3 =	sand.u32 $0x1FFFFFF0, s22  }
0x63: {  	s8 =	spop (v2sf);
	s2 =	sadd.s32 s6, s3;
	s3 =	sand.u32 $0x1FFFFFF0, s4  }
0x64: {  	(v2sf) =	vpush v1, $0xC;
	[tilespmem:s5], [sflag:$0x9] =	stream.linear.gather [hbm4b:s2+s19], $0x40, $0x38;
	[tilespmem:$0x1EF88] =	vst v63  }
0x65: {  	s9 =	sand.u32 $0x1FFFFFF0, s8;
	s10 =	spop (v2sf);
	s3 =	sadd.s32 s6, s3  }
0x66: {  	(v2sf) =	vpush v1, $0xD;
	[tilespmem:s7], [sflag:$0x9] =	stream.linear.gather [hbm4b:s3+s19], $0x40, $0x38;
	[tilespmem:$0x1EF88] =	vst v63  }
0x67: {  	s12 =	sadd.s32 $0xFFFFFB80, s28;
	s2 =	sadd.s32 s6, s9;
	s3 =	sand.u32 $0x1FFFFFF0, s10  }
0x68: {  	[tilespmem:s11], [sflag:$0x9] =	stream.linear.gather [hbm4b:s2+s19], $0x40, $0x38;
	[tilespmem:$0x1EF88] =	vst v63  }
0x69: {  	s17 =	sadd.s32 $0xFFFFFC00, s28;
	s3 =	sadd.s32 s6, s3;
	s14 =	spop (v2sf)  }
0x6a: {  	[tilespmem:s12], [sflag:$0x9] =	stream.linear.gather [hbm4b:s3+s19], $0x40, $0x38;
	(v2sf) =	vpush v1, $0xE;
	[tilespmem:$0x1EF88] =	vst v63  }
0x6b: {  	s18 =	sadd.s32 $0xFFFFFC80, s28;
	s15 =	sand.u32 $0x1FFFFFF0, s14;
	s16 =	spop (v2sf)  }
0x6c: {  	s5 =	sadd.s32 $0xFFFFFD00, s28;
	(v2sf) =	vpush v1, $0xF;
	s2 =	sadd.s32 s6, s15;
	s3 =	sand.u32 $0x1FFFFFF0, s16  }
0x6d: {  	[tilespmem:s17], [sflag:$0x9] =	stream.linear.gather [hbm4b:s2+s19], $0x40, $0x38;
	[tilespmem:$0x1EF88] =	vst v63  }
0x6e: {  	s7 =	sadd.s32 $0xFFFFFD80, s28;
	s22 =	spop (v2sf);
	s3 =	sadd.s32 s6, s3  }
0x6f: {  	[tilespmem:s18], [sflag:$0x9] =	stream.linear.gather [hbm4b:s3+s19], $0x40, $0x38;
	[tilespmem:$0x1EF88] =	vst v63  }
0x70: {  	s11 =	sadd.s32 $0xFFFFFE00, s28;
	s4 =	spop (v2sf);
	s3 =	sand.u32 $0x1FFFFFF0, s22  }
0x71: {  	s8 =	spop (v2sf);
	s2 =	sadd.s32 s6, s3;
	s3 =	sand.u32 $0x1FFFFFF0, s4  }
0x72: {  	[tilespmem:s5], [sflag:$0x9] =	stream.linear.gather [hbm4b:s2+s19], $0x40, $0x38;
	[tilespmem:$0x1EF88] =	vst v63  }
0x73: {  	s9 =	sand.u32 $0x1FFFFFF0, s8;
	s10 =	spop (v2sf);
	s3 =	sadd.s32 s6, s3  }
0x74: {  	[tilespmem:s7], [sflag:$0x9] =	stream.linear.gather [hbm4b:s3+s19], $0x40, $0x38;
	[tilespmem:$0x1EF88] =	vst v63  }
0x75: {  	s14 =	spop (v2sf);
	s2 =	sadd.s32 s6, s9;
	s3 =	sand.u32 $0x1FFFFFF0, s10  }
0x76: {  	[tilespmem:s11], [sflag:$0x9] =	stream.linear.gather [hbm4b:s2+s19], $0x40, $0x38;
	[tilespmem:$0x1EF88] =	vst v63  }
0x77: {  	s12 =	sadd.s32 $0xFFFFFE80, s28;
	s15 =	sand.u32 $0x1FFFFFF0, s14;
	s3 =	sadd.s32 s6, s3  }
0x78: {  	[tilespmem:s12], [sflag:$0x9] =	stream.linear.gather [hbm4b:s3+s19], $0x40, $0x38;
	[tilespmem:$0x1EF88] =	vst v63  }
0x79: {  	s17 =	sadd.s32 $0xFFFFFF00, s28;
	s2 =	sadd.s32 s6, s15;
	s16 =	spop (v2sf)  }
0x7a: {  	[tilespmem:s17], [sflag:$0x9] =	stream.linear.gather [hbm4b:s2+s19], $0x40, $0x38;
	[tilespmem:$0x1EF88] =	vst v63  }
0x7b: {  	s29 =	simm.s32 $0x0;
	s3 =	sand.u32 $0x1FFFFFF0, s16;
	s18 =	spop (v2sf)  }
0x7c: {  	s22 =	sadd.s32 $0xFFFFFF80, s28;
	s3 =	sadd.s32 s6, s3;
	s2 =	sand.u32 $0x1FFFFFF0, s18  }
0x7d: {  	[tilespmem:s22], [sflag:$0x9] =	stream.linear.gather [hbm4b:s3+s19], $0x40, $0x38;
	[tilespmem:$0x1EF88] =	vst v63  }
0x7e: {  	s31 =	sadd.s32 $0x10, s0;
	s30 =	sadd.s32 $0x800, s28;
	s2 =	sadd.s32 s6, s2  }
.LBB2_5:
0x7f: {  	[tilespmem:s28], [sflag:$0x9] =	stream.linear.gather [hbm4b:s2+s19], $0x40, $0x38;
	[tilespmem:$0x1EF88] =	vst v63  }
0x80: {  	s29 =	sadd.s32 $0x10, s29;
	s28 =	smov.u32 s30  }
0x81: {  	p2 =	slt.u32 s29, $0x130;
	v1 =	vld.msk [tilespmem:s31+$0x0], $0xffff;
	_ =	sdelay $0x4  }
0x82: {  	v1 =	vshll.u32 v1, $0x4  }
0x83: {  	(v2sf) =	vpush v1, $0x0  }
0x84: {  	(v2sf) =	vpush v1, $0x1  }
0x85: {  	(v2sf) =	vpush v1, $0x2;
	_ =	sdelay $0x1  }
0x86: {  	(v2sf) =	vpush v1, $0x3;
	_ =	sdelay $0x1  }
0x87: {  	(v2sf) =	vpush v1, $0x4;
	_ =	sdelay $0x1  }
0x88: {  	(v2sf) =	vpush v1, $0x5;
	_ =	sdelay $0x1  }
0x89: {  	(v2sf) =	vpush v1, $0x6  }
0x8a: {  	s4 =	sadd.s32 $0xFFFFFE80, s30;
	s0 =	sadd.s32 $0xFFFFFF00, s30  }
0x8b: {  	s3 =	sadd.s32 $0xFFFFFD00, s30;
	s2 =	sadd.s32 $0xFFFFFD80, s30;
	s5 =	sadd.s32 $0xFFFFFE00, s30;
	(v2sf) =	vpush v1, $0x7  }
0x8c: {  	s10 =	sadd.s32 $0xFFFFFB80, s30;
	s9 =	sadd.s32 $0xFFFFFC00, s30;
	s16 =	sadd.s32 $0xFFFFFC80, s30  }
0x8d: {  	s11 =	sadd.s32 $0xFFFFFA00, s30;
	s12 =	sadd.s32 $0xFFFFFA80, s30;
	s15 =	sadd.s32 $0xFFFFFB00, s30;
	(v2sf) =	vpush v1, $0x8  }
0x8e: {  	s18 =	sadd.s32 $0xFFFFF900, s30;
	s7 =	sadd.s32 $0xFFFFF980, s30;
	s22 =	spop (v2sf)  }
0x8f: {  	s8 =	sadd.s32 $0xFFFFF880, s30;
	s22 =	sand.u32 $0x1FFFFFF0, s22;
	s14 =	spop (v2sf);
	(v2sf) =	vpush v1, $0x9  }
0x90: {  	s22 =	sadd.s32 s6, s22;
	s14 =	sand.u32 $0x1FFFFFF0, s14;
	s17 =	spop (v2sf)  }
0x91: {  	[tilespmem:s8], [sflag:$0x9] =	stream.linear.gather [hbm4b:s22+s19], $0x40, $0x38;
	(v2sf) =	vpush v1, $0xA;
	[tilespmem:$0x1EF88] =	vst v63  }
0x92: {  	s8 =	sadd.s32 s6, s14;
	s14 =	sand.u32 $0x1FFFFFF0, s17;
	s17 =	spop (v2sf)  }
0x93: {  	[tilespmem:s18], [sflag:$0x9] =	stream.linear.gather [hbm4b:s8+s19], $0x40, $0x38;
	(v2sf) =	vpush v1, $0xB;
	[tilespmem:$0x1EF88] =	vst v63  }
0x94: {  	s8 =	sadd.s32 s6, s14;
	s14 =	sand.u32 $0x1FFFFFF0, s17;
	s17 =	spop (v2sf)  }
0x95: {  	[tilespmem:s7], [sflag:$0x9] =	stream.linear.gather [hbm4b:s8+s19], $0x40, $0x38;
	(v2sf) =	vpush v1, $0xC;
	[tilespmem:$0x1EF88] =	vst v63  }
0x96: {  	s7 =	sadd.s32 s6, s14;
	s8 =	sand.u32 $0x1FFFFFF0, s17;
	s14 =	spop (v2sf)  }
0x97: {  	[tilespmem:s11], [sflag:$0x9] =	stream.linear.gather [hbm4b:s7+s19], $0x40, $0x38;
	(v2sf) =	vpush v1, $0xD;
	[tilespmem:$0x1EF88] =	vst v63  }
0x98: {  	s7 =	sadd.s32 s6, s8;
	s8 =	sand.u32 $0x1FFFFFF0, s14;
	s11 =	spop (v2sf)  }
0x99: {  	[tilespmem:s12], [sflag:$0x9] =	stream.linear.gather [hbm4b:s7+s19], $0x40, $0x38;
	(v2sf) =	vpush v1, $0xE;
	[tilespmem:$0x1EF88] =	vst v63  }
0x9a: {  	s7 =	sadd.s32 s6, s8;
	s8 =	sand.u32 $0x1FFFFFF0, s11;
	s11 =	spop (v2sf)  }
0x9b: {  	[tilespmem:s15], [sflag:$0x9] =	stream.linear.gather [hbm4b:s7+s19], $0x40, $0x38;
	(v2sf) =	vpush v1, $0xF;
	[tilespmem:$0x1EF88] =	vst v63  }
0x9c: {  	s7 =	sadd.s32 s6, s8;
	s8 =	sand.u32 $0x1FFFFFF0, s11;
	s11 =	spop (v2sf)  }
0x9d: {  	[tilespmem:s10], [sflag:$0x9] =	stream.linear.gather [hbm4b:s7+s19], $0x40, $0x38;
	[tilespmem:$0x1EF88] =	vst v63  }
0x9e: {  	s7 =	sadd.s32 s6, s8;
	s8 =	sand.u32 $0x1FFFFFF0, s11;
	s10 =	spop (v2sf)  }
0x9f: {  	[tilespmem:s9], [sflag:$0x9] =	stream.linear.gather [hbm4b:s7+s19], $0x40, $0x38;
	[tilespmem:$0x1EF88] =	vst v63  }
0xa0: {  	s7 =	sadd.s32 s6, s8;
	s8 =	sand.u32 $0x1FFFFFF0, s10;
	s9 =	spop (v2sf)  }
0xa1: {  	[tilespmem:s16], [sflag:$0x9] =	stream.linear.gather [hbm4b:s7+s19], $0x40, $0x38;
	[tilespmem:$0x1EF88] =	vst v63  }
0xa2: {  	s7 =	sadd.s32 s6, s8;
	s8 =	sand.u32 $0x1FFFFFF0, s9;
	s9 =	spop (v2sf)  }
0xa3: {  	[tilespmem:s3], [sflag:$0x9] =	stream.linear.gather [hbm4b:s7+s19], $0x40, $0x38;
	[tilespmem:$0x1EF88] =	vst v63  }
0xa4: {  	s3 =	sadd.s32 s6, s8;
	s7 =	sand.u32 $0x1FFFFFF0, s9;
	s8 =	spop (v2sf)  }
0xa5: {  	[tilespmem:s2], [sflag:$0x9] =	stream.linear.gather [hbm4b:s3+s19], $0x40, $0x38;
	[tilespmem:$0x1EF88] =	vst v63  }
0xa6: {  	s2 =	sadd.s32 s6, s7;
	s3 =	sand.u32 $0x1FFFFFF0, s8;
	s7 =	spop (v2sf)  }
0xa7: {  	[tilespmem:s5], [sflag:$0x9] =	stream.linear.gather [hbm4b:s2+s19], $0x40, $0x38;
	[tilespmem:$0x1EF88] =	vst v63  }
0xa8: {  	s2 =	sadd.s32 s6, s3;
	s3 =	sand.u32 $0x1FFFFFF0, s7;
	s5 =	spop (v2sf)  }
0xa9: {  	[tilespmem:s4], [sflag:$0x9] =	stream.linear.gather [hbm4b:s2+s19], $0x40, $0x38;
	[tilespmem:$0x1EF88] =	vst v63  }
0xaa: {  	s2 =	sadd.s32 s6, s3  }
.Ltmp4:
0xab: {  	s3 =	sand.u32 $0x1FFFFFF0, s5;
	s4 =	spop (v2sf);
	(pc) =	sbr.rel @p2 .LBB2_5-.Ltmp4, $4  }
0xac: {  	[tilespmem:s0], [sflag:$0x9] =	stream.linear.gather [hbm4b:s2+s19], $0x40, $0x38;
	[tilespmem:$0x1EF88] =	vst v63  }
0xad: {  	s0 =	sadd.s32 s6, s3;
	s2 =	sadd.s32 $0xFFFFFF80, s30;
	s3 =	sand.u32 $0x1FFFFFF0, s4  }
0xae: {  	[tilespmem:s2], [sflag:$0x9] =	stream.linear.gather [hbm4b:s0+s19], $0x40, $0x38;
	[tilespmem:$0x1EF88] =	vst v63  }
0xaf: {  	s31 =	sadd.s32 $0x10, s31;
	s30 =	sadd.s32 $0x800, s30;
	s2 =	sadd.s32 s6, s3  }
0xb0: {  	[tilespmem:s28], [sflag:$0x9] =	stream.linear.gather [hbm4b:s2+s19], $0x40, $0x38;
	[tilespmem:$0x1EF88] =	vst v63  }
0xb1: {  	s12 =	rddreg [dreg:$0x5]  }
0xb2: {  	s14 =	rddreg [dreg:$0x6]  }
0xb3: {  	s15 =	rddreg [dreg:$0x7]  }
0xb4: {  	s17 =	rddreg [dreg:$0x8]  }
0xb5: {  	s18 =	rddreg [dreg:$0xa]  }
0xb6: {  	s22 =	rddreg [dreg:$0xb]  }
.LBB2_7:
0xb7: {  	p2 =	slt.u32 s25, $0x2  }
.Ltmp5:
0xb8: {  	_ = 	snop;
	(pc) =	sbr.rel @p2 .LBB2_25-.Ltmp5, $1  }
0xb9: {  	_ =	sdelay $0x3  }
0xba: {  	p2 =	sgt.s32 s26, $0x13740;
	s0 =	smov.u32 s26;
	s2 =	sshra.s32 s26, $0x1F  }
0xbb: {  	s0 =	simm.s32 @!p2 $0x13740;
	s2 =	sand.u32 s2, s26  }
0xbc: {  	s0 =	ssub.s32 s0, s2  }
0xbd: {  	s0 =	sadd.s32 $0xFFFEC8C0, s0  }
0xbe: {  	s3 =	simm.s32 $0x9;
	s29 =	sshll.u32 s0, $0x2  }
0xbf: {  	_ =	swait.ge [sflag:s3], $0x5000;
	s2 =	ssub.s32 $0x500, s29  }
0xc0: {  	[sflag:s3] =	ssyncset.done $0x0;
	p2 =	sgt.s32 s0, $0x13F;
	s0 =	sshrl.u32 s2, $0x2  }
0xc1: {  	s30 =	simm.s32 $0xB;
	[sflag:s3] =	ssyncadd.s32 $0xFFFFB000;
	s0 =	simm.s32 @p2 $0x0  }
0xc2: {  	_ =	swait.ge [sflag:s30], s0  }
0xc3: {  	s0 =	ssub.s32 $0x0, s0;
	[sflag:s30] =	ssyncset.done $0x0  }
0xc4: {  	[sflag:s30] =	ssyncadd.s32 s0  }
0xc5: {  	v1 =	vld [tilespmem:$0xA108];
	_ =	sdelay $0x4  }
0xc6: {  	(v2sf) =	vpush v1, $0x0  }
0xc7: {  	(v2sf) =	vpush v1, $0x1  }
0xc8: {  	(v2sf) =	vpush v1, $0x2;
	_ =	sdelay $0x3  }
0xc9: {  	s0 =	sadd.s32 $0x140, s26  }
0xca: {  	s4 =	ssub.s32 $0x27100, s26;
	p2 =	slt.s32 s14, s0  }
0xcb: {  	s0 =	smov.u32 @p2 s14;
	p2 =	sgt.s32 s4, $0x0  }
0xcc: {  	s0 =	ssub.s32 s0, s26;
	s4 =	simm.s32 @!p2 $0x0  }
0xcd: {  	p2 =	slt.s32 s4, s0  }
0xce: {  	s0 =	smov.u32 @p2 s4  }
0xcf: {  	s2 =	simm.s32 $0x1;
	p2 =	slt.s32 s0, $0x1  }
.Ltmp6:
0xd0: {  	s2 =	simm.s32 @!p1 $0x0;
	(pc) =	sbr.rel @p2 .LBB2_12-.Ltmp6, $4  }
0xd1: {  	s7 =	smul.u32 $0x500, s2  }
0xd2: {  	s3 =	spop (v2sf)  }
0xd3: {  	s31 =	sshrl.u32 s7, $0x2;
	s5 =	spop (v2sf)  }
0xd4: {  	s28 =	sadd.s32 $0xAD08, s31;
	s26 =	spop (v2sf)  }
0xd5: {  	s4 =	smin.u32 s0, $0x10  }
0xd6: {  	v1 =	vmov s4  }
0xd7: {  	p3 =	sgt.s32 s0, $0x10;
	vm1 =	vgt.u32 v1, v0  }
.Ltmp7:
0xd8: {  	_ = 	snop;
	(pc) =	sbr.rel @!p3 .LBB2_11-.Ltmp7, $2  }
0xd9: {  	_ =	sdelay $0x2  }
0xda: {  	s9 =	simm.s32 $0x10;
	s10 =	sadd.s32 $0xFFFFFFF0, s0;
	s4 =	smov.u32 s28;
	vm0 =	vmmov vm1  }
.LBB2_10:
0xdb: {  	s7 =	smin.u32 s10, $0x10;
	s9 =	sadd.s32 $0x10, s9;
	v1 =	vld.msk [tilespmem:s4+$0x0 ss:$0x1], vm1  }
0xdc: {  	v2 =	vmov s7;
	p3 =	slt.s32 s9, s0  }
0xdd: {  	vm1 =	vgt.u32 v2, v0  }
.Ltmp8:
0xde: {  	(pc) =	sbr.rel @p3 .LBB2_10-.Ltmp8, $3  }
0xdf: {  	_ =	sdelay $0x1  }
0xe0: {  	v1 =	vshll.u32 v1, $0x4  }
0xe1: {  	s10 =	sadd.s32 $0xFFFFFFF0, s10;
	[tilespmem:s4+$0x0] =	vst.msk vm0, v1;
	s4 =	sadd.s32 $0x10, s4;
	vm0 =	vmmov vm1  }
.LBB2_11:
0xe2: {  	_ =	sdelay $0x4  }
0xe3: {  	v1 =	vld.msk [tilespmem:s4+$0x0 ss:$0x1], vm1;
	_ =	sdelay $0x4  }
0xe4: {  	v1 =	vshll.u32 v1, $0x4  }
0xe5: {  	[tilespmem:s4+$0x0] =	vst.msk vm0, v1  }
.LBB2_12:
0xe6: {  	s4 =	sand.u32 $0x1, s25  }
0xe7: {  	s4 =	smul.u32 $0x140, s4  }
0xe8: {  	p3 =	sne.s32 s5, $0xFFFFFFFF  }
0xe9: {  	v1 =	vld.msk @!p3 [tilespmem:s4+$0xAD08], $0x1;
	_ =	sdelay $0x4  }
0xea: {  	(v2sf) =	vpush @!p3 v1, $0x0;
	_ =	sdelay $0xc  }
.Ltmp9:
0xeb: {  	_ = 	snop;
	(pc) =	sbr.rel @p2 .LBB2_23-.Ltmp9, $4  }
0xec: {  	_ = 	snop  }
0xed: {  	s29 =	spop @!p3 (v2sf)  }
0xee: {  	s31 =	simm.s32 $0xC;
	s26 =	simm.s32 @!p3 $0x0;
	s4 =	smov.u32 s29  }
0xef: {  	[sflag:s31] =	ssyncpa.u1 $0x0;
	s29 =	smov.u32 @p3 s3;
	s4 =	smov.u32 @p3 s5  }
0xf0: {  	v1 =	vld.msk [tilespmem:s28+$0x0], $0x1;
	_ =	sdelay $0x4  }
0xf1: {  	(v2sf) =	vpush v1, $0x0;
	_ =	sdelay $0xe  }
0xf2: {  	s2 =	smul.u32 $0x28000, s2;
	s5 =	spop (v2sf)  }
0xf3: {  	s31 =	ssub.s32 $0x0, s0;
	p2 =	seq.s32 s29, s5  }
0xf4: {  	s3 =	smov.u32 s29;
	s2 =	sshrl.u32 s2, $0x2;
	p3 =	sgt.s32 @!p2 s29, $0x0  }
0xf5: {  	s30 =	sadd.s32 $0xAFA8, s2;
	s2 =	sadd.s32 $0x1, s31;
	p3 =	por !p3, p2  }
0xf6: {  	s3 =	simm.s32 @p3 $0x0;
	p3 =	seq.s32 s2, $0x0  }
.Ltmp10:
0xf7: {  	_ = 	snop;
	(pc) =	sbr.rel @p3 .LBB2_15-.Ltmp10, $4  }
0xf8: {  	_ = 	snop  }
0xf9: {  	s0 =	simm.s32 $0x0;
	s9 =	simm.s32 @!p2 $0x1;
	s3 =	smin.u32 @!p2 s3, $0x270F8  }
0xfa: {  	s10 =	simm.s32 @!p2 $0x50C8;
	s9 =	smov.u32 @p2 s0;
	s7 =	sand.u32 @!p2 $0x3FFF8, s3  }
0xfb: {  	s16 =	sand.u32 @!p2 $0x7, s3;
	s3 =	sadd.s32 $0x1, s28;
	s11 =	sadd.s32 @!p2 s1, s7  }
.LBB2_14:
0xfc: {  	s7 =	smov.u32 s9  }
0xfd: {  	[tilespmem:s10], [sflag:$0x2] =	stream.linear.gather @!p2 [hbm4b:s11+s16], $0x40, $0x38;
	[tilespmem:$0x1EF88] =	vst v63  }
0xfe: {  	s2 =	sadd.s32 $0x1, s2;
	s8 =	smov.u32 s5;
	v1 =	vld.msk [tilespmem:s3+$0x0], $0x1  }
0xff: {  	p3 =	seq.s32 s2, $0x0;
	_ =	sdelay $0x3  }
0x100: {  	(v2sf) =	vpush v1, $0x0;
	_ =	sdelay $0xe  }
0x101: {  	s5 =	spop (v2sf)  }
0x102: {  	p2 =	seq.s32 s8, s5  }
0x103: {  	p4 =	sgt.s32 @!p2 s8, $0x0;
	s10 =	sshll.u32 @!p2 s9, $0x8;
	s9 =	sadd.s32 @!p2 $0x1, s9  }
.Ltmp11:
0x104: {  	p4 =	por !p4, p2;
	s10 =	sshra.s32 @!p2 s10, $0x2;
	(pc) =	sbr.rel @!p3 .LBB2_14-.Ltmp11, $4  }
0x105: {  	s9 =	smov.u32 @p2 s7;
	s8 =	simm.s32 @p4 $0x0;
	s10 =	sadd.s32 @!p2 $0x50C8, s10  }
0x106: {  	s7 =	smin.u32 @!p2 s8, $0x270F8  }
0x107: {  	s8 =	sand.u32 @!p2 $0x3FFF8, s7;
	s16 =	sand.u32 @!p2 $0x7, s7  }
0x108: {  	s3 =	sadd.s32 $0x1, s3;
	s11 =	sadd.s32 @!p2 s1, s8  }
.LBB2_15:
0x109: {  	[tilespmem:s10], [sflag:$0x2] =	stream.linear.gather @!p2 [hbm4b:s11+s16], $0x40, $0x38;
	[tilespmem:$0x1EF88] =	vst v63  }
.Ltmp12:
0x10a: {  	s2 =	sshll.u32 s9, $0x6;
	(pc) =	sbr.rel .LBB2_16-.Ltmp12, $4  }
0x10b: {  	s3 =	simm.s32 $0x2;
	s2 =	sand.u32 $0x3FFFFFC0, s2  }
0x10c: {  	_ =	swait.ge [sflag:s3], s2  }
0x10d: {  	s2 =	ssub.s32 $0x0, s2;
	[sflag:s3] =	ssyncset.done $0x0  }
0x10e: {  	[sflag:s3] =	ssyncadd.s32 s2;
	s3 =	simm.s32 $0x0  }
.LBB2_17:
0x10f: {  	v1 =	vld [tilespmem:s30+$0xFFFFFFE0];
	_ =	sdelay $0x4  }
0x110: {  	[tilespmem:s5+$0x88] =	vst.add.f32.msk $0xffff, v1  }
0x111: {  	v1 =	vld [tilespmem:s30+$0xFFFFFFF0];
	_ =	sdelay $0x4  }
0x112: {  	[tilespmem:s5+$0x98] =	vst.add.f32.msk $0xffff, v1  }
0x113: {  	v1 =	vld [tilespmem:s30+$0x0];
	_ =	sdelay $0x4  }
0x114: {  	[tilespmem:s5+$0xA8] =	vst.add.f32.msk $0xffff, v1  }
0x115: {  	v1 =	vld [tilespmem:s30+$0x10];
	_ =	sdelay $0x4  }
0x116: {  	[tilespmem:s5+$0xB8] =	vst.add.f32.msk $0xffff, v1  }
.LBB2_21:
0x117: {  	s31 =	sadd.s32 $0x1, s31  }
0x118: {  	p2 =	seq.s32 s31, $0x0  }
.Ltmp13:
0x119: {  	_ = 	snop;
	(pc) =	sbr.rel @p2 .LBB2_22-.Ltmp13, $2  }
0x11a: {  	_ =	sdelay $0x2  }
0x11b: {  	s30 =	sadd.s32 $0x80, s30;
	s28 =	sadd.s32 $0x1, s28;
	s29 =	smov.u32 s2  }
.LBB2_16:
0x11c: {  	v1 =	vld.msk [tilespmem:s28+$0x0], $0x1;
	_ =	sdelay $0x4  }
0x11d: {  	(v2sf) =	vpush v1, $0x0;
	_ =	sdelay $0xe  }
0x11e: {  	s2 =	spop (v2sf)  }
0x11f: {  	p2 =	sne.s32 s29, s2  }
.Ltmp14:
0x120: {  	_ = 	snop;
	(pc) =	sbr.rel @!p2 .LBB2_17-.Ltmp14, $3  }
0x121: {  	_ =	sdelay $0x1  }
0x122: {  	s5 =	sshll.u32 s26, $0x8  }
0x123: {  	s5 =	sshra.s32 s5, $0x2  }
0x124: {  	p2 =	seq.s32 s29, s4  }
.Ltmp15:
0x125: {  	_ = 	snop;
	(pc) =	sbr.rel @!p2 .LBB2_19-.Ltmp15, $1  }
0x126: {  	_ =	sdelay $0x3  }
.Ltmp16:
0x127: {  	s5 =	sadd.s32 $0x88, s5;
	(pc) =	sbr.rel .LBB2_20-.Ltmp16, $4  }
0x128: {  	[spmem:s18] =	stream.linear.scatter [tilespmem:s5], [sflag:$0x1], $0x40, $0x38;
	[tilespmem:$0x1EF88] =	vst v63  }
0x129: {  	_ =	swait.ge [sflag:s13], $0x40  }
0x12a: {  	[sflag:s13] =	ssyncset.done $0x0  }
0x12b: {  	[sflag:s13] =	ssyncadd.s32 $0xFFFFFFC0  }
.LBB2_19:
0x12c: {  	s7 =	sshll.u32 s0, $0x8  }
0x12d: {  	s7 =	sshra.s32 s7, $0x2  }
0x12e: {  	v1 =	vld [tilespmem:s7+$0x50C8];
	_ =	sdelay $0x4  }
0x12f: {  	[tilespmem:s5+$0x88] =	vst.add.f32.msk $0xffff, v1  }
0x130: {  	v1 =	vld [tilespmem:s7+$0x50D8];
	_ =	sdelay $0x4  }
0x131: {  	[tilespmem:s5+$0x98] =	vst.add.f32.msk $0xffff, v1  }
0x132: {  	v1 =	vld [tilespmem:s7+$0x50E8];
	_ =	sdelay $0x4  }
0x133: {  	[tilespmem:s5+$0xA8] =	vst.add.f32.msk $0xffff, v1  }
0x134: {  	v1 =	vld [tilespmem:s7+$0x50F8];
	_ =	sdelay $0x2  }
0x135: {  	p2 =	sgt.u32 s29, $0x270F8  }
0x136: {  	s7 =	sand.u32 @!p2 $0x3FFF8, s29  }
0x137: {  	s8 =	sadd.s32 $0x88, s5;
	[tilespmem:s5+$0xB8] =	vst.add.f32.msk $0xffff, v1;
	s5 =	sadd.s32 @!p2 s1, s7;
	s7 =	sand.u32 @!p2 $0x7, s29  }
0x138: {  	[hbm4b:s5+s7] =	stream.linear.scatter @!p2 [tilespmem:s8], [sflag:$0xC], $0x40, $0x38;
	[tilespmem:$0x1EF88] =	vst v63  }
0x139: {  	s5 =	simm.s32 $0x0  }
0x13a: {  	s5 =	simm.s32 @!p2 $0x100  }
0x13b: {  	s3 =	sadd.s32 s5, s3  }
.LBB2_20:
0x13c: {  	s5 =	sadd.s32 $0x1, s26  }
0x13d: {  	s7 =	smulhi.u32 $0xCCCCCCCD, s5;
	_ =	sdelay $0x1  }
0x13e: {  	v1 =	vld [tilespmem:s30+$0xFFFFFFE0];
	s7 =	sshrl.u32 s7, $0x8  }
0x13f: {  	s7 =	smul.u32 $0x140, s7;
	_ =	sdelay $0x1  }
0x140: {  	s26 =	ssub.s32 s5, s7  }
0x141: {  	s5 =	sshll.u32 s26, $0x6  }
0x142: {  	[tilespmem:s5+$0x88] =	vst v1  }
0x143: {  	v1 =	vld [tilespmem:s30+$0xFFFFFFF0];
	_ =	sdelay $0x4  }
0x144: {  	[tilespmem:s5+$0x98] =	vst v1  }
0x145: {  	v1 =	vld [tilespmem:s30+$0x0];
	_ =	sdelay $0x4  }
0x146: {  	[tilespmem:s5+$0xA8] =	vst v1  }
0x147: {  	v1 =	vld [tilespmem:s30+$0x10]  }
.Ltmp17:
0x148: {  	_ = 	snop;
	(pc) =	sbr.rel .LBB2_21-.Ltmp17, $2  }
0x149: {  	_ =	sdelay $0x2  }
0x14a: {  	s0 =	sadd.s32 $0x1, s0;
	[tilespmem:s5+$0xB8] =	vst v1  }
.LBB2_23:
.Ltmp18:
0x14b: {  	(pc) =	sbr.rel .LBB2_24-.Ltmp18, $4  }
0x14c: {  	_ = 	snop  }
0x14d: {  	s0 =	simm.s32 $0x2  }
0x14e: {  	_ =	swait.ge [sflag:s0], $0x0  }
0x14f: {  	s2 =	smov.u32 s29;
	[sflag:s0] =	ssyncset.done $0x0;
	s0 =	simm.s32 $0x0  }
.LBB2_26:
0x150: {  	_ =	sfence.sel $0x180000  }
0x151: {  	s0 =	simm.s32 $0x9;
	[bflag:$0x0] =	sbarrier.arrive $0xFFFF  }
0x152: {  	s24 =	simm.s32 $0xA;
	[sflag:s0] =	ssyncpa.u1 $0x1  }
0x153: {  	s25 =	simm.s32 $0xB;
	[sflag:s24] =	ssyncpa.u1 $0x1  }
0x154: {  	s26 =	simm.s32 $0x2;
	[sflag:s25] =	ssyncpa.u1 $0x1  }
0x155: {  	[sflag:s26] =	ssyncpa.u1 $0x1  }
0x156: {  	v0 =	vld [tilespmem:$0xA108];
	_ =	sdelay $0x4  }
0x157: {  	(v2sf) =	vpush v0, $0x0  }
0x158: {  	(v2sf) =	vpush v0, $0x1;
	_ =	sdelay $0x1  }
0x159: {  	(v2sf) =	vpush v0, $0x2;
	_ =	sdelay $0xb  }
0x15a: {  	s0 =	spop (v2sf)  }
0x15b: {  	s2 =	spop (v2sf)  }
0x15c: {  	s3 =	smov.u32 s0;
	p0 =	sne.s32 s0, s2  }
0x15d: {  	s4 =	spop (v2sf);
	s3 =	simm.s32 @!p0 $0xFFFFFFFF  }
0x15e: {  	v2 =	vimm.s32 $0x1;
	v3 =	vlaneseq.u32;
	p0 =	seq.s32 s4, $0xFFFFFFFF;
	v1 =	vmov s3  }
0x15f: {  	s14 =	stileid.u32;
	v0 =	vperm.xlane v0, v2;
	p1 =	sne.s32 @!p0 s0, s2;
	v1 =	vperm.xlane v1, v3  }
0x160: {  	vm0 =	vcmask $0x3F04;
	s6 =	simm.s32 $0xA108;
	s0 =	simm.s32 @!p0 $0x1;
	p1 =	por !p1, p0  }
0x161: {  	s3 =	sshll.u32 s14, $0x1;
	s2 =	sshll.u32 @!p0 s4, $0x8;
	s0 =	simm.s32 @p1 $0x0;
	v0 =	vsel vm0, v1, v0  }
0x162: {  	s5 =	sor.u32 $0x800, s3;
	s2 =	sshra.s32 @!p0 s2, $0x2;
	s0 =	sor.u32 @!p0 s0, s3;
	[tilespmem:$0xA108] =	vst v0  }
0x163: {  	[spmem:s5] =	stream.linear.scatter [tilespmem:s6], [sflag:$0x1], $0x2, $0x38;
	[tilespmem:$0x1EF88] =	vst v63  }
0x164: {  	s2 =	sadd.s32 @!p0 $0x88, s2;
	s0 =	sshll.u32 @!p0 s0, $0x6  }
0x165: {  	[spmem:s0] =	stream.linear.scatter @!p0 [tilespmem:s2], [sflag:$0x1], $0x40, $0x38;
	[tilespmem:$0x1EF88] =	vst v63  }
0x166: {  	s0 =	simm.s32 @!p0 $0x42  }
0x167: {  	s28 =	simm.s32 $0x1;
	s0 =	simm.s32 @p0 $0x2  }
0x168: {  	_ =	swait.ge [sflag:s28], s0  }
0x169: {  	s0 =	ssub.s32 $0x0, s0;
	[sflag:s28] =	ssyncset.done $0x0  }
0x16a: {  	p0 =	sne.s32 s14, $0x0;
	[sflag:s28] =	ssyncadd.s32 s0  }
.Ltmp19:
0x16b: {  	_ =	sfence.stream.spmem;
	(pc) =	sbr.rel @p0 .LBB2_43-.Ltmp19, $4  }
0x16c: {  	s29 =	simm.s32 $0x3;
	[bflag:$0x0] =	sbarrier.arrive $0xFFFF  }
0x16d: {  	s30 =	simm.s32 $0x4;
	[sflag:s29] =	ssyncpa.u1 $0x1  }
0x16e: {  	s31 =	simm.s32 $0x3C;
	[sflag:s30] =	ssyncpa.u1 $0x1  }
0x16f: {  	s13 =	rddreg [dreg:$0x4];
	[sflag:s31] =	ssyncpa.u1 $0x1  }
0x170: {  	_ =	sfence.stream.spmem;
	s0 =	simm.s32 $0x5  }
0x171: {  	s2 =	simm.s32 $0x800;
	s3 =	simm.s32 $0xA118;
	[sflag:s0] =	ssyncpa.u1 $0x0  }
0x172: {  	[tilespmem:s3], [sflag:$0x5] =	stream.linear.gather [spmem:s2], $0x20, $0x38;
	[tilespmem:$0x1EF88] =	vst v63  }
0x173: {  	s26 =	simm.s32 $0x0;
	s28 =	simm.s32 $0xA138  }
0x174: {  	[tilespmem:s28], [sflag:$0x5] =	stream.linear.gather [spmem:s26], $0x800, $0x38;
	[tilespmem:$0x1EF88] =	vst v63  }
0x175: {  	_ =	swait.ge [sflag:s0], $0x820  }
0x176: {  	[sflag:s0] =	ssyncset.done $0x0  }
0x177: {  	s29 =	simm.s32 $0x0;
	[sflag:s0] =	ssyncadd.s32 $0xFFFFF7E0  }
0x178: {  	v0 =	vld.msk [tilespmem:s29+$0xA118], $0x1;
	_ =	sdelay $0x1  }
0x179: {  	s30 =	simm.s32 $0x1  }
0x17a: {  	v1 =	vld.msk [tilespmem:s30+$0xA118], $0x1;
	_ =	sdelay $0x1  }
0x17b: {  	(v2sf) =	vpush v0, $0x0;
	_ =	sdelay $0x2  }
0x17c: {  	(v2sf) =	vpush v1, $0x0;
	_ =	sdelay $0x2  }
0x17d: {  	s31 =	simm.s32 $0x2  }
0x17e: {  	v0 =	vld.msk [tilespmem:s31+$0xA118], $0x1;
	_ =	sdelay $0x2  }
0x17f: {  	s2 =	simm.s32 $0xFFFFFFFF;
	s3 =	simm.s32 $0xFFFFFFFF;
	s0 =	simm.s32 $0xC  }
.LBB2_28:
0x180: {  	s4 =	smov.u32 s3;
	s5 =	smov.u32 s2  }
0x181: {  	s2 =	sshra.s32 s0, $0x2;
	p1 =	sne.s32 s0, $0x7C;
	s0 =	sadd.s32 $0x4, s0;
	(v2sf) =	vpush v0, $0x0  }
0x182: {  	v0 =	vld.msk [tilespmem:s2+$0xA118], $0x1  }
.Ltmp20:
0x183: {  	(pc) =	sbr.rel @p1 .LBB2_28-.Ltmp20, $4  }
0x184: {  	s3 =	spop (v2sf)  }
0x185: {  	p2 =	sne.s32 s5, $0xFFFFFFFF;
	s2 =	smov.u32 s3  }
0x186: {  	p3 =	seq.s32 s3, $0xFFFFFFFF;
	s2 =	smov.u32 @p2 s5  }
0x187: {  	s3 =	smov.u32 @p3 s4;
	s2 =	smov.u32 @p3 s5  }
0x188: {  	(v2sf) =	vpush v0, $0x0;
	_ =	sdelay $0x8  }
0x189: {  	s0 =	spop (v2sf)  }
0x18a: {  	p1 =	sne.s32 s2, $0xFFFFFFFF;
	s4 =	smov.u32 s0  }
0x18b: {  	s6 =	simm.s32 $0x0;
	p2 =	seq.s32 s0, $0xFFFFFFFF;
	s4 =	smov.u32 @p1 s2  }
0x18c: {  	s9 =	simm.s32 $0xA0C8;
	s4 =	smov.u32 @p2 s2;
	s2 =	spop (v2sf)  }
0x18d: {  	s0 =	smov.u32 @p2 s3;
	p1 =	sne.s32 s4, $0xFFFFFFFF;
	s5 =	smov.u32 s2  }
.Ltmp21:
0x18e: {  	p2 =	seq.s32 s2, $0xFFFFFFFF;
	s5 =	smov.u32 @p1 s4;
	(pc) =	sbr.rel .LBB2_30-.Ltmp21, $4  }
0x18f: {  	s10 =	simm.s32 $0x0;
	s5 =	smov.u32 @p2 s4;
	s7 =	spop (v2sf)  }
0x190: {  	s2 =	smov.u32 @p2 s0;
	p1 =	sne.s32 s5, $0xFFFFFFFF;
	s8 =	smov.u32 s7  }
0x191: {  	s0 =	simm.s32 $0x6;
	p2 =	seq.s32 s7, $0xFFFFFFFF;
	s8 =	smov.u32 @p1 s5  }
0x192: {  	[sflag:s0] =	ssyncpa.u1 $0x0;
	s7 =	smov.u32 @p2 s2;
	s8 =	smov.u32 @p2 s5  }
.LBB2_36:
0x193: {  	p1 =	sgt.u32 s2, $0x270F8  }
0x194: {  	p2 =	seq.s32 @!p1 s2, s8  }
0x195: {  	p1 =	por p1, p2  }
0x196: {  	p2 =	sne.s32 @!p1 s2, s7  }
0x197: {  	p1 =	por p1, !p2  }
0x198: {  	s2 =	sshll.u32 @p1 s10, $0x8  }
0x199: {  	s3 =	sand.u32 @!p1 $0x3FFF8, s2  }
0x19a: {  	s2 =	sand.u32 @!p1 $0x7, s2;
	s3 =	sadd.s32 @!p1 s1, s3  }
0x19b: {  	[tilespmem:s9], [sflag:$0x6] =	stream.linear.gather @!p1 [hbm4b:s3+s2], $0x40, $0x38;
	[tilespmem:$0x1EF88] =	vst v63  }
0x19c: {  	_ =	swait.ge @!p1 [sflag:s0], $0x40  }
0x19d: {  	[sflag:s0] =	ssyncset.done @!p1 $0x0  }
0x19e: {  	[sflag:s0] =	ssyncadd.s32 @!p1 $0xFFFFFFC0  }
0x19f: {  	v1 =	vld @!p1 [tilespmem:$0xA0C8];
	_ =	sdelay $0x2  }
0x1a0: {  	s2 =	sshll.u32 @!p1 s10, $0x8  }
0x1a1: {  	s3 =	sshrl.u32 @!p1 s2, $0x2  }
0x1a2: {  	[tilespmem:s3+$0xA138] =	vst.add.f32.msk @!p1 $0xffff, v1  }
0x1a3: {  	v1 =	vld @!p1 [tilespmem:$0xA0D8];
	_ =	sdelay $0x4  }
0x1a4: {  	[tilespmem:s3+$0xA148] =	vst.add.f32.msk @!p1 $0xffff, v1  }
0x1a5: {  	v1 =	vld @!p1 [tilespmem:$0xA0E8];
	_ =	sdelay $0x4  }
0x1a6: {  	[tilespmem:s3+$0xA158] =	vst.add.f32.msk @!p1 $0xffff, v1  }
0x1a7: {  	v1 =	vld @!p1 [tilespmem:$0xA0F8];
	_ =	sdelay $0x4  }
0x1a8: {  	[tilespmem:s3+$0xA168] =	vst.add.f32.msk @!p1 $0xffff, v1  }
0x1a9: {  	s2 =	sshrl.u32 s2, $0x2;
	[tilespmem:s6+$0xA118] =	vst.msk $0x1, v0  }
0x1aa: {  	v0 =	vld [tilespmem:s2+$0xA138];
	_ =	sdelay $0x2  }
0x1ab: {  	s31 =	sshll.u32 s6, $0x8  }
0x1ac: {  	s3 =	sshra.s32 s31, $0x2  }
0x1ad: {  	[tilespmem:s3+$0xA138] =	vst v0  }
0x1ae: {  	v0 =	vld [tilespmem:s2+$0xA148];
	_ =	sdelay $0x4  }
0x1af: {  	[tilespmem:s3+$0xA148] =	vst v0  }
0x1b0: {  	v0 =	vld [tilespmem:s2+$0xA158];
	_ =	sdelay $0x4  }
0x1b1: {  	[tilespmem:s3+$0xA158] =	vst v0  }
0x1b2: {  	v0 =	vld [tilespmem:s2+$0xA168];
	_ =	sdelay $0x4  }
0x1b3: {  	s6 =	sadd.s32 $0x1, s6;
	[tilespmem:s3+$0xA168] =	vst v0  }
.LBB2_37:
0x1b4: {  	s10 =	sadd.s32 $0x1, s10  }
0x1b5: {  	p1 =	sne.s32 s10, $0x20  }
.Ltmp22:
0x1b6: {  	_ = 	snop;
	(pc) =	sbr.rel @!p1 .LBB2_38-.Ltmp22, $1  }
0x1b7: {  	_ =	sdelay $0x3  }
.LBB2_30:
0x1b8: {  	v0 =	vld.msk [tilespmem:s10+$0xA118], $0x1;
	_ =	sdelay $0x4  }
0x1b9: {  	(v2sf) =	vpush v0, $0x0;
	_ =	sdelay $0xe  }
0x1ba: {  	s2 =	spop (v2sf)  }
0x1bb: {  	p1 =	seq.s32 s2, $0xFFFFFFFF  }
.Ltmp23:
0x1bc: {  	_ = 	snop;
	(pc) =	sbr.rel @p1 .LBB2_37-.Ltmp23, $1  }
0x1bd: {  	_ =	sdelay $0x3  }
0x1be: {  	p1 =	slt.s32 s6, $0x1  }
.Ltmp24:
0x1bf: {  	_ = 	snop;
	(pc) =	sbr.rel @p1 .LBB2_36-.Ltmp24, $1  }
0x1c0: {  	_ =	sdelay $0x3  }
0x1c1: {  	s3 =	simm.s32 $0xA118;
	p1 =	por $0x0, $0x0  }
0x1c2: {  	v1 =	vld.msk @!p1 [tilespmem:s3+$0x0], $0x1;
	_ =	sdelay $0x4  }
0x1c3: {  	(v2sf) =	vpush @!p1 v1, $0x0;
	_ =	sdelay $0xd  }
0x1c4: {  	p3 =	sne.s32 s6, $0x1  }
.Ltmp25:
0x1c5: {  	s4 =	spop @!p1 (v2sf);
	(pc) =	sbr.rel @!p3 .LBB2_34-.Ltmp25, $4  }
0x1c6: {  	p2 =	seq.s32 @!p1 s2, s4  }
0x1c7: {  	s4 =	simm.s32 $0x0;
	p2 =	por !p2, p1  }
0x1c8: {  	s11 =	simm.s32 $0xFFFFFFFF;
	s4 =	simm.s32 @p2 $0xFFFFFFFF  }
0x1c9: {  	s5 =	simm.s32 $0x1;
	s4 =	smov.u32 @p1 s11  }
.LBB2_33:
0x1ca: {  	s11 =	smov.u32 s4;
	p1 =	sne.s32 s4, $0xFFFFFFFF  }
0x1cb: {  	s3 =	sadd.s32 $0x1, s3;
	s4 =	smov.u32 s5;
	s5 =	sadd.s32 $0x1, s5  }
0x1cc: {  	p2 =	sne.s32 s6, s5;
	v1 =	vld.msk @!p1 [tilespmem:s3+$0x0], $0x1;
	_ =	sdelay $0x4  }
0x1cd: {  	(v2sf) =	vpush @!p1 v1, $0x0;
	_ =	sdelay $0xe  }
.Ltmp26:
0x1ce: {  	s12 =	spop @!p1 (v2sf);
	(pc) =	sbr.rel @p2 .LBB2_33-.Ltmp26, $4  }
0x1cf: {  	p3 =	seq.s32 @!p1 s2, s12  }
0x1d0: {  	p3 =	por !p3, p1  }
0x1d1: {  	s4 =	simm.s32 @p3 $0xFFFFFFFF  }
0x1d2: {  	s4 =	smov.u32 @p1 s11  }
.LBB2_34:
0x1d3: {  	p1 =	seq.s32 s4, $0xFFFFFFFF  }
.Ltmp27:
0x1d4: {  	_ = 	snop;
	(pc) =	sbr.rel @p1 .LBB2_36-.Ltmp27, $1  }
0x1d5: {  	_ =	sdelay $0x3  }
0x1d6: {  	s2 =	sshll.u32 s10, $0x6  }
0x1d7: {  	s2 =	sand.u32 $0x3FFFFFC0, s2  }
0x1d8: {  	v0 =	vld [tilespmem:s2+$0xA138];
	_ =	sdelay $0x2  }
0x1d9: {  	s3 =	sshll.u32 s4, $0x8  }
0x1da: {  	s3 =	sshra.s32 s3, $0x2  }
0x1db: {  	[tilespmem:s3+$0xA138] =	vst.add.f32.msk $0xffff, v0  }
0x1dc: {  	v0 =	vld [tilespmem:s2+$0xA148];
	_ =	sdelay $0x4  }
0x1dd: {  	[tilespmem:s3+$0xA148] =	vst.add.f32.msk $0xffff, v0  }
0x1de: {  	v0 =	vld [tilespmem:s2+$0xA158];
	_ =	sdelay $0x4  }
0x1df: {  	[tilespmem:s3+$0xA158] =	vst.add.f32.msk $0xffff, v0  }
0x1e0: {  	v0 =	vld [tilespmem:s2+$0xA168]  }
.Ltmp28:
0x1e1: {  	_ = 	snop;
	(pc) =	sbr.rel .LBB2_37-.Ltmp28, $2  }
0x1e2: {  	_ =	sdelay $0x2  }
0x1e3: {  	[tilespmem:s3+$0xA168] =	vst.add.f32.msk $0xffff, v0  }
.LBB2_38:
0x1e4: {  	s0 =	simm.s32 $0x6;
	p1 =	seq.s32 s6, $0x0  }
0x1e5: {  	[sflag:s0] =	ssyncpa.u1 $0x1;
	v0 =	vimm.s32 @p1 $0xFFFFFFFF  }
0x1e6: {  	s0 =	sadd.s32 $0xFFFFFFFF, s6;
	[tilespmem:$0xA938] =	vst @p1 v0  }
0x1e7: {  	v0 =	vld.msk @!p1 [tilespmem:s0+$0xA118], $0x1;
	_ =	sdelay $0x1  }
0x1e8: {  	v1 =	vld.msk @!p1 [tilespmem:$0xA118], $0x1;
	_ =	sdelay $0x2  }
0x1e9: {  	p2 =	seq.s32 @!p1 s0, $0x0;
	v0 =	vbroadcast @!p1 v0, $0x0  }
0x1ea: {  	vm0 =	vmmov @!p1 $0x1;
	p2 =	por !p2, p1  }
0x1eb: {  	v1 =	vnsel @!p1 vm0, $0xFFFFFFFF, v1;
	vm0 =	vcmask @!p1 $0x308;
	v0 =	vpsel !p2, $0xFFFFFFFF, v0  }
0x1ec: {  	p2 =	sne.s32 @!p1 s8, s7;
	v0 =	vsel @!p1 vm0, v1, v0  }
0x1ed: {  	s2 =	simm.s32 @!p1 $0xA138;
	s3 =	simm.s32 @!p1 $0x0;
	p3 =	por !p2, p1;
	[tilespmem:$0xA938] =	vst @!p1 v0  }
0x1ee: {  	[spmem:s3] =	stream.linear.scatter @!p1 [tilespmem:s2], [sflag:$0x1], $0x40, $0x38;
	[tilespmem:$0x1EF88] =	vst v63  }
0x1ef: {  	s2 =	sshll.u32 @!p3 s0, $0x8  }
0x1f0: {  	s2 =	sshra.s32 @!p3 s2, $0x2  }
0x1f1: {  	s3 =	simm.s32 @!p3 $0x40;
	s2 =	sadd.s32 @!p3 $0xA138, s2  }
0x1f2: {  	[spmem:s3] =	stream.linear.scatter @!p3 [tilespmem:s2], [sflag:$0x1], $0x40, $0x38;
	[tilespmem:$0x1EF88] =	vst v63  }
0x1f3: {  	s2 =	simm.s32 @!p3 $0x1  }
0x1f4: {  	_ =	swait.ge @!p3 [sflag:s2], $0x80  }
0x1f5: {  	p1 =	por p2, p1;
	[sflag:s2] =	ssyncset.done @!p3 $0x0  }
0x1f6: {  	[sflag:s2] =	ssyncadd.s32 @!p3 $0xFFFFFF80;
	s2 =	simm.s32 @!p1 $0x1  }
0x1f7: {  	_ =	swait.ge @!p1 [sflag:s2], $0x40  }
0x1f8: {  	s29 =	simm.s32 $0xA938;
	[sflag:s2] =	ssyncset.done @!p1 $0x0  }
0x1f9: {  	s30 =	simm.s32 $0x800;
	s31 =	simm.s32 $0x1;
	[sflag:s2] =	ssyncadd.s32 @!p1 $0xFFFFFFC0  }
0x1fa: {  	[spmem:s30] =	stream.linear.scatter [tilespmem:s29], [sflag:$0x1], $0x10, $0x38;
	[tilespmem:$0x1EF88] =	vst v63  }
0x1fb: {  	_ =	swait.ge [sflag:s31], $0x10  }
0x1fc: {  	[sflag:s31] =	ssyncset.done $0x0  }
0x1fd: {  	p1 =	seq.s32 s13, $0x0;
	s9 =	rddreg [dreg:$0x1];
	[sflag:s31] =	ssyncadd.s32 $0xFFFFFFF0  }
0x1fe: {  	s3 =	sshll.u32 @p1 s9, $0xE;
	s8 =	rddreg [dreg:$0x2]  }
0x1ff: {  	s2 =	sadd.s32 @p1 $0x15C3C, s3;
	s3 =	sshll.u32 @p1 s8, $0x11  }
0x200: {  	_ =	sfence.stream.spmem;
	s2 =	sor.u32 @p1 s3, s2  }
0x201: {  	[sflag:s2] =	ssyncadd.remote.s32 @p1 $0x1;
	s2 =	simm.s32 @p1 $0x4  }
0x202: {  	s4 =	simm.s32 @!p1 $0x3C;
	s3 =	sand.u32 $0xFFFFFFFE, s9;
	_ =	swait.ge @p1 [sflag:s2], $0x12  }
0x203: {  	s5 =	simm.s32 @!p1 $0x0;
	s3 =	sadd.s32 @!p1 $0x4, s3;
	[sflag:s2] =	ssyncset.done @p1 $0x0  }
0x204: {  	s7 =	simm.s32 @!p1 $0x80;
	[sflag:s2] =	ssyncadd.s32 @p1 $0xFFFFFFEE;
	s2 =	sshll.u32 @!p1 s3, $0x1A  }
0x205: {  	s3 =	sshll.u32 @!p1 s3, $0xD;
	s2 =	sor.u32 @!p1 s2, s8;
	_ =	swait.eq @!p1 [sflag:s4], $0x1  }
0x206: {  	s3 =	sor.u32 @!p1 $0x1C04, s3;
	s4 =	simm.s32 @!p1 $0x1C03;
	s2 =	sor.u32 @!p1 $0x80004000, s2  }
0x207: {  	[spmem:s7], [sflag:s3] =	dma.general @!p1 [spmem:s5], [sflag:s4], length:$0x10, [dreg:$0x0], stride_count:$0x0, ici_dest:s2, dma_misc:DstOpCode:WRITE  }
0x208: {  	p2 =	slt.s32 s0, $0x2;
	s5 =	simm.s32 @!p1 $0x100;
	s7 =	simm.s32 @!p1 $0x102  }
0x209: {  	[spmem:s7], [sflag:s3] =	dma.general @!p1 [spmem:s5], [sflag:s4], length:$0x2, [dreg:$0x0], stride_count:$0x0, ici_dest:s2, dma_misc:DstOpCode:WRITE  }
.Ltmp29:
0x20a: {  	s2 =	simm.s32 @!p1 $0x3;
	(pc) =	sbr.rel @p2 .LBB2_42-.Ltmp29, $4  }
0x20b: {  	s3 =	sshll.u32 @!p1 s9, $0xE;
	_ =	swait.ge @!p1 [sflag:s2], $0x12  }
0x20c: {  	s4 =	sshll.u32 @!p1 s8, $0x11;
	s3 =	sadd.s32 @!p1 $0x11C3C, s3;
	[sflag:s2] =	ssyncset.done @!p1 $0x0  }
0x20d: {  	[sflag:s2] =	ssyncadd.s32 @!p1 $0xFFFFFFEE;
	s2 =	sor.u32 @!p1 s4, s3  }
0x20e: {  	s0 =	simm.s32 $0x0;
	[sflag:s2] =	ssyncadd.remote.s32 @!p1 $0xFFFFFFFF  }
0x20f: {  	s0 =	simm.s32 $0xA119  }
0x210: {  	v0 =	vld.msk [tilespmem:s0+$0x0], $0x1;
	_ =	sdelay $0x4  }
0x211: {  	(v2sf) =	vpush v0, $0x0;
	_ =	sdelay $0xc  }
0x212: {  	s2 =	sadd.s32 $0xFFFFFFFE, s6  }
0x213: {  	s2 =	sadd.s32 $0xFFFFFFFF, s2  }
0x214: {  	p2 =	sne.s32 s2, $0x0;
	s3 =	spop (v2sf)  }
.Ltmp30:
0x215: {  	p1 =	sgt.u32 s3, $0x270F8;
	(pc) =	sbr.rel @!p2 .LBB2_41-.Ltmp30, $4  }
0x216: {  	s5 =	simm.s32 $0x0;
	s4 =	sand.u32 @!p1 $0x3FFF8, s3  }
0x217: {  	s0 =	simm.s32 $0xA178;
	s3 =	sand.u32 @!p1 $0x7, s3;
	s4 =	sadd.s32 @!p1 s1, s4  }
0x218: {  	[hbm4b:s4+s3] =	stream.linear.scatter @!p1 [tilespmem:s0], [sflag:$0x5], $0x40, $0x38;
	[tilespmem:$0x1EF88] =	vst v63  }
0x219: {  	s5 =	simm.s32 @!p1 $0x100;
	s3 =	simm.s32 $0x0;
	s4 =	simm.s32 $0xA11A  }
.LBB2_40:
0x21a: {  	v0 =	vld.msk [tilespmem:s4+$0x0], $0x1;
	s2 =	sadd.s32 $0xFFFFFFFF, s2;
	s3 =	sadd.s32 s3, s5  }
0x21b: {  	p1 =	sne.s32 s2, $0x0;
	_ =	sdelay $0x3  }
0x21c: {  	(v2sf) =	vpush v0, $0x0;
	_ =	sdelay $0xe  }
.Ltmp31:
0x21d: {  	s6 =	spop (v2sf);
	(pc) =	sbr.rel @p1 .LBB2_40-.Ltmp31, $4  }
0x21e: {  	s5 =	simm.s32 $0x0;
	p2 =	sgt.u32 s6, $0x270F8  }
0x21f: {  	s0 =	sadd.s32 $0x40, s0;
	s5 =	simm.s32 @!p2 $0x100;
	s7 =	sand.u32 @!p2 $0x3FFF8, s6  }
0x220: {  	s4 =	sadd.s32 $0x1, s4;
	s6 =	sand.u32 @!p2 $0x7, s6;
	s7 =	sadd.s32 @!p2 s1, s7  }
0x221: {  	[hbm4b:s7+s6] =	stream.linear.scatter @!p2 [tilespmem:s0], [sflag:$0x5], $0x40, $0x38;
	[tilespmem:$0x1EF88] =	vst v63  }
.LBB2_41:
0x222: {  	s0 =	sadd.s32 s3, s5  }
0x223: {  	s0 =	sshrl.u32 s0, $0x2  }
.LBB2_42:
0x224: {  	s2 =	simm.s32 $0x5  }
0x225: {  	_ =	swait.ge [sflag:s2], s0  }
0x226: {  	s31 =	ssub.s32 $0x0, s0;
	[sflag:s2] =	ssyncset.done $0x0  }
0x227: {  	[sflag:s2] =	ssyncadd.s32 s31  }
0x228: {  	[sflag:s2] =	ssyncpa.u1 $0x1  }
.LBB2_43:
0x229: {  	s0 =	sor.u32 s13, s14  }
0x22a: {  	p1 =	sne.s32 s0, $0x0  }
.Ltmp32:
0x22b: {  	_ = 	snop;
	(pc) =	sbr.rel @p1 .LBB2_58-.Ltmp32, $3  }
0x22c: {  	_ =	sdelay $0x1  }
0x22d: {  	[bflag:$0x0] =	sbarrier.arrive $0xFFFF  }
0x22e: {  	_ =	sfence  }
0x22f: {  	s2 =	simm.s32 $0x7  }
0x230: {  	s0 =	simm.s32 $0x800;
	s3 =	simm.s32 $0xA118;
	[sflag:s2] =	ssyncpa.u1 $0x0  }
0x231: {  	[tilespmem:s3], [sflag:$0x7] =	stream.linear.gather [spmem:s0], $0x20, $0x38;
	[tilespmem:$0x1EF88] =	vst v63  }
0x232: {  	s30 =	simm.s32 $0xA138;
	s0 =	simm.s32 $0x0  }
0x233: {  	[tilespmem:s30], [sflag:$0x7] =	stream.linear.gather [spmem:s0], $0x800, $0x38;
	[tilespmem:$0x1EF88] =	vst v63  }
.Ltmp33:
0x234: {  	_ = 	snop;
	(pc) =	sbr.rel .LBB2_45-.Ltmp33, $4  }
0x235: {  	_ =	swait.ge [sflag:s2], $0x820  }
0x236: {  	[sflag:s2] =	ssyncset.done $0x0  }
0x237: {  	s31 =	simm.s32 $0x8;
	[sflag:s2] =	ssyncadd.s32 $0xFFFFF7E0  }
0x238: {  	s2 =	simm.s32 $0x0;
	[sflag:s31] =	ssyncpa.u1 $0x0  }
.LBB2_51:
0x239: {  	p1 =	slt.u32 s3, $0x270F9  }
0x23a: {  	s4 =	sand.u32 @p1 $0x3FFF8, s3  }
0x23b: {  	s3 =	sand.u32 @p1 $0x7, s3;
	s5 =	simm.s32 @p1 $0xA0C8;
	s4 =	sadd.s32 @p1 s1, s4  }
0x23c: {  	[tilespmem:s5], [sflag:$0x8] =	stream.linear.gather @p1 [hbm4b:s4+s3], $0x40, $0x38;
	[tilespmem:$0x1EF88] =	vst v63  }
0x23d: {  	s3 =	simm.s32 @p1 $0x8  }
0x23e: {  	_ =	swait.ge @p1 [sflag:s3], $0x40  }
0x23f: {  	[sflag:s3] =	ssyncset.done @p1 $0x0  }
0x240: {  	[sflag:s3] =	ssyncadd.s32 @p1 $0xFFFFFFC0  }
0x241: {  	v1 =	vld @p1 [tilespmem:$0xA0C8];
	_ =	sdelay $0x2  }
0x242: {  	s3 =	sshll.u32 @p1 s2, $0x8  }
0x243: {  	s4 =	sshrl.u32 @p1 s3, $0x2  }
0x244: {  	[tilespmem:s4+$0xA138] =	vst.add.f32.msk @p1 $0xffff, v1  }
0x245: {  	v1 =	vld @p1 [tilespmem:$0xA0D8];
	_ =	sdelay $0x4  }
0x246: {  	[tilespmem:s4+$0xA148] =	vst.add.f32.msk @p1 $0xffff, v1  }
0x247: {  	v1 =	vld @p1 [tilespmem:$0xA0E8];
	_ =	sdelay $0x4  }
0x248: {  	[tilespmem:s4+$0xA158] =	vst.add.f32.msk @p1 $0xffff, v1  }
0x249: {  	v1 =	vld @p1 [tilespmem:$0xA0F8];
	_ =	sdelay $0x3  }
0x24a: {  	s5 =	sshll.u32 @!p1 s2, $0x8  }
0x24b: {  	s5 =	smov.u32 @p1 s3;
	[tilespmem:s4+$0xA168] =	vst.add.f32.msk @p1 $0xffff, v1  }
0x24c: {  	s3 =	sshrl.u32 s5, $0x2;
	[tilespmem:s0+$0xA118] =	vst.msk $0x1, v0  }
0x24d: {  	v0 =	vld [tilespmem:s3+$0xA138];
	_ =	sdelay $0x2  }
0x24e: {  	s31 =	sshll.u32 s0, $0x8  }
0x24f: {  	s4 =	sshra.s32 s31, $0x2  }
0x250: {  	[tilespmem:s4+$0xA138] =	vst v0  }
0x251: {  	v0 =	vld [tilespmem:s3+$0xA148];
	_ =	sdelay $0x4  }
0x252: {  	[tilespmem:s4+$0xA148] =	vst v0  }
0x253: {  	v0 =	vld [tilespmem:s3+$0xA158];
	_ =	sdelay $0x4  }
0x254: {  	[tilespmem:s4+$0xA158] =	vst v0  }
0x255: {  	v0 =	vld [tilespmem:s3+$0xA168];
	_ =	sdelay $0x4  }
0x256: {  	s0 =	sadd.s32 $0x1, s0;
	[tilespmem:s4+$0xA168] =	vst v0  }
.LBB2_52:
0x257: {  	s2 =	sadd.s32 $0x1, s2  }
0x258: {  	p1 =	sne.s32 s2, $0x20  }
.Ltmp34:
0x259: {  	_ = 	snop;
	(pc) =	sbr.rel @!p1 .LBB2_53-.Ltmp34, $1  }
0x25a: {  	_ =	sdelay $0x3  }
.LBB2_45:
0x25b: {  	v0 =	vld.msk [tilespmem:s2+$0xA118], $0x1;
	_ =	sdelay $0x4  }
0x25c: {  	(v2sf) =	vpush v0, $0x0;
	_ =	sdelay $0xe  }
0x25d: {  	s3 =	spop (v2sf)  }
0x25e: {  	p1 =	seq.s32 s3, $0xFFFFFFFF  }
.Ltmp35:
0x25f: {  	_ = 	snop;
	(pc) =	sbr.rel @p1 .LBB2_52-.Ltmp35, $1  }
0x260: {  	_ =	sdelay $0x3  }
0x261: {  	p1 =	slt.s32 s0, $0x1  }
.Ltmp36:
0x262: {  	_ = 	snop;
	(pc) =	sbr.rel @p1 .LBB2_51-.Ltmp36, $1  }
0x263: {  	_ =	sdelay $0x3  }
0x264: {  	s4 =	simm.s32 $0xA118;
	p1 =	por $0x0, $0x0  }
0x265: {  	v1 =	vld.msk @!p1 [tilespmem:s4+$0x0], $0x1;
	_ =	sdelay $0x4  }
0x266: {  	(v2sf) =	vpush @!p1 v1, $0x0;
	_ =	sdelay $0xd  }
0x267: {  	p3 =	sne.s32 s0, $0x1  }
.Ltmp37:
0x268: {  	s5 =	spop @!p1 (v2sf);
	(pc) =	sbr.rel @!p3 .LBB2_49-.Ltmp37, $4  }
0x269: {  	p2 =	seq.s32 @!p1 s3, s5  }
0x26a: {  	s5 =	simm.s32 $0x0;
	p2 =	por !p2, p1  }
0x26b: {  	s7 =	simm.s32 $0xFFFFFFFF;
	s5 =	simm.s32 @p2 $0xFFFFFFFF  }
0x26c: {  	s6 =	simm.s32 $0x1;
	s5 =	smov.u32 @p1 s7  }
.LBB2_48:
0x26d: {  	s7 =	smov.u32 s5;
	p1 =	sne.s32 s5, $0xFFFFFFFF  }
0x26e: {  	s4 =	sadd.s32 $0x1, s4;
	s5 =	smov.u32 s6;
	s6 =	sadd.s32 $0x1, s6  }
0x26f: {  	p2 =	sne.s32 s0, s6;
	v1 =	vld.msk @!p1 [tilespmem:s4+$0x0], $0x1;
	_ =	sdelay $0x4  }
0x270: {  	(v2sf) =	vpush @!p1 v1, $0x0;
	_ =	sdelay $0xe  }
.Ltmp38:
0x271: {  	s8 =	spop @!p1 (v2sf);
	(pc) =	sbr.rel @p2 .LBB2_48-.Ltmp38, $4  }
0x272: {  	p3 =	seq.s32 @!p1 s3, s8  }
0x273: {  	p3 =	por !p3, p1  }
0x274: {  	s5 =	simm.s32 @p3 $0xFFFFFFFF  }
0x275: {  	s5 =	smov.u32 @p1 s7  }
.LBB2_49:
0x276: {  	p1 =	seq.s32 s5, $0xFFFFFFFF  }
.Ltmp39:
0x277: {  	_ = 	snop;
	(pc) =	sbr.rel @p1 .LBB2_51-.Ltmp39, $1  }
0x278: {  	_ =	sdelay $0x3  }
0x279: {  	s3 =	sshll.u32 s2, $0x6  }
0x27a: {  	s3 =	sand.u32 $0x3FFFFFC0, s3  }
0x27b: {  	v0 =	vld [tilespmem:s3+$0xA138];
	_ =	sdelay $0x2  }
0x27c: {  	s4 =	sshll.u32 s5, $0x8  }
0x27d: {  	s4 =	sshra.s32 s4, $0x2  }
0x27e: {  	[tilespmem:s4+$0xA138] =	vst.add.f32.msk $0xffff, v0  }
0x27f: {  	v0 =	vld [tilespmem:s3+$0xA148];
	_ =	sdelay $0x4  }
0x280: {  	[tilespmem:s4+$0xA148] =	vst.add.f32.msk $0xffff, v0  }
0x281: {  	v0 =	vld [tilespmem:s3+$0xA158];
	_ =	sdelay $0x4  }
0x282: {  	[tilespmem:s4+$0xA158] =	vst.add.f32.msk $0xffff, v0  }
0x283: {  	v0 =	vld [tilespmem:s3+$0xA168]  }
.Ltmp40:
0x284: {  	_ = 	snop;
	(pc) =	sbr.rel .LBB2_52-.Ltmp40, $2  }
0x285: {  	_ =	sdelay $0x2  }
0x286: {  	[tilespmem:s4+$0xA168] =	vst.add.f32.msk $0xffff, v0  }
.LBB2_53:
0x287: {  	p1 =	slt.s32 s0, $0x1  }
.Ltmp41:
0x288: {  	_ = 	snop;
	(pc) =	sbr.rel @p1 .LBB2_57-.Ltmp41, $3  }
0x289: {  	_ =	sdelay $0x1  }
0x28a: {  	s2 =	simm.s32 $0x8  }
0x28b: {  	[sflag:s2] =	ssyncpa.u1 $0x1;
	s2 =	simm.s32 $0x0  }
0x28c: {  	s3 =	simm.s32 $0xA118  }
0x28d: {  	v0 =	vld.msk [tilespmem:s3+$0x0], $0x1;
	_ =	sdelay $0x4  }
0x28e: {  	(v2sf) =	vpush v0, $0x0;
	_ =	sdelay $0xe  }
0x28f: {  	s0 =	sadd.s32 $0xFFFFFFFF, s0;
	s4 =	spop (v2sf)  }
0x290: {  	p2 =	sne.s32 s0, $0x0;
	p1 =	sgt.u32 s4, $0x270F8  }
.Ltmp42:
0x291: {  	s5 =	sand.u32 @!p1 $0x3FFF8, s4;
	(pc) =	sbr.rel @!p2 .LBB2_56-.Ltmp42, $4  }
0x292: {  	s3 =	simm.s32 $0xA138;
	s4 =	sand.u32 @!p1 $0x7, s4;
	s5 =	sadd.s32 @!p1 s1, s5  }
0x293: {  	[hbm4b:s5+s4] =	stream.linear.scatter @!p1 [tilespmem:s3], [sflag:$0x7], $0x40, $0x38;
	[tilespmem:$0x1EF88] =	vst v63  }
0x294: {  	s5 =	simm.s32 $0x0  }
0x295: {  	s4 =	simm.s32 $0xA119;
	s5 =	simm.s32 @!p1 $0x100  }
.LBB2_55:
0x296: {  	v0 =	vld.msk [tilespmem:s4+$0x0], $0x1;
	s0 =	sadd.s32 $0xFFFFFFFF, s0;
	s2 =	sadd.s32 s2, s5  }
0x297: {  	p1 =	sne.s32 s0, $0x0;
	_ =	sdelay $0x3  }
0x298: {  	(v2sf) =	vpush v0, $0x0;
	_ =	sdelay $0xe  }
.Ltmp43:
0x299: {  	s6 =	spop (v2sf);
	(pc) =	sbr.rel @p1 .LBB2_55-.Ltmp43, $4  }
0x29a: {  	s5 =	simm.s32 $0x0;
	p2 =	sgt.u32 s6, $0x270F8  }
0x29b: {  	s3 =	sadd.s32 $0x40, s3;
	s5 =	simm.s32 @!p2 $0x100;
	s7 =	sand.u32 @!p2 $0x3FFF8, s6  }
0x29c: {  	s4 =	sadd.s32 $0x1, s4;
	s6 =	sand.u32 @!p2 $0x7, s6;
	s7 =	sadd.s32 @!p2 s1, s7  }
0x29d: {  	[hbm4b:s7+s6] =	stream.linear.scatter @!p2 [tilespmem:s3], [sflag:$0x7], $0x40, $0x38;
	[tilespmem:$0x1EF88] =	vst v63  }
.LBB2_56:
0x29e: {  	s0 =	sadd.s32 s2, s5  }
0x29f: {  	s2 =	sshrl.u32 s0, $0x2  }
.LBB2_57:
0x2a0: {  	s0 =	simm.s32 $0x7  }
0x2a1: {  	_ =	swait.ge [sflag:s0], s2  }
0x2a2: {  	s1 =	ssub.s32 $0x0, s2;
	[sflag:s0] =	ssyncset.done $0x0  }
0x2a3: {  	[sflag:s0] =	ssyncadd.s32 s1  }
0x2a4: {  	[sflag:s0] =	ssyncpa.u1 $0x1  }
.LBB2_58:
0x2a5: {  	_ =	sfence;
	s0 =	simm.s32 $0x1  }
0x2a6: {  	[sflag:s0] =	ssyncpa.u1 $0x1  }
0x2a7: {  	_ =	strace $0x90000053  }
0x2a8: {  	[bflag:$0x2] =	sbarrier.arrive $0xFFFF  }
0x2a9: {  	s0 =	rddreg [dreg:$0x3]  }
0x2aa: {  	s0 =	sadd.s32 @!p0 $0x100000, s0  }
0x2ab: {  	[sflag:s0] =	ssyncadd.tile.s32 @!p0 $0x1;
	_ =	shalt  }
.Lfunc_end2:
_tile_overlayer_lowered:
.L_overlay_start_2:
0x2ac: {  	(tag) =	ssettag $0x2  }
0x2ad: {  	s0 =	rddreg [dreg:$0x0];
	s2 =	stileid.u32  }
0x2ae: {  	s1 =	rddreg [dreg:$0x1];
	p0 =	sne.s32 s2, $0x0  }
0x2af: {  	s3 =	rddreg [dreg:$0x2];
	[bflag:$0x3] =	sbarrier.arrive $0xFFFF;
	s2 =	simm.s32 @!p0 $0x1C01  }
0x2b0: {  	[timem:s3], [sflag:s2] =	dma.local @!p0 [hbm:s0], s1  }
0x2b1: {  	s0 =	simm.s32 @!p0 $0x1  }
0x2b2: {  	_ =	swait.ge @!p0 [sflag:s0], s1  }
0x2b3: {  	s1 =	ssub.s32 @!p0 $0x0, s1;
	[sflag:s0] =	ssyncset.done @!p0 $0x0  }
0x2b4: {  	[sflag:s0] =	ssyncadd.s32 @!p0 s1  }
0x2b5: {  	[bflag:$0x3] =	sbarrier.arrive $0xFFFF  }
0x2b6: {  	_ =	shalt  }

// kernel: scatter_offload_async_start.2
scs
__scs_entry_jumppad:
0x0: {  	(pc) =	sbr.rel $0x88, $3  }
0x1: {  	(tag) =	ssettag $0x0;
	lr =	simm.s32 $0x1  }
0x2: {  	[smem:$0x3F9A] =	sst lr;
	_ =	strace $0xD0000000  }
0x3: {  	_ = 	snop  }
0x4: {  	_ = 	snop  }
0x5: {  	_ = 	snop  }
0x6: {  	_ = 	snop  }
0x7: {  	_ = 	snop  }
__scs_overlays_trampoline_lowered:
0x8: {  	[smem:$0x3FA9] =	sst s0  }
0x9: {  	[smem:$0x3FAA] =	sst s1  }
0xa: {  	[smem:$0x3FAB] =	sst s2  }
0xb: {  	[smem:$0x3FAC] =	sst s3  }
0xc: {  	[smem:$0x3FAD] =	sst s4  }
0xd: {  	[smem:$0x3FAE] =	sst s5  }
0xe: {  	[smem:$0x3FAF] =	sst s6  }
0xf: {  	[smem:$0x3FB0] =	sst s7  }
0x10: {  	[smem:$0x3FB1] =	sst s8  }
0x11: {  	[smem:$0x3FB2] =	sst s9;
	s0 =	simm.s32 @!p0 $0x0  }
0x12: {  	s1 =	sld [smem:$0x3F98];
	s0 =	simm.s32 @p0 $0x1  }
0x13: {  	[smem:$0x3FB3] =	sst s0;
	s0 =	simm.s32 @!p1 $0x0  }
0x14: {  	s2 =	sld [smem:$0x3F97];
	s0 =	simm.s32 @p1 $0x1  }
0x15: {  	[smem:$0x3FB4] =	sst s0;
	s0 =	simm.s32 @!p2 $0x0  }
0x16: {  	s3 =	sld [smem:$0x3FDB];
	s0 =	simm.s32 @p2 $0x1  }
0x17: {  	s4 =	simm.s32 $0x1BF5;
	[smem:$0x3FB6] =	sst s0  }
0x18: {  	s0 =	sld [smem:$0x3F99];
	_ =	swait.ge [sflag:s4], $0x0  }
0x19: {  	s7 =	sld [smem:$0x3F9A]  }
0x1a: {  	s8 =	sadd.s32 $0xFFFFE003, lr  }
0x1b: {  	s9 =	sadd.s32 $0xFFFFFEF7, lr;
	s5 =	simm.s32 $0xFFFFFFFF;
	p2 =	slt.u32 s8, $0xFFFFF086  }
0x1c: {  	p1 =	slt.u32 s9, $0xF7A;
	s5 =	simm.s32 @!p2 $0x0  }
0x1d: {  	s5 =	simm.s32 @p1 $0x1;
	p0 =	seq.s32 s7, s2  }
0x1e: {  	s7 =	smul.u32 @!p0 $0xF7A, s2;
	p2 =	seq.s32 @!p0 s5, $0x0  }
0x1f: {  	s9 =	smul.u32 $0xF7A, s1;
	s8 =	simm.s32 @!p0 $0x1BF5;
	p2 =	por !p2, p0  }
0x20: {  	[sflag:s8] =	ssyncset.s32 @!p0 $0xFFFFF086;
	s6 =	sadd.s32 @!p0 s3, s7;
	s7 =	simm.s32 @!p0 $0x108  }
0x21: {  	s3 =	sadd.s32 s3, s9;
	s6 =	sadd.s32 @!p0 $0x88, s6;
	s7 =	simm.s32 @p2 $0x1082  }
0x22: {  	[simem:s7], [sflag:s8] =	dma.local @!p0 [hbm:s6], $0xF7A  }
0x23: {  	s9 =	sor.u32 $0xD0000000, s2;
	s6 =	simm.s32 $0x108;
	_ =	swait.ge @!p0 [sflag:s8], $0x0  }
0x24: {  	s3 =	sadd.s32 $0x88, s3;
	s6 =	simm.s32 @!p1 $0x1082;
	[sflag:s4] =	ssyncset.s32 $0xFFFFF086  }
0x25: {  	[simem:s6], [sflag:s4] =	dma.local [hbm:s3], $0xF7A  }
0x26: {  	[smem:$0x3F9A] =	sst s1;
	(tag) =	ssettag s2;
	_ =	strace s9  }
0x27: {  	s1 =	sld [smem:$0x3FAA]  }
0x28: {  	s2 =	sld [smem:$0x3FAB]  }
0x29: {  	s4 =	sld [smem:$0x3FAD]  }
0x2a: {  	p0 =	seq.s32 s5, $0x0;
	s5 =	sld [smem:$0x3FAE]  }
0x2b: {  	s6 =	sld [smem:$0x3FAF]  }
0x2c: {  	s7 =	sld [smem:$0x3FB0]  }
0x2d: {  	s3 =	simm.s32 $0x108;
	s8 =	sld [smem:$0x3FB1]  }
0x2e: {  	s3 =	simm.s32 @!p0 $0x1082;
	s9 =	sld [smem:$0x3FB2]  }
0x2f: {  	lr =	sadd.s32 s0, s3;
	s0 =	sld [smem:$0x3FA9]  }
0x30: {  	s3 =	sld [smem:$0x3FAC]  }
0x31: {  	[smem:$0x3FB5] =	sst s10  }
0x32: {  	s10 =	sld [smem:$0x3FB3];
	_ =	sdelay $0x3  }
0x33: {  	p0 =	seq.s32 s10, $0x1;
	s10 =	sld [smem:$0x3FB5];
	_ =	sdelay $0x3  }
0x34: {  	[smem:$0x3FB5] =	sst s10  }
0x35: {  	s10 =	sld [smem:$0x3FB4];
	_ =	sdelay $0x3  }
0x36: {  	p1 =	seq.s32 s10, $0x1;
	s10 =	sld [smem:$0x3FB5];
	_ =	sdelay $0x3  }
0x37: {  	[smem:$0x3FB5] =	sst s10  }
0x38: {  	s10 =	sld [smem:$0x3FB6]  }
0x39: {  	_ = 	snop;
	(pc) =	sbr.ind lr, $3  }
0x3a: {  	_ = 	snop  }
0x3b: {  	_ = 	snop  }
0x3c: {  	p2 =	seq.s32 s10, $0x1;
	s10 =	sld [smem:$0x3FB5]  }
0x3d: {  	_ =	shalt  }
0x3e: {  	_ =	shalt  }
0x3f: {  	_ =	shalt  }
0x40: {  	_ =	shalt  }
0x41: {  	_ =	shalt  }
0x42: {  	_ =	shalt  }
0x43: {  	_ =	shalt  }
0x44: {  	_ =	shalt  }
0x45: {  	_ =	shalt  }
0x46: {  	_ =	shalt  }
0x47: {  	_ =	shalt  }
0x48: {  	_ =	shalt  }
0x49: {  	_ =	shalt  }
0x4a: {  	_ =	shalt  }
0x4b: {  	_ =	shalt  }
0x4c: {  	_ =	shalt  }
0x4d: {  	_ =	shalt  }
0x4e: {  	_ =	shalt  }
0x4f: {  	_ =	shalt  }
0x50: {  	_ =	shalt  }
0x51: {  	_ =	shalt  }
0x52: {  	_ =	shalt  }
0x53: {  	_ =	shalt  }
0x54: {  	_ =	shalt  }
0x55: {  	_ =	shalt  }
0x56: {  	_ =	shalt  }
0x57: {  	_ =	shalt  }
0x58: {  	_ =	shalt  }
0x59: {  	_ =	shalt  }
0x5a: {  	_ =	shalt  }
0x5b: {  	_ =	shalt  }
0x5c: {  	_ =	shalt  }
0x5d: {  	_ =	shalt  }
0x5e: {  	_ =	shalt  }
0x5f: {  	_ =	shalt  }
0x60: {  	_ =	shalt  }
0x61: {  	_ =	shalt  }
0x62: {  	_ =	shalt  }
0x63: {  	_ =	shalt  }
0x64: {  	_ =	shalt  }
0x65: {  	_ =	shalt  }
0x66: {  	_ =	shalt  }
0x67: {  	_ =	shalt  }
0x68: {  	_ =	shalt  }
0x69: {  	_ =	shalt  }
0x6a: {  	_ =	shalt  }
0x6b: {  	_ =	shalt  }
0x6c: {  	_ =	shalt  }
0x6d: {  	_ =	shalt  }
0x6e: {  	_ =	shalt  }
0x6f: {  	_ =	shalt  }
0x70: {  	_ =	shalt  }
0x71: {  	_ =	shalt  }
0x72: {  	_ =	shalt  }
0x73: {  	_ =	shalt  }
0x74: {  	_ =	shalt  }
0x75: {  	_ =	shalt  }
0x76: {  	_ =	shalt  }
0x77: {  	_ =	shalt  }
0x78: {  	_ =	shalt  }
0x79: {  	_ =	shalt  }
0x7a: {  	_ =	shalt  }
0x7b: {  	_ =	shalt  }
0x7c: {  	_ =	shalt  }
0x7d: {  	_ =	shalt  }
0x7e: {  	_ =	shalt  }
0x7f: {  	_ =	shalt  }
0x80: {  	_ =	shalt  }
0x81: {  	_ =	shalt  }
0x82: {  	_ =	shalt  }
0x83: {  	_ =	shalt  }
0x84: {  	_ =	shalt  }
0x85: {  	_ =	shalt  }
0x86: {  	_ =	shalt  }
0x87: {  	_ =	shalt  }
.Lfunc_end0:
.L_simem_size_0:
called_computation.2_lowered:
.L_overlay_start_0:
0x88: {  	s2 =	sld [smem:$0x3FD9]  }
0x89: {  	s3 =	sld [smem:$0x3FFE];
	_ =	sdelay $0x1  }
0x8a: {  	s1 =	srdreg.scid  }
0x8b: {  	s0 =	sand.u32 $0x1, s1  }
0x8c: {  	s16 =	sshll.u32 s0, $0xA;
	s2 =	sadd.s32 s3, s2  }
0x8d: {  	s2 =	sadd.s32 s2, s16  }
0x8e: {  	[smem:$0x3FC1] =	sst s2  }
0x8f: {  	_ = 	snop  }
0x90: {  	s2 =	sld [smem:$0x3FD0];
	(tm) =	ssettm $0x1  }
0x91: {  	s17 =	sld [smem:$0x3FFB];
	_ =	sdelay $0x3  }
0x92: {  	_ =	strace s17  }
0x93: {  	s3 =	sld [smem:$0x3FFC];
	_ =	sdelay $0x3  }
0x94: {  	_ =	strace s3  }
0x95: {  	s3 =	sld [smem:$0x3FFD];
	_ =	sdelay $0x3  }
0x96: {  	_ =	strace s3  }
0x97: {  	_ =	strace $0x8FFFFFFF  }
0x98: {  	s18 =	sld [smem:$0x3FDB];
	_ =	sdelay $0x1  }
0x99: {  	s4 =	simm.s32 $_scs_section_size  }
0x9a: {  	s5 =	simm.s32 $_size__tile_overlayer_lowered;
	s6 =	simm.s32 $_tile_overlayer_lowered  }
0x9b: {  	s21 =	simm.s32 $0x1BFF;
	s20 =	sshll.u32 s6, $0x1;
	s3 =	sadd.s32 s4, s18  }
0x9c: {  	s7 =	simm.s32 $0x0;
	s19 =	sshll.u32 s5, $0x1;
	s5 =	sadd.s32 s20, s3  }
0x9d: {  	[timem:s7], [sflag:s21] =	dma.local [hbm:s5], s19  }
0x9e: {  	_ =	swait.ge [sflag:s21], s19  }
0x9f: {  	s4 =	ssub.s32 $0x0, s19;
	[sflag:s21] =	ssyncset.done $0x0  }
0xa0: {  	[sflag:s21] =	ssyncadd.s32 s4;
	_ =	sdelay $0x1  }
0xa1: {  	s22 =	simm.s32 $0x1B8B  }
0xa2: {  	_ =	swait.ge [sflag:s22], $0x1  }
0xa3: {  	[sflag:s22] =	ssyncset.done $0x0  }
0xa4: {  	s23 =	sld [smem:$0x3FFE];
	[sflag:s22] =	ssyncadd.s32 $0xFFFFFFFF  }
0xa5: {  	s25 =	simm.s32 $0x1B8E;
	s24 =	sld [smem:$0x0]  }
0xa6: {  	s26 =	simm.s32 $execute0_lowered;
	[smem:$0x3FD2] =	sst s25  }
0xa7: {  	s6 =	sshll.u32 s26, $0x1;
	_ =	strace $0x80000055;
	[dreg:$0x1] =	wrdreg $0xFFFFFFFF  }
0xa8: {  	s28 =	simm.s32 $_size_execute0_lowered;
	s3 =	sadd.s32 s3, s6;
	[dreg:$0x0] =	wrdreg $0x0  }
0xa9: {  	s6 =	sshll.u32 s28, $0x1;
	[dreg:$0x2] =	wrdreg s3  }
0xaa: {  	[dreg:$0x3] =	wrdreg s6  }
0xab: {  	[dreg:$0x4] =	wrdreg $0xC0  }
0xac: {  	_ =	task [dreg:s7], $0x5FFFF  }
0xad: {  	[dreg:$0x1] =	wrdreg $0xFFFFFFFF  }
0xae: {  	[dreg:$0x0] =	wrdreg $0x60  }
0xaf: {  	[dreg:$0x2] =	wrdreg s23  }
0xb0: {  	[dreg:$0x3] =	wrdreg s2  }
0xb1: {  	[dreg:$0x4] =	wrdreg s1  }
0xb2: {  	[dreg:$0x5] =	wrdreg s24  }
0xb3: {  	[dreg:$0x6] =	wrdreg $0x9  }
0xb4: {  	_ =	task.clear_ibuf [dreg:s7], $0x7FFFF;
	_ =	strace $0x90000055  }
0xb5: {  	s29 =	simm.s32 $0x9;
	_ =	strace $0x80000057  }
0xb6: {  	_ =	swait.ge [sflag:s29], $0x1  }
0xb7: {  	[sflag:s29] =	ssyncadd.s32 $0xFFFFFFFF  }
0xb8: {  	_ =	strace $0x90000057  }
0xb9: {  	_ =	sfence  }
0xba: {  	s30 =	sld [smem:$0x0];
	_ =	sdelay $0x2  }
0xbb: {  	s31 =	sshll.u32 s1, $0xD;
	s1 =	sshrl.u32 s1, $0x2  }
0xbc: {  	s3 =	sand.u32 $0x4000, s31;
	s1 =	sadd.s32 s1, s30  }
0xbd: {  	s0 =	sor.u32 s3, s0;
	s1 =	sshll.u32 s1, $0x11  }
0xbe: {  	s0 =	sor.u32 s1, s0  }
0xbf: {  	s0 =	sadd.s32 $0x8F2B, s0  }
0xc0: {  	[sflag:s0] =	ssyncadd.remote.s32 $0x1  }
0xc1: {  	_ =	sfence.sel $0xFFFF  }
0xc2: {  	[dreg:$0x0] =	wrdreg $0xFFFFFFFF;
	(pc) =	sbr.abs _section_cstart, $3  }
0xc3: {  	[dreg:$0x1] =	wrdreg $0xFFFFFFFF  }
0xc4: {  	_ =	task.clear_ibuf [dreg:s7], $0x2FFFF;
	_ =	strace $0x9FFFFFFF  }
0xc5: {  	(tm) =	ssettm $0x7FFFFFFF  }
tec
execute0_lowered:
.L_overlay_start_1:
0x0: {  	(tag) =	ssettag $0x1  }
0x1: {  	s2 =	rddreg [dreg:$0x0]  }
0x2: {  	s0 =	rddreg [dreg:$0x1]  }
0x3: {  	s4 =	rddreg [dreg:$0x2];
	_ =	strace $0x80000056;
	s1 =	simm.s32 $0x1  }
0x4: {  	s3 =	simm.s32 $0x88;
	v0 =	vimm.s32 $0x0;
	[sflag:s1] =	ssyncpa.u1 $0x0  }
0x5: {  	[tilespmem:s3+$0x30] =	vst v0  }
0x6: {  	s1 =	sadd.s32 $0x5EC00, s2;
	s6 =	sadd.s32 $0xF18800, s2;
	[tilespmem:s3+$0x20] =	vst v0  }
0x7: {  	s2 =	sadd.s32 $0x32800, s2;
	s7 =	sand.u32 $0x1, s4;
	s4 =	simm.s32 $0x40;
	[tilespmem:s3+$0x10] =	vst v0  }
.LBB2_1:
0x8: {  	s4 =	sadd.s32 $0x40, s4  }
0x9: {  	[tilespmem:s3+$0x0] =	vst v0;
	s3 =	sadd.s32 $0x40, s3;
	p0 =	slt.u32 s4, $0x5040  }
.Ltmp0:
0xa: {  	(pc) =	sbr.rel @p0 .LBB2_1-.Ltmp0, $4  }
0xb: {  	_ = 	snop  }
0xc: {  	[tilespmem:s3+$0x30] =	vst v0  }
0xd: {  	[tilespmem:s3+$0x20] =	vst v0  }
0xe: {  	[tilespmem:s3+$0x10] =	vst v0  }
0xf: {  	s8 =	stileid.u32  }
0x10: {  	s4 =	smul.u32 $0x2E, s8  }
0x11: {  	s5 =	smin.u32 s8, $0xE  }
0x12: {  	s4 =	sadd.s32 s5, s4  }
0x13: {  	p0 =	slt.u32 s8, $0xE;
	s12 =	smul.u32 $0x140, s4;
	s4 =	simm.s32 $0x3AC0  }
0x14: {  	s4 =	simm.s32 @!p0 $0x3980  }
0x15: {  	s25 =	simm.s32 $0x2;
	s4 =	sadd.s32 s4, s12  }
0x16: {  	s28 =	simm.s32 $0x9;
	s9 =	simm.s32 $0xA;
	s14 =	smin.u32 s4, $0x3A980  }
0x17: {  	s30 =	simm.s32 $0xB;
	[dreg:$0x5] =	wrdreg s7;
	s4 =	ssub.s32 s14, s12  }
0x18: {  	s31 =	smul.u32 $0x7530, s7;
	s13 =	simm.s32 $0x1;
	p0 =	sgt.s32 s4, $0x0  }
0x19: {  	s19 =	simm.s32 $0x0;
	s20 =	simm.s32 $0xA808;
	s4 =	simm.s32 @!p0 $0x0  }
0x1a: {  	s21 =	simm.s32 $0xFFFFFFFF;
	p1 =	por $0x0, $0x0;
	s26 =	smulhi.u32 $0x66666667, s4  }
0x1b: {  	[tilespmem:s3+$0x0] =	vst v0;
	s23 =	simm.s32 $0x0;
	[sflag:s25] =	ssyncpa.u1 $0x0;
	s18 =	sshll.u32 s8, $0x7  }
0x1c: {  	s0 =	sadd.s32 s31, s0;
	[dreg:$0xb] =	wrdreg s18;
	s3 =	sshrl.u32 s26, $0x7  }
0x1d: {  	v0 =	vimm.s32 $0xFFFFFFFF;
	s17 =	sadd.s32 s31, s2;
	[dreg:$0xa] =	wrdreg s0;
	s29 =	smul.u32 $0x140, s3  }
0x1e: {  	s25 =	simm.s32 $0x0;
	[tilespmem:$0xA108] =	vst v0;
	[sflag:s28] =	ssyncpa.u1 $0x0;
	[dreg:$0x9] =	wrdreg s17  }
.Ltmp1:
0x1f: {  	p0 =	sne.s32 s4, s29;
	s4 =	simm.s32 $0x1;
	(pc) =	sbr.rel .LBB2_3-.Ltmp1, $4  }
0x20: {  	[sflag:s9] =	ssyncpa.u1 $0x0;
	[dreg:$0x6] =	wrdreg s12;
	s4 =	simm.s32 @!p0 $0x0  }
0x21: {  	[sflag:s30] =	ssyncpa.u1 $0x0;
	[dreg:$0x7] =	wrdreg s14;
	s15 =	sadd.s32 s4, s3  }
0x22: {  	s24 =	smov.u32 s12;
	s22 =	sadd.s32 $0x1, s15;
	[dreg:$0x8] =	wrdreg s15  }
0x23: {  	v0 =	vlaneseq.u32;
	s26 =	simm.s32 $0x0;
	p0 =	por $0x1, $0x1;
	[dreg:$0xc] =	wrdreg s22  }
.LBB2_22:
0x24: {  	s0 =	sshrl.u32 s3, $0x2  }
.LBB2_24:
0x25: {  	s3 =	simm.s32 $0xC  }
0x26: {  	_ =	swait.ge [sflag:s3], s0  }
0x27: {  	s31 =	ssub.s32 $0x0, s0;
	v1 =	vmov s4;
	vm0 =	veq.s32 v0, $0x0;
	[sflag:s3] =	ssyncset.done $0x0  }
0x28: {  	vm15 =	veq.s32 v0, $0x2;
	v1 =	vsel vm0, s2, v1;
	[sflag:s3] =	ssyncadd.s32 s31  }
0x29: {  	v1 =	vsel vm15, s26, v1;
	[sflag:s3] =	ssyncpa.u1 $0x1  }
0x2a: {  	[tilespmem:$0xA108] =	vst v1  }
.LBB2_25:
0x2b: {  	s0 =	sadd.s32 $0x140, s24  }
0x2c: {  	s2 =	smov.u32 s12;
	p2 =	slt.s32 s0, s14  }
0x2d: {  	s2 =	smov.u32 @p2 s0;
	p2 =	sne.s32 s25, s22  }
.Ltmp2:
0x2e: {  	_ = 	snop;
	(pc) =	sbr.rel @!p2 .LBB2_26-.Ltmp2, $4  }
0x2f: {  	_ = 	snop  }
0x30: {  	s26 =	smov.u32 s23;
	s31 =	sadd.s32 $0x1, s25;
	p0 =	por !p0, !p0  }
0x31: {  	s23 =	smov.u32 s24;
	s20 =	sadd.s32 $0x140, s20;
	s21 =	sadd.s32 $0x1, s21  }
0x32: {  	p1 =	por !p1, !p1;
	s25 =	smov.u32 s31;
	s24 =	smov.u32 s2  }
.LBB2_3:
0x33: {  	p2 =	sge.u32 s25, s15  }
0x34: {  	s0 =	smulhi.u32 @!p2 $0xAAAAAAAB, s25  }
0x35: {  	s2 =	smov.u32 s24;
	p3 =	sgt.s32 @!p2 s24, $0x3A840  }
0x36: {  	s3 =	sshra.s32 @!p2 s24, $0x1F;
	p3 =	por !p3, p2;
	s0 =	sshrl.u32 @!p2 s0, $0x1  }
0x37: {  	s3 =	sand.u32 @!p2 s3, s24;
	s2 =	simm.s32 @p3 $0x3A840;
	s0 =	smul.u32 @!p2 $0x3, s0  }
0x38: {  	s2 =	ssub.s32 @!p2 s2, s3  }
0x39: {  	s2 =	sadd.s32 @!p2 $0xFFFC57C0, s2;
	s0 =	ssub.s32 @!p2 s25, s0  }
0x3a: {  	s3 =	sshll.u32 @!p2 s2, $0x2;
	p3 =	sgt.s32 @!p2 s2, $0x13F;
	s0 =	smul.u32 @!p2 $0x500, s0  }
0x3b: {  	s4 =	sand.u32 @!p2 $0x7, s24;
	s2 =	ssub.s32 @!p2 $0x500, s3;
	p3 =	por !p3, p2  }
0x3c: {  	s3 =	sshrl.u32 @!p2 s24, $0x3;
	s2 =	sshrl.u32 @!p2 s2, $0x2;
	s0 =	sshrl.u32 @!p2 s0, $0x2  }
0x3d: {  	s3 =	sadd.s32 @!p2 s3, s17;
	s2 =	simm.s32 @!p3 $0x0;
	s0 =	sadd.s32 @!p2 $0xA948, s0  }
0x3e: {  	[tilespmem:s0], [sflag:$0xA] =	stream.linear.gather @!p2 [hbm4b:s3+s4], s2, $0x38;
	[tilespmem:$0x1EF88] =	vst v63  }
0x3f: {  	s0 =	sadd.s32 $0xFFFFFFFF, s25  }
0x40: {  	p2 =	sge.u32 s0, s15  }
.Ltmp3:
0x41: {  	_ = 	snop;
	(pc) =	sbr.rel @p2 .LBB2_7-.Ltmp3, $1  }
0x42: {  	_ =	sdelay $0x3  }
0x43: {  	p2 =	sgt.s32 s23, $0x3A840;
	s2 =	smov.u32 s23;
	s3 =	sshra.s32 s23, $0x1F  }
0x44: {  	s2 =	simm.s32 @!p2 $0x3A840;
	s3 =	sand.u32 s3, s23  }
0x45: {  	s17 =	smulhi.u32 $0xAAAAAAAB, s21;
	s2 =	ssub.s32 s2, s3  }
0x46: {  	s0 =	sand.u32 $0x1, s0;
	s2 =	sadd.s32 $0xFFFC57C0, s2  }
0x47: {  	s5 =	simm.s32 $0xA;
	s3 =	sshrl.u32 s17, $0x1;
	s4 =	sshll.u32 s2, $0x2  }
0x48: {  	s7 =	sshrl.u32 s23, $0x3;
	s3 =	smul.u32 $0xFFFFF100, s3;
	s4 =	ssub.s32 $0x500, s4  }
0x49: {  	s18 =	smul.u32 $0x500, s0;
	p2 =	sgt.s32 s2, $0x13F;
	s2 =	sshrl.u32 s4, $0x2  }
0x4a: {  	s9 =	sand.u32 $0x7, s23;
	s3 =	sshra.s32 s3, $0x2;
	s2 =	simm.s32 @p2 $0x0  }
0x4b: {  	s0 =	sadd.s32 s3, s20;
	s4 =	sshrl.u32 s18, $0x2;
	_ =	swait.ge [sflag:s5], s2  }
0x4c: {  	s22 =	ssub.s32 $0x0, s2;
	[sflag:s5] =	ssyncset.done $0x0;
	s8 =	rddreg [dreg:$0xa]  }
0x4d: {  	s4 =	sadd.s32 $0xAD08, s4;
	[sflag:s5] =	ssyncadd.s32 s22;
	s3 =	sadd.s32 s7, s8  }
0x4e: {  	[tilespmem:s4], [sflag:$0xB] =	stream.linear.gather [hbm4b:s3+s9], s2, $0x38;
	[tilespmem:$0x1EF88] =	vst v63  }
0x4f: {  	v1 =	vld.msk [tilespmem:s0+$0x0], $0xffff;
	_ =	sdelay $0x4  }
0x50: {  	v1 =	vshll.u32 v1, $0x4  }
0x51: {  	(v2sf) =	vpush v1, $0x0  }
0x52: {  	(v2sf) =	vpush v1, $0x1  }
0x53: {  	(v2sf) =	vpush v1, $0x2;
	_ =	sdelay $0x3  }
0x54: {  	(v2sf) =	vpush v1, $0x3;
	_ =	sdelay $0x1  }
0x55: {  	(v2sf) =	vpush v1, $0x4  }
0x56: {  	s2 =	simm.s32 $0x1;
	(v2sf) =	vpush v1, $0x5  }
0x57: {  	s2 =	simm.s32 @!p0 $0x0  }
0x58: {  	s2 =	smul.u32 $0x28000, s2;
	(v2sf) =	vpush v1, $0x6;
	_ =	sdelay $0x1  }
0x59: {  	s2 =	sshrl.u32 s2, $0x2  }
0x5a: {  	s28 =	sadd.s32 $0xB708, s2  }
0x5b: {  	s12 =	sadd.s32 $0xFFFFF880, s28;
	s17 =	sadd.s32 $0xFFFFF900, s28;
	s10 =	spop (v2sf);
	(v2sf) =	vpush v1, $0x7  }
0x5c: {  	s18 =	sadd.s32 $0xFFFFF980, s28;
	s11 =	sand.u32 $0x1FFFFFF0, s10;
	s14 =	spop (v2sf)  }
0x5d: {  	(v2sf) =	vpush v1, $0x8;
	s2 =	sadd.s32 s6, s11;
	s15 =	sand.u32 $0x1FFFFFF0, s14;
	s16 =	spop (v2sf)  }
0x5e: {  	[tilespmem:s12], [sflag:$0x9] =	stream.linear.gather [hbm4b:s2+s19], $0x40, $0x38;
	[tilespmem:$0x1EF88] =	vst v63  }
0x5f: {  	s5 =	sadd.s32 $0xFFFFFA00, s28;
	s2 =	sadd.s32 s6, s15;
	s3 =	sand.u32 $0x1FFFFFF0, s16  }
0x60: {  	(v2sf) =	vpush v1, $0x9;
	[tilespmem:s17], [sflag:$0x9] =	stream.linear.gather [hbm4b:s2+s19], $0x40, $0x38;
	[tilespmem:$0x1EF88] =	vst v63  }
0x61: {  	s7 =	sadd.s32 $0xFFFFFA80, s28;
	s22 =	spop (v2sf);
	s3 =	sadd.s32 s6, s3  }
0x62: {  	(v2sf) =	vpush v1, $0xA;
	[tilespmem:s18], [sflag:$0x9] =	stream.linear.gather [hbm4b:s3+s19], $0x40, $0x38;
	[tilespmem:$0x1EF88] =	vst v63  }
0x63: {  	s11 =	sadd.s32 $0xFFFFFB00, s28;
	s4 =	spop (v2sf);
	(v2sf) =	vpush v1, $0xB;
	s3 =	sand.u32 $0x1FFFFFF0, s22  }
0x64: {  	s8 =	spop (v2sf);
	s2 =	sadd.s32 s6, s3;
	s3 =	sand.u32 $0x1FFFFFF0, s4  }
0x65: {  	(v2sf) =	vpush v1, $0xC;
	[tilespmem:s5], [sflag:$0x9] =	stream.linear.gather [hbm4b:s2+s19], $0x40, $0x38;
	[tilespmem:$0x1EF88] =	vst v63  }
0x66: {  	s9 =	sand.u32 $0x1FFFFFF0, s8;
	s10 =	spop (v2sf);
	s3 =	sadd.s32 s6, s3  }
0x67: {  	(v2sf) =	vpush v1, $0xD;
	[tilespmem:s7], [sflag:$0x9] =	stream.linear.gather [hbm4b:s3+s19], $0x40, $0x38;
	[tilespmem:$0x1EF88] =	vst v63  }
0x68: {  	s12 =	sadd.s32 $0xFFFFFB80, s28;
	s2 =	sadd.s32 s6, s9;
	s3 =	sand.u32 $0x1FFFFFF0, s10  }
0x69: {  	[tilespmem:s11], [sflag:$0x9] =	stream.linear.gather [hbm4b:s2+s19], $0x40, $0x38;
	[tilespmem:$0x1EF88] =	vst v63  }
0x6a: {  	s17 =	sadd.s32 $0xFFFFFC00, s28;
	s3 =	sadd.s32 s6, s3;
	s14 =	spop (v2sf)  }
0x6b: {  	[tilespmem:s12], [sflag:$0x9] =	stream.linear.gather [hbm4b:s3+s19], $0x40, $0x38;
	(v2sf) =	vpush v1, $0xE;
	[tilespmem:$0x1EF88] =	vst v63  }
0x6c: {  	s18 =	sadd.s32 $0xFFFFFC80, s28;
	s15 =	sand.u32 $0x1FFFFFF0, s14;
	s16 =	spop (v2sf)  }
0x6d: {  	s5 =	sadd.s32 $0xFFFFFD00, s28;
	(v2sf) =	vpush v1, $0xF;
	s2 =	sadd.s32 s6, s15;
	s3 =	sand.u32 $0x1FFFFFF0, s16  }
0x6e: {  	[tilespmem:s17], [sflag:$0x9] =	stream.linear.gather [hbm4b:s2+s19], $0x40, $0x38;
	[tilespmem:$0x1EF88] =	vst v63  }
0x6f: {  	s7 =	sadd.s32 $0xFFFFFD80, s28;
	s22 =	spop (v2sf);
	s3 =	sadd.s32 s6, s3  }
0x70: {  	[tilespmem:s18], [sflag:$0x9] =	stream.linear.gather [hbm4b:s3+s19], $0x40, $0x38;
	[tilespmem:$0x1EF88] =	vst v63  }
0x71: {  	s11 =	sadd.s32 $0xFFFFFE00, s28;
	s4 =	spop (v2sf);
	s3 =	sand.u32 $0x1FFFFFF0, s22  }
0x72: {  	s8 =	spop (v2sf);
	s2 =	sadd.s32 s6, s3;
	s3 =	sand.u32 $0x1FFFFFF0, s4  }
0x73: {  	[tilespmem:s5], [sflag:$0x9] =	stream.linear.gather [hbm4b:s2+s19], $0x40, $0x38;
	[tilespmem:$0x1EF88] =	vst v63  }
0x74: {  	s9 =	sand.u32 $0x1FFFFFF0, s8;
	s10 =	spop (v2sf);
	s3 =	sadd.s32 s6, s3  }
0x75: {  	[tilespmem:s7], [sflag:$0x9] =	stream.linear.gather [hbm4b:s3+s19], $0x40, $0x38;
	[tilespmem:$0x1EF88] =	vst v63  }
0x76: {  	s14 =	spop (v2sf);
	s2 =	sadd.s32 s6, s9;
	s3 =	sand.u32 $0x1FFFFFF0, s10  }
0x77: {  	[tilespmem:s11], [sflag:$0x9] =	stream.linear.gather [hbm4b:s2+s19], $0x40, $0x38;
	[tilespmem:$0x1EF88] =	vst v63  }
0x78: {  	s12 =	sadd.s32 $0xFFFFFE80, s28;
	s15 =	sand.u32 $0x1FFFFFF0, s14;
	s3 =	sadd.s32 s6, s3  }
0x79: {  	[tilespmem:s12], [sflag:$0x9] =	stream.linear.gather [hbm4b:s3+s19], $0x40, $0x38;
	[tilespmem:$0x1EF88] =	vst v63  }
0x7a: {  	s17 =	sadd.s32 $0xFFFFFF00, s28;
	s2 =	sadd.s32 s6, s15;
	s16 =	spop (v2sf)  }
0x7b: {  	[tilespmem:s17], [sflag:$0x9] =	stream.linear.gather [hbm4b:s2+s19], $0x40, $0x38;
	[tilespmem:$0x1EF88] =	vst v63  }
0x7c: {  	s29 =	simm.s32 $0x0;
	s3 =	sand.u32 $0x1FFFFFF0, s16;
	s18 =	spop (v2sf)  }
0x7d: {  	s22 =	sadd.s32 $0xFFFFFF80, s28;
	s3 =	sadd.s32 s6, s3;
	s2 =	sand.u32 $0x1FFFFFF0, s18  }
0x7e: {  	[tilespmem:s22], [sflag:$0x9] =	stream.linear.gather [hbm4b:s3+s19], $0x40, $0x38;
	[tilespmem:$0x1EF88] =	vst v63  }
0x7f: {  	s31 =	sadd.s32 $0x10, s0;
	s30 =	sadd.s32 $0x800, s28;
	s2 =	sadd.s32 s6, s2  }
.LBB2_5:
0x80: {  	[tilespmem:s28], [sflag:$0x9] =	stream.linear.gather [hbm4b:s2+s19], $0x40, $0x38;
	[tilespmem:$0x1EF88] =	vst v63  }
0x81: {  	s29 =	sadd.s32 $0x10, s29;
	s28 =	smov.u32 s30  }
0x82: {  	p2 =	slt.u32 s29, $0x130;
	v1 =	vld.msk [tilespmem:s31+$0x0], $0xffff;
	_ =	sdelay $0x4  }
0x83: {  	v1 =	vshll.u32 v1, $0x4  }
0x84: {  	(v2sf) =	vpush v1, $0x0  }
0x85: {  	(v2sf) =	vpush v1, $0x1  }
0x86: {  	(v2sf) =	vpush v1, $0x2;
	_ =	sdelay $0x1  }
0x87: {  	(v2sf) =	vpush v1, $0x3;
	_ =	sdelay $0x1  }
0x88: {  	(v2sf) =	vpush v1, $0x4;
	_ =	sdelay $0x1  }
0x89: {  	(v2sf) =	vpush v1, $0x5;
	_ =	sdelay $0x1  }
0x8a: {  	(v2sf) =	vpush v1, $0x6  }
0x8b: {  	s4 =	sadd.s32 $0xFFFFFE80, s30;
	s0 =	sadd.s32 $0xFFFFFF00, s30  }
0x8c: {  	s3 =	sadd.s32 $0xFFFFFD00, s30;
	s2 =	sadd.s32 $0xFFFFFD80, s30;
	s5 =	sadd.s32 $0xFFFFFE00, s30;
	(v2sf) =	vpush v1, $0x7  }
0x8d: {  	s10 =	sadd.s32 $0xFFFFFB80, s30;
	s9 =	sadd.s32 $0xFFFFFC00, s30;
	s16 =	sadd.s32 $0xFFFFFC80, s30  }
0x8e: {  	s11 =	sadd.s32 $0xFFFFFA00, s30;
	s12 =	sadd.s32 $0xFFFFFA80, s30;
	s15 =	sadd.s32 $0xFFFFFB00, s30;
	(v2sf) =	vpush v1, $0x8  }
0x8f: {  	s18 =	sadd.s32 $0xFFFFF900, s30;
	s7 =	sadd.s32 $0xFFFFF980, s30;
	s22 =	spop (v2sf)  }
0x90: {  	s8 =	sadd.s32 $0xFFFFF880, s30;
	s22 =	sand.u32 $0x1FFFFFF0, s22;
	s14 =	spop (v2sf);
	(v2sf) =	vpush v1, $0x9  }
0x91: {  	s22 =	sadd.s32 s6, s22;
	s14 =	sand.u32 $0x1FFFFFF0, s14;
	s17 =	spop (v2sf)  }
0x92: {  	[tilespmem:s8], [sflag:$0x9] =	stream.linear.gather [hbm4b:s22+s19], $0x40, $0x38;
	(v2sf) =	vpush v1, $0xA;
	[tilespmem:$0x1EF88] =	vst v63  }
0x93: {  	s8 =	sadd.s32 s6, s14;
	s14 =	sand.u32 $0x1FFFFFF0, s17;
	s17 =	spop (v2sf)  }
0x94: {  	[tilespmem:s18], [sflag:$0x9] =	stream.linear.gather [hbm4b:s8+s19], $0x40, $0x38;
	(v2sf) =	vpush v1, $0xB;
	[tilespmem:$0x1EF88] =	vst v63  }
0x95: {  	s8 =	sadd.s32 s6, s14;
	s14 =	sand.u32 $0x1FFFFFF0, s17;
	s17 =	spop (v2sf)  }
0x96: {  	[tilespmem:s7], [sflag:$0x9] =	stream.linear.gather [hbm4b:s8+s19], $0x40, $0x38;
	(v2sf) =	vpush v1, $0xC;
	[tilespmem:$0x1EF88] =	vst v63  }
0x97: {  	s7 =	sadd.s32 s6, s14;
	s8 =	sand.u32 $0x1FFFFFF0, s17;
	s14 =	spop (v2sf)  }
0x98: {  	[tilespmem:s11], [sflag:$0x9] =	stream.linear.gather [hbm4b:s7+s19], $0x40, $0x38;
	(v2sf) =	vpush v1, $0xD;
	[tilespmem:$0x1EF88] =	vst v63  }
0x99: {  	s7 =	sadd.s32 s6, s8;
	s8 =	sand.u32 $0x1FFFFFF0, s14;
	s11 =	spop (v2sf)  }
0x9a: {  	[tilespmem:s12], [sflag:$0x9] =	stream.linear.gather [hbm4b:s7+s19], $0x40, $0x38;
	(v2sf) =	vpush v1, $0xE;
	[tilespmem:$0x1EF88] =	vst v63  }
0x9b: {  	s7 =	sadd.s32 s6, s8;
	s8 =	sand.u32 $0x1FFFFFF0, s11;
	s11 =	spop (v2sf)  }
0x9c: {  	[tilespmem:s15], [sflag:$0x9] =	stream.linear.gather [hbm4b:s7+s19], $0x40, $0x38;
	(v2sf) =	vpush v1, $0xF;
	[tilespmem:$0x1EF88] =	vst v63  }
0x9d: {  	s7 =	sadd.s32 s6, s8;
	s8 =	sand.u32 $0x1FFFFFF0, s11;
	s11 =	spop (v2sf)  }
0x9e: {  	[tilespmem:s10], [sflag:$0x9] =	stream.linear.gather [hbm4b:s7+s19], $0x40, $0x38;
	[tilespmem:$0x1EF88] =	vst v63  }
0x9f: {  	s7 =	sadd.s32 s6, s8;
	s8 =	sand.u32 $0x1FFFFFF0, s11;
	s10 =	spop (v2sf)  }
0xa0: {  	[tilespmem:s9], [sflag:$0x9] =	stream.linear.gather [hbm4b:s7+s19], $0x40, $0x38;
	[tilespmem:$0x1EF88] =	vst v63  }
0xa1: {  	s7 =	sadd.s32 s6, s8;
	s8 =	sand.u32 $0x1FFFFFF0, s10;
	s9 =	spop (v2sf)  }
0xa2: {  	[tilespmem:s16], [sflag:$0x9] =	stream.linear.gather [hbm4b:s7+s19], $0x40, $0x38;
	[tilespmem:$0x1EF88] =	vst v63  }
0xa3: {  	s7 =	sadd.s32 s6, s8;
	s8 =	sand.u32 $0x1FFFFFF0, s9;
	s9 =	spop (v2sf)  }
0xa4: {  	[tilespmem:s3], [sflag:$0x9] =	stream.linear.gather [hbm4b:s7+s19], $0x40, $0x38;
	[tilespmem:$0x1EF88] =	vst v63  }
0xa5: {  	s3 =	sadd.s32 s6, s8;
	s7 =	sand.u32 $0x1FFFFFF0, s9;
	s8 =	spop (v2sf)  }
0xa6: {  	[tilespmem:s2], [sflag:$0x9] =	stream.linear.gather [hbm4b:s3+s19], $0x40, $0x38;
	[tilespmem:$0x1EF88] =	vst v63  }
0xa7: {  	s2 =	sadd.s32 s6, s7;
	s3 =	sand.u32 $0x1FFFFFF0, s8;
	s7 =	spop (v2sf)  }
0xa8: {  	[tilespmem:s5], [sflag:$0x9] =	stream.linear.gather [hbm4b:s2+s19], $0x40, $0x38;
	[tilespmem:$0x1EF88] =	vst v63  }
0xa9: {  	s2 =	sadd.s32 s6, s3;
	s3 =	sand.u32 $0x1FFFFFF0, s7;
	s5 =	spop (v2sf)  }
0xaa: {  	[tilespmem:s4], [sflag:$0x9] =	stream.linear.gather [hbm4b:s2+s19], $0x40, $0x38;
	[tilespmem:$0x1EF88] =	vst v63  }
0xab: {  	s2 =	sadd.s32 s6, s3  }
.Ltmp4:
0xac: {  	s3 =	sand.u32 $0x1FFFFFF0, s5;
	s4 =	spop (v2sf);
	(pc) =	sbr.rel @p2 .LBB2_5-.Ltmp4, $4  }
0xad: {  	[tilespmem:s0], [sflag:$0x9] =	stream.linear.gather [hbm4b:s2+s19], $0x40, $0x38;
	[tilespmem:$0x1EF88] =	vst v63  }
0xae: {  	s0 =	sadd.s32 s6, s3;
	s2 =	sadd.s32 $0xFFFFFF80, s30;
	s3 =	sand.u32 $0x1FFFFFF0, s4  }
0xaf: {  	[tilespmem:s2], [sflag:$0x9] =	stream.linear.gather [hbm4b:s0+s19], $0x40, $0x38;
	[tilespmem:$0x1EF88] =	vst v63  }
0xb0: {  	s31 =	sadd.s32 $0x10, s31;
	s30 =	sadd.s32 $0x800, s30;
	s2 =	sadd.s32 s6, s3  }
0xb1: {  	[tilespmem:s28], [sflag:$0x9] =	stream.linear.gather [hbm4b:s2+s19], $0x40, $0x38;
	[tilespmem:$0x1EF88] =	vst v63  }
0xb2: {  	s12 =	rddreg [dreg:$0x6]  }
0xb3: {  	s14 =	rddreg [dreg:$0x7]  }
0xb4: {  	s15 =	rddreg [dreg:$0x8]  }
0xb5: {  	s17 =	rddreg [dreg:$0x9]  }
0xb6: {  	s18 =	rddreg [dreg:$0xb]  }
0xb7: {  	s22 =	rddreg [dreg:$0xc]  }
.LBB2_7:
0xb8: {  	p2 =	slt.u32 s25, $0x2  }
.Ltmp5:
0xb9: {  	_ = 	snop;
	(pc) =	sbr.rel @p2 .LBB2_25-.Ltmp5, $1  }
0xba: {  	_ =	sdelay $0x3  }
0xbb: {  	p2 =	sgt.s32 s26, $0x3A840;
	s0 =	smov.u32 s26;
	s2 =	sshra.s32 s26, $0x1F  }
0xbc: {  	s0 =	simm.s32 @!p2 $0x3A840;
	s2 =	sand.u32 s2, s26  }
0xbd: {  	s0 =	ssub.s32 s0, s2  }
0xbe: {  	s0 =	sadd.s32 $0xFFFC57C0, s0  }
0xbf: {  	s3 =	simm.s32 $0x9;
	s29 =	sshll.u32 s0, $0x2  }
0xc0: {  	_ =	swait.ge [sflag:s3], $0x5000;
	s2 =	ssub.s32 $0x500, s29  }
0xc1: {  	[sflag:s3] =	ssyncset.done $0x0;
	p2 =	sgt.s32 s0, $0x13F;
	s0 =	sshrl.u32 s2, $0x2  }
0xc2: {  	s30 =	simm.s32 $0xB;
	[sflag:s3] =	ssyncadd.s32 $0xFFFFB000;
	s0 =	simm.s32 @p2 $0x0  }
0xc3: {  	_ =	swait.ge [sflag:s30], s0  }
0xc4: {  	s0 =	ssub.s32 $0x0, s0;
	[sflag:s30] =	ssyncset.done $0x0  }
0xc5: {  	[sflag:s30] =	ssyncadd.s32 s0  }
0xc6: {  	v1 =	vld [tilespmem:$0xA108];
	_ =	sdelay $0x4  }
0xc7: {  	(v2sf) =	vpush v1, $0x0  }
0xc8: {  	(v2sf) =	vpush v1, $0x1  }
0xc9: {  	(v2sf) =	vpush v1, $0x2;
	_ =	sdelay $0x3  }
0xca: {  	s0 =	sadd.s32 $0x140, s26  }
0xcb: {  	s4 =	ssub.s32 $0x75300, s26;
	p2 =	slt.s32 s14, s0  }
0xcc: {  	s0 =	smov.u32 @p2 s14;
	p2 =	sgt.s32 s4, $0x0  }
0xcd: {  	s0 =	ssub.s32 s0, s26;
	s4 =	simm.s32 @!p2 $0x0  }
0xce: {  	p2 =	slt.s32 s4, s0  }
0xcf: {  	s0 =	smov.u32 @p2 s4  }
0xd0: {  	s2 =	simm.s32 $0x1;
	p2 =	slt.s32 s0, $0x1  }
.Ltmp6:
0xd1: {  	s2 =	simm.s32 @!p1 $0x0;
	(pc) =	sbr.rel @p2 .LBB2_12-.Ltmp6, $4  }
0xd2: {  	s7 =	smul.u32 $0x500, s2  }
0xd3: {  	s3 =	spop (v2sf)  }
0xd4: {  	s31 =	sshrl.u32 s7, $0x2;
	s5 =	spop (v2sf)  }
0xd5: {  	s28 =	sadd.s32 $0xAD08, s31;
	s26 =	spop (v2sf)  }
0xd6: {  	s4 =	smin.u32 s0, $0x10  }
0xd7: {  	v1 =	vmov s4  }
0xd8: {  	p3 =	sgt.s32 s0, $0x10;
	vm1 =	vgt.u32 v1, v0  }
.Ltmp7:
0xd9: {  	_ = 	snop;
	(pc) =	sbr.rel @!p3 .LBB2_11-.Ltmp7, $2  }
0xda: {  	_ =	sdelay $0x2  }
0xdb: {  	s9 =	simm.s32 $0x10;
	s10 =	sadd.s32 $0xFFFFFFF0, s0;
	s4 =	smov.u32 s28;
	vm0 =	vmmov vm1  }
.LBB2_10:
0xdc: {  	s7 =	smin.u32 s10, $0x10;
	s9 =	sadd.s32 $0x10, s9;
	v1 =	vld.msk [tilespmem:s4+$0x0 ss:$0x1], vm1  }
0xdd: {  	v2 =	vmov s7;
	p3 =	slt.s32 s9, s0  }
0xde: {  	vm1 =	vgt.u32 v2, v0  }
.Ltmp8:
0xdf: {  	(pc) =	sbr.rel @p3 .LBB2_10-.Ltmp8, $3  }
0xe0: {  	_ =	sdelay $0x1  }
0xe1: {  	v1 =	vshll.u32 v1, $0x4  }
0xe2: {  	s10 =	sadd.s32 $0xFFFFFFF0, s10;
	[tilespmem:s4+$0x0] =	vst.msk vm0, v1;
	s4 =	sadd.s32 $0x10, s4;
	vm0 =	vmmov vm1  }
.LBB2_11:
0xe3: {  	_ =	sdelay $0x4  }
0xe4: {  	v1 =	vld.msk [tilespmem:s4+$0x0 ss:$0x1], vm1;
	_ =	sdelay $0x4  }
0xe5: {  	v1 =	vshll.u32 v1, $0x4  }
0xe6: {  	[tilespmem:s4+$0x0] =	vst.msk vm0, v1  }
.LBB2_12:
0xe7: {  	s4 =	sand.u32 $0x1, s25  }
0xe8: {  	s4 =	smul.u32 $0x140, s4  }
0xe9: {  	p3 =	sne.s32 s5, $0xFFFFFFFF  }
0xea: {  	v1 =	vld.msk @!p3 [tilespmem:s4+$0xAD08], $0x1;
	_ =	sdelay $0x4  }
0xeb: {  	(v2sf) =	vpush @!p3 v1, $0x0;
	_ =	sdelay $0xc  }
.Ltmp9:
0xec: {  	_ = 	snop;
	(pc) =	sbr.rel @p2 .LBB2_23-.Ltmp9, $4  }
0xed: {  	_ = 	snop  }
0xee: {  	s29 =	spop @!p3 (v2sf)  }
0xef: {  	s31 =	simm.s32 $0xC;
	s26 =	simm.s32 @!p3 $0x0;
	s4 =	smov.u32 s29  }
0xf0: {  	[sflag:s31] =	ssyncpa.u1 $0x0;
	s29 =	smov.u32 @p3 s3;
	s4 =	smov.u32 @p3 s5  }
0xf1: {  	v1 =	vld.msk [tilespmem:s28+$0x0], $0x1;
	_ =	sdelay $0x4  }
0xf2: {  	(v2sf) =	vpush v1, $0x0;
	_ =	sdelay $0xe  }
0xf3: {  	s2 =	smul.u32 $0x28000, s2;
	s5 =	spop (v2sf)  }
0xf4: {  	s31 =	ssub.s32 $0x0, s0;
	p2 =	seq.s32 s29, s5  }
0xf5: {  	s3 =	smov.u32 s29;
	s2 =	sshrl.u32 s2, $0x2;
	p3 =	sgt.s32 @!p2 s29, $0x0  }
0xf6: {  	s30 =	sadd.s32 $0xAFA8, s2;
	s2 =	sadd.s32 $0x1, s31;
	p3 =	por !p3, p2  }
0xf7: {  	s3 =	simm.s32 @p3 $0x0;
	p3 =	seq.s32 s2, $0x0  }
.Ltmp10:
0xf8: {  	_ = 	snop;
	(pc) =	sbr.rel @p3 .LBB2_15-.Ltmp10, $4  }
0xf9: {  	_ = 	snop  }
0xfa: {  	s0 =	simm.s32 $0x0;
	s9 =	simm.s32 @!p2 $0x1;
	s3 =	smin.u32 @!p2 s3, $0x270F8  }
0xfb: {  	s10 =	simm.s32 @!p2 $0x50C8;
	s9 =	smov.u32 @p2 s0;
	s7 =	sand.u32 @!p2 $0x3FFF8, s3  }
0xfc: {  	s16 =	sand.u32 @!p2 $0x7, s3;
	s3 =	sadd.s32 $0x1, s28;
	s11 =	sadd.s32 @!p2 s1, s7  }
.LBB2_14:
0xfd: {  	s7 =	smov.u32 s9  }
0xfe: {  	[tilespmem:s10], [sflag:$0x2] =	stream.linear.gather @!p2 [hbm4b:s11+s16], $0x40, $0x38;
	[tilespmem:$0x1EF88] =	vst v63  }
0xff: {  	s2 =	sadd.s32 $0x1, s2;
	s8 =	smov.u32 s5;
	v1 =	vld.msk [tilespmem:s3+$0x0], $0x1  }
0x100: {  	p3 =	seq.s32 s2, $0x0;
	_ =	sdelay $0x3  }
0x101: {  	(v2sf) =	vpush v1, $0x0;
	_ =	sdelay $0xe  }
0x102: {  	s5 =	spop (v2sf)  }
0x103: {  	p2 =	seq.s32 s8, s5  }
0x104: {  	p4 =	sgt.s32 @!p2 s8, $0x0;
	s10 =	sshll.u32 @!p2 s9, $0x8;
	s9 =	sadd.s32 @!p2 $0x1, s9  }
.Ltmp11:
0x105: {  	p4 =	por !p4, p2;
	s10 =	sshra.s32 @!p2 s10, $0x2;
	(pc) =	sbr.rel @!p3 .LBB2_14-.Ltmp11, $4  }
0x106: {  	s9 =	smov.u32 @p2 s7;
	s8 =	simm.s32 @p4 $0x0;
	s10 =	sadd.s32 @!p2 $0x50C8, s10  }
0x107: {  	s7 =	smin.u32 @!p2 s8, $0x270F8  }
0x108: {  	s8 =	sand.u32 @!p2 $0x3FFF8, s7;
	s16 =	sand.u32 @!p2 $0x7, s7  }
0x109: {  	s3 =	sadd.s32 $0x1, s3;
	s11 =	sadd.s32 @!p2 s1, s8  }
.LBB2_15:
0x10a: {  	[tilespmem:s10], [sflag:$0x2] =	stream.linear.gather @!p2 [hbm4b:s11+s16], $0x40, $0x38;
	[tilespmem:$0x1EF88] =	vst v63  }
.Ltmp12:
0x10b: {  	s2 =	sshll.u32 s9, $0x6;
	(pc) =	sbr.rel .LBB2_16-.Ltmp12, $4  }
0x10c: {  	s3 =	simm.s32 $0x2;
	s2 =	sand.u32 $0x3FFFFFC0, s2  }
0x10d: {  	_ =	swait.ge [sflag:s3], s2  }
0x10e: {  	s2 =	ssub.s32 $0x0, s2;
	[sflag:s3] =	ssyncset.done $0x0  }
0x10f: {  	[sflag:s3] =	ssyncadd.s32 s2;
	s3 =	simm.s32 $0x0  }
.LBB2_17:
0x110: {  	v1 =	vld [tilespmem:s30+$0xFFFFFFE0];
	_ =	sdelay $0x4  }
0x111: {  	[tilespmem:s5+$0x88] =	vst.add.f32.msk $0xffff, v1  }
0x112: {  	v1 =	vld [tilespmem:s30+$0xFFFFFFF0];
	_ =	sdelay $0x4  }
0x113: {  	[tilespmem:s5+$0x98] =	vst.add.f32.msk $0xffff, v1  }
0x114: {  	v1 =	vld [tilespmem:s30+$0x0];
	_ =	sdelay $0x4  }
0x115: {  	[tilespmem:s5+$0xA8] =	vst.add.f32.msk $0xffff, v1  }
0x116: {  	v1 =	vld [tilespmem:s30+$0x10];
	_ =	sdelay $0x4  }
0x117: {  	[tilespmem:s5+$0xB8] =	vst.add.f32.msk $0xffff, v1  }
.LBB2_21:
0x118: {  	s31 =	sadd.s32 $0x1, s31  }
0x119: {  	p2 =	seq.s32 s31, $0x0  }
.Ltmp13:
0x11a: {  	_ = 	snop;
	(pc) =	sbr.rel @p2 .LBB2_22-.Ltmp13, $2  }
0x11b: {  	_ =	sdelay $0x2  }
0x11c: {  	s30 =	sadd.s32 $0x80, s30;
	s28 =	sadd.s32 $0x1, s28;
	s29 =	smov.u32 s2  }
.LBB2_16:
0x11d: {  	v1 =	vld.msk [tilespmem:s28+$0x0], $0x1;
	_ =	sdelay $0x4  }
0x11e: {  	(v2sf) =	vpush v1, $0x0;
	_ =	sdelay $0xe  }
0x11f: {  	s2 =	spop (v2sf)  }
0x120: {  	p2 =	sne.s32 s29, s2  }
.Ltmp14:
0x121: {  	_ = 	snop;
	(pc) =	sbr.rel @!p2 .LBB2_17-.Ltmp14, $3  }
0x122: {  	_ =	sdelay $0x1  }
0x123: {  	s5 =	sshll.u32 s26, $0x8  }
0x124: {  	s5 =	sshra.s32 s5, $0x2  }
0x125: {  	p2 =	seq.s32 s29, s4  }
.Ltmp15:
0x126: {  	_ = 	snop;
	(pc) =	sbr.rel @!p2 .LBB2_19-.Ltmp15, $1  }
0x127: {  	_ =	sdelay $0x3  }
.Ltmp16:
0x128: {  	s5 =	sadd.s32 $0x88, s5;
	(pc) =	sbr.rel .LBB2_20-.Ltmp16, $4  }
0x129: {  	[spmem:s18] =	stream.linear.scatter [tilespmem:s5], [sflag:$0x1], $0x40, $0x38;
	[tilespmem:$0x1EF88] =	vst v63  }
0x12a: {  	_ =	swait.ge [sflag:s13], $0x40  }
0x12b: {  	[sflag:s13] =	ssyncset.done $0x0  }
0x12c: {  	[sflag:s13] =	ssyncadd.s32 $0xFFFFFFC0  }
.LBB2_19:
0x12d: {  	s7 =	sshll.u32 s0, $0x8  }
0x12e: {  	s7 =	sshra.s32 s7, $0x2  }
0x12f: {  	v1 =	vld [tilespmem:s7+$0x50C8];
	_ =	sdelay $0x4  }
0x130: {  	[tilespmem:s5+$0x88] =	vst.add.f32.msk $0xffff, v1  }
0x131: {  	v1 =	vld [tilespmem:s7+$0x50D8];
	_ =	sdelay $0x4  }
0x132: {  	[tilespmem:s5+$0x98] =	vst.add.f32.msk $0xffff, v1  }
0x133: {  	v1 =	vld [tilespmem:s7+$0x50E8];
	_ =	sdelay $0x4  }
0x134: {  	[tilespmem:s5+$0xA8] =	vst.add.f32.msk $0xffff, v1  }
0x135: {  	v1 =	vld [tilespmem:s7+$0x50F8];
	_ =	sdelay $0x2  }
0x136: {  	p2 =	sgt.u32 s29, $0x270F8  }
0x137: {  	s7 =	sand.u32 @!p2 $0x3FFF8, s29  }
0x138: {  	s8 =	sadd.s32 $0x88, s5;
	[tilespmem:s5+$0xB8] =	vst.add.f32.msk $0xffff, v1;
	s5 =	sadd.s32 @!p2 s1, s7;
	s7 =	sand.u32 @!p2 $0x7, s29  }
0x139: {  	[hbm4b:s5+s7] =	stream.linear.scatter @!p2 [tilespmem:s8], [sflag:$0xC], $0x40, $0x38;
	[tilespmem:$0x1EF88] =	vst v63  }
0x13a: {  	s5 =	simm.s32 $0x0  }
0x13b: {  	s5 =	simm.s32 @!p2 $0x100  }
0x13c: {  	s3 =	sadd.s32 s5, s3  }
.LBB2_20:
0x13d: {  	s5 =	sadd.s32 $0x1, s26  }
0x13e: {  	s7 =	smulhi.u32 $0xCCCCCCCD, s5;
	_ =	sdelay $0x1  }
0x13f: {  	v1 =	vld [tilespmem:s30+$0xFFFFFFE0];
	s7 =	sshrl.u32 s7, $0x8  }
0x140: {  	s7 =	smul.u32 $0x140, s7;
	_ =	sdelay $0x1  }
0x141: {  	s26 =	ssub.s32 s5, s7  }
0x142: {  	s5 =	sshll.u32 s26, $0x6  }
0x143: {  	[tilespmem:s5+$0x88] =	vst v1  }
0x144: {  	v1 =	vld [tilespmem:s30+$0xFFFFFFF0];
	_ =	sdelay $0x4  }
0x145: {  	[tilespmem:s5+$0x98] =	vst v1  }
0x146: {  	v1 =	vld [tilespmem:s30+$0x0];
	_ =	sdelay $0x4  }
0x147: {  	[tilespmem:s5+$0xA8] =	vst v1  }
0x148: {  	v1 =	vld [tilespmem:s30+$0x10]  }
.Ltmp17:
0x149: {  	_ = 	snop;
	(pc) =	sbr.rel .LBB2_21-.Ltmp17, $2  }
0x14a: {  	_ =	sdelay $0x2  }
0x14b: {  	s0 =	sadd.s32 $0x1, s0;
	[tilespmem:s5+$0xB8] =	vst v1  }
.LBB2_23:
.Ltmp18:
0x14c: {  	(pc) =	sbr.rel .LBB2_24-.Ltmp18, $4  }
0x14d: {  	_ = 	snop  }
0x14e: {  	s0 =	simm.s32 $0x2  }
0x14f: {  	_ =	swait.ge [sflag:s0], $0x0  }
0x150: {  	s2 =	smov.u32 s29;
	[sflag:s0] =	ssyncset.done $0x0;
	s0 =	simm.s32 $0x0  }
.LBB2_26:
0x151: {  	_ =	sfence.sel $0x180000  }
0x152: {  	s0 =	simm.s32 $0x9;
	[bflag:$0x0] =	sbarrier.arrive $0xFFFF  }
0x153: {  	s24 =	simm.s32 $0xA;
	[sflag:s0] =	ssyncpa.u1 $0x1  }
0x154: {  	s25 =	simm.s32 $0xB;
	[sflag:s24] =	ssyncpa.u1 $0x1  }
0x155: {  	s26 =	simm.s32 $0x2;
	[sflag:s25] =	ssyncpa.u1 $0x1  }
0x156: {  	[sflag:s26] =	ssyncpa.u1 $0x1  }
0x157: {  	v0 =	vld [tilespmem:$0xA108];
	_ =	sdelay $0x4  }
0x158: {  	(v2sf) =	vpush v0, $0x0  }
0x159: {  	(v2sf) =	vpush v0, $0x1;
	_ =	sdelay $0x1  }
0x15a: {  	(v2sf) =	vpush v0, $0x2;
	_ =	sdelay $0xb  }
0x15b: {  	s0 =	spop (v2sf)  }
0x15c: {  	s2 =	spop (v2sf)  }
0x15d: {  	s3 =	smov.u32 s0;
	p0 =	sne.s32 s0, s2  }
0x15e: {  	s4 =	spop (v2sf);
	s3 =	simm.s32 @!p0 $0xFFFFFFFF  }
0x15f: {  	v2 =	vimm.s32 $0x1;
	v3 =	vlaneseq.u32;
	p0 =	seq.s32 s4, $0xFFFFFFFF;
	v1 =	vmov s3  }
0x160: {  	s14 =	stileid.u32;
	v0 =	vperm.xlane v0, v2;
	p1 =	sne.s32 @!p0 s0, s2;
	v1 =	vperm.xlane v1, v3  }
0x161: {  	vm0 =	vcmask $0x3F04;
	s6 =	simm.s32 $0xA108;
	s0 =	simm.s32 @!p0 $0x1;
	p1 =	por !p1, p0  }
0x162: {  	s3 =	sshll.u32 s14, $0x1;
	s2 =	sshll.u32 @!p0 s4, $0x8;
	s0 =	simm.s32 @p1 $0x0;
	v0 =	vsel vm0, v1, v0  }
0x163: {  	s5 =	sor.u32 $0x800, s3;
	s2 =	sshra.s32 @!p0 s2, $0x2;
	s0 =	sor.u32 @!p0 s0, s3;
	[tilespmem:$0xA108] =	vst v0  }
0x164: {  	[spmem:s5] =	stream.linear.scatter [tilespmem:s6], [sflag:$0x1], $0x2, $0x38;
	[tilespmem:$0x1EF88] =	vst v63  }
0x165: {  	s2 =	sadd.s32 @!p0 $0x88, s2;
	s0 =	sshll.u32 @!p0 s0, $0x6  }
0x166: {  	[spmem:s0] =	stream.linear.scatter @!p0 [tilespmem:s2], [sflag:$0x1], $0x40, $0x38;
	[tilespmem:$0x1EF88] =	vst v63  }
0x167: {  	s0 =	simm.s32 @!p0 $0x42  }
0x168: {  	s28 =	simm.s32 $0x1;
	s0 =	simm.s32 @p0 $0x2  }
0x169: {  	_ =	swait.ge [sflag:s28], s0  }
0x16a: {  	s0 =	ssub.s32 $0x0, s0;
	[sflag:s28] =	ssyncset.done $0x0  }
0x16b: {  	p0 =	sne.s32 s14, $0x0;
	[sflag:s28] =	ssyncadd.s32 s0  }
.Ltmp19:
0x16c: {  	_ =	sfence.stream.spmem;
	(pc) =	sbr.rel @p0 .LBB2_43-.Ltmp19, $4  }
0x16d: {  	s29 =	simm.s32 $0x3;
	[bflag:$0x0] =	sbarrier.arrive $0xFFFF  }
0x16e: {  	s30 =	simm.s32 $0x4;
	[sflag:s29] =	ssyncpa.u1 $0x1  }
0x16f: {  	s31 =	simm.s32 $0x3C;
	[sflag:s30] =	ssyncpa.u1 $0x1  }
0x170: {  	s13 =	rddreg [dreg:$0x5];
	[sflag:s31] =	ssyncpa.u1 $0x1  }
0x171: {  	_ =	sfence.stream.spmem;
	s0 =	simm.s32 $0x5  }
0x172: {  	s2 =	simm.s32 $0x800;
	s3 =	simm.s32 $0xA118;
	[sflag:s0] =	ssyncpa.u1 $0x0  }
0x173: {  	[tilespmem:s3], [sflag:$0x5] =	stream.linear.gather [spmem:s2], $0x20, $0x38;
	[tilespmem:$0x1EF88] =	vst v63  }
0x174: {  	s26 =	simm.s32 $0x0;
	s28 =	simm.s32 $0xA138  }
0x175: {  	[tilespmem:s28], [sflag:$0x5] =	stream.linear.gather [spmem:s26], $0x800, $0x38;
	[tilespmem:$0x1EF88] =	vst v63  }
0x176: {  	_ =	swait.ge [sflag:s0], $0x820  }
0x177: {  	[sflag:s0] =	ssyncset.done $0x0  }
0x178: {  	s29 =	simm.s32 $0x0;
	[sflag:s0] =	ssyncadd.s32 $0xFFFFF7E0  }
0x179: {  	v0 =	vld.msk [tilespmem:s29+$0xA118], $0x1;
	_ =	sdelay $0x1  }
0x17a: {  	s30 =	simm.s32 $0x1  }
0x17b: {  	v1 =	vld.msk [tilespmem:s30+$0xA118], $0x1;
	_ =	sdelay $0x1  }
0x17c: {  	(v2sf) =	vpush v0, $0x0;
	_ =	sdelay $0x2  }
0x17d: {  	(v2sf) =	vpush v1, $0x0;
	_ =	sdelay $0x2  }
0x17e: {  	s31 =	simm.s32 $0x2  }
0x17f: {  	v0 =	vld.msk [tilespmem:s31+$0xA118], $0x1;
	_ =	sdelay $0x2  }
0x180: {  	s2 =	simm.s32 $0xFFFFFFFF;
	s3 =	simm.s32 $0xFFFFFFFF;
	s0 =	simm.s32 $0xC  }
.LBB2_28:
0x181: {  	s4 =	smov.u32 s3;
	s5 =	smov.u32 s2  }
0x182: {  	s2 =	sshra.s32 s0, $0x2;
	p1 =	sne.s32 s0, $0x7C;
	s0 =	sadd.s32 $0x4, s0;
	(v2sf) =	vpush v0, $0x0  }
0x183: {  	v0 =	vld.msk [tilespmem:s2+$0xA118], $0x1  }
.Ltmp20:
0x184: {  	(pc) =	sbr.rel @p1 .LBB2_28-.Ltmp20, $4  }
0x185: {  	s3 =	spop (v2sf)  }
0x186: {  	p2 =	sne.s32 s5, $0xFFFFFFFF;
	s2 =	smov.u32 s3  }
0x187: {  	p3 =	seq.s32 s3, $0xFFFFFFFF;
	s2 =	smov.u32 @p2 s5  }
0x188: {  	s3 =	smov.u32 @p3 s4;
	s2 =	smov.u32 @p3 s5  }
0x189: {  	(v2sf) =	vpush v0, $0x0;
	_ =	sdelay $0x8  }
0x18a: {  	s0 =	spop (v2sf)  }
0x18b: {  	p1 =	sne.s32 s2, $0xFFFFFFFF;
	s4 =	smov.u32 s0  }
0x18c: {  	s6 =	simm.s32 $0x0;
	p2 =	seq.s32 s0, $0xFFFFFFFF;
	s4 =	smov.u32 @p1 s2  }
0x18d: {  	s9 =	simm.s32 $0xA0C8;
	s4 =	smov.u32 @p2 s2;
	s2 =	spop (v2sf)  }
0x18e: {  	s0 =	smov.u32 @p2 s3;
	p1 =	sne.s32 s4, $0xFFFFFFFF;
	s5 =	smov.u32 s2  }
.Ltmp21:
0x18f: {  	p2 =	seq.s32 s2, $0xFFFFFFFF;
	s5 =	smov.u32 @p1 s4;
	(pc) =	sbr.rel .LBB2_30-.Ltmp21, $4  }
0x190: {  	s10 =	simm.s32 $0x0;
	s5 =	smov.u32 @p2 s4;
	s7 =	spop (v2sf)  }
0x191: {  	s2 =	smov.u32 @p2 s0;
	p1 =	sne.s32 s5, $0xFFFFFFFF;
	s8 =	smov.u32 s7  }
0x192: {  	s0 =	simm.s32 $0x6;
	p2 =	seq.s32 s7, $0xFFFFFFFF;
	s8 =	smov.u32 @p1 s5  }
0x193: {  	[sflag:s0] =	ssyncpa.u1 $0x0;
	s7 =	smov.u32 @p2 s2;
	s8 =	smov.u32 @p2 s5  }
.LBB2_36:
0x194: {  	p1 =	sgt.u32 s2, $0x270F8  }
0x195: {  	p2 =	seq.s32 @!p1 s2, s8  }
0x196: {  	p1 =	por p1, p2  }
0x197: {  	p2 =	sne.s32 @!p1 s2, s7  }
0x198: {  	p1 =	por p1, !p2  }
0x199: {  	s2 =	sshll.u32 @p1 s10, $0x8  }
0x19a: {  	s3 =	sand.u32 @!p1 $0x3FFF8, s2  }
0x19b: {  	s2 =	sand.u32 @!p1 $0x7, s2;
	s3 =	sadd.s32 @!p1 s1, s3  }
0x19c: {  	[tilespmem:s9], [sflag:$0x6] =	stream.linear.gather @!p1 [hbm4b:s3+s2], $0x40, $0x38;
	[tilespmem:$0x1EF88] =	vst v63  }
0x19d: {  	_ =	swait.ge @!p1 [sflag:s0], $0x40  }
0x19e: {  	[sflag:s0] =	ssyncset.done @!p1 $0x0  }
0x19f: {  	[sflag:s0] =	ssyncadd.s32 @!p1 $0xFFFFFFC0  }
0x1a0: {  	v1 =	vld @!p1 [tilespmem:$0xA0C8];
	_ =	sdelay $0x2  }
0x1a1: {  	s2 =	sshll.u32 @!p1 s10, $0x8  }
0x1a2: {  	s3 =	sshrl.u32 @!p1 s2, $0x2  }
0x1a3: {  	[tilespmem:s3+$0xA138] =	vst.add.f32.msk @!p1 $0xffff, v1  }
0x1a4: {  	v1 =	vld @!p1 [tilespmem:$0xA0D8];
	_ =	sdelay $0x4  }
0x1a5: {  	[tilespmem:s3+$0xA148] =	vst.add.f32.msk @!p1 $0xffff, v1  }
0x1a6: {  	v1 =	vld @!p1 [tilespmem:$0xA0E8];
	_ =	sdelay $0x4  }
0x1a7: {  	[tilespmem:s3+$0xA158] =	vst.add.f32.msk @!p1 $0xffff, v1  }
0x1a8: {  	v1 =	vld @!p1 [tilespmem:$0xA0F8];
	_ =	sdelay $0x4  }
0x1a9: {  	[tilespmem:s3+$0xA168] =	vst.add.f32.msk @!p1 $0xffff, v1  }
0x1aa: {  	s2 =	sshrl.u32 s2, $0x2;
	[tilespmem:s6+$0xA118] =	vst.msk $0x1, v0  }
0x1ab: {  	v0 =	vld [tilespmem:s2+$0xA138];
	_ =	sdelay $0x2  }
0x1ac: {  	s31 =	sshll.u32 s6, $0x8  }
0x1ad: {  	s3 =	sshra.s32 s31, $0x2  }
0x1ae: {  	[tilespmem:s3+$0xA138] =	vst v0  }
0x1af: {  	v0 =	vld [tilespmem:s2+$0xA148];
	_ =	sdelay $0x4  }
0x1b0: {  	[tilespmem:s3+$0xA148] =	vst v0  }
0x1b1: {  	v0 =	vld [tilespmem:s2+$0xA158];
	_ =	sdelay $0x4  }
0x1b2: {  	[tilespmem:s3+$0xA158] =	vst v0  }
0x1b3: {  	v0 =	vld [tilespmem:s2+$0xA168];
	_ =	sdelay $0x4  }
0x1b4: {  	s6 =	sadd.s32 $0x1, s6;
	[tilespmem:s3+$0xA168] =	vst v0  }
.LBB2_37:
0x1b5: {  	s10 =	sadd.s32 $0x1, s10  }
0x1b6: {  	p1 =	sne.s32 s10, $0x20  }
.Ltmp22:
0x1b7: {  	_ = 	snop;
	(pc) =	sbr.rel @!p1 .LBB2_38-.Ltmp22, $1  }
0x1b8: {  	_ =	sdelay $0x3  }
.LBB2_30:
0x1b9: {  	v0 =	vld.msk [tilespmem:s10+$0xA118], $0x1;
	_ =	sdelay $0x4  }
0x1ba: {  	(v2sf) =	vpush v0, $0x0;
	_ =	sdelay $0xe  }
0x1bb: {  	s2 =	spop (v2sf)  }
0x1bc: {  	p1 =	seq.s32 s2, $0xFFFFFFFF  }
.Ltmp23:
0x1bd: {  	_ = 	snop;
	(pc) =	sbr.rel @p1 .LBB2_37-.Ltmp23, $1  }
0x1be: {  	_ =	sdelay $0x3  }
0x1bf: {  	p1 =	slt.s32 s6, $0x1  }
.Ltmp24:
0x1c0: {  	_ = 	snop;
	(pc) =	sbr.rel @p1 .LBB2_36-.Ltmp24, $1  }
0x1c1: {  	_ =	sdelay $0x3  }
0x1c2: {  	s3 =	simm.s32 $0xA118;
	p1 =	por $0x0, $0x0  }
0x1c3: {  	v1 =	vld.msk @!p1 [tilespmem:s3+$0x0], $0x1;
	_ =	sdelay $0x4  }
0x1c4: {  	(v2sf) =	vpush @!p1 v1, $0x0;
	_ =	sdelay $0xd  }
0x1c5: {  	p3 =	sne.s32 s6, $0x1  }
.Ltmp25:
0x1c6: {  	s4 =	spop @!p1 (v2sf);
	(pc) =	sbr.rel @!p3 .LBB2_34-.Ltmp25, $4  }
0x1c7: {  	p2 =	seq.s32 @!p1 s2, s4  }
0x1c8: {  	s4 =	simm.s32 $0x0;
	p2 =	por !p2, p1  }
0x1c9: {  	s11 =	simm.s32 $0xFFFFFFFF;
	s4 =	simm.s32 @p2 $0xFFFFFFFF  }
0x1ca: {  	s5 =	simm.s32 $0x1;
	s4 =	smov.u32 @p1 s11  }
.LBB2_33:
0x1cb: {  	s11 =	smov.u32 s4;
	p1 =	sne.s32 s4, $0xFFFFFFFF  }
0x1cc: {  	s3 =	sadd.s32 $0x1, s3;
	s4 =	smov.u32 s5;
	s5 =	sadd.s32 $0x1, s5  }
0x1cd: {  	p2 =	sne.s32 s6, s5;
	v1 =	vld.msk @!p1 [tilespmem:s3+$0x0], $0x1;
	_ =	sdelay $0x4  }
0x1ce: {  	(v2sf) =	vpush @!p1 v1, $0x0;
	_ =	sdelay $0xe  }
.Ltmp26:
0x1cf: {  	s12 =	spop @!p1 (v2sf);
	(pc) =	sbr.rel @p2 .LBB2_33-.Ltmp26, $4  }
0x1d0: {  	p3 =	seq.s32 @!p1 s2, s12  }
0x1d1: {  	p3 =	por !p3, p1  }
0x1d2: {  	s4 =	simm.s32 @p3 $0xFFFFFFFF  }
0x1d3: {  	s4 =	smov.u32 @p1 s11  }
.LBB2_34:
0x1d4: {  	p1 =	seq.s32 s4, $0xFFFFFFFF  }
.Ltmp27:
0x1d5: {  	_ = 	snop;
	(pc) =	sbr.rel @p1 .LBB2_36-.Ltmp27, $1  }
0x1d6: {  	_ =	sdelay $0x3  }
0x1d7: {  	s2 =	sshll.u32 s10, $0x6  }
0x1d8: {  	s2 =	sand.u32 $0x3FFFFFC0, s2  }
0x1d9: {  	v0 =	vld [tilespmem:s2+$0xA138];
	_ =	sdelay $0x2  }
0x1da: {  	s3 =	sshll.u32 s4, $0x8  }
0x1db: {  	s3 =	sshra.s32 s3, $0x2  }
0x1dc: {  	[tilespmem:s3+$0xA138] =	vst.add.f32.msk $0xffff, v0  }
0x1dd: {  	v0 =	vld [tilespmem:s2+$0xA148];
	_ =	sdelay $0x4  }
0x1de: {  	[tilespmem:s3+$0xA148] =	vst.add.f32.msk $0xffff, v0  }
0x1df: {  	v0 =	vld [tilespmem:s2+$0xA158];
	_ =	sdelay $0x4  }
0x1e0: {  	[tilespmem:s3+$0xA158] =	vst.add.f32.msk $0xffff, v0  }
0x1e1: {  	v0 =	vld [tilespmem:s2+$0xA168]  }
.Ltmp28:
0x1e2: {  	_ = 	snop;
	(pc) =	sbr.rel .LBB2_37-.Ltmp28, $2  }
0x1e3: {  	_ =	sdelay $0x2  }
0x1e4: {  	[tilespmem:s3+$0xA168] =	vst.add.f32.msk $0xffff, v0  }
.LBB2_38:
0x1e5: {  	s0 =	simm.s32 $0x6;
	p1 =	seq.s32 s6, $0x0  }
0x1e6: {  	[sflag:s0] =	ssyncpa.u1 $0x1;
	v0 =	vimm.s32 @p1 $0xFFFFFFFF  }
0x1e7: {  	s0 =	sadd.s32 $0xFFFFFFFF, s6;
	[tilespmem:$0xA938] =	vst @p1 v0  }
0x1e8: {  	v0 =	vld.msk @!p1 [tilespmem:s0+$0xA118], $0x1;
	_ =	sdelay $0x1  }
0x1e9: {  	v1 =	vld.msk @!p1 [tilespmem:$0xA118], $0x1;
	_ =	sdelay $0x2  }
0x1ea: {  	p2 =	seq.s32 @!p1 s0, $0x0;
	v0 =	vbroadcast @!p1 v0, $0x0  }
0x1eb: {  	vm0 =	vmmov @!p1 $0x1;
	p2 =	por !p2, p1  }
0x1ec: {  	v1 =	vnsel @!p1 vm0, $0xFFFFFFFF, v1;
	vm0 =	vcmask @!p1 $0x308;
	v0 =	vpsel !p2, $0xFFFFFFFF, v0  }
0x1ed: {  	p2 =	sne.s32 @!p1 s8, s7;
	v0 =	vsel @!p1 vm0, v1, v0  }
0x1ee: {  	s2 =	simm.s32 @!p1 $0xA138;
	s3 =	simm.s32 @!p1 $0x0;
	p3 =	por !p2, p1;
	[tilespmem:$0xA938] =	vst @!p1 v0  }
0x1ef: {  	[spmem:s3] =	stream.linear.scatter @!p1 [tilespmem:s2], [sflag:$0x1], $0x40, $0x38;
	[tilespmem:$0x1EF88] =	vst v63  }
0x1f0: {  	s2 =	sshll.u32 @!p3 s0, $0x8  }
0x1f1: {  	s2 =	sshra.s32 @!p3 s2, $0x2  }
0x1f2: {  	s3 =	simm.s32 @!p3 $0x40;
	s2 =	sadd.s32 @!p3 $0xA138, s2  }
0x1f3: {  	[spmem:s3] =	stream.linear.scatter @!p3 [tilespmem:s2], [sflag:$0x1], $0x40, $0x38;
	[tilespmem:$0x1EF88] =	vst v63  }
0x1f4: {  	s2 =	simm.s32 @!p3 $0x1  }
0x1f5: {  	_ =	swait.ge @!p3 [sflag:s2], $0x80  }
0x1f6: {  	p1 =	por p2, p1;
	[sflag:s2] =	ssyncset.done @!p3 $0x0  }
0x1f7: {  	[sflag:s2] =	ssyncadd.s32 @!p3 $0xFFFFFF80;
	s2 =	simm.s32 @!p1 $0x1  }
0x1f8: {  	_ =	swait.ge @!p1 [sflag:s2], $0x40  }
0x1f9: {  	s29 =	simm.s32 $0xA938;
	[sflag:s2] =	ssyncset.done @!p1 $0x0  }
0x1fa: {  	s30 =	simm.s32 $0x800;
	s31 =	simm.s32 $0x1;
	[sflag:s2] =	ssyncadd.s32 @!p1 $0xFFFFFFC0  }
0x1fb: {  	[spmem:s30] =	stream.linear.scatter [tilespmem:s29], [sflag:$0x1], $0x10, $0x38;
	[tilespmem:$0x1EF88] =	vst v63  }
0x1fc: {  	_ =	swait.ge [sflag:s31], $0x10  }
0x1fd: {  	[sflag:s31] =	ssyncset.done $0x0  }
0x1fe: {  	p1 =	seq.s32 s13, $0x0;
	s9 =	rddreg [dreg:$0x2];
	[sflag:s31] =	ssyncadd.s32 $0xFFFFFFF0  }
0x1ff: {  	s3 =	sshll.u32 @p1 s9, $0xE;
	s8 =	rddreg [dreg:$0x3]  }
0x200: {  	s2 =	sadd.s32 @p1 $0x15C3C, s3;
	s3 =	sshll.u32 @p1 s8, $0x11  }
0x201: {  	_ =	sfence.stream.spmem;
	s2 =	sor.u32 @p1 s3, s2  }
0x202: {  	[sflag:s2] =	ssyncadd.remote.s32 @p1 $0x1;
	s2 =	simm.s32 @p1 $0x4  }
0x203: {  	s4 =	simm.s32 @!p1 $0x3C;
	s3 =	sand.u32 $0xFFFFFFFE, s9;
	_ =	swait.ge @p1 [sflag:s2], $0x12  }
0x204: {  	s5 =	simm.s32 @!p1 $0x0;
	s3 =	sadd.s32 @!p1 $0x4, s3;
	[sflag:s2] =	ssyncset.done @p1 $0x0  }
0x205: {  	s7 =	simm.s32 @!p1 $0x80;
	[sflag:s2] =	ssyncadd.s32 @p1 $0xFFFFFFEE;
	s2 =	sshll.u32 @!p1 s3, $0x1A  }
0x206: {  	s3 =	sshll.u32 @!p1 s3, $0xD;
	s2 =	sor.u32 @!p1 s2, s8;
	_ =	swait.eq @!p1 [sflag:s4], $0x1  }
0x207: {  	s3 =	sor.u32 @!p1 $0x1C04, s3;
	s4 =	simm.s32 @!p1 $0x1C03;
	s2 =	sor.u32 @!p1 $0x80004000, s2  }
0x208: {  	[spmem:s7], [sflag:s3] =	dma.general @!p1 [spmem:s5], [sflag:s4], length:$0x10, [dreg:$0x0], stride_count:$0x0, ici_dest:s2, dma_misc:DstOpCode:WRITE  }
0x209: {  	p2 =	slt.s32 s0, $0x2;
	s5 =	simm.s32 @!p1 $0x100;
	s7 =	simm.s32 @!p1 $0x102  }
0x20a: {  	[spmem:s7], [sflag:s3] =	dma.general @!p1 [spmem:s5], [sflag:s4], length:$0x2, [dreg:$0x0], stride_count:$0x0, ici_dest:s2, dma_misc:DstOpCode:WRITE  }
.Ltmp29:
0x20b: {  	s2 =	simm.s32 @!p1 $0x3;
	(pc) =	sbr.rel @p2 .LBB2_42-.Ltmp29, $4  }
0x20c: {  	s3 =	sshll.u32 @!p1 s9, $0xE;
	_ =	swait.ge @!p1 [sflag:s2], $0x12  }
0x20d: {  	s4 =	sshll.u32 @!p1 s8, $0x11;
	s3 =	sadd.s32 @!p1 $0x11C3C, s3;
	[sflag:s2] =	ssyncset.done @!p1 $0x0  }
0x20e: {  	[sflag:s2] =	ssyncadd.s32 @!p1 $0xFFFFFFEE;
	s2 =	sor.u32 @!p1 s4, s3  }
0x20f: {  	s0 =	simm.s32 $0x0;
	[sflag:s2] =	ssyncadd.remote.s32 @!p1 $0xFFFFFFFF  }
0x210: {  	s0 =	simm.s32 $0xA119  }
0x211: {  	v0 =	vld.msk [tilespmem:s0+$0x0], $0x1;
	_ =	sdelay $0x4  }
0x212: {  	(v2sf) =	vpush v0, $0x0;
	_ =	sdelay $0xc  }
0x213: {  	s2 =	sadd.s32 $0xFFFFFFFE, s6  }
0x214: {  	s2 =	sadd.s32 $0xFFFFFFFF, s2  }
0x215: {  	p2 =	sne.s32 s2, $0x0;
	s3 =	spop (v2sf)  }
.Ltmp30:
0x216: {  	p1 =	sgt.u32 s3, $0x270F8;
	(pc) =	sbr.rel @!p2 .LBB2_41-.Ltmp30, $4  }
0x217: {  	s5 =	simm.s32 $0x0;
	s4 =	sand.u32 @!p1 $0x3FFF8, s3  }
0x218: {  	s0 =	simm.s32 $0xA178;
	s3 =	sand.u32 @!p1 $0x7, s3;
	s4 =	sadd.s32 @!p1 s1, s4  }
0x219: {  	[hbm4b:s4+s3] =	stream.linear.scatter @!p1 [tilespmem:s0], [sflag:$0x5], $0x40, $0x38;
	[tilespmem:$0x1EF88] =	vst v63  }
0x21a: {  	s5 =	simm.s32 @!p1 $0x100;
	s3 =	simm.s32 $0x0;
	s4 =	simm.s32 $0xA11A  }
.LBB2_40:
0x21b: {  	v0 =	vld.msk [tilespmem:s4+$0x0], $0x1;
	s2 =	sadd.s32 $0xFFFFFFFF, s2;
	s3 =	sadd.s32 s3, s5  }
0x21c: {  	p1 =	sne.s32 s2, $0x0;
	_ =	sdelay $0x3  }
0x21d: {  	(v2sf) =	vpush v0, $0x0;
	_ =	sdelay $0xe  }
.Ltmp31:
0x21e: {  	s6 =	spop (v2sf);
	(pc) =	sbr.rel @p1 .LBB2_40-.Ltmp31, $4  }
0x21f: {  	s5 =	simm.s32 $0x0;
	p2 =	sgt.u32 s6, $0x270F8  }
0x220: {  	s0 =	sadd.s32 $0x40, s0;
	s5 =	simm.s32 @!p2 $0x100;
	s7 =	sand.u32 @!p2 $0x3FFF8, s6  }
0x221: {  	s4 =	sadd.s32 $0x1, s4;
	s6 =	sand.u32 @!p2 $0x7, s6;
	s7 =	sadd.s32 @!p2 s1, s7  }
0x222: {  	[hbm4b:s7+s6] =	stream.linear.scatter @!p2 [tilespmem:s0], [sflag:$0x5], $0x40, $0x38;
	[tilespmem:$0x1EF88] =	vst v63  }
.LBB2_41:
0x223: {  	s0 =	sadd.s32 s3, s5  }
0x224: {  	s0 =	sshrl.u32 s0, $0x2  }
.LBB2_42:
0x225: {  	s2 =	simm.s32 $0x5  }
0x226: {  	_ =	swait.ge [sflag:s2], s0  }
0x227: {  	s31 =	ssub.s32 $0x0, s0;
	[sflag:s2] =	ssyncset.done $0x0  }
0x228: {  	[sflag:s2] =	ssyncadd.s32 s31  }
0x229: {  	[sflag:s2] =	ssyncpa.u1 $0x1  }
.LBB2_43:
0x22a: {  	s0 =	sor.u32 s13, s14  }
0x22b: {  	p1 =	sne.s32 s0, $0x0  }
.Ltmp32:
0x22c: {  	_ = 	snop;
	(pc) =	sbr.rel @p1 .LBB2_58-.Ltmp32, $3  }
0x22d: {  	_ =	sdelay $0x1  }
0x22e: {  	[bflag:$0x0] =	sbarrier.arrive $0xFFFF  }
0x22f: {  	_ =	sfence  }
0x230: {  	s2 =	simm.s32 $0x7  }
0x231: {  	s0 =	simm.s32 $0x800;
	s3 =	simm.s32 $0xA118;
	[sflag:s2] =	ssyncpa.u1 $0x0  }
0x232: {  	[tilespmem:s3], [sflag:$0x7] =	stream.linear.gather [spmem:s0], $0x20, $0x38;
	[tilespmem:$0x1EF88] =	vst v63  }
0x233: {  	s30 =	simm.s32 $0xA138;
	s0 =	simm.s32 $0x0  }
0x234: {  	[tilespmem:s30], [sflag:$0x7] =	stream.linear.gather [spmem:s0], $0x800, $0x38;
	[tilespmem:$0x1EF88] =	vst v63  }
.Ltmp33:
0x235: {  	_ = 	snop;
	(pc) =	sbr.rel .LBB2_45-.Ltmp33, $4  }
0x236: {  	_ =	swait.ge [sflag:s2], $0x820  }
0x237: {  	[sflag:s2] =	ssyncset.done $0x0  }
0x238: {  	s31 =	simm.s32 $0x8;
	[sflag:s2] =	ssyncadd.s32 $0xFFFFF7E0  }
0x239: {  	s2 =	simm.s32 $0x0;
	[sflag:s31] =	ssyncpa.u1 $0x0  }
.LBB2_51:
0x23a: {  	p1 =	slt.u32 s3, $0x270F9  }
0x23b: {  	s4 =	sand.u32 @p1 $0x3FFF8, s3  }
0x23c: {  	s3 =	sand.u32 @p1 $0x7, s3;
	s5 =	simm.s32 @p1 $0xA0C8;
	s4 =	sadd.s32 @p1 s1, s4  }
0x23d: {  	[tilespmem:s5], [sflag:$0x8] =	stream.linear.gather @p1 [hbm4b:s4+s3], $0x40, $0x38;
	[tilespmem:$0x1EF88] =	vst v63  }
0x23e: {  	s3 =	simm.s32 @p1 $0x8  }
0x23f: {  	_ =	swait.ge @p1 [sflag:s3], $0x40  }
0x240: {  	[sflag:s3] =	ssyncset.done @p1 $0x0  }
0x241: {  	[sflag:s3] =	ssyncadd.s32 @p1 $0xFFFFFFC0  }
0x242: {  	v1 =	vld @p1 [tilespmem:$0xA0C8];
	_ =	sdelay $0x2  }
0x243: {  	s3 =	sshll.u32 @p1 s2, $0x8  }
0x244: {  	s4 =	sshrl.u32 @p1 s3, $0x2  }
0x245: {  	[tilespmem:s4+$0xA138] =	vst.add.f32.msk @p1 $0xffff, v1  }
0x246: {  	v1 =	vld @p1 [tilespmem:$0xA0D8];
	_ =	sdelay $0x4  }
0x247: {  	[tilespmem:s4+$0xA148] =	vst.add.f32.msk @p1 $0xffff, v1  }
0x248: {  	v1 =	vld @p1 [tilespmem:$0xA0E8];
	_ =	sdelay $0x4  }
0x249: {  	[tilespmem:s4+$0xA158] =	vst.add.f32.msk @p1 $0xffff, v1  }
0x24a: {  	v1 =	vld @p1 [tilespmem:$0xA0F8];
	_ =	sdelay $0x3  }
0x24b: {  	s5 =	sshll.u32 @!p1 s2, $0x8  }
0x24c: {  	s5 =	smov.u32 @p1 s3;
	[tilespmem:s4+$0xA168] =	vst.add.f32.msk @p1 $0xffff, v1  }
0x24d: {  	s3 =	sshrl.u32 s5, $0x2;
	[tilespmem:s0+$0xA118] =	vst.msk $0x1, v0  }
0x24e: {  	v0 =	vld [tilespmem:s3+$0xA138];
	_ =	sdelay $0x2  }
0x24f: {  	s31 =	sshll.u32 s0, $0x8  }
0x250: {  	s4 =	sshra.s32 s31, $0x2  }
0x251: {  	[tilespmem:s4+$0xA138] =	vst v0  }
0x252: {  	v0 =	vld [tilespmem:s3+$0xA148];
	_ =	sdelay $0x4  }
0x253: {  	[tilespmem:s4+$0xA148] =	vst v0  }
0x254: {  	v0 =	vld [tilespmem:s3+$0xA158];
	_ =	sdelay $0x4  }
0x255: {  	[tilespmem:s4+$0xA158] =	vst v0  }
0x256: {  	v0 =	vld [tilespmem:s3+$0xA168];
	_ =	sdelay $0x4  }
0x257: {  	s0 =	sadd.s32 $0x1, s0;
	[tilespmem:s4+$0xA168] =	vst v0  }
.LBB2_52:
0x258: {  	s2 =	sadd.s32 $0x1, s2  }
0x259: {  	p1 =	sne.s32 s2, $0x20  }
.Ltmp34:
0x25a: {  	_ = 	snop;
	(pc) =	sbr.rel @!p1 .LBB2_53-.Ltmp34, $1  }
0x25b: {  	_ =	sdelay $0x3  }
.LBB2_45:
0x25c: {  	v0 =	vld.msk [tilespmem:s2+$0xA118], $0x1;
	_ =	sdelay $0x4  }
0x25d: {  	(v2sf) =	vpush v0, $0x0;
	_ =	sdelay $0xe  }
0x25e: {  	s3 =	spop (v2sf)  }
0x25f: {  	p1 =	seq.s32 s3, $0xFFFFFFFF  }
.Ltmp35:
0x260: {  	_ = 	snop;
	(pc) =	sbr.rel @p1 .LBB2_52-.Ltmp35, $1  }
0x261: {  	_ =	sdelay $0x3  }
0x262: {  	p1 =	slt.s32 s0, $0x1  }
.Ltmp36:
0x263: {  	_ = 	snop;
	(pc) =	sbr.rel @p1 .LBB2_51-.Ltmp36, $1  }
0x264: {  	_ =	sdelay $0x3  }
0x265: {  	s4 =	simm.s32 $0xA118;
	p1 =	por $0x0, $0x0  }
0x266: {  	v1 =	vld.msk @!p1 [tilespmem:s4+$0x0], $0x1;
	_ =	sdelay $0x4  }
0x267: {  	(v2sf) =	vpush @!p1 v1, $0x0;
	_ =	sdelay $0xd  }
0x268: {  	p3 =	sne.s32 s0, $0x1  }
.Ltmp37:
0x269: {  	s5 =	spop @!p1 (v2sf);
	(pc) =	sbr.rel @!p3 .LBB2_49-.Ltmp37, $4  }
0x26a: {  	p2 =	seq.s32 @!p1 s3, s5  }
0x26b: {  	s5 =	simm.s32 $0x0;
	p2 =	por !p2, p1  }
0x26c: {  	s7 =	simm.s32 $0xFFFFFFFF;
	s5 =	simm.s32 @p2 $0xFFFFFFFF  }
0x26d: {  	s6 =	simm.s32 $0x1;
	s5 =	smov.u32 @p1 s7  }
.LBB2_48:
0x26e: {  	s7 =	smov.u32 s5;
	p1 =	sne.s32 s5, $0xFFFFFFFF  }
0x26f: {  	s4 =	sadd.s32 $0x1, s4;
	s5 =	smov.u32 s6;
	s6 =	sadd.s32 $0x1, s6  }
0x270: {  	p2 =	sne.s32 s0, s6;
	v1 =	vld.msk @!p1 [tilespmem:s4+$0x0], $0x1;
	_ =	sdelay $0x4  }
0x271: {  	(v2sf) =	vpush @!p1 v1, $0x0;
	_ =	sdelay $0xe  }
.Ltmp38:
0x272: {  	s8 =	spop @!p1 (v2sf);
	(pc) =	sbr.rel @p2 .LBB2_48-.Ltmp38, $4  }
0x273: {  	p3 =	seq.s32 @!p1 s3, s8  }
0x274: {  	p3 =	por !p3, p1  }
0x275: {  	s5 =	simm.s32 @p3 $0xFFFFFFFF  }
0x276: {  	s5 =	smov.u32 @p1 s7  }
.LBB2_49:
0x277: {  	p1 =	seq.s32 s5, $0xFFFFFFFF  }
.Ltmp39:
0x278: {  	_ = 	snop;
	(pc) =	sbr.rel @p1 .LBB2_51-.Ltmp39, $1  }
0x279: {  	_ =	sdelay $0x3  }
0x27a: {  	s3 =	sshll.u32 s2, $0x6  }
0x27b: {  	s3 =	sand.u32 $0x3FFFFFC0, s3  }
0x27c: {  	v0 =	vld [tilespmem:s3+$0xA138];
	_ =	sdelay $0x2  }
0x27d: {  	s4 =	sshll.u32 s5, $0x8  }
0x27e: {  	s4 =	sshra.s32 s4, $0x2  }
0x27f: {  	[tilespmem:s4+$0xA138] =	vst.add.f32.msk $0xffff, v0  }
0x280: {  	v0 =	vld [tilespmem:s3+$0xA148];
	_ =	sdelay $0x4  }
0x281: {  	[tilespmem:s4+$0xA148] =	vst.add.f32.msk $0xffff, v0  }
0x282: {  	v0 =	vld [tilespmem:s3+$0xA158];
	_ =	sdelay $0x4  }
0x283: {  	[tilespmem:s4+$0xA158] =	vst.add.f32.msk $0xffff, v0  }
0x284: {  	v0 =	vld [tilespmem:s3+$0xA168]  }
.Ltmp40:
0x285: {  	_ = 	snop;
	(pc) =	sbr.rel .LBB2_52-.Ltmp40, $2  }
0x286: {  	_ =	sdelay $0x2  }
0x287: {  	[tilespmem:s4+$0xA168] =	vst.add.f32.msk $0xffff, v0  }
.LBB2_53:
0x288: {  	p1 =	slt.s32 s0, $0x1  }
.Ltmp41:
0x289: {  	_ = 	snop;
	(pc) =	sbr.rel @p1 .LBB2_57-.Ltmp41, $3  }
0x28a: {  	_ =	sdelay $0x1  }
0x28b: {  	s2 =	simm.s32 $0x8  }
0x28c: {  	[sflag:s2] =	ssyncpa.u1 $0x1;
	s2 =	simm.s32 $0x0  }
0x28d: {  	s3 =	simm.s32 $0xA118  }
0x28e: {  	v0 =	vld.msk [tilespmem:s3+$0x0], $0x1;
	_ =	sdelay $0x4  }
0x28f: {  	(v2sf) =	vpush v0, $0x0;
	_ =	sdelay $0xe  }
0x290: {  	s0 =	sadd.s32 $0xFFFFFFFF, s0;
	s4 =	spop (v2sf)  }
0x291: {  	p2 =	sne.s32 s0, $0x0;
	p1 =	sgt.u32 s4, $0x270F8  }
.Ltmp42:
0x292: {  	s5 =	sand.u32 @!p1 $0x3FFF8, s4;
	(pc) =	sbr.rel @!p2 .LBB2_56-.Ltmp42, $4  }
0x293: {  	s3 =	simm.s32 $0xA138;
	s4 =	sand.u32 @!p1 $0x7, s4;
	s5 =	sadd.s32 @!p1 s1, s5  }
0x294: {  	[hbm4b:s5+s4] =	stream.linear.scatter @!p1 [tilespmem:s3], [sflag:$0x7], $0x40, $0x38;
	[tilespmem:$0x1EF88] =	vst v63  }
0x295: {  	s5 =	simm.s32 $0x0  }
0x296: {  	s4 =	simm.s32 $0xA119;
	s5 =	simm.s32 @!p1 $0x100  }
.LBB2_55:
0x297: {  	v0 =	vld.msk [tilespmem:s4+$0x0], $0x1;
	s0 =	sadd.s32 $0xFFFFFFFF, s0;
	s2 =	sadd.s32 s2, s5  }
0x298: {  	p1 =	sne.s32 s0, $0x0;
	_ =	sdelay $0x3  }
0x299: {  	(v2sf) =	vpush v0, $0x0;
	_ =	sdelay $0xe  }
.Ltmp43:
0x29a: {  	s6 =	spop (v2sf);
	(pc) =	sbr.rel @p1 .LBB2_55-.Ltmp43, $4  }
0x29b: {  	s5 =	simm.s32 $0x0;
	p2 =	sgt.u32 s6, $0x270F8  }
0x29c: {  	s3 =	sadd.s32 $0x40, s3;
	s5 =	simm.s32 @!p2 $0x100;
	s7 =	sand.u32 @!p2 $0x3FFF8, s6  }
0x29d: {  	s4 =	sadd.s32 $0x1, s4;
	s6 =	sand.u32 @!p2 $0x7, s6;
	s7 =	sadd.s32 @!p2 s1, s7  }
0x29e: {  	[hbm4b:s7+s6] =	stream.linear.scatter @!p2 [tilespmem:s3], [sflag:$0x7], $0x40, $0x38;
	[tilespmem:$0x1EF88] =	vst v63  }
.LBB2_56:
0x29f: {  	s0 =	sadd.s32 s2, s5  }
0x2a0: {  	s2 =	sshrl.u32 s0, $0x2  }
.LBB2_57:
0x2a1: {  	s0 =	simm.s32 $0x7  }
0x2a2: {  	_ =	swait.ge [sflag:s0], s2  }
0x2a3: {  	s1 =	ssub.s32 $0x0, s2;
	[sflag:s0] =	ssyncset.done $0x0  }
0x2a4: {  	[sflag:s0] =	ssyncadd.s32 s1  }
0x2a5: {  	[sflag:s0] =	ssyncpa.u1 $0x1  }
.LBB2_58:
0x2a6: {  	_ =	sfence;
	s0 =	simm.s32 $0x1  }
0x2a7: {  	[sflag:s0] =	ssyncpa.u1 $0x1  }
0x2a8: {  	_ =	strace $0x90000056  }
0x2a9: {  	[bflag:$0x2] =	sbarrier.arrive $0xFFFF  }
0x2aa: {  	s0 =	rddreg [dreg:$0x4]  }
0x2ab: {  	s0 =	sadd.s32 @!p0 $0x100000, s0  }
0x2ac: {  	[sflag:s0] =	ssyncadd.tile.s32 @!p0 $0x1;
	_ =	shalt  }
.Lfunc_end2:
_tile_overlayer_lowered:
.L_overlay_start_2:
0x2ad: {  	(tag) =	ssettag $0x2  }
0x2ae: {  	s0 =	rddreg [dreg:$0x0];
	s2 =	stileid.u32  }
0x2af: {  	s1 =	rddreg [dreg:$0x1];
	p0 =	sne.s32 s2, $0x0  }
0x2b0: {  	s3 =	rddreg [dreg:$0x2];
	[bflag:$0x3] =	sbarrier.arrive $0xFFFF;
	s2 =	simm.s32 @!p0 $0x1C01  }
0x2b1: {  	[timem:s3], [sflag:s2] =	dma.local @!p0 [hbm:s0], s1  }
0x2b2: {  	s0 =	simm.s32 @!p0 $0x1  }
0x2b3: {  	_ =	swait.ge @!p0 [sflag:s0], s1  }
0x2b4: {  	s1 =	ssub.s32 @!p0 $0x0, s1;
	[sflag:s0] =	ssyncset.done @!p0 $0x0  }
0x2b5: {  	[sflag:s0] =	ssyncadd.s32 @!p0 s1  }
0x2b6: {  	[bflag:$0x3] =	sbarrier.arrive $0xFFFF  }
0x2b7: {  	_ =	shalt  }

// kernel: scatter_offload_async_start
scs
__scs_entry_jumppad:
0x0: {  	(pc) =	sbr.rel $0x88, $3  }
0x1: {  	(tag) =	ssettag $0x0;
	lr =	simm.s32 $0x1  }
0x2: {  	[smem:$0x3F9A] =	sst lr;
	_ =	strace $0xD0000000  }
0x3: {  	_ = 	snop  }
0x4: {  	_ = 	snop  }
0x5: {  	_ = 	snop  }
0x6: {  	_ = 	snop  }
0x7: {  	_ = 	snop  }
__scs_overlays_trampoline_lowered:
0x8: {  	[smem:$0x3FA9] =	sst s0  }
0x9: {  	[smem:$0x3FAA] =	sst s1  }
0xa: {  	[smem:$0x3FAB] =	sst s2  }
0xb: {  	[smem:$0x3FAC] =	sst s3  }
0xc: {  	[smem:$0x3FAD] =	sst s4  }
0xd: {  	[smem:$0x3FAE] =	sst s5  }
0xe: {  	[smem:$0x3FAF] =	sst s6  }
0xf: {  	[smem:$0x3FB0] =	sst s7  }
0x10: {  	[smem:$0x3FB1] =	sst s8  }
0x11: {  	[smem:$0x3FB2] =	sst s9;
	s0 =	simm.s32 @!p0 $0x0  }
0x12: {  	s1 =	sld [smem:$0x3F98];
	s0 =	simm.s32 @p0 $0x1  }
0x13: {  	[smem:$0x3FB3] =	sst s0;
	s0 =	simm.s32 @!p1 $0x0  }
0x14: {  	s2 =	sld [smem:$0x3F97];
	s0 =	simm.s32 @p1 $0x1  }
0x15: {  	[smem:$0x3FB4] =	sst s0;
	s0 =	simm.s32 @!p2 $0x0  }
0x16: {  	s3 =	sld [smem:$0x3FDB];
	s0 =	simm.s32 @p2 $0x1  }
0x17: {  	s4 =	simm.s32 $0x1BF5;
	[smem:$0x3FB6] =	sst s0  }
0x18: {  	s0 =	sld [smem:$0x3F99];
	_ =	swait.ge [sflag:s4], $0x0  }
0x19: {  	s7 =	sld [smem:$0x3F9A]  }
0x1a: {  	s8 =	sadd.s32 $0xFFFFE003, lr  }
0x1b: {  	s9 =	sadd.s32 $0xFFFFFEF7, lr;
	s5 =	simm.s32 $0xFFFFFFFF;
	p2 =	slt.u32 s8, $0xFFFFF086  }
0x1c: {  	p1 =	slt.u32 s9, $0xF7A;
	s5 =	simm.s32 @!p2 $0x0  }
0x1d: {  	s5 =	simm.s32 @p1 $0x1;
	p0 =	seq.s32 s7, s2  }
0x1e: {  	s7 =	smul.u32 @!p0 $0xF7A, s2;
	p2 =	seq.s32 @!p0 s5, $0x0  }
0x1f: {  	s9 =	smul.u32 $0xF7A, s1;
	s8 =	simm.s32 @!p0 $0x1BF5;
	p2 =	por !p2, p0  }
0x20: {  	[sflag:s8] =	ssyncset.s32 @!p0 $0xFFFFF086;
	s6 =	sadd.s32 @!p0 s3, s7;
	s7 =	simm.s32 @!p0 $0x108  }
0x21: {  	s3 =	sadd.s32 s3, s9;
	s6 =	sadd.s32 @!p0 $0x88, s6;
	s7 =	simm.s32 @p2 $0x1082  }
0x22: {  	[simem:s7], [sflag:s8] =	dma.local @!p0 [hbm:s6], $0xF7A  }
0x23: {  	s9 =	sor.u32 $0xD0000000, s2;
	s6 =	simm.s32 $0x108;
	_ =	swait.ge @!p0 [sflag:s8], $0x0  }
0x24: {  	s3 =	sadd.s32 $0x88, s3;
	s6 =	simm.s32 @!p1 $0x1082;
	[sflag:s4] =	ssyncset.s32 $0xFFFFF086  }
0x25: {  	[simem:s6], [sflag:s4] =	dma.local [hbm:s3], $0xF7A  }
0x26: {  	[smem:$0x3F9A] =	sst s1;
	(tag) =	ssettag s2;
	_ =	strace s9  }
0x27: {  	s1 =	sld [smem:$0x3FAA]  }
0x28: {  	s2 =	sld [smem:$0x3FAB]  }
0x29: {  	s4 =	sld [smem:$0x3FAD]  }
0x2a: {  	p0 =	seq.s32 s5, $0x0;
	s5 =	sld [smem:$0x3FAE]  }
0x2b: {  	s6 =	sld [smem:$0x3FAF]  }
0x2c: {  	s7 =	sld [smem:$0x3FB0]  }
0x2d: {  	s3 =	simm.s32 $0x108;
	s8 =	sld [smem:$0x3FB1]  }
0x2e: {  	s3 =	simm.s32 @!p0 $0x1082;
	s9 =	sld [smem:$0x3FB2]  }
0x2f: {  	lr =	sadd.s32 s0, s3;
	s0 =	sld [smem:$0x3FA9]  }
0x30: {  	s3 =	sld [smem:$0x3FAC]  }
0x31: {  	[smem:$0x3FB5] =	sst s10  }
0x32: {  	s10 =	sld [smem:$0x3FB3];
	_ =	sdelay $0x3  }
0x33: {  	p0 =	seq.s32 s10, $0x1;
	s10 =	sld [smem:$0x3FB5];
	_ =	sdelay $0x3  }
0x34: {  	[smem:$0x3FB5] =	sst s10  }
0x35: {  	s10 =	sld [smem:$0x3FB4];
	_ =	sdelay $0x3  }
0x36: {  	p1 =	seq.s32 s10, $0x1;
	s10 =	sld [smem:$0x3FB5];
	_ =	sdelay $0x3  }
0x37: {  	[smem:$0x3FB5] =	sst s10  }
0x38: {  	s10 =	sld [smem:$0x3FB6]  }
0x39: {  	_ = 	snop;
	(pc) =	sbr.ind lr, $3  }
0x3a: {  	_ = 	snop  }
0x3b: {  	_ = 	snop  }
0x3c: {  	p2 =	seq.s32 s10, $0x1;
	s10 =	sld [smem:$0x3FB5]  }
0x3d: {  	_ =	shalt  }
0x3e: {  	_ =	shalt  }
0x3f: {  	_ =	shalt  }
0x40: {  	_ =	shalt  }
0x41: {  	_ =	shalt  }
0x42: {  	_ =	shalt  }
0x43: {  	_ =	shalt  }
0x44: {  	_ =	shalt  }
0x45: {  	_ =	shalt  }
0x46: {  	_ =	shalt  }
0x47: {  	_ =	shalt  }
0x48: {  	_ =	shalt  }
0x49: {  	_ =	shalt  }
0x4a: {  	_ =	shalt  }
0x4b: {  	_ =	shalt  }
0x4c: {  	_ =	shalt  }
0x4d: {  	_ =	shalt  }
0x4e: {  	_ =	shalt  }
0x4f: {  	_ =	shalt  }
0x50: {  	_ =	shalt  }
0x51: {  	_ =	shalt  }
0x52: {  	_ =	shalt  }
0x53: {  	_ =	shalt  }
0x54: {  	_ =	shalt  }
0x55: {  	_ =	shalt  }
0x56: {  	_ =	shalt  }
0x57: {  	_ =	shalt  }
0x58: {  	_ =	shalt  }
0x59: {  	_ =	shalt  }
0x5a: {  	_ =	shalt  }
0x5b: {  	_ =	shalt  }
0x5c: {  	_ =	shalt  }
0x5d: {  	_ =	shalt  }
0x5e: {  	_ =	shalt  }
0x5f: {  	_ =	shalt  }
0x60: {  	_ =	shalt  }
0x61: {  	_ =	shalt  }
0x62: {  	_ =	shalt  }
0x63: {  	_ =	shalt  }
0x64: {  	_ =	shalt  }
0x65: {  	_ =	shalt  }
0x66: {  	_ =	shalt  }
0x67: {  	_ =	shalt  }
0x68: {  	_ =	shalt  }
0x69: {  	_ =	shalt  }
0x6a: {  	_ =	shalt  }
0x6b: {  	_ =	shalt  }
0x6c: {  	_ =	shalt  }
0x6d: {  	_ =	shalt  }
0x6e: {  	_ =	shalt  }
0x6f: {  	_ =	shalt  }
0x70: {  	_ =	shalt  }
0x71: {  	_ =	shalt  }
0x72: {  	_ =	shalt  }
0x73: {  	_ =	shalt  }
0x74: {  	_ =	shalt  }
0x75: {  	_ =	shalt  }
0x76: {  	_ =	shalt  }
0x77: {  	_ =	shalt  }
0x78: {  	_ =	shalt  }
0x79: {  	_ =	shalt  }
0x7a: {  	_ =	shalt  }
0x7b: {  	_ =	shalt  }
0x7c: {  	_ =	shalt  }
0x7d: {  	_ =	shalt  }
0x7e: {  	_ =	shalt  }
0x7f: {  	_ =	shalt  }
0x80: {  	_ =	shalt  }
0x81: {  	_ =	shalt  }
0x82: {  	_ =	shalt  }
0x83: {  	_ =	shalt  }
0x84: {  	_ =	shalt  }
0x85: {  	_ =	shalt  }
0x86: {  	_ =	shalt  }
0x87: {  	_ =	shalt  }
.Lfunc_end0:
.L_simem_size_0:
called_computation_lowered:
.L_overlay_start_0:
0x88: {  	s2 =	sld [smem:$0x3FD9]  }
0x89: {  	s3 =	sld [smem:$0x3FFE];
	_ =	sdelay $0x1  }
0x8a: {  	s1 =	srdreg.scid  }
0x8b: {  	s0 =	sand.u32 $0x1, s1  }
0x8c: {  	s16 =	sshll.u32 s0, $0xA;
	s2 =	sadd.s32 s3, s2  }
0x8d: {  	s2 =	sadd.s32 s2, s16  }
0x8e: {  	[smem:$0x3FC1] =	sst s2  }
0x8f: {  	_ = 	snop  }
0x90: {  	s2 =	sld [smem:$0x3FD0];
	(tm) =	ssettm $0x1  }
0x91: {  	s17 =	sld [smem:$0x3FFB];
	_ =	sdelay $0x3  }
0x92: {  	_ =	strace s17  }
0x93: {  	s3 =	sld [smem:$0x3FFC];
	_ =	sdelay $0x3  }
0x94: {  	_ =	strace s3  }
0x95: {  	s3 =	sld [smem:$0x3FFD];
	_ =	sdelay $0x3  }
0x96: {  	_ =	strace s3  }
0x97: {  	_ =	strace $0x8FFFFFFF  }
0x98: {  	s18 =	sld [smem:$0x3FDB];
	_ =	sdelay $0x1  }
0x99: {  	s4 =	simm.s32 $_scs_section_size  }
0x9a: {  	s5 =	simm.s32 $_size__tile_overlayer_lowered;
	s6 =	simm.s32 $_tile_overlayer_lowered  }
0x9b: {  	s21 =	simm.s32 $0x1BFF;
	s20 =	sshll.u32 s6, $0x1;
	s3 =	sadd.s32 s4, s18  }
0x9c: {  	s7 =	simm.s32 $0x0;
	s19 =	sshll.u32 s5, $0x1;
	s5 =	sadd.s32 s20, s3  }
0x9d: {  	[timem:s7], [sflag:s21] =	dma.local [hbm:s5], s19  }
0x9e: {  	_ =	swait.ge [sflag:s21], s19  }
0x9f: {  	s4 =	ssub.s32 $0x0, s19;
	[sflag:s21] =	ssyncset.done $0x0  }
0xa0: {  	[sflag:s21] =	ssyncadd.s32 s4;
	_ =	sdelay $0x1  }
0xa1: {  	s22 =	simm.s32 $0x1B8B  }
0xa2: {  	_ =	swait.ge [sflag:s22], $0x1  }
0xa3: {  	[sflag:s22] =	ssyncset.done $0x0  }
0xa4: {  	s23 =	sld [smem:$0x3FFE];
	[sflag:s22] =	ssyncadd.s32 $0xFFFFFFFF  }
0xa5: {  	s25 =	simm.s32 $0x1B8E;
	s24 =	sld [smem:$0x0]  }
0xa6: {  	s26 =	simm.s32 $execute0_lowered;
	[smem:$0x3FD2] =	sst s25  }
0xa7: {  	s6 =	sshll.u32 s26, $0x1;
	_ =	strace $0x8000004C;
	[dreg:$0x1] =	wrdreg $0xFFFFFFFF  }
0xa8: {  	s28 =	simm.s32 $_size_execute0_lowered;
	s3 =	sadd.s32 s3, s6;
	[dreg:$0x0] =	wrdreg $0x0  }
0xa9: {  	s6 =	sshll.u32 s28, $0x1;
	[dreg:$0x2] =	wrdreg s3  }
0xaa: {  	[dreg:$0x3] =	wrdreg s6  }
0xab: {  	[dreg:$0x4] =	wrdreg $0xC0  }
0xac: {  	_ =	task [dreg:s7], $0x5FFFF  }
0xad: {  	[dreg:$0x1] =	wrdreg $0xFFFFFFFF  }
0xae: {  	[dreg:$0x0] =	wrdreg $0x60  }
0xaf: {  	[dreg:$0x2] =	wrdreg s23  }
0xb0: {  	[dreg:$0x3] =	wrdreg s2  }
0xb1: {  	[dreg:$0x4] =	wrdreg s1  }
0xb2: {  	[dreg:$0x5] =	wrdreg s24  }
0xb3: {  	[dreg:$0x6] =	wrdreg $0x9  }
0xb4: {  	_ =	task.clear_ibuf [dreg:s7], $0x7FFFF;
	_ =	strace $0x9000004C  }
0xb5: {  	s29 =	simm.s32 $0x9;
	_ =	strace $0x8000004E  }
0xb6: {  	_ =	swait.ge [sflag:s29], $0x1  }
0xb7: {  	[sflag:s29] =	ssyncadd.s32 $0xFFFFFFFF  }
0xb8: {  	_ =	strace $0x9000004E  }
0xb9: {  	_ =	sfence  }
0xba: {  	s30 =	sld [smem:$0x0];
	_ =	sdelay $0x2  }
0xbb: {  	s31 =	sshll.u32 s1, $0xD;
	s1 =	sshrl.u32 s1, $0x2  }
0xbc: {  	s3 =	sand.u32 $0x4000, s31;
	s1 =	sadd.s32 s1, s30  }
0xbd: {  	s0 =	sor.u32 s3, s0;
	s1 =	sshll.u32 s1, $0x11  }
0xbe: {  	s0 =	sor.u32 s1, s0  }
0xbf: {  	s0 =	sadd.s32 $0x8F2B, s0  }
0xc0: {  	[sflag:s0] =	ssyncadd.remote.s32 $0x1  }
0xc1: {  	_ =	sfence.sel $0xFFFF  }
0xc2: {  	[dreg:$0x0] =	wrdreg $0xFFFFFFFF;
	(pc) =	sbr.abs _section_cstart, $3  }
0xc3: {  	[dreg:$0x1] =	wrdreg $0xFFFFFFFF  }
0xc4: {  	_ =	task.clear_ibuf [dreg:s7], $0x2FFFF;
	_ =	strace $0x9FFFFFFF  }
0xc5: {  	(tm) =	ssettm $0x7FFFFFFF  }
tec
execute0_lowered:
.L_overlay_start_1:
0x0: {  	(tag) =	ssettag $0x1  }
0x1: {  	s2 =	rddreg [dreg:$0x0]  }
0x2: {  	s15 =	rddreg [dreg:$0x1]  }
0x3: {  	s3 =	rddreg [dreg:$0x2];
	_ =	strace $0x8000004D;
	s0 =	simm.s32 $0x1  }
0x4: {  	v0 =	vimm.s32 $0x0;
	[sflag:s0] =	ssyncpa.u1 $0x0;
	s0 =	simm.s32 $0x108  }
0x5: {  	[tilespmem:s0+$0x70] =	vst v0  }
0x6: {  	[tilespmem:s0+$0x60] =	vst v0  }
0x7: {  	[tilespmem:s0+$0x50] =	vst v0  }
0x8: {  	[tilespmem:s0+$0x40] =	vst v0  }
0x9: {  	[tilespmem:s0+$0x30] =	vst v0  }
0xa: {  	s1 =	sadd.s32 $0x2E3800, s2;
	s6 =	sadd.s32 $0xCA7800, s2;
	[tilespmem:s0+$0x20] =	vst v0  }
0xb: {  	s14 =	sadd.s32 $0x22800, s2;
	s5 =	sand.u32 $0x1, s3;
	s3 =	simm.s32 $0x40;
	[tilespmem:s0+$0x10] =	vst v0  }
.LBB2_1:
0xc: {  	s3 =	sadd.s32 $0x40, s3;
	[tilespmem:s0+$0x0] =	vst v0;
	s0 =	sadd.s32 $0x80, s0  }
0xd: {  	p0 =	slt.u32 s3, $0x3C40;
	[tilespmem:s0+$0x70] =	vst v0  }
0xe: {  	[tilespmem:s0+$0x60] =	vst v0  }
.Ltmp0:
0xf: {  	[tilespmem:s0+$0x50] =	vst v0;
	(pc) =	sbr.rel @p0 .LBB2_1-.Ltmp0, $4  }
0x10: {  	[tilespmem:s0+$0x40] =	vst v0  }
0x11: {  	[tilespmem:s0+$0x30] =	vst v0  }
0x12: {  	[tilespmem:s0+$0x20] =	vst v0  }
0x13: {  	[tilespmem:s0+$0x10] =	vst v0  }
0x14: {  	s9 =	stileid.u32  }
0x15: {  	s2 =	smul.u32 $0x3E, s9  }
0x16: {  	s3 =	smin.u32 s9, $0x8  }
0x17: {  	s2 =	sadd.s32 s3, s2  }
0x18: {  	p0 =	slt.u32 s9, $0x8;
	s7 =	smul.u32 $0xF0, s2;
	s2 =	simm.s32 $0x3B10  }
0x19: {  	s2 =	simm.s32 @!p0 $0x3A20  }
0x1a: {  	s2 =	sadd.s32 s2, s7  }
0x1b: {  	s8 =	smin.u32 s2, $0x3A980  }
0x1c: {  	s2 =	ssub.s32 s8, s7  }
0x1d: {  	p0 =	sgt.s32 s2, $0x0  }
0x1e: {  	s29 =	simm.s32 $0x2;
	s10 =	simm.s32 $0x9;
	s2 =	simm.s32 @!p0 $0x0  }
0x1f: {  	s4 =	simm.s32 $0xA;
	s11 =	simm.s32 $0xB;
	s28 =	smulhi.u32 $0x88888889, s2  }
0x20: {  	[dreg:$0x5] =	wrdreg s5;
	s31 =	smul.u32 $0x7530, s5;
	s12 =	simm.s32 $0x1  }
0x21: {  	s22 =	simm.s32 $0x0;
	s18 =	simm.s32 $0xC;
	s30 =	sshrl.u32 s28, $0x7  }
0x22: {  	s20 =	simm.s32 $0x0;
	s21 =	simm.s32 $0x0;
	s3 =	smul.u32 $0xF0, s30  }
.Ltmp1:
0x23: {  	[tilespmem:s0+$0x0] =	vst v0;
	v0 =	vimm.s32 $0xFFFFFFFF;
	[sflag:s29] =	ssyncpa.u1 $0x0;
	s16 =	sshll.u32 s9, $0x8;
	(pc) =	sbr.rel .LBB2_3-.Ltmp1, $4  }
0x24: {  	[tilespmem:$0xF208] =	vst v0;
	[sflag:s10] =	ssyncpa.u1 $0x0;
	p0 =	sne.s32 s2, s3;
	s2 =	simm.s32 $0x1  }
0x25: {  	s14 =	sadd.s32 s31, s14;
	[sflag:s4] =	ssyncpa.u1 $0x0;
	s2 =	simm.s32 @!p0 $0x0  }
0x26: {  	s15 =	sadd.s32 s31, s15;
	[sflag:s11] =	ssyncpa.u1 $0x0;
	s13 =	sadd.s32 s2, s30  }
0x27: {  	v0 =	vlaneseq.u32;
	s19 =	smov.u32 s7;
	p0 =	por $0x0, $0x0;
	s17 =	sadd.s32 $0x1, s13  }
.LBB2_18:
0x28: {  	s0 =	sshrl.u32 s31, $0x2  }
.LBB2_20:
0x29: {  	_ =	swait.ge [sflag:s18], s0  }
0x2a: {  	s31 =	ssub.s32 $0x0, s0;
	v1 =	vmov s24;
	vm0 =	veq.s32 v0, $0x0;
	[sflag:s18] =	ssyncset.done $0x0  }
0x2b: {  	vm15 =	veq.s32 v0, $0x2;
	v1 =	vsel vm0, s30, v1;
	[sflag:s18] =	ssyncadd.s32 s31  }
0x2c: {  	v1 =	vsel vm15, s22, v1;
	[sflag:s18] =	ssyncpa.u1 $0x1  }
0x2d: {  	[tilespmem:$0xF208] =	vst v1  }
.LBB2_21:
0x2e: {  	s0 =	sadd.s32 $0xF0, s19  }
0x2f: {  	s2 =	smov.u32 s7;
	p1 =	slt.s32 s0, s8  }
0x30: {  	s2 =	smov.u32 @p1 s0;
	p1 =	sne.s32 s21, s17  }
.Ltmp2:
0x31: {  	_ = 	snop;
	(pc) =	sbr.rel @!p1 .LBB2_22-.Ltmp2, $3  }
0x32: {  	_ =	sdelay $0x1  }
0x33: {  	s22 =	smov.u32 s20;
	s31 =	sadd.s32 $0x1, s21;
	s20 =	smov.u32 s19  }
0x34: {  	p0 =	por !p0, !p0;
	s21 =	smov.u32 s31;
	s19 =	smov.u32 s2  }
.LBB2_3:
0x35: {  	p1 =	sge.u32 s21, s13  }
0x36: {  	s0 =	smulhi.u32 @!p1 $0xAAAAAAAB, s21  }
0x37: {  	s2 =	smov.u32 s19;
	p2 =	sgt.s32 @!p1 s19, $0x3A890  }
0x38: {  	s3 =	sshra.s32 @!p1 s19, $0x1F;
	p2 =	por !p2, p1;
	s0 =	sshrl.u32 @!p1 s0, $0x1  }
0x39: {  	s3 =	sand.u32 @!p1 s3, s19;
	s2 =	simm.s32 @p2 $0x3A890;
	s0 =	smul.u32 @!p1 $0x3, s0  }
0x3a: {  	s2 =	ssub.s32 @!p1 s2, s3  }
0x3b: {  	s2 =	sadd.s32 @!p1 $0xFFFC5770, s2;
	s0 =	ssub.s32 @!p1 s21, s0  }
0x3c: {  	s3 =	sshll.u32 @!p1 s2, $0x2;
	p2 =	sgt.s32 @!p1 s2, $0xEF;
	s0 =	smul.u32 @!p1 $0x3C0, s0  }
0x3d: {  	s4 =	sand.u32 @!p1 $0x7, s19;
	s2 =	ssub.s32 @!p1 $0x3C0, s3;
	p2 =	por !p2, p1  }
0x3e: {  	s3 =	sshrl.u32 @!p1 s19, $0x3;
	s2 =	sshrl.u32 @!p1 s2, $0x2;
	s0 =	sshrl.u32 @!p1 s0, $0x2  }
0x3f: {  	s3 =	sadd.s32 @!p1 s3, s14;
	s2 =	simm.s32 @!p2 $0x0;
	s0 =	sadd.s32 @!p1 $0x10248, s0  }
0x40: {  	[tilespmem:s0], [sflag:$0xA] =	stream.linear.gather @!p1 [hbm4b:s3+s4], s2, $0x38;
	[tilespmem:$0x1F6F8] =	vst v63  }
0x41: {  	s0 =	sadd.s32 $0xFFFFFFFF, s21  }
0x42: {  	p1 =	sge.u32 s0, s13  }
0x43: {  	p2 =	sgt.s32 @!p1 s20, $0x3A890  }
0x44: {  	s2 =	smov.u32 s20;
	s3 =	sshra.s32 @!p1 s20, $0x1F;
	p2 =	por !p2, p1  }
0x45: {  	s3 =	sand.u32 @!p1 s3, s20;
	s2 =	simm.s32 @p2 $0x3A890  }
0x46: {  	s2 =	ssub.s32 @!p1 s2, s3  }
0x47: {  	s2 =	sadd.s32 @!p1 $0xFFFC5770, s2  }
0x48: {  	s4 =	smulhi.u32 @!p1 $0xAAAAAAAB, s0;
	s5 =	sand.u32 @!p1 $0x1, s0;
	s3 =	sshll.u32 @!p1 s2, $0x2  }
0x49: {  	s24 =	smul.u32 @!p1 $0x3C0, s5;
	p2 =	sgt.s32 @!p1 s2, $0xEF;
	s2 =	ssub.s32 @!p1 $0x3C0, s3  }
0x4a: {  	p2 =	por !p2, p1;
	s3 =	sshrl.u32 @!p1 s4, $0x1;
	s2 =	sshrl.u32 @!p1 s2, $0x2  }
0x4b: {  	s4 =	simm.s32 @!p1 $0xA;
	s3 =	smul.u32 @!p1 $0x3, s3;
	s2 =	simm.s32 @!p2 $0x0  }
0x4c: {  	s5 =	smul.u32 @!p1 $0x1E000, s5;
	_ =	swait.ge @!p1 [sflag:s4], s2;
	s23 =	ssub.s32 @!p1 $0x0, s2  }
0x4d: {  	s0 =	ssub.s32 @!p1 s0, s3;
	s3 =	sshrl.u32 @!p1 s20, $0x3;
	[sflag:s4] =	ssyncset.done @!p1 $0x0  }
0x4e: {  	s3 =	sadd.s32 @!p1 s3, s15;
	[sflag:s4] =	ssyncadd.s32 @!p1 s23;
	s4 =	sshrl.u32 @!p1 s24, $0x2  }
0x4f: {  	s0 =	smul.u32 @!p1 $0x3C0, s0;
	s23 =	sand.u32 @!p1 $0x7, s20;
	s4 =	sadd.s32 @!p1 $0x10518, s4  }
0x50: {  	[tilespmem:s4], [sflag:$0xB] =	stream.linear.gather @!p1 [hbm4b:s3+s23], s2, $0x38;
	[tilespmem:$0x1F6F8] =	vst v63  }
0x51: {  	s0 =	sshrl.u32 @!p1 s0, $0x2;
	s2 =	sshrl.u32 @!p1 s5, $0x2  }
0x52: {  	s0 =	sadd.s32 @!p1 $0x10248, s0;
	s3 =	simm.s32 @!p1 $0xF0;
	s2 =	sor.u32 @!p1 $0x106F8, s2  }
0x53: {  	[tilespmem:s2], [sflag:$0x9] =	stream.indirect.gather @!p1 [hbm4b:s6+s3], $0x80, s0, s3, $0xb8;
	[tilespmem:$0x1F6F8] =	vst v63  }
0x54: {  	p1 =	slt.u32 s21, $0x2  }
.Ltmp3:
0x55: {  	_ = 	snop;
	(pc) =	sbr.rel @p1 .LBB2_21-.Ltmp3, $1  }
0x56: {  	_ =	sdelay $0x3  }
0x57: {  	p1 =	sgt.s32 s22, $0x3A890;
	s0 =	smov.u32 s22;
	s2 =	sshra.s32 s22, $0x1F  }
0x58: {  	s0 =	simm.s32 @!p1 $0x3A890;
	s2 =	sand.u32 s2, s22  }
0x59: {  	s0 =	ssub.s32 s0, s2  }
0x5a: {  	s0 =	sadd.s32 $0xFFFC5770, s0  }
0x5b: {  	s29 =	sshll.u32 s0, $0x2  }
0x5c: {  	_ =	swait.ge [sflag:s10], $0x7800;
	s2 =	ssub.s32 $0x3C0, s29  }
0x5d: {  	[sflag:s10] =	ssyncset.done $0x0;
	p1 =	sgt.s32 s0, $0xEF;
	s0 =	sshrl.u32 s2, $0x2  }
0x5e: {  	[sflag:s10] =	ssyncadd.s32 $0xFFFF8800;
	s0 =	simm.s32 @p1 $0x0  }
0x5f: {  	_ =	swait.ge [sflag:s11], s0  }
0x60: {  	s0 =	ssub.s32 $0x0, s0;
	[sflag:s11] =	ssyncset.done $0x0  }
0x61: {  	[sflag:s11] =	ssyncadd.s32 s0  }
0x62: {  	v1 =	vld [tilespmem:$0xF208];
	_ =	sdelay $0x4  }
0x63: {  	(v2sf) =	vpush v1, $0x0  }
0x64: {  	(v2sf) =	vpush v1, $0x1  }
0x65: {  	(v2sf) =	vpush v1, $0x2;
	_ =	sdelay $0x3  }
0x66: {  	s0 =	sadd.s32 $0xF0, s22  }
0x67: {  	s2 =	ssub.s32 $0x75300, s22;
	p1 =	slt.s32 s8, s0  }
0x68: {  	s0 =	smov.u32 @p1 s8;
	p1 =	sgt.s32 s2, $0x0  }
0x69: {  	s26 =	ssub.s32 s0, s22;
	s2 =	simm.s32 @!p1 $0x0  }
0x6a: {  	p1 =	slt.s32 s2, s26  }
0x6b: {  	s26 =	smov.u32 @p1 s2  }
0x6c: {  	s25 =	simm.s32 $0x1;
	p1 =	slt.s32 s26, $0x1  }
.Ltmp4:
0x6d: {  	s25 =	simm.s32 @!p0 $0x0;
	(pc) =	sbr.rel @p1 .LBB2_8-.Ltmp4, $4  }
0x6e: {  	s31 =	smul.u32 $0x3C0, s25  }
0x6f: {  	s28 =	spop (v2sf)  }
0x70: {  	s0 =	sshrl.u32 s31, $0x2;
	s30 =	spop (v2sf)  }
0x71: {  	s23 =	sadd.s32 $0x10518, s0;
	s22 =	spop (v2sf)  }
0x72: {  	s0 =	smin.u32 s26, $0x10  }
0x73: {  	v1 =	vmov s0  }
0x74: {  	p2 =	sgt.s32 s26, $0x10;
	vm1 =	vgt.u32 v1, v0  }
.Ltmp5:
0x75: {  	_ = 	snop;
	(pc) =	sbr.rel @!p2 .LBB2_7-.Ltmp5, $2  }
0x76: {  	_ =	sdelay $0x2  }
0x77: {  	s4 =	simm.s32 $0x10;
	s24 =	sadd.s32 $0xFFFFFFF0, s26;
	s0 =	smov.u32 s23;
	vm0 =	vmmov vm1  }
.LBB2_6:
0x78: {  	s2 =	smin.u32 s24, $0x10;
	s4 =	sadd.s32 $0x10, s4;
	v1 =	vld.msk [tilespmem:s0+$0x0 ss:$0x1], vm1  }
0x79: {  	v2 =	vmov s2;
	p2 =	slt.s32 s4, s26  }
0x7a: {  	vm1 =	vgt.u32 v2, v0  }
.Ltmp6:
0x7b: {  	(pc) =	sbr.rel @p2 .LBB2_6-.Ltmp6, $3  }
0x7c: {  	_ =	sdelay $0x1  }
0x7d: {  	v1 =	vshll.u32 v1, $0x4  }
0x7e: {  	s24 =	sadd.s32 $0xFFFFFFF0, s24;
	[tilespmem:s0+$0x0] =	vst.msk vm0, v1;
	s0 =	sadd.s32 $0x10, s0;
	vm0 =	vmmov vm1  }
.LBB2_7:
0x7f: {  	_ =	sdelay $0x4  }
0x80: {  	v1 =	vld.msk [tilespmem:s0+$0x0 ss:$0x1], vm1;
	_ =	sdelay $0x4  }
0x81: {  	v1 =	vshll.u32 v1, $0x4  }
0x82: {  	[tilespmem:s0+$0x0] =	vst.msk vm0, v1  }
.LBB2_8:
0x83: {  	s0 =	sand.u32 $0x1, s21  }
0x84: {  	s0 =	smul.u32 $0xF0, s0  }
0x85: {  	p2 =	sne.s32 s30, $0xFFFFFFFF  }
0x86: {  	v1 =	vld.msk @!p2 [tilespmem:s0+$0x10518], $0x1;
	_ =	sdelay $0x4  }
0x87: {  	(v2sf) =	vpush @!p2 v1, $0x0;
	_ =	sdelay $0xc  }
.Ltmp7:
0x88: {  	_ = 	snop;
	(pc) =	sbr.rel @p1 .LBB2_19-.Ltmp7, $4  }
0x89: {  	_ = 	snop  }
0x8a: {  	s29 =	spop @!p2 (v2sf)  }
0x8b: {  	s22 =	simm.s32 @!p2 $0x0;
	s24 =	smov.u32 s29  }
0x8c: {  	[sflag:s18] =	ssyncpa.u1 $0x0;
	s29 =	smov.u32 @p2 s28;
	s24 =	smov.u32 @p2 s30  }
0x8d: {  	v1 =	vld.msk [tilespmem:s23+$0x0], $0x1;
	_ =	sdelay $0x4  }
0x8e: {  	(v2sf) =	vpush v1, $0x0;
	_ =	sdelay $0xe  }
0x8f: {  	s2 =	smul.u32 $0x1E000, s25;
	s0 =	spop (v2sf)  }
0x90: {  	s26 =	ssub.s32 $0x0, s26;
	p1 =	seq.s32 s29, s0  }
0x91: {  	s30 =	sadd.s32 $0x1, s26;
	s2 =	sshrl.u32 s2, $0x2;
	p2 =	sgt.s32 @!p1 s29, $0x0  }
0x92: {  	s25 =	sor.u32 $0x10738, s2;
	s2 =	smov.u32 s29;
	p2 =	por !p2, p1  }
0x93: {  	s2 =	simm.s32 @p2 $0x0;
	p2 =	seq.s32 s30, $0x0  }
.Ltmp8:
0x94: {  	_ = 	snop;
	(pc) =	sbr.rel @p2 .LBB2_11-.Ltmp8, $4  }
0x95: {  	_ = 	snop  }
0x96: {  	s28 =	simm.s32 $0x0;
	s31 =	sadd.s32 $0x1, s23;
	s2 =	smin.u32 @!p1 s2, $0x270FF0  }
0x97: {  	s4 =	simm.s32 @!p1 $0x1;
	s5 =	simm.s32 @!p1 $0x7988;
	s3 =	sand.u32 @!p1 $0x3FFFF8, s2  }
0x98: {  	s4 =	smov.u32 @p1 s28;
	s2 =	sand.u32 @!p1 $0x7, s2;
	s3 =	sadd.s32 @!p1 s1, s3  }
.LBB2_10:
0x99: {  	s9 =	smov.u32 s4  }
0x9a: {  	[tilespmem:s5], [sflag:$0x2] =	stream.linear.gather @!p1 [hbm4b:s3+s2], $0x80, $0x38;
	[tilespmem:$0x1F6F8] =	vst v63  }
0x9b: {  	s30 =	sadd.s32 $0x1, s30;
	s2 =	smov.u32 s0;
	v1 =	vld.msk [tilespmem:s31+$0x0], $0x1  }
0x9c: {  	p2 =	seq.s32 s30, $0x0;
	_ =	sdelay $0x3  }
0x9d: {  	(v2sf) =	vpush v1, $0x0;
	_ =	sdelay $0xe  }
0x9e: {  	s0 =	spop (v2sf)  }
0x9f: {  	p1 =	seq.s32 s2, s0  }
0xa0: {  	p3 =	sgt.s32 @!p1 s2, $0x0;
	s3 =	sshll.u32 @!p1 s4, $0x9;
	s4 =	sadd.s32 @!p1 $0x1, s4  }
.Ltmp9:
0xa1: {  	p3 =	por !p3, p1;
	s3 =	sshra.s32 @!p1 s3, $0x2;
	(pc) =	sbr.rel @!p2 .LBB2_10-.Ltmp9, $4  }
0xa2: {  	s4 =	smov.u32 @p1 s9;
	s2 =	simm.s32 @p3 $0x0;
	s5 =	sadd.s32 @!p1 $0x7988, s3  }
0xa3: {  	s2 =	smin.u32 @!p1 s2, $0x270FF0  }
0xa4: {  	s3 =	sand.u32 @!p1 $0x3FFFF8, s2;
	s2 =	sand.u32 @!p1 $0x7, s2  }
0xa5: {  	s31 =	sadd.s32 $0x1, s31;
	s3 =	sadd.s32 @!p1 s1, s3  }
.LBB2_11:
0xa6: {  	[tilespmem:s5], [sflag:$0x2] =	stream.linear.gather @!p1 [hbm4b:s3+s2], $0x80, $0x38;
	[tilespmem:$0x1F6F8] =	vst v63  }
.Ltmp10:
0xa7: {  	s0 =	sshll.u32 s4, $0x7;
	(pc) =	sbr.rel .LBB2_12-.Ltmp10, $4  }
0xa8: {  	s30 =	simm.s32 $0x2;
	s0 =	sand.u32 $0x3FFFFF80, s0  }
0xa9: {  	_ =	swait.ge [sflag:s30], s0  }
0xaa: {  	s0 =	ssub.s32 $0x0, s0;
	[sflag:s30] =	ssyncset.done $0x0  }
0xab: {  	s31 =	simm.s32 $0x0;
	[sflag:s30] =	ssyncadd.s32 s0  }
.LBB2_13:
0xac: {  	v1 =	vld [tilespmem:s25+$0xFFFFFFC0];
	_ =	sdelay $0x3  }
0xad: {  	s0 =	sshra.s32 s0, $0x2  }
0xae: {  	[tilespmem:s0+$0x108] =	vst.add.f32.msk $0xffff, v1  }
0xaf: {  	v1 =	vld [tilespmem:s25+$0xFFFFFFD0];
	_ =	sdelay $0x4  }
0xb0: {  	[tilespmem:s0+$0x118] =	vst.add.f32.msk $0xffff, v1  }
0xb1: {  	v1 =	vld [tilespmem:s25+$0xFFFFFFE0];
	_ =	sdelay $0x4  }
0xb2: {  	[tilespmem:s0+$0x128] =	vst.add.f32.msk $0xffff, v1  }
0xb3: {  	v1 =	vld [tilespmem:s25+$0xFFFFFFF0];
	_ =	sdelay $0x4  }
0xb4: {  	[tilespmem:s0+$0x138] =	vst.add.f32.msk $0xffff, v1  }
0xb5: {  	v1 =	vld [tilespmem:s25+$0x0];
	_ =	sdelay $0x4  }
0xb6: {  	[tilespmem:s0+$0x148] =	vst.add.f32.msk $0xffff, v1  }
0xb7: {  	v1 =	vld [tilespmem:s25+$0x10];
	_ =	sdelay $0x4  }
0xb8: {  	[tilespmem:s0+$0x158] =	vst.add.f32.msk $0xffff, v1  }
0xb9: {  	v1 =	vld [tilespmem:s25+$0x20];
	_ =	sdelay $0x4  }
0xba: {  	[tilespmem:s0+$0x168] =	vst.add.f32.msk $0xffff, v1  }
0xbb: {  	v1 =	vld [tilespmem:s25+$0x30];
	_ =	sdelay $0x4  }
0xbc: {  	[tilespmem:s0+$0x178] =	vst.add.f32.msk $0xffff, v1  }
.LBB2_17:
0xbd: {  	s26 =	sadd.s32 $0x1, s26  }
0xbe: {  	p1 =	seq.s32 s26, $0x0  }
.Ltmp11:
0xbf: {  	_ = 	snop;
	(pc) =	sbr.rel @p1 .LBB2_18-.Ltmp11, $2  }
0xc0: {  	_ =	sdelay $0x2  }
0xc1: {  	s23 =	sadd.s32 $0x1, s23;
	s25 =	sadd.s32 $0x80, s25;
	s29 =	smov.u32 s30  }
.LBB2_12:
0xc2: {  	v1 =	vld.msk [tilespmem:s23+$0x0], $0x1;
	_ =	sdelay $0x4  }
0xc3: {  	(v2sf) =	vpush v1, $0x0;
	_ =	sdelay $0xe  }
0xc4: {  	s30 =	spop (v2sf)  }
0xc5: {  	p1 =	sne.s32 s29, s30  }
.Ltmp12:
0xc6: {  	_ = 	snop;
	(pc) =	sbr.rel @!p1 .LBB2_13-.Ltmp12, $2  }
0xc7: {  	_ =	sdelay $0x2  }
0xc8: {  	s0 =	sshll.u32 s22, $0x9  }
0xc9: {  	p1 =	seq.s32 s29, s24  }
.Ltmp13:
0xca: {  	_ = 	snop;
	(pc) =	sbr.rel @!p1 .LBB2_15-.Ltmp13, $1  }
0xcb: {  	_ =	sdelay $0x3  }
0xcc: {  	s0 =	sshra.s32 s0, $0x2  }
.Ltmp14:
0xcd: {  	s0 =	sadd.s32 $0x108, s0;
	(pc) =	sbr.rel .LBB2_16-.Ltmp14, $4  }
0xce: {  	[spmem:s16] =	stream.linear.scatter [tilespmem:s0], [sflag:$0x1], $0x80, $0x38;
	[tilespmem:$0x1F6F8] =	vst v63  }
0xcf: {  	_ =	swait.ge [sflag:s12], $0x80  }
0xd0: {  	[sflag:s12] =	ssyncset.done $0x0  }
0xd1: {  	[sflag:s12] =	ssyncadd.s32 $0xFFFFFF80  }
.LBB2_15:
0xd2: {  	s2 =	sshll.u32 s28, $0x9  }
0xd3: {  	s2 =	sshra.s32 s2, $0x2  }
0xd4: {  	v1 =	vld [tilespmem:s2+$0x7988];
	_ =	sdelay $0x3  }
0xd5: {  	s0 =	sshra.s32 s0, $0x2  }
0xd6: {  	[tilespmem:s0+$0x108] =	vst.add.f32.msk $0xffff, v1  }
0xd7: {  	v1 =	vld [tilespmem:s2+$0x7998];
	_ =	sdelay $0x4  }
0xd8: {  	[tilespmem:s0+$0x118] =	vst.add.f32.msk $0xffff, v1  }
0xd9: {  	v1 =	vld [tilespmem:s2+$0x79A8];
	_ =	sdelay $0x4  }
0xda: {  	[tilespmem:s0+$0x128] =	vst.add.f32.msk $0xffff, v1  }
0xdb: {  	v1 =	vld [tilespmem:s2+$0x79B8];
	_ =	sdelay $0x4  }
0xdc: {  	[tilespmem:s0+$0x138] =	vst.add.f32.msk $0xffff, v1  }
0xdd: {  	v1 =	vld [tilespmem:s2+$0x79C8];
	_ =	sdelay $0x4  }
0xde: {  	[tilespmem:s0+$0x148] =	vst.add.f32.msk $0xffff, v1  }
0xdf: {  	v1 =	vld [tilespmem:s2+$0x79D8];
	_ =	sdelay $0x4  }
0xe0: {  	[tilespmem:s0+$0x158] =	vst.add.f32.msk $0xffff, v1  }
0xe1: {  	v1 =	vld [tilespmem:s2+$0x79E8];
	_ =	sdelay $0x4  }
0xe2: {  	[tilespmem:s0+$0x168] =	vst.add.f32.msk $0xffff, v1  }
0xe3: {  	v1 =	vld [tilespmem:s2+$0x79F8];
	_ =	sdelay $0x2  }
0xe4: {  	p1 =	sgt.u32 s29, $0x270FF0  }
0xe5: {  	s2 =	sand.u32 @!p1 $0x3FFFF8, s29  }
0xe6: {  	s3 =	sadd.s32 $0x108, s0;
	[tilespmem:s0+$0x178] =	vst.add.f32.msk $0xffff, v1;
	s0 =	sadd.s32 @!p1 s1, s2;
	s2 =	sand.u32 @!p1 $0x7, s29  }
0xe7: {  	[hbm4b:s0+s2] =	stream.linear.scatter @!p1 [tilespmem:s3], [sflag:$0xC], $0x80, $0x38;
	[tilespmem:$0x1F6F8] =	vst v63  }
0xe8: {  	s0 =	simm.s32 $0x0  }
0xe9: {  	s0 =	simm.s32 @!p1 $0x200  }
0xea: {  	s31 =	sadd.s32 s0, s31  }
.LBB2_16:
0xeb: {  	s0 =	sadd.s32 $0x1, s22  }
0xec: {  	s2 =	smulhi.u32 $0x88888889, s0;
	_ =	sdelay $0x1  }
0xed: {  	v1 =	vld [tilespmem:s25+$0xFFFFFFC0];
	s2 =	sshrl.u32 s2, $0x7  }
0xee: {  	s2 =	smul.u32 $0xF0, s2;
	_ =	sdelay $0x1  }
0xef: {  	s22 =	ssub.s32 s0, s2  }
0xf0: {  	s0 =	sshll.u32 s22, $0x7  }
0xf1: {  	[tilespmem:s0+$0x108] =	vst v1  }
0xf2: {  	v1 =	vld [tilespmem:s25+$0xFFFFFFD0];
	_ =	sdelay $0x4  }
0xf3: {  	[tilespmem:s0+$0x118] =	vst v1  }
0xf4: {  	v1 =	vld [tilespmem:s25+$0xFFFFFFE0];
	_ =	sdelay $0x4  }
0xf5: {  	[tilespmem:s0+$0x128] =	vst v1  }
0xf6: {  	v1 =	vld [tilespmem:s25+$0xFFFFFFF0];
	_ =	sdelay $0x4  }
0xf7: {  	[tilespmem:s0+$0x138] =	vst v1  }
0xf8: {  	v1 =	vld [tilespmem:s25+$0x0];
	_ =	sdelay $0x4  }
0xf9: {  	[tilespmem:s0+$0x148] =	vst v1  }
0xfa: {  	v1 =	vld [tilespmem:s25+$0x10];
	_ =	sdelay $0x4  }
0xfb: {  	[tilespmem:s0+$0x158] =	vst v1  }
0xfc: {  	v1 =	vld [tilespmem:s25+$0x20];
	_ =	sdelay $0x4  }
0xfd: {  	[tilespmem:s0+$0x168] =	vst v1  }
0xfe: {  	v1 =	vld [tilespmem:s25+$0x30]  }
.Ltmp15:
0xff: {  	_ = 	snop;
	(pc) =	sbr.rel .LBB2_17-.Ltmp15, $2  }
0x100: {  	_ =	sdelay $0x2  }
0x101: {  	s28 =	sadd.s32 $0x1, s28;
	[tilespmem:s0+$0x178] =	vst v1  }
.LBB2_19:
.Ltmp16:
0x102: {  	(pc) =	sbr.rel .LBB2_20-.Ltmp16, $4  }
0x103: {  	_ = 	snop  }
0x104: {  	s0 =	simm.s32 $0x2  }
0x105: {  	_ =	swait.ge [sflag:s0], $0x0  }
0x106: {  	s30 =	smov.u32 s29;
	[sflag:s0] =	ssyncset.done $0x0;
	s0 =	simm.s32 $0x0  }
.LBB2_22:
0x107: {  	_ =	sfence.sel $0x180000  }
0x108: {  	s0 =	simm.s32 $0x9;
	[bflag:$0x0] =	sbarrier.arrive $0xFFFF  }
0x109: {  	s24 =	simm.s32 $0xA;
	[sflag:s0] =	ssyncpa.u1 $0x1  }
0x10a: {  	s25 =	simm.s32 $0xB;
	[sflag:s24] =	ssyncpa.u1 $0x1  }
0x10b: {  	s26 =	simm.s32 $0x2;
	[sflag:s25] =	ssyncpa.u1 $0x1  }
0x10c: {  	[sflag:s26] =	ssyncpa.u1 $0x1  }
0x10d: {  	v0 =	vld [tilespmem:$0xF208];
	_ =	sdelay $0x4  }
0x10e: {  	(v2sf) =	vpush v0, $0x0  }
0x10f: {  	(v2sf) =	vpush v0, $0x1;
	_ =	sdelay $0x1  }
0x110: {  	(v2sf) =	vpush v0, $0x2;
	_ =	sdelay $0xb  }
0x111: {  	s0 =	spop (v2sf)  }
0x112: {  	s2 =	spop (v2sf)  }
0x113: {  	s3 =	smov.u32 s0;
	p0 =	sne.s32 s0, s2  }
0x114: {  	s4 =	spop (v2sf);
	s3 =	simm.s32 @!p0 $0xFFFFFFFF  }
0x115: {  	v2 =	vimm.s32 $0x1;
	v3 =	vlaneseq.u32;
	p0 =	seq.s32 s4, $0xFFFFFFFF;
	v1 =	vmov s3  }
0x116: {  	s16 =	stileid.u32;
	v0 =	vperm.xlane v0, v2;
	p1 =	sne.s32 @!p0 s0, s2;
	v1 =	vperm.xlane v1, v3  }
0x117: {  	vm0 =	vcmask $0x3F04;
	s6 =	simm.s32 $0xF208;
	s0 =	simm.s32 @!p0 $0x1;
	p1 =	por !p1, p0  }
0x118: {  	s3 =	sshll.u32 s16, $0x1;
	s2 =	sshll.u32 @!p0 s4, $0x9;
	s0 =	simm.s32 @p1 $0x0;
	v0 =	vsel vm0, v1, v0  }
0x119: {  	s5 =	sor.u32 $0x1000, s3;
	s2 =	sshra.s32 @!p0 s2, $0x2;
	s0 =	sor.u32 @!p0 s0, s3;
	[tilespmem:$0xF208] =	vst v0  }
0x11a: {  	[spmem:s5] =	stream.linear.scatter [tilespmem:s6], [sflag:$0x1], $0x2, $0x38;
	[tilespmem:$0x1F6F8] =	vst v63  }
0x11b: {  	s2 =	sadd.s32 @!p0 $0x108, s2;
	s0 =	sshll.u32 @!p0 s0, $0x7  }
0x11c: {  	[spmem:s0] =	stream.linear.scatter @!p0 [tilespmem:s2], [sflag:$0x1], $0x80, $0x38;
	[tilespmem:$0x1F6F8] =	vst v63  }
0x11d: {  	s0 =	simm.s32 @!p0 $0x82  }
0x11e: {  	s28 =	simm.s32 $0x1;
	s0 =	simm.s32 @p0 $0x2  }
0x11f: {  	_ =	swait.ge [sflag:s28], s0  }
0x120: {  	s0 =	ssub.s32 $0x0, s0;
	[sflag:s28] =	ssyncset.done $0x0  }
0x121: {  	p0 =	sne.s32 s16, $0x0;
	[sflag:s28] =	ssyncadd.s32 s0  }
.Ltmp17:
0x122: {  	_ =	sfence.stream.spmem;
	(pc) =	sbr.rel @p0 .LBB2_39-.Ltmp17, $4  }
0x123: {  	s29 =	simm.s32 $0x3;
	[bflag:$0x0] =	sbarrier.arrive $0xFFFF  }
0x124: {  	s30 =	simm.s32 $0x4;
	[sflag:s29] =	ssyncpa.u1 $0x1  }
0x125: {  	s31 =	simm.s32 $0x3C;
	[sflag:s30] =	ssyncpa.u1 $0x1  }
0x126: {  	s15 =	rddreg [dreg:$0x5];
	[sflag:s31] =	ssyncpa.u1 $0x1  }
0x127: {  	_ =	sfence.stream.spmem;
	s0 =	simm.s32 $0x5  }
0x128: {  	s2 =	simm.s32 $0x1000;
	s3 =	simm.s32 $0xF218;
	[sflag:s0] =	ssyncpa.u1 $0x0  }
0x129: {  	[tilespmem:s3], [sflag:$0x5] =	stream.linear.gather [spmem:s2], $0x20, $0x38;
	[tilespmem:$0x1F6F8] =	vst v63  }
0x12a: {  	s26 =	simm.s32 $0x0;
	s28 =	simm.s32 $0xF238  }
0x12b: {  	[tilespmem:s28], [sflag:$0x5] =	stream.linear.gather [spmem:s26], $0x1000, $0x38;
	[tilespmem:$0x1F6F8] =	vst v63  }
0x12c: {  	_ =	swait.ge [sflag:s0], $0x1020  }
0x12d: {  	[sflag:s0] =	ssyncset.done $0x0  }
0x12e: {  	s29 =	simm.s32 $0x0;
	[sflag:s0] =	ssyncadd.s32 $0xFFFFEFE0  }
0x12f: {  	v0 =	vld.msk [tilespmem:s29+$0xF218], $0x1;
	_ =	sdelay $0x1  }
0x130: {  	s30 =	simm.s32 $0x1  }
0x131: {  	v1 =	vld.msk [tilespmem:s30+$0xF218], $0x1;
	_ =	sdelay $0x1  }
0x132: {  	(v2sf) =	vpush v0, $0x0;
	_ =	sdelay $0x2  }
0x133: {  	(v2sf) =	vpush v1, $0x0;
	_ =	sdelay $0x2  }
0x134: {  	s31 =	simm.s32 $0x2  }
0x135: {  	v0 =	vld.msk [tilespmem:s31+$0xF218], $0x1;
	_ =	sdelay $0x2  }
0x136: {  	s4 =	simm.s32 $0xFFFFFFFF;
	s5 =	simm.s32 $0xFFFFFFFF;
	s0 =	simm.s32 $0xC  }
.LBB2_24:
0x137: {  	s2 =	smov.u32 s5;
	s3 =	smov.u32 s4  }
0x138: {  	s4 =	sshra.s32 s0, $0x2;
	p1 =	sne.s32 s0, $0x7C;
	s0 =	sadd.s32 $0x4, s0;
	(v2sf) =	vpush v0, $0x0  }
0x139: {  	v0 =	vld.msk [tilespmem:s4+$0xF218], $0x1  }
.Ltmp18:
0x13a: {  	(pc) =	sbr.rel @p1 .LBB2_24-.Ltmp18, $4  }
0x13b: {  	s5 =	spop (v2sf)  }
0x13c: {  	p2 =	sne.s32 s3, $0xFFFFFFFF;
	s4 =	smov.u32 s5  }
0x13d: {  	p3 =	seq.s32 s5, $0xFFFFFFFF;
	s4 =	smov.u32 @p2 s3  }
0x13e: {  	s5 =	smov.u32 @p3 s2;
	s4 =	smov.u32 @p3 s3  }
0x13f: {  	(v2sf) =	vpush v0, $0x0;
	_ =	sdelay $0x8  }
0x140: {  	s0 =	spop (v2sf)  }
0x141: {  	p1 =	sne.s32 s4, $0xFFFFFFFF;
	s2 =	smov.u32 s0  }
0x142: {  	s9 =	simm.s32 $0x6;
	p2 =	seq.s32 s0, $0xFFFFFFFF;
	s2 =	smov.u32 @p1 s4  }
0x143: {  	s6 =	simm.s32 $0x0;
	s2 =	smov.u32 @p2 s4;
	s3 =	spop (v2sf)  }
0x144: {  	s0 =	smov.u32 @p2 s5;
	p1 =	sne.s32 s2, $0xFFFFFFFF;
	s4 =	smov.u32 s3  }
.Ltmp19:
0x145: {  	p2 =	seq.s32 s3, $0xFFFFFFFF;
	s4 =	smov.u32 @p1 s2;
	(pc) =	sbr.rel .LBB2_26-.Ltmp19, $4  }
0x146: {  	s10 =	simm.s32 $0xF188;
	s4 =	smov.u32 @p2 s2;
	s7 =	spop (v2sf)  }
0x147: {  	s11 =	simm.s32 $0x0;
	p1 =	sne.s32 s4, $0xFFFFFFFF;
	s8 =	smov.u32 s7  }
0x148: {  	s3 =	smov.u32 @p2 s0;
	p2 =	seq.s32 s7, $0xFFFFFFFF;
	s8 =	smov.u32 @p1 s4  }
0x149: {  	[sflag:s9] =	ssyncpa.u1 $0x0;
	s7 =	smov.u32 @p2 s3;
	s8 =	smov.u32 @p2 s4  }
.LBB2_32:
0x14a: {  	p1 =	sgt.u32 s12, $0x270FF0  }
0x14b: {  	p2 =	seq.s32 @!p1 s12, s8  }
0x14c: {  	p1 =	por p1, p2  }
0x14d: {  	p2 =	sne.s32 @!p1 s12, s7  }
0x14e: {  	p1 =	por p1, !p2  }
0x14f: {  	s0 =	sshll.u32 @p1 s11, $0x9  }
0x150: {  	s0 =	sand.u32 @!p1 $0x3FFFF8, s12  }
0x151: {  	s2 =	sand.u32 @!p1 $0x7, s12;
	s0 =	sadd.s32 @!p1 s1, s0  }
0x152: {  	[tilespmem:s10], [sflag:$0x6] =	stream.linear.gather @!p1 [hbm4b:s0+s2], $0x80, $0x38;
	[tilespmem:$0x1F6F8] =	vst v63  }
0x153: {  	_ =	swait.ge @!p1 [sflag:s9], $0x80  }
0x154: {  	[sflag:s9] =	ssyncset.done @!p1 $0x0  }
0x155: {  	[sflag:s9] =	ssyncadd.s32 @!p1 $0xFFFFFF80  }
0x156: {  	v1 =	vld @!p1 [tilespmem:$0xF188];
	_ =	sdelay $0x2  }
0x157: {  	s0 =	sshll.u32 @!p1 s11, $0x9  }
0x158: {  	s2 =	sshrl.u32 @!p1 s0, $0x2  }
0x159: {  	[tilespmem:s2+$0xF238] =	vst.add.f32.msk @!p1 $0xffff, v1  }
0x15a: {  	v1 =	vld @!p1 [tilespmem:$0xF198];
	_ =	sdelay $0x4  }
0x15b: {  	[tilespmem:s2+$0xF248] =	vst.add.f32.msk @!p1 $0xffff, v1  }
0x15c: {  	v1 =	vld @!p1 [tilespmem:$0xF1A8];
	_ =	sdelay $0x4  }
0x15d: {  	[tilespmem:s2+$0xF258] =	vst.add.f32.msk @!p1 $0xffff, v1  }
0x15e: {  	v1 =	vld @!p1 [tilespmem:$0xF1B8];
	_ =	sdelay $0x4  }
0x15f: {  	[tilespmem:s2+$0xF268] =	vst.add.f32.msk @!p1 $0xffff, v1  }
0x160: {  	v1 =	vld @!p1 [tilespmem:$0xF1C8];
	_ =	sdelay $0x4  }
0x161: {  	[tilespmem:s2+$0xF278] =	vst.add.f32.msk @!p1 $0xffff, v1  }
0x162: {  	v1 =	vld @!p1 [tilespmem:$0xF1D8];
	_ =	sdelay $0x4  }
0x163: {  	[tilespmem:s2+$0xF288] =	vst.add.f32.msk @!p1 $0xffff, v1  }
0x164: {  	v1 =	vld @!p1 [tilespmem:$0xF1E8];
	_ =	sdelay $0x4  }
0x165: {  	[tilespmem:s2+$0xF298] =	vst.add.f32.msk @!p1 $0xffff, v1  }
0x166: {  	v1 =	vld @!p1 [tilespmem:$0xF1F8];
	_ =	sdelay $0x4  }
0x167: {  	[tilespmem:s2+$0xF2A8] =	vst.add.f32.msk @!p1 $0xffff, v1  }
0x168: {  	s0 =	sshrl.u32 s0, $0x2;
	[tilespmem:s6+$0xF218] =	vst.msk $0x1, v0  }
0x169: {  	v0 =	vld [tilespmem:s0+$0xF238];
	_ =	sdelay $0x2  }
0x16a: {  	s31 =	sshll.u32 s6, $0x9  }
0x16b: {  	s2 =	sshra.s32 s31, $0x2  }
0x16c: {  	[tilespmem:s2+$0xF238] =	vst v0  }
0x16d: {  	v0 =	vld [tilespmem:s0+$0xF248];
	_ =	sdelay $0x4  }
0x16e: {  	[tilespmem:s2+$0xF248] =	vst v0  }
0x16f: {  	v0 =	vld [tilespmem:s0+$0xF258];
	_ =	sdelay $0x4  }
0x170: {  	[tilespmem:s2+$0xF258] =	vst v0  }
0x171: {  	v0 =	vld [tilespmem:s0+$0xF268];
	_ =	sdelay $0x4  }
0x172: {  	[tilespmem:s2+$0xF268] =	vst v0  }
0x173: {  	v0 =	vld [tilespmem:s0+$0xF278];
	_ =	sdelay $0x4  }
0x174: {  	[tilespmem:s2+$0xF278] =	vst v0  }
0x175: {  	v0 =	vld [tilespmem:s0+$0xF288];
	_ =	sdelay $0x4  }
0x176: {  	[tilespmem:s2+$0xF288] =	vst v0  }
0x177: {  	v0 =	vld [tilespmem:s0+$0xF298];
	_ =	sdelay $0x4  }
0x178: {  	[tilespmem:s2+$0xF298] =	vst v0  }
0x179: {  	v0 =	vld [tilespmem:s0+$0xF2A8];
	_ =	sdelay $0x4  }
0x17a: {  	s6 =	sadd.s32 $0x1, s6;
	[tilespmem:s2+$0xF2A8] =	vst v0  }
.LBB2_33:
0x17b: {  	s11 =	sadd.s32 $0x1, s11  }
0x17c: {  	p1 =	sne.s32 s11, $0x20  }
.Ltmp20:
0x17d: {  	_ = 	snop;
	(pc) =	sbr.rel @!p1 .LBB2_34-.Ltmp20, $1  }
0x17e: {  	_ =	sdelay $0x3  }
.LBB2_26:
0x17f: {  	v0 =	vld.msk [tilespmem:s11+$0xF218], $0x1;
	_ =	sdelay $0x4  }
0x180: {  	(v2sf) =	vpush v0, $0x0;
	_ =	sdelay $0xe  }
0x181: {  	s12 =	spop (v2sf)  }
0x182: {  	p1 =	seq.s32 s12, $0xFFFFFFFF  }
.Ltmp21:
0x183: {  	_ = 	snop;
	(pc) =	sbr.rel @p1 .LBB2_33-.Ltmp21, $1  }
0x184: {  	_ =	sdelay $0x3  }
0x185: {  	p1 =	slt.s32 s6, $0x1  }
.Ltmp22:
0x186: {  	_ = 	snop;
	(pc) =	sbr.rel @p1 .LBB2_32-.Ltmp22, $1  }
0x187: {  	_ =	sdelay $0x3  }
0x188: {  	s13 =	simm.s32 $0xF218;
	p1 =	por $0x0, $0x0  }
0x189: {  	v1 =	vld.msk @!p1 [tilespmem:s13+$0x0], $0x1;
	_ =	sdelay $0x4  }
0x18a: {  	(v2sf) =	vpush @!p1 v1, $0x0;
	_ =	sdelay $0xd  }
0x18b: {  	p3 =	sne.s32 s6, $0x1  }
.Ltmp23:
0x18c: {  	s0 =	spop @!p1 (v2sf);
	(pc) =	sbr.rel @!p3 .LBB2_30-.Ltmp23, $4  }
0x18d: {  	p2 =	seq.s32 @!p1 s12, s0  }
0x18e: {  	s14 =	simm.s32 $0x0;
	p2 =	por !p2, p1  }
0x18f: {  	s2 =	simm.s32 $0xFFFFFFFF;
	s14 =	simm.s32 @p2 $0xFFFFFFFF  }
0x190: {  	s0 =	simm.s32 $0x1;
	s14 =	smov.u32 @p1 s2  }
.LBB2_29:
0x191: {  	s2 =	smov.u32 s14;
	p1 =	sne.s32 s14, $0xFFFFFFFF  }
0x192: {  	s13 =	sadd.s32 $0x1, s13;
	s14 =	smov.u32 s0;
	s0 =	sadd.s32 $0x1, s0  }
0x193: {  	p2 =	sne.s32 s6, s0;
	v1 =	vld.msk @!p1 [tilespmem:s13+$0x0], $0x1;
	_ =	sdelay $0x4  }
0x194: {  	(v2sf) =	vpush @!p1 v1, $0x0;
	_ =	sdelay $0xe  }
.Ltmp24:
0x195: {  	s3 =	spop @!p1 (v2sf);
	(pc) =	sbr.rel @p2 .LBB2_29-.Ltmp24, $4  }
0x196: {  	p3 =	seq.s32 @!p1 s12, s3  }
0x197: {  	p3 =	por !p3, p1  }
0x198: {  	s14 =	simm.s32 @p3 $0xFFFFFFFF  }
0x199: {  	s14 =	smov.u32 @p1 s2  }
.LBB2_30:
0x19a: {  	p1 =	seq.s32 s14, $0xFFFFFFFF  }
.Ltmp25:
0x19b: {  	_ = 	snop;
	(pc) =	sbr.rel @p1 .LBB2_32-.Ltmp25, $1  }
0x19c: {  	_ =	sdelay $0x3  }
0x19d: {  	s0 =	sshll.u32 s11, $0x7  }
0x19e: {  	s0 =	sand.u32 $0x3FFFFF80, s0  }
0x19f: {  	v0 =	vld [tilespmem:s0+$0xF238];
	_ =	sdelay $0x2  }
0x1a0: {  	s2 =	sshll.u32 s14, $0x9  }
0x1a1: {  	s2 =	sshra.s32 s2, $0x2  }
0x1a2: {  	[tilespmem:s2+$0xF238] =	vst.add.f32.msk $0xffff, v0  }
0x1a3: {  	v0 =	vld [tilespmem:s0+$0xF248];
	_ =	sdelay $0x4  }
0x1a4: {  	[tilespmem:s2+$0xF248] =	vst.add.f32.msk $0xffff, v0  }
0x1a5: {  	v0 =	vld [tilespmem:s0+$0xF258];
	_ =	sdelay $0x4  }
0x1a6: {  	[tilespmem:s2+$0xF258] =	vst.add.f32.msk $0xffff, v0  }
0x1a7: {  	v0 =	vld [tilespmem:s0+$0xF268];
	_ =	sdelay $0x4  }
0x1a8: {  	[tilespmem:s2+$0xF268] =	vst.add.f32.msk $0xffff, v0  }
0x1a9: {  	v0 =	vld [tilespmem:s0+$0xF278];
	_ =	sdelay $0x4  }
0x1aa: {  	[tilespmem:s2+$0xF278] =	vst.add.f32.msk $0xffff, v0  }
0x1ab: {  	v0 =	vld [tilespmem:s0+$0xF288];
	_ =	sdelay $0x4  }
0x1ac: {  	[tilespmem:s2+$0xF288] =	vst.add.f32.msk $0xffff, v0  }
0x1ad: {  	v0 =	vld [tilespmem:s0+$0xF298];
	_ =	sdelay $0x4  }
0x1ae: {  	[tilespmem:s2+$0xF298] =	vst.add.f32.msk $0xffff, v0  }
0x1af: {  	v0 =	vld [tilespmem:s0+$0xF2A8]  }
.Ltmp26:
0x1b0: {  	_ = 	snop;
	(pc) =	sbr.rel .LBB2_33-.Ltmp26, $2  }
0x1b1: {  	_ =	sdelay $0x2  }
0x1b2: {  	[tilespmem:s2+$0xF2A8] =	vst.add.f32.msk $0xffff, v0  }
.LBB2_34:
0x1b3: {  	s0 =	simm.s32 $0x6;
	p1 =	seq.s32 s6, $0x0  }
0x1b4: {  	[sflag:s0] =	ssyncpa.u1 $0x1;
	v0 =	vimm.s32 @p1 $0xFFFFFFFF  }
0x1b5: {  	s9 =	sadd.s32 $0xFFFFFFFF, s6;
	[tilespmem:$0x10238] =	vst @p1 v0  }
0x1b6: {  	v0 =	vld.msk @!p1 [tilespmem:s9+$0xF218], $0x1;
	_ =	sdelay $0x1  }
0x1b7: {  	v1 =	vld.msk @!p1 [tilespmem:$0xF218], $0x1;
	_ =	sdelay $0x2  }
0x1b8: {  	p2 =	seq.s32 @!p1 s9, $0x0;
	v0 =	vbroadcast @!p1 v0, $0x0  }
0x1b9: {  	vm0 =	vmmov @!p1 $0x1;
	p2 =	por !p2, p1  }
0x1ba: {  	v1 =	vnsel @!p1 vm0, $0xFFFFFFFF, v1;
	vm0 =	vcmask @!p1 $0x308;
	v0 =	vpsel !p2, $0xFFFFFFFF, v0  }
0x1bb: {  	p2 =	sne.s32 @!p1 s8, s7;
	v0 =	vsel @!p1 vm0, v1, v0  }
0x1bc: {  	s0 =	simm.s32 @!p1 $0xF238;
	s2 =	simm.s32 @!p1 $0x0;
	p3 =	por !p2, p1;
	[tilespmem:$0x10238] =	vst @!p1 v0  }
0x1bd: {  	[spmem:s2] =	stream.linear.scatter @!p1 [tilespmem:s0], [sflag:$0x1], $0x80, $0x38;
	[tilespmem:$0x1F6F8] =	vst v63  }
0x1be: {  	s0 =	sshll.u32 @!p3 s9, $0x9  }
0x1bf: {  	s0 =	sshra.s32 @!p3 s0, $0x2  }
0x1c0: {  	s2 =	simm.s32 @!p3 $0x80;
	s0 =	sadd.s32 @!p3 $0xF238, s0  }
0x1c1: {  	[spmem:s2] =	stream.linear.scatter @!p3 [tilespmem:s0], [sflag:$0x1], $0x80, $0x38;
	[tilespmem:$0x1F6F8] =	vst v63  }
0x1c2: {  	s0 =	simm.s32 @!p3 $0x1  }
0x1c3: {  	_ =	swait.ge @!p3 [sflag:s0], $0x100  }
0x1c4: {  	p1 =	por p2, p1;
	[sflag:s0] =	ssyncset.done @!p3 $0x0  }
0x1c5: {  	[sflag:s0] =	ssyncadd.s32 @!p3 $0xFFFFFF00;
	s0 =	simm.s32 @!p1 $0x1  }
0x1c6: {  	_ =	swait.ge @!p1 [sflag:s0], $0x80  }
0x1c7: {  	s29 =	simm.s32 $0x10238;
	[sflag:s0] =	ssyncset.done @!p1 $0x0  }
0x1c8: {  	s30 =	simm.s32 $0x1000;
	s31 =	simm.s32 $0x1;
	[sflag:s0] =	ssyncadd.s32 @!p1 $0xFFFFFF80  }
0x1c9: {  	[spmem:s30] =	stream.linear.scatter [tilespmem:s29], [sflag:$0x1], $0x10, $0x38;
	[tilespmem:$0x1F6F8] =	vst v63  }
0x1ca: {  	_ =	swait.ge [sflag:s31], $0x10  }
0x1cb: {  	[sflag:s31] =	ssyncset.done $0x0  }
0x1cc: {  	p1 =	seq.s32 s15, $0x0;
	s8 =	rddreg [dreg:$0x2];
	[sflag:s31] =	ssyncadd.s32 $0xFFFFFFF0  }
0x1cd: {  	s2 =	sshll.u32 @p1 s8, $0xE;
	s7 =	rddreg [dreg:$0x3]  }
0x1ce: {  	s0 =	sadd.s32 @p1 $0x15C3C, s2;
	s2 =	sshll.u32 @p1 s7, $0x11  }
0x1cf: {  	_ =	sfence.stream.spmem;
	s0 =	sor.u32 @p1 s2, s0  }
0x1d0: {  	[sflag:s0] =	ssyncadd.remote.s32 @p1 $0x1;
	s0 =	simm.s32 @p1 $0x4  }
0x1d1: {  	s3 =	simm.s32 @!p1 $0x3C;
	s2 =	sand.u32 $0xFFFFFFFE, s8;
	_ =	swait.ge @p1 [sflag:s0], $0x22  }
0x1d2: {  	s4 =	simm.s32 @!p1 $0x0;
	s2 =	sadd.s32 @!p1 $0x4, s2;
	[sflag:s0] =	ssyncset.done @p1 $0x0  }
0x1d3: {  	s5 =	simm.s32 @!p1 $0x100;
	[sflag:s0] =	ssyncadd.s32 @p1 $0xFFFFFFDE;
	s0 =	sshll.u32 @!p1 s2, $0x1A  }
0x1d4: {  	s2 =	sshll.u32 @!p1 s2, $0xD;
	s0 =	sor.u32 @!p1 s0, s7;
	_ =	swait.eq @!p1 [sflag:s3], $0x1  }
0x1d5: {  	s2 =	sor.u32 @!p1 $0x1C04, s2;
	s3 =	simm.s32 @!p1 $0x1C03;
	s0 =	sor.u32 @!p1 $0x80004000, s0  }
0x1d6: {  	[spmem:s5], [sflag:s2] =	dma.general @!p1 [spmem:s4], [sflag:s3], length:$0x20, [dreg:$0x0], stride_count:$0x0, ici_dest:s0, dma_misc:DstOpCode:WRITE  }
0x1d7: {  	p2 =	slt.s32 s9, $0x2;
	s4 =	simm.s32 @!p1 $0x200;
	s5 =	simm.s32 @!p1 $0x202  }
0x1d8: {  	[spmem:s5], [sflag:s2] =	dma.general @!p1 [spmem:s4], [sflag:s3], length:$0x2, [dreg:$0x0], stride_count:$0x0, ici_dest:s0, dma_misc:DstOpCode:WRITE  }
.Ltmp27:
0x1d9: {  	s0 =	simm.s32 @!p1 $0x3;
	(pc) =	sbr.rel @p2 .LBB2_38-.Ltmp27, $4  }
0x1da: {  	s2 =	sshll.u32 @!p1 s8, $0xE;
	_ =	swait.ge @!p1 [sflag:s0], $0x22  }
0x1db: {  	s3 =	sshll.u32 @!p1 s7, $0x11;
	s2 =	sadd.s32 @!p1 $0x11C3C, s2;
	[sflag:s0] =	ssyncset.done @!p1 $0x0  }
0x1dc: {  	[sflag:s0] =	ssyncadd.s32 @!p1 $0xFFFFFFDE;
	s0 =	sor.u32 @!p1 s3, s2  }
0x1dd: {  	[sflag:s0] =	ssyncadd.remote.s32 @!p1 $0xFFFFFFFF;
	s0 =	simm.s32 $0x0  }
0x1de: {  	s0 =	simm.s32 $0xF219  }
0x1df: {  	v0 =	vld.msk [tilespmem:s0+$0x0], $0x1;
	_ =	sdelay $0x4  }
0x1e0: {  	(v2sf) =	vpush v0, $0x0;
	_ =	sdelay $0xb  }
0x1e1: {  	s31 =	sadd.s32 $0xFFFFFFFE, s6  }
0x1e2: {  	s0 =	sadd.s32 $0xFFFFFFFF, s31  }
0x1e3: {  	p2 =	sne.s32 s0, $0x0  }
.Ltmp28:
0x1e4: {  	s2 =	spop (v2sf);
	(pc) =	sbr.rel @!p2 .LBB2_37-.Ltmp28, $4  }
0x1e5: {  	s4 =	simm.s32 $0xF2B8;
	s7 =	simm.s32 $0x0;
	p1 =	sgt.u32 s2, $0x270FF0  }
0x1e6: {  	s5 =	simm.s32 $0x0;
	s6 =	simm.s32 $0xF21A;
	s3 =	sand.u32 @!p1 $0x3FFFF8, s2  }
0x1e7: {  	s2 =	sand.u32 @!p1 $0x7, s2;
	s7 =	simm.s32 @!p1 $0x200;
	s3 =	sadd.s32 @!p1 s1, s3  }
0x1e8: {  	[hbm4b:s3+s2] =	stream.linear.scatter @!p1 [tilespmem:s4], [sflag:$0x5], $0x80, $0x38;
	[tilespmem:$0x1F6F8] =	vst v63  }
.LBB2_36:
0x1e9: {  	v0 =	vld.msk [tilespmem:s6+$0x0], $0x1;
	s0 =	sadd.s32 $0xFFFFFFFF, s0;
	s5 =	sadd.s32 s5, s7  }
0x1ea: {  	p1 =	sne.s32 s0, $0x0;
	_ =	sdelay $0x3  }
0x1eb: {  	(v2sf) =	vpush v0, $0x0;
	_ =	sdelay $0xe  }
.Ltmp29:
0x1ec: {  	s2 =	spop (v2sf);
	(pc) =	sbr.rel @p1 .LBB2_36-.Ltmp29, $4  }
0x1ed: {  	s7 =	simm.s32 $0x0;
	p2 =	sgt.u32 s2, $0x270FF0  }
0x1ee: {  	s4 =	sadd.s32 $0x80, s4;
	s7 =	simm.s32 @!p2 $0x200;
	s3 =	sand.u32 @!p2 $0x3FFFF8, s2  }
0x1ef: {  	s6 =	sadd.s32 $0x1, s6;
	s2 =	sand.u32 @!p2 $0x7, s2;
	s3 =	sadd.s32 @!p2 s1, s3  }
0x1f0: {  	[hbm4b:s3+s2] =	stream.linear.scatter @!p2 [tilespmem:s4], [sflag:$0x5], $0x80, $0x38;
	[tilespmem:$0x1F6F8] =	vst v63  }
.LBB2_37:
0x1f1: {  	s0 =	sadd.s32 s5, s7  }
0x1f2: {  	s0 =	sshrl.u32 s0, $0x2  }
.LBB2_38:
0x1f3: {  	s2 =	simm.s32 $0x5  }
0x1f4: {  	_ =	swait.ge [sflag:s2], s0  }
0x1f5: {  	s31 =	ssub.s32 $0x0, s0;
	[sflag:s2] =	ssyncset.done $0x0  }
0x1f6: {  	[sflag:s2] =	ssyncadd.s32 s31  }
0x1f7: {  	[sflag:s2] =	ssyncpa.u1 $0x1  }
.LBB2_39:
0x1f8: {  	s0 =	sor.u32 s15, s16  }
0x1f9: {  	p1 =	sne.s32 s0, $0x0  }
.Ltmp30:
0x1fa: {  	_ = 	snop;
	(pc) =	sbr.rel @p1 .LBB2_54-.Ltmp30, $3  }
0x1fb: {  	_ =	sdelay $0x1  }
0x1fc: {  	[bflag:$0x0] =	sbarrier.arrive $0xFFFF  }
0x1fd: {  	_ =	sfence  }
0x1fe: {  	s0 =	simm.s32 $0x7  }
0x1ff: {  	s2 =	simm.s32 $0x1000;
	s3 =	simm.s32 $0xF218;
	[sflag:s0] =	ssyncpa.u1 $0x0  }
0x200: {  	[tilespmem:s3], [sflag:$0x7] =	stream.linear.gather [spmem:s2], $0x20, $0x38;
	[tilespmem:$0x1F6F8] =	vst v63  }
0x201: {  	s30 =	simm.s32 $0xF238;
	s2 =	simm.s32 $0x0  }
0x202: {  	[tilespmem:s30], [sflag:$0x7] =	stream.linear.gather [spmem:s2], $0x1000, $0x38;
	[tilespmem:$0x1F6F8] =	vst v63  }
.Ltmp31:
0x203: {  	_ = 	snop;
	(pc) =	sbr.rel .LBB2_41-.Ltmp31, $4  }
0x204: {  	_ =	swait.ge [sflag:s0], $0x1020  }
0x205: {  	[sflag:s0] =	ssyncset.done $0x0  }
0x206: {  	s31 =	simm.s32 $0x8;
	[sflag:s0] =	ssyncadd.s32 $0xFFFFEFE0  }
0x207: {  	s3 =	simm.s32 $0x0;
	[sflag:s31] =	ssyncpa.u1 $0x0  }
.LBB2_47:
0x208: {  	p1 =	slt.u32 s4, $0x270FF1  }
0x209: {  	s0 =	sand.u32 @p1 $0x3FFFF8, s4  }
0x20a: {  	s4 =	sand.u32 @p1 $0x7, s4;
	s5 =	simm.s32 @p1 $0xF188;
	s0 =	sadd.s32 @p1 s1, s0  }
0x20b: {  	[tilespmem:s5], [sflag:$0x8] =	stream.linear.gather @p1 [hbm4b:s0+s4], $0x80, $0x38;
	[tilespmem:$0x1F6F8] =	vst v63  }
0x20c: {  	s0 =	simm.s32 @p1 $0x8  }
0x20d: {  	_ =	swait.ge @p1 [sflag:s0], $0x80  }
0x20e: {  	[sflag:s0] =	ssyncset.done @p1 $0x0  }
0x20f: {  	[sflag:s0] =	ssyncadd.s32 @p1 $0xFFFFFF80  }
0x210: {  	v1 =	vld @p1 [tilespmem:$0xF188];
	_ =	sdelay $0x2  }
0x211: {  	s0 =	sshll.u32 @p1 s3, $0x9  }
0x212: {  	s4 =	sshrl.u32 @p1 s0, $0x2  }
0x213: {  	[tilespmem:s4+$0xF238] =	vst.add.f32.msk @p1 $0xffff, v1  }
0x214: {  	v1 =	vld @p1 [tilespmem:$0xF198];
	_ =	sdelay $0x4  }
0x215: {  	[tilespmem:s4+$0xF248] =	vst.add.f32.msk @p1 $0xffff, v1  }
0x216: {  	v1 =	vld @p1 [tilespmem:$0xF1A8];
	_ =	sdelay $0x4  }
0x217: {  	[tilespmem:s4+$0xF258] =	vst.add.f32.msk @p1 $0xffff, v1  }
0x218: {  	v1 =	vld @p1 [tilespmem:$0xF1B8];
	_ =	sdelay $0x4  }
0x219: {  	[tilespmem:s4+$0xF268] =	vst.add.f32.msk @p1 $0xffff, v1  }
0x21a: {  	v1 =	vld @p1 [tilespmem:$0xF1C8];
	_ =	sdelay $0x4  }
0x21b: {  	[tilespmem:s4+$0xF278] =	vst.add.f32.msk @p1 $0xffff, v1  }
0x21c: {  	v1 =	vld @p1 [tilespmem:$0xF1D8];
	_ =	sdelay $0x4  }
0x21d: {  	[tilespmem:s4+$0xF288] =	vst.add.f32.msk @p1 $0xffff, v1  }
0x21e: {  	v1 =	vld @p1 [tilespmem:$0xF1E8];
	_ =	sdelay $0x4  }
0x21f: {  	[tilespmem:s4+$0xF298] =	vst.add.f32.msk @p1 $0xffff, v1  }
0x220: {  	v1 =	vld @p1 [tilespmem:$0xF1F8];
	_ =	sdelay $0x3  }
0x221: {  	s5 =	sshll.u32 @!p1 s3, $0x9  }
0x222: {  	s5 =	smov.u32 @p1 s0;
	[tilespmem:s4+$0xF2A8] =	vst.add.f32.msk @p1 $0xffff, v1  }
0x223: {  	s0 =	sshrl.u32 s5, $0x2;
	[tilespmem:s2+$0xF218] =	vst.msk $0x1, v0  }
0x224: {  	v0 =	vld [tilespmem:s0+$0xF238];
	_ =	sdelay $0x2  }
0x225: {  	s31 =	sshll.u32 s2, $0x9  }
0x226: {  	s4 =	sshra.s32 s31, $0x2  }
0x227: {  	[tilespmem:s4+$0xF238] =	vst v0  }
0x228: {  	v0 =	vld [tilespmem:s0+$0xF248];
	_ =	sdelay $0x4  }
0x229: {  	[tilespmem:s4+$0xF248] =	vst v0  }
0x22a: {  	v0 =	vld [tilespmem:s0+$0xF258];
	_ =	sdelay $0x4  }
0x22b: {  	[tilespmem:s4+$0xF258] =	vst v0  }
0x22c: {  	v0 =	vld [tilespmem:s0+$0xF268];
	_ =	sdelay $0x4  }
0x22d: {  	[tilespmem:s4+$0xF268] =	vst v0  }
0x22e: {  	v0 =	vld [tilespmem:s0+$0xF278];
	_ =	sdelay $0x4  }
0x22f: {  	[tilespmem:s4+$0xF278] =	vst v0  }
0x230: {  	v0 =	vld [tilespmem:s0+$0xF288];
	_ =	sdelay $0x4  }
0x231: {  	[tilespmem:s4+$0xF288] =	vst v0  }
0x232: {  	v0 =	vld [tilespmem:s0+$0xF298];
	_ =	sdelay $0x4  }
0x233: {  	[tilespmem:s4+$0xF298] =	vst v0  }
0x234: {  	v0 =	vld [tilespmem:s0+$0xF2A8];
	_ =	sdelay $0x4  }
0x235: {  	s2 =	sadd.s32 $0x1, s2;
	[tilespmem:s4+$0xF2A8] =	vst v0  }
.LBB2_48:
0x236: {  	s3 =	sadd.s32 $0x1, s3  }
0x237: {  	p1 =	sne.s32 s3, $0x20  }
.Ltmp32:
0x238: {  	_ = 	snop;
	(pc) =	sbr.rel @!p1 .LBB2_49-.Ltmp32, $1  }
0x239: {  	_ =	sdelay $0x3  }
.LBB2_41:
0x23a: {  	v0 =	vld.msk [tilespmem:s3+$0xF218], $0x1;
	_ =	sdelay $0x4  }
0x23b: {  	(v2sf) =	vpush v0, $0x0;
	_ =	sdelay $0xe  }
0x23c: {  	s4 =	spop (v2sf)  }
0x23d: {  	p1 =	seq.s32 s4, $0xFFFFFFFF  }
.Ltmp33:
0x23e: {  	_ = 	snop;
	(pc) =	sbr.rel @p1 .LBB2_48-.Ltmp33, $1  }
0x23f: {  	_ =	sdelay $0x3  }
0x240: {  	p1 =	slt.s32 s2, $0x1  }
.Ltmp34:
0x241: {  	_ = 	snop;
	(pc) =	sbr.rel @p1 .LBB2_47-.Ltmp34, $1  }
0x242: {  	_ =	sdelay $0x3  }
0x243: {  	s5 =	simm.s32 $0xF218;
	p1 =	por $0x0, $0x0  }
0x244: {  	v1 =	vld.msk @!p1 [tilespmem:s5+$0x0], $0x1;
	_ =	sdelay $0x4  }
0x245: {  	(v2sf) =	vpush @!p1 v1, $0x0;
	_ =	sdelay $0xd  }
0x246: {  	p3 =	sne.s32 s2, $0x1  }
.Ltmp35:
0x247: {  	s0 =	spop @!p1 (v2sf);
	(pc) =	sbr.rel @!p3 .LBB2_45-.Ltmp35, $4  }
0x248: {  	p2 =	seq.s32 @!p1 s4, s0  }
0x249: {  	s6 =	simm.s32 $0x0;
	p2 =	por !p2, p1  }
0x24a: {  	s7 =	simm.s32 $0xFFFFFFFF;
	s6 =	simm.s32 @p2 $0xFFFFFFFF  }
0x24b: {  	s0 =	simm.s32 $0x1;
	s6 =	smov.u32 @p1 s7  }
.LBB2_44:
0x24c: {  	s7 =	smov.u32 s6;
	p1 =	sne.s32 s6, $0xFFFFFFFF  }
0x24d: {  	s5 =	sadd.s32 $0x1, s5;
	s6 =	smov.u32 s0;
	s0 =	sadd.s32 $0x1, s0  }
0x24e: {  	p2 =	sne.s32 s2, s0;
	v1 =	vld.msk @!p1 [tilespmem:s5+$0x0], $0x1;
	_ =	sdelay $0x4  }
0x24f: {  	(v2sf) =	vpush @!p1 v1, $0x0;
	_ =	sdelay $0xe  }
.Ltmp36:
0x250: {  	s8 =	spop @!p1 (v2sf);
	(pc) =	sbr.rel @p2 .LBB2_44-.Ltmp36, $4  }
0x251: {  	p3 =	seq.s32 @!p1 s4, s8  }
0x252: {  	p3 =	por !p3, p1  }
0x253: {  	s6 =	simm.s32 @p3 $0xFFFFFFFF  }
0x254: {  	s6 =	smov.u32 @p1 s7  }
.LBB2_45:
0x255: {  	p1 =	seq.s32 s6, $0xFFFFFFFF  }
.Ltmp37:
0x256: {  	_ = 	snop;
	(pc) =	sbr.rel @p1 .LBB2_47-.Ltmp37, $1  }
0x257: {  	_ =	sdelay $0x3  }
0x258: {  	s0 =	sshll.u32 s3, $0x7  }
0x259: {  	s0 =	sand.u32 $0x3FFFFF80, s0  }
0x25a: {  	v0 =	vld [tilespmem:s0+$0xF238];
	_ =	sdelay $0x2  }
0x25b: {  	s4 =	sshll.u32 s6, $0x9  }
0x25c: {  	s4 =	sshra.s32 s4, $0x2  }
0x25d: {  	[tilespmem:s4+$0xF238] =	vst.add.f32.msk $0xffff, v0  }
0x25e: {  	v0 =	vld [tilespmem:s0+$0xF248];
	_ =	sdelay $0x4  }
0x25f: {  	[tilespmem:s4+$0xF248] =	vst.add.f32.msk $0xffff, v0  }
0x260: {  	v0 =	vld [tilespmem:s0+$0xF258];
	_ =	sdelay $0x4  }
0x261: {  	[tilespmem:s4+$0xF258] =	vst.add.f32.msk $0xffff, v0  }
0x262: {  	v0 =	vld [tilespmem:s0+$0xF268];
	_ =	sdelay $0x4  }
0x263: {  	[tilespmem:s4+$0xF268] =	vst.add.f32.msk $0xffff, v0  }
0x264: {  	v0 =	vld [tilespmem:s0+$0xF278];
	_ =	sdelay $0x4  }
0x265: {  	[tilespmem:s4+$0xF278] =	vst.add.f32.msk $0xffff, v0  }
0x266: {  	v0 =	vld [tilespmem:s0+$0xF288];
	_ =	sdelay $0x4  }
0x267: {  	[tilespmem:s4+$0xF288] =	vst.add.f32.msk $0xffff, v0  }
0x268: {  	v0 =	vld [tilespmem:s0+$0xF298];
	_ =	sdelay $0x4  }
0x269: {  	[tilespmem:s4+$0xF298] =	vst.add.f32.msk $0xffff, v0  }
0x26a: {  	v0 =	vld [tilespmem:s0+$0xF2A8]  }
.Ltmp38:
0x26b: {  	_ = 	snop;
	(pc) =	sbr.rel .LBB2_48-.Ltmp38, $2  }
0x26c: {  	_ =	sdelay $0x2  }
0x26d: {  	[tilespmem:s4+$0xF2A8] =	vst.add.f32.msk $0xffff, v0  }
.LBB2_49:
0x26e: {  	p1 =	slt.s32 s2, $0x1  }
.Ltmp39:
0x26f: {  	_ = 	snop;
	(pc) =	sbr.rel @p1 .LBB2_53-.Ltmp39, $3  }
0x270: {  	_ =	sdelay $0x1  }
0x271: {  	s0 =	simm.s32 $0x8  }
0x272: {  	s3 =	simm.s32 $0x0;
	[sflag:s0] =	ssyncpa.u1 $0x1  }
0x273: {  	s0 =	simm.s32 $0xF218  }
0x274: {  	v0 =	vld.msk [tilespmem:s0+$0x0], $0x1;
	_ =	sdelay $0x4  }
0x275: {  	(v2sf) =	vpush v0, $0x0;
	_ =	sdelay $0xe  }
0x276: {  	s0 =	sadd.s32 $0xFFFFFFFF, s2;
	s5 =	spop (v2sf)  }
0x277: {  	p2 =	sne.s32 s0, $0x0;
	p1 =	sgt.u32 s5, $0x270FF0  }
.Ltmp40:
0x278: {  	s6 =	sand.u32 @!p1 $0x3FFFF8, s5;
	(pc) =	sbr.rel @!p2 .LBB2_52-.Ltmp40, $4  }
0x279: {  	s4 =	simm.s32 $0xF238;
	s5 =	sand.u32 @!p1 $0x7, s5;
	s2 =	sadd.s32 @!p1 s1, s6  }
0x27a: {  	[hbm4b:s2+s5] =	stream.linear.scatter @!p1 [tilespmem:s4], [sflag:$0x7], $0x80, $0x38;
	[tilespmem:$0x1F6F8] =	vst v63  }
0x27b: {  	s5 =	simm.s32 $0x0  }
0x27c: {  	s2 =	simm.s32 $0xF219;
	s5 =	simm.s32 @!p1 $0x200  }
.LBB2_51:
0x27d: {  	v0 =	vld.msk [tilespmem:s2+$0x0], $0x1;
	s0 =	sadd.s32 $0xFFFFFFFF, s0;
	s3 =	sadd.s32 s3, s5  }
0x27e: {  	p1 =	sne.s32 s0, $0x0;
	_ =	sdelay $0x3  }
0x27f: {  	(v2sf) =	vpush v0, $0x0;
	_ =	sdelay $0xe  }
.Ltmp41:
0x280: {  	s6 =	spop (v2sf);
	(pc) =	sbr.rel @p1 .LBB2_51-.Ltmp41, $4  }
0x281: {  	s5 =	simm.s32 $0x0;
	p2 =	sgt.u32 s6, $0x270FF0  }
0x282: {  	s4 =	sadd.s32 $0x80, s4;
	s5 =	simm.s32 @!p2 $0x200;
	s7 =	sand.u32 @!p2 $0x3FFFF8, s6  }
0x283: {  	s2 =	sadd.s32 $0x1, s2;
	s6 =	sand.u32 @!p2 $0x7, s6;
	s7 =	sadd.s32 @!p2 s1, s7  }
0x284: {  	[hbm4b:s7+s6] =	stream.linear.scatter @!p2 [tilespmem:s4], [sflag:$0x7], $0x80, $0x38;
	[tilespmem:$0x1F6F8] =	vst v63  }
.LBB2_52:
0x285: {  	s0 =	sadd.s32 s3, s5  }
0x286: {  	s3 =	sshrl.u32 s0, $0x2  }
.LBB2_53:
0x287: {  	s0 =	simm.s32 $0x7  }
0x288: {  	_ =	swait.ge [sflag:s0], s3  }
0x289: {  	s1 =	ssub.s32 $0x0, s3;
	[sflag:s0] =	ssyncset.done $0x0  }
0x28a: {  	[sflag:s0] =	ssyncadd.s32 s1  }
0x28b: {  	[sflag:s0] =	ssyncpa.u1 $0x1  }
.LBB2_54:
0x28c: {  	_ =	sfence;
	s0 =	simm.s32 $0x1  }
0x28d: {  	[sflag:s0] =	ssyncpa.u1 $0x1  }
0x28e: {  	_ =	strace $0x9000004D  }
0x28f: {  	[bflag:$0x2] =	sbarrier.arrive $0xFFFF  }
0x290: {  	s0 =	rddreg [dreg:$0x4]  }
0x291: {  	s0 =	sadd.s32 @!p0 $0x100000, s0  }
0x292: {  	[sflag:s0] =	ssyncadd.tile.s32 @!p0 $0x1;
	_ =	shalt  }
.Lfunc_end2:
_tile_overlayer_lowered:
.L_overlay_start_2:
0x293: {  	(tag) =	ssettag $0x2  }
0x294: {  	s0 =	rddreg [dreg:$0x0];
	s2 =	stileid.u32  }
0x295: {  	s1 =	rddreg [dreg:$0x1];
	p0 =	sne.s32 s2, $0x0  }
0x296: {  	s3 =	rddreg [dreg:$0x2];
	[bflag:$0x3] =	sbarrier.arrive $0xFFFF;
	s2 =	simm.s32 @!p0 $0x1C01  }
0x297: {  	[timem:s3], [sflag:s2] =	dma.local @!p0 [hbm:s0], s1  }
0x298: {  	s0 =	simm.s32 @!p0 $0x1  }
0x299: {  	_ =	swait.ge @!p0 [sflag:s0], s1  }
0x29a: {  	s1 =	ssub.s32 @!p0 $0x0, s1;
	[sflag:s0] =	ssyncset.done @!p0 $0x0  }
0x29b: {  	[sflag:s0] =	ssyncadd.s32 @!p0 s1  }
0x29c: {  	[bflag:$0x3] =	sbarrier.arrive $0xFFFF  }
0x29d: {  	_ =	shalt  }

</sc_bundles>
